<compile_context>
chip_gen: v7x
topology: tpu7x:2x2x1
jax: 0.10.2.dev20260603
libtpu: 0.0.44.dev20260713+nightly
codegen_flags: <defaults>
</compile_context>

<pallas_src>
import functools

import jax
import jax.numpy as jnp
from jax import lax
from jax.experimental import pallas as pl
from jax.experimental.pallas import tpu as pltpu
from jax.experimental.pallas import tpu_sc as plsc

N = 10000
D_IN = 256
D_HID = 256
D_OUT = 4
N_EDGES = 160000

NC = 2
NS = 16
CH = 128

RPT = N // NS
EROWS = N_EDGES // CH
C1 = EROWS // NS
R1 = EROWS % NS
C2 = EROWS // (NC * NS)
R2 = EROWS % (NC * NS)
NW = 16

_mesh = plsc.VectorSubcoreMesh(
    core_axis_name="c", subcore_axis_name="s", num_cores=NC, num_subcores=NS)

_sc_params = pltpu.CompilerParams(use_tc_tiling_on_sc=False)

f32 = jnp.float32
bf16 = jnp.bfloat16


def _ring(n, wait_gather, fire_scatter, wait_scatter, fire_gather,
          nbuf=4):
    ahead = nbuf // 2
    for b in range(ahead):
        fire_gather(b, b)

    def body(i, carry):
        for b in range(nbuf):
            j = i * nbuf + b

            @pl.when(j < n)
            def _():
                wait_gather(j, b)
                fire_scatter(j, b)

            bn = (b + ahead) % nbuf

            @pl.when((j >= ahead) & (j <= n + ahead - 1))
            def _():
                wait_scatter(j - ahead, bn)

            @pl.when(j + ahead < n)
            def _():
                fire_gather(j + ahead, bn)
        return carry

    lax.fori_loop(0, lax.div(n + 2 * ahead + nbuf - 1, nbuf), body, 0)



@functools.partial(
    pl.kernel,
    out_type=(jax.ShapeDtypeStruct((N, NW), f32),
              jax.ShapeDtypeStruct((N, NW), f32)),
    mesh=_mesh,
    compiler_params=_sc_params,
    scratch_types=[pltpu.VMEM((C2 + 1, CH), jnp.int32),
                   pltpu.VMEM((CH, NW), f32),
                   pltpu.VMEM_SHARED((N, NW), f32),
                   pltpu.SemaphoreType.DMA],
)
def _deg_kernel(ei, zeros_hbm, ones_hbm, deg0, deg1, idx_v, ones_v, acc_sh,
                sem):
    c = lax.axis_index("c")
    s = lax.axis_index("s")
    rowbase = s * RPT
    pltpu.sync_copy(ones_hbm, ones_v)
    pltpu.sync_copy(zeros_hbm.at[pl.ds(rowbase, RPT)],
                    acc_sh.at[pl.ds(rowbase, RPT)])
    wid = c * NS + s
    nrow = C2 + (wid < R2)
    erow = wid * C2 + jnp.minimum(wid, R2)
    pltpu.sync_copy(ei.at[1, pl.ds(erow, C2)], idx_v.at[pl.ds(0, C2)])

    @pl.when(wid < R2)
    def _():
        pltpu.sync_copy(ei.at[1, pl.ds(erow + C2, 1)], idx_v.at[pl.ds(C2, 1)])

    plsc.subcore_barrier()

    def body(j, carry):
        pltpu.async_copy(ones_v, acc_sh.at[idx_v.at[j]], sem, add=True)
        return carry

    lax.fori_loop(0, nrow, body, 0)

    def drain(j, carry):
        pltpu.make_async_copy(ones_v, acc_sh.at[idx_v.at[j]], sem).wait()
        return carry

    lax.fori_loop(0, nrow, drain, 0)
    plsc.subcore_barrier()

    @pl.when(c == 0)
    def _():
        pltpu.sync_copy(acc_sh.at[pl.ds(rowbase, RPT)],
                        deg0.at[pl.ds(rowbase, RPT)])

    @pl.when(c == 1)
    def _():
        pltpu.sync_copy(acc_sh.at[pl.ds(rowbase, RPT)],
                        deg1.at[pl.ds(rowbase, RPT)])


@functools.partial(
    pl.kernel,
    out_type=(jax.ShapeDtypeStruct((N, 128), bf16),
              jax.ShapeDtypeStruct((N, 128), bf16)),
    mesh=_mesh,
    compiler_params=_sc_params,
    scratch_types=[pltpu.VMEM((C1 + 1, CH), jnp.int32),
                   pltpu.VMEM((C1 + 1, CH), jnp.int32),
                   pltpu.VMEM((8 * CH, 128), bf16),
                   pltpu.VMEM_SHARED((N, 128), bf16),
                   pltpu.SemaphoreType.DMA, pltpu.SemaphoreType.DMA,
                   pltpu.SemaphoreType.DMA, pltpu.SemaphoreType.DMA,
                   pltpu.SemaphoreType.DMA, pltpu.SemaphoreType.DMA,
                   pltpu.SemaphoreType.DMA, pltpu.SemaphoreType.DMA,
                   pltpu.SemaphoreType.DMA, pltpu.SemaphoreType.DMA,
                   pltpu.SemaphoreType.DMA, pltpu.SemaphoreType.DMA,
                   pltpu.SemaphoreType.DMA, pltpu.SemaphoreType.DMA,
                   pltpu.SemaphoreType.DMA, pltpu.SemaphoreType.DMA],
)
def _agg1_kernel(ylo, yhi, ei, alo, ahi,
                 src_v, dst_v, rows_v, acc_sh,
                 g0, g1, g2, g3, g4, g5, g6, g7,
                 s0, s1, s2, s3, s4, s5, s6, s7):
    gsems = (g0, g1, g2, g3, g4, g5, g6, g7)
    ssems = (s0, s1, s2, s3, s4, s5, s6, s7)
    c = lax.axis_index("c")
    s = lax.axis_index("s")
    rowbase = s * RPT
    nrow = C1 + (s < R1)
    erow = s * C1 + jnp.minimum(s, R1)
    pltpu.sync_copy(ei.at[0, pl.ds(erow, C1)], src_v.at[pl.ds(0, C1)])
    pltpu.sync_copy(ei.at[1, pl.ds(erow, C1)], dst_v.at[pl.ds(0, C1)])

    @pl.when(s < R1)
    def _():
        pltpu.sync_copy(ei.at[0, pl.ds(erow + C1, 1)], src_v.at[pl.ds(C1, 1)])
        pltpu.sync_copy(ei.at[1, pl.ds(erow + C1, 1)], dst_v.at[pl.ds(C1, 1)])

    @pl.when(c == 0)
    def _():
        pltpu.sync_copy(ylo.at[pl.ds(rowbase, RPT)],
                        acc_sh.at[pl.ds(rowbase, RPT)])

    @pl.when(c == 1)
    def _():
        pltpu.sync_copy(yhi.at[pl.ds(rowbase, RPT)],
                        acc_sh.at[pl.ds(rowbase, RPT)])

    plsc.subcore_barrier()

    def buf(b):
        return rows_v.at[pl.ds(b * CH, CH)]

    def fire_gather(jn, b):
        @pl.when(c == 0)
        def _():
            pltpu.async_copy(ylo.at[src_v.at[jn]], buf(b), gsems[b])

        @pl.when(c == 1)
        def _():
            pltpu.async_copy(yhi.at[src_v.at[jn]], buf(b), gsems[b])

    def wait_gather(j, b):
        pltpu.make_async_copy(ylo.at[src_v.at[j]], buf(b), gsems[b]).wait()

    def fire_scatter(j, b):
        pltpu.async_copy(buf(b), acc_sh.at[dst_v.at[j]], ssems[b], add=True)

    def wait_scatter(j, b):
        pltpu.make_async_copy(buf(b), acc_sh.at[dst_v.at[j]],
                              ssems[b]).wait()

    _ring(nrow, wait_gather, fire_scatter, wait_scatter, fire_gather,
          nbuf=8)
    plsc.subcore_barrier()

    @pl.when(c == 0)
    def _():
        pltpu.sync_copy(acc_sh.at[pl.ds(rowbase, RPT)],
                        alo.at[pl.ds(rowbase, RPT)])

    @pl.when(c == 1)
    def _():
        pltpu.sync_copy(acc_sh.at[pl.ds(rowbase, RPT)],
                        ahi.at[pl.ds(rowbase, RPT)])


@functools.partial(
    pl.kernel,
    out_type=(jax.ShapeDtypeStruct((N, NW), f32),
              jax.ShapeDtypeStruct((N, NW), f32)),
    mesh=_mesh,
    compiler_params=_sc_params,
    scratch_types=[pltpu.VMEM((C2 + 1, CH), jnp.int32),
                   pltpu.VMEM((C2 + 1, CH), jnp.int32),
                   pltpu.VMEM((8 * CH, NW), f32),
                   pltpu.VMEM_SHARED((N, NW), f32),
                   pltpu.SemaphoreType.DMA, pltpu.SemaphoreType.DMA,
                   pltpu.SemaphoreType.DMA, pltpu.SemaphoreType.DMA,
                   pltpu.SemaphoreType.DMA, pltpu.SemaphoreType.DMA,
                   pltpu.SemaphoreType.DMA, pltpu.SemaphoreType.DMA,
                   pltpu.SemaphoreType.DMA, pltpu.SemaphoreType.DMA,
                   pltpu.SemaphoreType.DMA, pltpu.SemaphoreType.DMA,
                   pltpu.SemaphoreType.DMA, pltpu.SemaphoreType.DMA,
                   pltpu.SemaphoreType.DMA, pltpu.SemaphoreType.DMA],
)
def _agg2_kernel(y2, ei, a0, a1, src_v, dst_v, rows_v, acc_sh,
                 g0, g1, g2, g3, g4, g5, g6, g7,
                 s0, s1, s2, s3, s4, s5, s6, s7):
    gsems = (g0, g1, g2, g3, g4, g5, g6, g7)
    ssems = (s0, s1, s2, s3, s4, s5, s6, s7)
    c = lax.axis_index("c")
    s = lax.axis_index("s")
    rowbase = s * RPT
    wid = c * NS + s
    nrow = C2 + (wid < R2)
    erow = wid * C2 + jnp.minimum(wid, R2)
    pltpu.sync_copy(ei.at[0, pl.ds(erow, C2)], src_v.at[pl.ds(0, C2)])
    pltpu.sync_copy(ei.at[1, pl.ds(erow, C2)], dst_v.at[pl.ds(0, C2)])

    @pl.when(wid < R2)
    def _():
        pltpu.sync_copy(ei.at[0, pl.ds(erow + C2, 1)], src_v.at[pl.ds(C2, 1)])
        pltpu.sync_copy(ei.at[1, pl.ds(erow + C2, 1)], dst_v.at[pl.ds(C2, 1)])
    pltpu.sync_copy(y2.at[pl.ds(rowbase, RPT)],
                    acc_sh.at[pl.ds(rowbase, RPT)])
    plsc.subcore_barrier()

    def buf(b):
        return rows_v.at[pl.ds(b * CH, CH)]

    def fire_gather(jn, b):
        pltpu.async_copy(y2.at[src_v.at[jn]], buf(b), gsems[b])

    def wait_gather(j, b):
        pltpu.make_async_copy(y2.at[src_v.at[j]], buf(b), gsems[b]).wait()

    def fire_scatter(j, b):
        pltpu.async_copy(buf(b), acc_sh.at[dst_v.at[j]], ssems[b], add=True)

    def wait_scatter(j, b):
        pltpu.make_async_copy(buf(b), acc_sh.at[dst_v.at[j]],
                              ssems[b]).wait()

    _ring(nrow, wait_gather, fire_scatter, wait_scatter, fire_gather,
          nbuf=8)
    plsc.subcore_barrier()

    @pl.when(c == 0)
    def _():
        pltpu.sync_copy(acc_sh.at[pl.ds(rowbase, RPT)],
                        a0.at[pl.ds(rowbase, RPT)])

    @pl.when(c == 1)
    def _():
        pltpu.sync_copy(acc_sh.at[pl.ds(rowbase, RPT)],
                        a1.at[pl.ds(rowbase, RPT)])



def _tc_a_body(deg0, deg1, x_ref, w1_ref, ylo_ref, yhi_ref, dinv_ref):
    deg = deg0[:, 0:1] + deg1[:, 0:1] + 1.0
    dinv = lax.rsqrt(deg)
    xw = jnp.dot(x_ref[...], w1_ref[...], preferred_element_type=f32)
    y = (xw * dinv).astype(bf16)
    ylo_ref[...] = y[:, :128]
    yhi_ref[...] = y[:, 128:]
    dinv_ref[...] = jnp.broadcast_to(dinv, (N, NW))


def _tc_b_body(alo, ahi, dinv, b1lo, b1hi, w2lo, w2hi, y2_ref):
    dv = dinv[:, 0:1]
    hlo = jnp.maximum(alo[...].astype(f32) * dv + b1lo[...], 0.0)
    hhi = jnp.maximum(ahi[...].astype(f32) * dv + b1hi[...], 0.0)
    y2 = (jnp.dot(hlo, w2lo[...], preferred_element_type=f32)
          + jnp.dot(hhi, w2hi[...], preferred_element_type=f32))
    y2_ref[...] = y2 * dv


def _tc_c_body(a0, a1, y2, dinv, b2, out_ref):
    o = ((a0[...] + a1[...] - y2[...]) * dinv[:, 0:1]) + b2[...]
    out_ref[...] = o[:, :D_OUT]



def kernel(x, edge_index, W1, b1, W2, b2):
    ei = edge_index.astype(jnp.int32).reshape(2, EROWS, CH)
    w2p = jnp.zeros((D_HID, NW), f32).at[:, :D_OUT].set(W2)
    b1r = b1.reshape(1, D_HID)
    b2p = jnp.zeros((1, NW), f32).at[0, :D_OUT].set(b2)
    zeros_nw = jnp.zeros((N, NW), f32)
    ones_nw = jnp.ones((CH, NW), f32)

    deg0, deg1 = _deg_kernel(ei, zeros_nw, ones_nw)

    ylo, yhi, dinv = pl.pallas_call(
        _tc_a_body,
        out_shape=(jax.ShapeDtypeStruct((N, 128), bf16),
                   jax.ShapeDtypeStruct((N, 128), bf16),
                   jax.ShapeDtypeStruct((N, NW), f32)),
    )(deg0, deg1, x, W1)

    alo, ahi = _agg1_kernel(ylo, yhi, ei)

    y2 = pl.pallas_call(
        _tc_b_body,
        out_shape=jax.ShapeDtypeStruct((N, NW), f32),
    )(alo, ahi, dinv, b1r[:, :128], b1r[:, 128:], w2p[:128], w2p[128:])

    a0, a1 = _agg2_kernel(y2, ei)

    return pl.pallas_call(
        _tc_c_body,
        out_shape=jax.ShapeDtypeStruct((N, D_OUT), f32),
    )(a0, a1, y2, dinv, b2p)

# --- scband reference (transcript-rebuilt; emitter-appended) ---
"""Pipeline reference for scband-gcn-70849780515472 (READ-ONLY COPY).

The authoritative reference and input builder live on the scoring server;
editing this copy changes nothing except your own understanding.
"""

import jax, jax.numpy as jnp
import numpy as np

N_NODES = 10000
D_IN = 256
D_HID = 256
D_OUT = 4
N_EDGES = 160000


def gcn_conv(x, edge_index, W, b, num_nodes):
    # GCNConv: D^{-1/2} (A + I) D^{-1/2} X W + b (symmetric normalization with self-loops)
    src = edge_index[0]
    dst = edge_index[1]
    loop = jnp.arange(num_nodes, dtype=edge_index.dtype)
    src = jnp.concatenate([src, loop])
    dst = jnp.concatenate([dst, loop])
    deg = jnp.zeros((num_nodes,), dtype=x.dtype).at[dst].add(1.0)
    dinv = jnp.where(deg > 0, 1.0 / jnp.sqrt(deg), 0.0)
    norm = dinv[src] * dinv[dst]
    xw = x @ W
    msg = xw[src] * norm[:, None]
    out = jax.ops.segment_sum(msg, dst, num_segments=num_nodes)
    return out + b


def setup_inputs(seed: int = 0) -> dict:
    key = jax.random.key(seed)
    k1, k2, k3, k4, k5, k6 = jax.random.split(key, 6)
    x = jax.random.normal(k1, (N_NODES, D_IN), dtype=jnp.float32)
    edge_index = jax.random.randint(k2, (2, N_EDGES), 0, N_NODES, dtype=jnp.int64)
    # Glorot-style init for GCNConv weights
    s1 = 1.0 / np.sqrt(D_IN)
    s2 = 1.0 / np.sqrt(D_HID)
    W1 = jax.random.uniform(k3, (D_IN, D_HID), dtype=jnp.float32, minval=-s1, maxval=s1)
    b1 = jnp.zeros((D_HID,), dtype=jnp.float32)
    W2 = jax.random.uniform(k4, (D_HID, D_OUT), dtype=jnp.float32, minval=-s2, maxval=s2)
    b2 = jnp.zeros((D_OUT,), dtype=jnp.float32)
    return {"x": x, "edge_index": edge_index, "W1": W1, "b1": b1, "W2": W2, "b2": b2}


def reference(x, edge_index, W1, b1, W2, b2):
    # forward of GCN (eval mode: dropout is identity)
    hidden = jax.nn.relu(gcn_conv(x, edge_index, W1, b1, N_NODES))
    out = gcn_conv(hidden, edge_index, W2, b2, N_NODES)
    return out

if __name__ == "__main__":
    import jax
    _d = setup_inputs()
    print(jax.jit(kernel)(*tuple(_d.values())))

</pallas_src>

<mosaic_0001>
#map = affine_map<(d0, d1) -> (0, 0, 0)>
#map1 = affine_map<(d0, d1) -> (0, 0)>
module attributes {stable_mosaic.version = 14 : i64} {
  func.func @_deg_kernel(%arg0: i32, %arg1: i32, %arg2: memref<2x1250x128xi32, #tpu.memory_space<hbm>>, %arg3: memref<10000x16xf32, #tpu.memory_space<hbm>>, %arg4: memref<128x16xf32, #tpu.memory_space<hbm>>, %arg5: memref<10000x16xf32, #tpu.memory_space<hbm>>, %arg6: memref<10000x16xf32, #tpu.memory_space<hbm>>, %arg7: memref<40x128xi32, #tpu.memory_space<vmem>>, %arg8: memref<128x16xf32, #tpu.memory_space<vmem>>, %arg9: memref<10000x16xf32, #tpu.memory_space<vmem_shared>>, %arg10: memref<!tpu.dma_semaphore, #tpu.memory_space<semaphore_mem>>) attributes {dimension_semantics = [#tpu.dimension_semantics<core_parallel>, #tpu.dimension_semantics<subcore_parallel>], iteration_bounds = array<i64: 2, 16>, scalar_prefetch = 0 : i64, scratch_operands = 4 : i64, tpu.core_type = #tpu.core_type<sc_vector_subcore>, window_params = [{transform_indices = #map}, {transform_indices = #map1}, {transform_indices = #map1}, {transform_indices = #map1}, {transform_indices = #map1}]} {
    %mul3A = arith.constant 625 : i32
    %mul3A_0 = arith.muli %arg1, %mul3A : i32
    "tpu.region"() ({
      %run_scoped3A_43 = tpu.sem_alloc : memref<!tpu.dma_semaphore, #tpu.memory_space<semaphore_mem>>
      tpu.enqueue_dma source(%arg4 : memref<128x16xf32, #tpu.memory_space<hbm>>) target(%arg8 : memref<128x16xf32, #tpu.memory_space<vmem>>) target_semaphore(%run_scoped3A_43 : memref<!tpu.dma_semaphore, #tpu.memory_space<semaphore_mem>>)
      tpu.wait_dma2 semaphore(%run_scoped3A_43 : memref<!tpu.dma_semaphore, #tpu.memory_space<semaphore_mem>>) src(%arg4 : memref<128x16xf32, #tpu.memory_space<hbm>>) dst(%arg8 : memref<128x16xf32, #tpu.memory_space<vmem>>)
      tpu.yield
    }) : () -> ()
    "tpu.region"() ({
      %run_scoped3A_43 = tpu.sem_alloc : memref<!tpu.dma_semaphore, #tpu.memory_space<semaphore_mem>>
      %dma_start3A = arith.constant 0 : i32
      %dma_start3A_44 = tpu.memref_slice %arg9[%mul3A_0, %dma_start3A] : memref<10000x16xf32, #tpu.memory_space<vmem_shared>> -> memref<625x16xf32, #tpu.memory_space<vmem_shared>>
      %dma_start3A_45 = arith.constant 0 : i32
      %dma_start3A_46 = tpu.memref_slice %arg3[%mul3A_0, %dma_start3A_45] : memref<10000x16xf32, #tpu.memory_space<hbm>> -> memref<625x16xf32, #tpu.memory_space<hbm>>
      tpu.enqueue_dma source(%dma_start3A_46 : memref<625x16xf32, #tpu.memory_space<hbm>>) target(%dma_start3A_44 : memref<625x16xf32, #tpu.memory_space<vmem_shared>>) target_semaphore(%run_scoped3A_43 : memref<!tpu.dma_semaphore, #tpu.memory_space<semaphore_mem>>)
      %dma_wait3A = arith.constant 0 : i32
      %dma_wait3A_47 = tpu.memref_slice %arg9[%mul3A_0, %dma_wait3A] : memref<10000x16xf32, #tpu.memory_space<vmem_shared>> -> memref<625x16xf32, #tpu.memory_space<vmem_shared>>
      %dma_wait3A_48 = arith.constant 0 : i32
      %dma_wait3A_49 = tpu.memref_slice %arg3[%mul3A_0, %dma_wait3A_48] : memref<10000x16xf32, #tpu.memory_space<hbm>> -> memref<625x16xf32, #tpu.memory_space<hbm>>
      tpu.wait_dma2 semaphore(%run_scoped3A_43 : memref<!tpu.dma_semaphore, #tpu.memory_space<semaphore_mem>>) src(%dma_wait3A_49 : memref<625x16xf32, #tpu.memory_space<hbm>>) dst(%dma_wait3A_47 : memref<625x16xf32, #tpu.memory_space<vmem_shared>>)
      tpu.yield
    }) : () -> ()
    %mul3A_1 = arith.constant 16 : i32
    %mul3A_2 = arith.muli %arg0, %mul3A_1 : i32
    %add3A = arith.addi %mul3A_2, %arg1 : i32
    %lt3A = arith.constant 2 : i32
    %lt3A_3 = arith.cmpi slt, %add3A, %lt3A : i32
    %convert_element_type3A = arith.extui %lt3A_3 : i1 to i32
    %add3A_4 = arith.constant 39 : i32
    %add3A_5 = arith.addi %add3A_4, %convert_element_type3A : i32
    %mul3A_6 = arith.constant 39 : i32
    %mul3A_7 = arith.muli %add3A, %mul3A_6 : i32
    %min3A = arith.constant 2 : i32
    %min3A_8 = arith.minsi %add3A, %min3A : i32
    %add3A_9 = arith.addi %mul3A_7, %min3A_8 : i32
    %run_scoped3A = arith.constant 1 : i32
    "tpu.region"() ({
      %run_scoped3A_43 = tpu.sem_alloc : memref<!tpu.dma_semaphore, #tpu.memory_space<semaphore_mem>>
      %dma_start3A = arith.constant 0 : i32
      %dma_start3A_44 = arith.constant 0 : i32
      %dma_start3A_45 = tpu.memref_slice %arg7[%dma_start3A, %dma_start3A_44] : memref<40x128xi32, #tpu.memory_space<vmem>> -> memref<39x128xi32, #tpu.memory_space<vmem>>
      %dma_start3A_46 = arith.constant 0 : i32
      %dma_start3A_47 = tpu.memref_slice %arg2[%run_scoped3A, %add3A_9, %dma_start3A_46] : memref<2x1250x128xi32, #tpu.memory_space<hbm>> -> memref<1x39x128xi32, #tpu.memory_space<hbm>>
      %dma_start3A_48 = tpu.memref_squeeze %dma_start3A_47 : memref<1x39x128xi32, #tpu.memory_space<hbm>> -> memref<39x128xi32, #tpu.memory_space<hbm>>
      %dma_start3A_49 = arith.constant 0 : i32
      %dma_start3A_50 = arith.constant 0 : i32
      %dma_start3A_51 = tpu.memref_slice %arg7[%dma_start3A_49, %dma_start3A_50] : memref<40x128xi32, #tpu.memory_space<vmem>> -> memref<39x128xi32, #tpu.memory_space<vmem>>
      %dma_start3A_52 = arith.constant 0 : i32
      %dma_start3A_53 = tpu.memref_slice %arg2[%run_scoped3A, %add3A_9, %dma_start3A_52] : memref<2x1250x128xi32, #tpu.memory_space<hbm>> -> memref<1x39x128xi32, #tpu.memory_space<hbm>>
      %dma_start3A_54 = tpu.memref_squeeze %dma_start3A_53 : memref<1x39x128xi32, #tpu.memory_space<hbm>> -> memref<39x128xi32, #tpu.memory_space<hbm>>
      tpu.enqueue_dma source(%dma_start3A_54 : memref<39x128xi32, #tpu.memory_space<hbm>>) target(%dma_start3A_51 : memref<39x128xi32, #tpu.memory_space<vmem>>) target_semaphore(%run_scoped3A_43 : memref<!tpu.dma_semaphore, #tpu.memory_space<semaphore_mem>>)
      %dma_wait3A = arith.constant 0 : i32
      %dma_wait3A_55 = arith.constant 0 : i32
      %dma_wait3A_56 = tpu.memref_slice %arg7[%dma_wait3A, %dma_wait3A_55] : memref<40x128xi32, #tpu.memory_space<vmem>> -> memref<39x128xi32, #tpu.memory_space<vmem>>
      %dma_wait3A_57 = arith.constant 0 : i32
      %dma_wait3A_58 = tpu.memref_slice %arg2[%run_scoped3A, %add3A_9, %dma_wait3A_57] : memref<2x1250x128xi32, #tpu.memory_space<hbm>> -> memref<1x39x128xi32, #tpu.memory_space<hbm>>
      %dma_wait3A_59 = tpu.memref_squeeze %dma_wait3A_58 : memref<1x39x128xi32, #tpu.memory_space<hbm>> -> memref<39x128xi32, #tpu.memory_space<hbm>>
      %dma_wait3A_60 = arith.constant 0 : i32
      %dma_wait3A_61 = arith.constant 0 : i32
      %dma_wait3A_62 = tpu.memref_slice %arg7[%dma_wait3A_60, %dma_wait3A_61] : memref<40x128xi32, #tpu.memory_space<vmem>> -> memref<39x128xi32, #tpu.memory_space<vmem>>
      %dma_wait3A_63 = arith.constant 0 : i32
      %dma_wait3A_64 = tpu.memref_slice %arg2[%run_scoped3A, %add3A_9, %dma_wait3A_63] : memref<2x1250x128xi32, #tpu.memory_space<hbm>> -> memref<1x39x128xi32, #tpu.memory_space<hbm>>
      %dma_wait3A_65 = tpu.memref_squeeze %dma_wait3A_64 : memref<1x39x128xi32, #tpu.memory_space<hbm>> -> memref<39x128xi32, #tpu.memory_space<hbm>>
      tpu.wait_dma2 semaphore(%run_scoped3A_43 : memref<!tpu.dma_semaphore, #tpu.memory_space<semaphore_mem>>) src(%dma_wait3A_65 : memref<39x128xi32, #tpu.memory_space<hbm>>) dst(%dma_wait3A_62 : memref<39x128xi32, #tpu.memory_space<vmem>>)
      tpu.yield
    }) : () -> ()
    %lt3A_10 = arith.constant 2 : i32
    %lt3A_11 = arith.cmpi slt, %add3A, %lt3A_10 : i32
    %convert_element_type3A_12 = arith.extui %lt3A_11 : i1 to i32
    %cond3A = arith.constant 0 : i32
    %cond3A_13 = arith.cmpi ne, %convert_element_type3A_12, %cond3A : i32
    scf.if %cond3A_13 {
      %add3A_43 = arith.constant 39 : i32
      %add3A_44 = arith.addi %add3A_9, %add3A_43 : i32
      %run_scoped3A_45 = arith.constant 1 : i32
      "tpu.region"() ({
        %run_scoped3A_46 = tpu.sem_alloc : memref<!tpu.dma_semaphore, #tpu.memory_space<semaphore_mem>>
        %dma_start3A = arith.constant 39 : i32
        %dma_start3A_47 = arith.constant 0 : i32
        %dma_start3A_48 = tpu.memref_slice %arg7[%dma_start3A, %dma_start3A_47] : memref<40x128xi32, #tpu.memory_space<vmem>> -> memref<1x128xi32, #tpu.memory_space<vmem>>
        %dma_start3A_49 = arith.constant 0 : i32
        %dma_start3A_50 = tpu.memref_slice %arg2[%run_scoped3A_45, %add3A_44, %dma_start3A_49] : memref<2x1250x128xi32, #tpu.memory_space<hbm>> -> memref<1x1x128xi32, #tpu.memory_space<hbm>>
        %dma_start3A_51 = tpu.memref_squeeze %dma_start3A_50 : memref<1x1x128xi32, #tpu.memory_space<hbm>> -> memref<1x128xi32, #tpu.memory_space<hbm>>
        %dma_start3A_52 = arith.constant 39 : i32
        %dma_start3A_53 = arith.constant 0 : i32
        %dma_start3A_54 = tpu.memref_slice %arg7[%dma_start3A_52, %dma_start3A_53] : memref<40x128xi32, #tpu.memory_space<vmem>> -> memref<1x128xi32, #tpu.memory_space<vmem>>
        %dma_start3A_55 = arith.constant 0 : i32
        %dma_start3A_56 = tpu.memref_slice %arg2[%run_scoped3A_45, %add3A_44, %dma_start3A_55] : memref<2x1250x128xi32, #tpu.memory_space<hbm>> -> memref<1x1x128xi32, #tpu.memory_space<hbm>>
        %dma_start3A_57 = tpu.memref_squeeze %dma_start3A_56 : memref<1x1x128xi32, #tpu.memory_space<hbm>> -> memref<1x128xi32, #tpu.memory_space<hbm>>
        tpu.enqueue_dma source(%dma_start3A_57 : memref<1x128xi32, #tpu.memory_space<hbm>>) target(%dma_start3A_54 : memref<1x128xi32, #tpu.memory_space<vmem>>) target_semaphore(%run_scoped3A_46 : memref<!tpu.dma_semaphore, #tpu.memory_space<semaphore_mem>>)
        %dma_wait3A = arith.constant 39 : i32
        %dma_wait3A_58 = arith.constant 0 : i32
        %dma_wait3A_59 = tpu.memref_slice %arg7[%dma_wait3A, %dma_wait3A_58] : memref<40x128xi32, #tpu.memory_space<vmem>> -> memref<1x128xi32, #tpu.memory_space<vmem>>
        %dma_wait3A_60 = arith.constant 0 : i32
        %dma_wait3A_61 = tpu.memref_slice %arg2[%run_scoped3A_45, %add3A_44, %dma_wait3A_60] : memref<2x1250x128xi32, #tpu.memory_space<hbm>> -> memref<1x1x128xi32, #tpu.memory_space<hbm>>
        %dma_wait3A_62 = tpu.memref_squeeze %dma_wait3A_61 : memref<1x1x128xi32, #tpu.memory_space<hbm>> -> memref<1x128xi32, #tpu.memory_space<hbm>>
        %dma_wait3A_63 = arith.constant 39 : i32
        %dma_wait3A_64 = arith.constant 0 : i32
        %dma_wait3A_65 = tpu.memref_slice %arg7[%dma_wait3A_63, %dma_wait3A_64] : memref<40x128xi32, #tpu.memory_space<vmem>> -> memref<1x128xi32, #tpu.memory_space<vmem>>
        %dma_wait3A_66 = arith.constant 0 : i32
        %dma_wait3A_67 = tpu.memref_slice %arg2[%run_scoped3A_45, %add3A_44, %dma_wait3A_66] : memref<2x1250x128xi32, #tpu.memory_space<hbm>> -> memref<1x1x128xi32, #tpu.memory_space<hbm>>
        %dma_wait3A_68 = tpu.memref_squeeze %dma_wait3A_67 : memref<1x1x128xi32, #tpu.memory_space<hbm>> -> memref<1x128xi32, #tpu.memory_space<hbm>>
        tpu.wait_dma2 semaphore(%run_scoped3A_46 : memref<!tpu.dma_semaphore, #tpu.memory_space<semaphore_mem>>) src(%dma_wait3A_68 : memref<1x128xi32, #tpu.memory_space<hbm>>) dst(%dma_wait3A_65 : memref<1x128xi32, #tpu.memory_space<vmem>>)
        tpu.yield
      }) : () -> ()
    } else {
    }
    %barrier3A = arith.constant 0 : index
    tpu.barrier barrier_id(%barrier3A)
    %while3A = arith.constant 0 : i32
    %while3A_14 = arith.constant 0 : i32
    %while3A_15 = arith.subi %add3A_5, %while3A_14 : i32
    %while3A_16 = arith.addi %while3A_14, %while3A_15 : i32
    %while3A_17 = arith.constant 1 : i32
    %while3A_18 = arith.divsi %while3A_15, %while3A_17 : i32
    %while3A_19 = arith.muli %while3A_18, %while3A_17 : i32
    %while3A_20 = arith.addi %while3A_14, %while3A_19 : i32
    %while3A_21 = arith.constant 1 : i32
    scf.for %while3A_43 = %while3A_14 to %while3A_20 step %while3A_21  : i32 {
      %dma_start3A = arith.constant 0 : i32
      %dma_start3A_44 = tpu.memref_slice %arg7[%while3A_43, %dma_start3A] : memref<40x128xi32, #tpu.memory_space<vmem>> -> memref<1x128xi32, #tpu.memory_space<vmem>>
      %dma_start3A_45 = tpu.memref_squeeze %dma_start3A_44 : memref<1x128xi32, #tpu.memory_space<vmem>> -> memref<128xi32, #tpu.memory_space<vmem>>
      %dma_start3A_46 = arith.constant 0 : i32
      %dma_start3A_47 = arith.constant 0 : i32
      %dma_start3A_48 = tpu.memref_slice %arg9[%dma_start3A_46, %dma_start3A_47] : memref<10000x16xf32, #tpu.memory_space<vmem_shared>> -> memref<10000x16xf32, #tpu.memory_space<vmem_shared>>
      tpu.enqueue_indirect_dma source(%arg8 : memref<128x16xf32, #tpu.memory_space<vmem>>) target(%dma_start3A_48 : memref<10000x16xf32, #tpu.memory_space<vmem_shared>>) offsets(%dma_start3A_45 : memref<128xi32, #tpu.memory_space<vmem>>) semaphore(%arg10 : memref<!tpu.dma_semaphore, #tpu.memory_space<semaphore_mem>>) {add = true}
    }
    %while3A_22 = arith.constant 1 : i32
    scf.for %while3A_43 = %while3A_20 to %while3A_16 step %while3A_22  : i32 {
      %dma_start3A = arith.constant 0 : i32
      %dma_start3A_44 = tpu.memref_slice %arg7[%while3A_43, %dma_start3A] : memref<40x128xi32, #tpu.memory_space<vmem>> -> memref<1x128xi32, #tpu.memory_space<vmem>>
      %dma_start3A_45 = tpu.memref_squeeze %dma_start3A_44 : memref<1x128xi32, #tpu.memory_space<vmem>> -> memref<128xi32, #tpu.memory_space<vmem>>
      %dma_start3A_46 = arith.constant 0 : i32
      %dma_start3A_47 = arith.constant 0 : i32
      %dma_start3A_48 = tpu.memref_slice %arg9[%dma_start3A_46, %dma_start3A_47] : memref<10000x16xf32, #tpu.memory_space<vmem_shared>> -> memref<10000x16xf32, #tpu.memory_space<vmem_shared>>
      tpu.enqueue_indirect_dma source(%arg8 : memref<128x16xf32, #tpu.memory_space<vmem>>) target(%dma_start3A_48 : memref<10000x16xf32, #tpu.memory_space<vmem_shared>>) offsets(%dma_start3A_45 : memref<128xi32, #tpu.memory_space<vmem>>) semaphore(%arg10 : memref<!tpu.dma_semaphore, #tpu.memory_space<semaphore_mem>>) {add = true}
    }
    %while3A_23 = arith.constant 0 : i32
    %while3A_24 = arith.constant 0 : i32
    %while3A_25 = arith.subi %add3A_5, %while3A_24 : i32
    %while3A_26 = arith.addi %while3A_24, %while3A_25 : i32
    %while3A_27 = arith.constant 1 : i32
    %while3A_28 = arith.divsi %while3A_25, %while3A_27 : i32
    %while3A_29 = arith.muli %while3A_28, %while3A_27 : i32
    %while3A_30 = arith.addi %while3A_24, %while3A_29 : i32
    %while3A_31 = arith.constant 1 : i32
    scf.for %while3A_43 = %while3A_24 to %while3A_30 step %while3A_31  : i32 {
      %dma_wait3A = arith.constant 0 : i32
      %dma_wait3A_44 = tpu.memref_slice %arg7[%while3A_43, %dma_wait3A] : memref<40x128xi32, #tpu.memory_space<vmem>> -> memref<1x128xi32, #tpu.memory_space<vmem>>
      %dma_wait3A_45 = tpu.memref_squeeze %dma_wait3A_44 : memref<1x128xi32, #tpu.memory_space<vmem>> -> memref<128xi32, #tpu.memory_space<vmem>>
      %dma_wait3A_46 = arith.constant 0 : i32
      %dma_wait3A_47 = arith.constant 0 : i32
      %dma_wait3A_48 = tpu.memref_slice %arg9[%dma_wait3A_46, %dma_wait3A_47] : memref<10000x16xf32, #tpu.memory_space<vmem_shared>> -> memref<10000x16xf32, #tpu.memory_space<vmem_shared>>
      tpu.wait_indirect_dma semaphore(%arg10 : memref<!tpu.dma_semaphore, #tpu.memory_space<semaphore_mem>>) src(%arg8 : memref<128x16xf32, #tpu.memory_space<vmem>>) dst(%dma_wait3A_48 : memref<10000x16xf32, #tpu.memory_space<vmem_shared>>)
    }
    %while3A_32 = arith.constant 1 : i32
    scf.for %while3A_43 = %while3A_30 to %while3A_26 step %while3A_32  : i32 {
      %dma_wait3A = arith.constant 0 : i32
      %dma_wait3A_44 = tpu.memref_slice %arg7[%while3A_43, %dma_wait3A] : memref<40x128xi32, #tpu.memory_space<vmem>> -> memref<1x128xi32, #tpu.memory_space<vmem>>
      %dma_wait3A_45 = tpu.memref_squeeze %dma_wait3A_44 : memref<1x128xi32, #tpu.memory_space<vmem>> -> memref<128xi32, #tpu.memory_space<vmem>>
      %dma_wait3A_46 = arith.constant 0 : i32
      %dma_wait3A_47 = arith.constant 0 : i32
      %dma_wait3A_48 = tpu.memref_slice %arg9[%dma_wait3A_46, %dma_wait3A_47] : memref<10000x16xf32, #tpu.memory_space<vmem_shared>> -> memref<10000x16xf32, #tpu.memory_space<vmem_shared>>
      tpu.wait_indirect_dma semaphore(%arg10 : memref<!tpu.dma_semaphore, #tpu.memory_space<semaphore_mem>>) src(%arg8 : memref<128x16xf32, #tpu.memory_space<vmem>>) dst(%dma_wait3A_48 : memref<10000x16xf32, #tpu.memory_space<vmem_shared>>)
    }
    %barrier3A_33 = arith.constant 0 : index
    tpu.barrier barrier_id(%barrier3A_33)
    %eq3A = arith.constant 0 : i32
    %eq3A_34 = arith.cmpi eq, %arg0, %eq3A : i32
    %convert_element_type3A_35 = arith.extui %eq3A_34 : i1 to i32
    %cond3A_36 = arith.constant 0 : i32
    %cond3A_37 = arith.cmpi ne, %convert_element_type3A_35, %cond3A_36 : i32
    scf.if %cond3A_37 {
      "tpu.region"() ({
        %run_scoped3A_43 = tpu.sem_alloc : memref<!tpu.dma_semaphore, #tpu.memory_space<semaphore_mem>>
        %dma_start3A = arith.constant 0 : i32
        %dma_start3A_44 = tpu.memref_slice %arg5[%mul3A_0, %dma_start3A] : memref<10000x16xf32, #tpu.memory_space<hbm>> -> memref<625x16xf32, #tpu.memory_space<hbm>>
        %dma_start3A_45 = arith.constant 0 : i32
        %dma_start3A_46 = tpu.memref_slice %arg9[%mul3A_0, %dma_start3A_45] : memref<10000x16xf32, #tpu.memory_space<vmem_shared>> -> memref<625x16xf32, #tpu.memory_space<vmem_shared>>
        tpu.enqueue_dma source(%dma_start3A_46 : memref<625x16xf32, #tpu.memory_space<vmem_shared>>) target(%dma_start3A_44 : memref<625x16xf32, #tpu.memory_space<hbm>>) target_semaphore(%run_scoped3A_43 : memref<!tpu.dma_semaphore, #tpu.memory_space<semaphore_mem>>)
        %dma_wait3A = arith.constant 0 : i32
        %dma_wait3A_47 = tpu.memref_slice %arg5[%mul3A_0, %dma_wait3A] : memref<10000x16xf32, #tpu.memory_space<hbm>> -> memref<625x16xf32, #tpu.memory_space<hbm>>
        %dma_wait3A_48 = arith.constant 0 : i32
        %dma_wait3A_49 = tpu.memref_slice %arg9[%mul3A_0, %dma_wait3A_48] : memref<10000x16xf32, #tpu.memory_space<vmem_shared>> -> memref<625x16xf32, #tpu.memory_space<vmem_shared>>
        tpu.wait_dma2 semaphore(%run_scoped3A_43 : memref<!tpu.dma_semaphore, #tpu.memory_space<semaphore_mem>>) src(%dma_wait3A_49 : memref<625x16xf32, #tpu.memory_space<vmem_shared>>) dst(%dma_wait3A_47 : memref<625x16xf32, #tpu.memory_space<hbm>>)
        tpu.yield
      }) : () -> ()
    } else {
    }
    %eq3A_38 = arith.constant 1 : i32
    %eq3A_39 = arith.cmpi eq, %arg0, %eq3A_38 : i32
    %convert_element_type3A_40 = arith.extui %eq3A_39 : i1 to i32
    %cond3A_41 = arith.constant 0 : i32
    %cond3A_42 = arith.cmpi ne, %convert_element_type3A_40, %cond3A_41 : i32
    scf.if %cond3A_42 {
      "tpu.region"() ({
        %run_scoped3A_43 = tpu.sem_alloc : memref<!tpu.dma_semaphore, #tpu.memory_space<semaphore_mem>>
        %dma_start3A = arith.constant 0 : i32
        %dma_start3A_44 = tpu.memref_slice %arg6[%mul3A_0, %dma_start3A] : memref<10000x16xf32, #tpu.memory_space<hbm>> -> memref<625x16xf32, #tpu.memory_space<hbm>>
        %dma_start3A_45 = arith.constant 0 : i32
        %dma_start3A_46 = tpu.memref_slice %arg9[%mul3A_0, %dma_start3A_45] : memref<10000x16xf32, #tpu.memory_space<vmem_shared>> -> memref<625x16xf32, #tpu.memory_space<vmem_shared>>
        tpu.enqueue_dma source(%dma_start3A_46 : memref<625x16xf32, #tpu.memory_space<vmem_shared>>) target(%dma_start3A_44 : memref<625x16xf32, #tpu.memory_space<hbm>>) target_semaphore(%run_scoped3A_43 : memref<!tpu.dma_semaphore, #tpu.memory_space<semaphore_mem>>)
        %dma_wait3A = arith.constant 0 : i32
        %dma_wait3A_47 = tpu.memref_slice %arg6[%mul3A_0, %dma_wait3A] : memref<10000x16xf32, #tpu.memory_space<hbm>> -> memref<625x16xf32, #tpu.memory_space<hbm>>
        %dma_wait3A_48 = arith.constant 0 : i32
        %dma_wait3A_49 = tpu.memref_slice %arg9[%mul3A_0, %dma_wait3A_48] : memref<10000x16xf32, #tpu.memory_space<vmem_shared>> -> memref<625x16xf32, #tpu.memory_space<vmem_shared>>
        tpu.wait_dma2 semaphore(%run_scoped3A_43 : memref<!tpu.dma_semaphore, #tpu.memory_space<semaphore_mem>>) src(%dma_wait3A_49 : memref<625x16xf32, #tpu.memory_space<vmem_shared>>) dst(%dma_wait3A_47 : memref<625x16xf32, #tpu.memory_space<hbm>>)
        tpu.yield
      }) : () -> ()
    } else {
    }
    return
  }
}

#map = affine_map<(d0, d1) -> (0, 0)>
#map1 = affine_map<(d0, d1) -> (0, 0, 0)>
module attributes {stable_mosaic.version = 14 : i64} {
  func.func @_agg1_kernel(%arg0: i32, %arg1: i32, %arg2: memref<10000x128xbf16, #tpu.memory_space<hbm>>, %arg3: memref<10000x128xbf16, #tpu.memory_space<hbm>>, %arg4: memref<2x1250x128xi32, #tpu.memory_space<hbm>>, %arg5: memref<10000x128xbf16, #tpu.memory_space<hbm>>, %arg6: memref<10000x128xbf16, #tpu.memory_space<hbm>>, %arg7: memref<79x128xi32, #tpu.memory_space<vmem>>, %arg8: memref<79x128xi32, #tpu.memory_space<vmem>>, %arg9: memref<1024x128xbf16, #tpu.memory_space<vmem>>, %arg10: memref<10000x128xbf16, #tpu.memory_space<vmem_shared>>, %arg11: memref<!tpu.dma_semaphore, #tpu.memory_space<semaphore_mem>>, %arg12: memref<!tpu.dma_semaphore, #tpu.memory_space<semaphore_mem>>, %arg13: memref<!tpu.dma_semaphore, #tpu.memory_space<semaphore_mem>>, %arg14: memref<!tpu.dma_semaphore, #tpu.memory_space<semaphore_mem>>, %arg15: memref<!tpu.dma_semaphore, #tpu.memory_space<semaphore_mem>>, %arg16: memref<!tpu.dma_semaphore, #tpu.memory_space<semaphore_mem>>, %arg17: memref<!tpu.dma_semaphore, #tpu.memory_space<semaphore_mem>>, %arg18: memref<!tpu.dma_semaphore, #tpu.memory_space<semaphore_mem>>, %arg19: memref<!tpu.dma_semaphore, #tpu.memory_space<semaphore_mem>>, %arg20: memref<!tpu.dma_semaphore, #tpu.memory_space<semaphore_mem>>, %arg21: memref<!tpu.dma_semaphore, #tpu.memory_space<semaphore_mem>>, %arg22: memref<!tpu.dma_semaphore, #tpu.memory_space<semaphore_mem>>, %arg23: memref<!tpu.dma_semaphore, #tpu.memory_space<semaphore_mem>>, %arg24: memref<!tpu.dma_semaphore, #tpu.memory_space<semaphore_mem>>, %arg25: memref<!tpu.dma_semaphore, #tpu.memory_space<semaphore_mem>>, %arg26: memref<!tpu.dma_semaphore, #tpu.memory_space<semaphore_mem>>) attributes {dimension_semantics = [#tpu.dimension_semantics<core_parallel>, #tpu.dimension_semantics<subcore_parallel>], iteration_bounds = array<i64: 2, 16>, scalar_prefetch = 0 : i64, scratch_operands = 20 : i64, tpu.core_type = #tpu.core_type<sc_vector_subcore>, window_params = [{transform_indices = #map}, {transform_indices = #map}, {transform_indices = #map1}, {transform_indices = #map}, {transform_indices = #map}]} {
    %mul3A = arith.constant 625 : i32
    %mul3A_0 = arith.muli %arg1, %mul3A : i32
    %lt3A = arith.constant 2 : i32
    %lt3A_1 = arith.cmpi slt, %arg1, %lt3A : i32
    %convert_element_type3A = arith.extui %lt3A_1 : i1 to i32
    %add3A = arith.constant 78 : i32
    %add3A_2 = arith.addi %add3A, %convert_element_type3A : i32
    %mul3A_3 = arith.constant 78 : i32
    %mul3A_4 = arith.muli %arg1, %mul3A_3 : i32
    %min3A = arith.constant 2 : i32
    %min3A_5 = arith.minsi %arg1, %min3A : i32
    %add3A_6 = arith.addi %mul3A_4, %min3A_5 : i32
    %run_scoped3A = arith.constant 0 : i32
    "tpu.region"() ({
      %run_scoped3A_87 = tpu.sem_alloc : memref<!tpu.dma_semaphore, #tpu.memory_space<semaphore_mem>>
      %dma_start3A = arith.constant 0 : i32
      %dma_start3A_88 = arith.constant 0 : i32
      %dma_start3A_89 = tpu.memref_slice %arg7[%dma_start3A, %dma_start3A_88] : memref<79x128xi32, #tpu.memory_space<vmem>> -> memref<78x128xi32, #tpu.memory_space<vmem>>
      %dma_start3A_90 = arith.constant 0 : i32
      %dma_start3A_91 = tpu.memref_slice %arg4[%run_scoped3A, %add3A_6, %dma_start3A_90] : memref<2x1250x128xi32, #tpu.memory_space<hbm>> -> memref<1x78x128xi32, #tpu.memory_space<hbm>>
      %dma_start3A_92 = tpu.memref_squeeze %dma_start3A_91 : memref<1x78x128xi32, #tpu.memory_space<hbm>> -> memref<78x128xi32, #tpu.memory_space<hbm>>
      %dma_start3A_93 = arith.constant 0 : i32
      %dma_start3A_94 = arith.constant 0 : i32
      %dma_start3A_95 = tpu.memref_slice %arg7[%dma_start3A_93, %dma_start3A_94] : memref<79x128xi32, #tpu.memory_space<vmem>> -> memref<78x128xi32, #tpu.memory_space<vmem>>
      %dma_start3A_96 = arith.constant 0 : i32
      %dma_start3A_97 = tpu.memref_slice %arg4[%run_scoped3A, %add3A_6, %dma_start3A_96] : memref<2x1250x128xi32, #tpu.memory_space<hbm>> -> memref<1x78x128xi32, #tpu.memory_space<hbm>>
      %dma_start3A_98 = tpu.memref_squeeze %dma_start3A_97 : memref<1x78x128xi32, #tpu.memory_space<hbm>> -> memref<78x128xi32, #tpu.memory_space<hbm>>
      tpu.enqueue_dma source(%dma_start3A_98 : memref<78x128xi32, #tpu.memory_space<hbm>>) target(%dma_start3A_95 : memref<78x128xi32, #tpu.memory_space<vmem>>) target_semaphore(%run_scoped3A_87 : memref<!tpu.dma_semaphore, #tpu.memory_space<semaphore_mem>>)
      %dma_wait3A = arith.constant 0 : i32
      %dma_wait3A_99 = arith.constant 0 : i32
      %dma_wait3A_100 = tpu.memref_slice %arg7[%dma_wait3A, %dma_wait3A_99] : memref<79x128xi32, #tpu.memory_space<vmem>> -> memref<78x128xi32, #tpu.memory_space<vmem>>
      %dma_wait3A_101 = arith.constant 0 : i32
      %dma_wait3A_102 = tpu.memref_slice %arg4[%run_scoped3A, %add3A_6, %dma_wait3A_101] : memref<2x1250x128xi32, #tpu.memory_space<hbm>> -> memref<1x78x128xi32, #tpu.memory_space<hbm>>
      %dma_wait3A_103 = tpu.memref_squeeze %dma_wait3A_102 : memref<1x78x128xi32, #tpu.memory_space<hbm>> -> memref<78x128xi32, #tpu.memory_space<hbm>>
      %dma_wait3A_104 = arith.constant 0 : i32
      %dma_wait3A_105 = arith.constant 0 : i32
      %dma_wait3A_106 = tpu.memref_slice %arg7[%dma_wait3A_104, %dma_wait3A_105] : memref<79x128xi32, #tpu.memory_space<vmem>> -> memref<78x128xi32, #tpu.memory_space<vmem>>
      %dma_wait3A_107 = arith.constant 0 : i32
      %dma_wait3A_108 = tpu.memref_slice %arg4[%run_scoped3A, %add3A_6, %dma_wait3A_107] : memref<2x1250x128xi32, #tpu.memory_space<hbm>> -> memref<1x78x128xi32, #tpu.memory_space<hbm>>
      %dma_wait3A_109 = tpu.memref_squeeze %dma_wait3A_108 : memref<1x78x128xi32, #tpu.memory_space<hbm>> -> memref<78x128xi32, #tpu.memory_space<hbm>>
      tpu.wait_dma2 semaphore(%run_scoped3A_87 : memref<!tpu.dma_semaphore, #tpu.memory_space<semaphore_mem>>) src(%dma_wait3A_109 : memref<78x128xi32, #tpu.memory_space<hbm>>) dst(%dma_wait3A_106 : memref<78x128xi32, #tpu.memory_space<vmem>>)
      tpu.yield
    }) : () -> ()
    %run_scoped3A_7 = arith.constant 1 : i32
    "tpu.region"() ({
      %run_scoped3A_87 = tpu.sem_alloc : memref<!tpu.dma_semaphore, #tpu.memory_space<semaphore_mem>>
      %dma_start3A = arith.constant 0 : i32
      %dma_start3A_88 = arith.constant 0 : i32
      %dma_start3A_89 = tpu.memref_slice %arg8[%dma_start3A, %dma_start3A_88] : memref<79x128xi32, #tpu.memory_space<vmem>> -> memref<78x128xi32, #tpu.memory_space<vmem>>
      %dma_start3A_90 = arith.constant 0 : i32
      %dma_start3A_91 = tpu.memref_slice %arg4[%run_scoped3A_7, %add3A_6, %dma_start3A_90] : memref<2x1250x128xi32, #tpu.memory_space<hbm>> -> memref<1x78x128xi32, #tpu.memory_space<hbm>>
      %dma_start3A_92 = tpu.memref_squeeze %dma_start3A_91 : memref<1x78x128xi32, #tpu.memory_space<hbm>> -> memref<78x128xi32, #tpu.memory_space<hbm>>
      %dma_start3A_93 = arith.constant 0 : i32
      %dma_start3A_94 = arith.constant 0 : i32
      %dma_start3A_95 = tpu.memref_slice %arg8[%dma_start3A_93, %dma_start3A_94] : memref<79x128xi32, #tpu.memory_space<vmem>> -> memref<78x128xi32, #tpu.memory_space<vmem>>
      %dma_start3A_96 = arith.constant 0 : i32
      %dma_start3A_97 = tpu.memref_slice %arg4[%run_scoped3A_7, %add3A_6, %dma_start3A_96] : memref<2x1250x128xi32, #tpu.memory_space<hbm>> -> memref<1x78x128xi32, #tpu.memory_space<hbm>>
      %dma_start3A_98 = tpu.memref_squeeze %dma_start3A_97 : memref<1x78x128xi32, #tpu.memory_space<hbm>> -> memref<78x128xi32, #tpu.memory_space<hbm>>
      tpu.enqueue_dma source(%dma_start3A_98 : memref<78x128xi32, #tpu.memory_space<hbm>>) target(%dma_start3A_95 : memref<78x128xi32, #tpu.memory_space<vmem>>) target_semaphore(%run_scoped3A_87 : memref<!tpu.dma_semaphore, #tpu.memory_space<semaphore_mem>>)
      %dma_wait3A = arith.constant 0 : i32
      %dma_wait3A_99 = arith.constant 0 : i32
      %dma_wait3A_100 = tpu.memref_slice %arg8[%dma_wait3A, %dma_wait3A_99] : memref<79x128xi32, #tpu.memory_space<vmem>> -> memref<78x128xi32, #tpu.memory_space<vmem>>
      %dma_wait3A_101 = arith.constant 0 : i32
      %dma_wait3A_102 = tpu.memref_slice %arg4[%run_scoped3A_7, %add3A_6, %dma_wait3A_101] : memref<2x1250x128xi32, #tpu.memory_space<hbm>> -> memref<1x78x128xi32, #tpu.memory_space<hbm>>
      %dma_wait3A_103 = tpu.memref_squeeze %dma_wait3A_102 : memref<1x78x128xi32, #tpu.memory_space<hbm>> -> memref<78x128xi32, #tpu.memory_space<hbm>>
      %dma_wait3A_104 = arith.constant 0 : i32
      %dma_wait3A_105 = arith.constant 0 : i32
      %dma_wait3A_106 = tpu.memref_slice %arg8[%dma_wait3A_104, %dma_wait3A_105] : memref<79x128xi32, #tpu.memory_space<vmem>> -> memref<78x128xi32, #tpu.memory_space<vmem>>
      %dma_wait3A_107 = arith.constant 0 : i32
      %dma_wait3A_108 = tpu.memref_slice %arg4[%run_scoped3A_7, %add3A_6, %dma_wait3A_107] : memref<2x1250x128xi32, #tpu.memory_space<hbm>> -> memref<1x78x128xi32, #tpu.memory_space<hbm>>
      %dma_wait3A_109 = tpu.memref_squeeze %dma_wait3A_108 : memref<1x78x128xi32, #tpu.memory_space<hbm>> -> memref<78x128xi32, #tpu.memory_space<hbm>>
      tpu.wait_dma2 semaphore(%run_scoped3A_87 : memref<!tpu.dma_semaphore, #tpu.memory_space<semaphore_mem>>) src(%dma_wait3A_109 : memref<78x128xi32, #tpu.memory_space<hbm>>) dst(%dma_wait3A_106 : memref<78x128xi32, #tpu.memory_space<vmem>>)
      tpu.yield
    }) : () -> ()
    %lt3A_8 = arith.constant 2 : i32
    %lt3A_9 = arith.cmpi slt, %arg1, %lt3A_8 : i32
    %convert_element_type3A_10 = arith.extui %lt3A_9 : i1 to i32
    %cond3A = arith.constant 0 : i32
    %cond3A_11 = arith.cmpi ne, %convert_element_type3A_10, %cond3A : i32
    scf.if %cond3A_11 {
      %add3A_87 = arith.constant 78 : i32
      %add3A_88 = arith.addi %add3A_6, %add3A_87 : i32
      %run_scoped3A_89 = arith.constant 0 : i32
      "tpu.region"() ({
        %run_scoped3A_93 = tpu.sem_alloc : memref<!tpu.dma_semaphore, #tpu.memory_space<semaphore_mem>>
        %dma_start3A = arith.constant 78 : i32
        %dma_start3A_94 = arith.constant 0 : i32
        %dma_start3A_95 = tpu.memref_slice %arg7[%dma_start3A, %dma_start3A_94] : memref<79x128xi32, #tpu.memory_space<vmem>> -> memref<1x128xi32, #tpu.memory_space<vmem>>
        %dma_start3A_96 = arith.constant 0 : i32
        %dma_start3A_97 = tpu.memref_slice %arg4[%run_scoped3A_89, %add3A_88, %dma_start3A_96] : memref<2x1250x128xi32, #tpu.memory_space<hbm>> -> memref<1x1x128xi32, #tpu.memory_space<hbm>>
        %dma_start3A_98 = tpu.memref_squeeze %dma_start3A_97 : memref<1x1x128xi32, #tpu.memory_space<hbm>> -> memref<1x128xi32, #tpu.memory_space<hbm>>
        %dma_start3A_99 = arith.constant 78 : i32
        %dma_start3A_100 = arith.constant 0 : i32
        %dma_start3A_101 = tpu.memref_slice %arg7[%dma_start3A_99, %dma_start3A_100] : memref<79x128xi32, #tpu.memory_space<vmem>> -> memref<1x128xi32, #tpu.memory_space<vmem>>
        %dma_start3A_102 = arith.constant 0 : i32
        %dma_start3A_103 = tpu.memref_slice %arg4[%run_scoped3A_89, %add3A_88, %dma_start3A_102] : memref<2x1250x128xi32, #tpu.memory_space<hbm>> -> memref<1x1x128xi32, #tpu.memory_space<hbm>>
        %dma_start3A_104 = tpu.memref_squeeze %dma_start3A_103 : memref<1x1x128xi32, #tpu.memory_space<hbm>> -> memref<1x128xi32, #tpu.memory_space<hbm>>
        tpu.enqueue_dma source(%dma_start3A_104 : memref<1x128xi32, #tpu.memory_space<hbm>>) target(%dma_start3A_101 : memref<1x128xi32, #tpu.memory_space<vmem>>) target_semaphore(%run_scoped3A_93 : memref<!tpu.dma_semaphore, #tpu.memory_space<semaphore_mem>>)
        %dma_wait3A = arith.constant 78 : i32
        %dma_wait3A_105 = arith.constant 0 : i32
        %dma_wait3A_106 = tpu.memref_slice %arg7[%dma_wait3A, %dma_wait3A_105] : memref<79x128xi32, #tpu.memory_space<vmem>> -> memref<1x128xi32, #tpu.memory_space<vmem>>
        %dma_wait3A_107 = arith.constant 0 : i32
        %dma_wait3A_108 = tpu.memref_slice %arg4[%run_scoped3A_89, %add3A_88, %dma_wait3A_107] : memref<2x1250x128xi32, #tpu.memory_space<hbm>> -> memref<1x1x128xi32, #tpu.memory_space<hbm>>
        %dma_wait3A_109 = tpu.memref_squeeze %dma_wait3A_108 : memref<1x1x128xi32, #tpu.memory_space<hbm>> -> memref<1x128xi32, #tpu.memory_space<hbm>>
        %dma_wait3A_110 = arith.constant 78 : i32
        %dma_wait3A_111 = arith.constant 0 : i32
        %dma_wait3A_112 = tpu.memref_slice %arg7[%dma_wait3A_110, %dma_wait3A_111] : memref<79x128xi32, #tpu.memory_space<vmem>> -> memref<1x128xi32, #tpu.memory_space<vmem>>
        %dma_wait3A_113 = arith.constant 0 : i32
        %dma_wait3A_114 = tpu.memref_slice %arg4[%run_scoped3A_89, %add3A_88, %dma_wait3A_113] : memref<2x1250x128xi32, #tpu.memory_space<hbm>> -> memref<1x1x128xi32, #tpu.memory_space<hbm>>
        %dma_wait3A_115 = tpu.memref_squeeze %dma_wait3A_114 : memref<1x1x128xi32, #tpu.memory_space<hbm>> -> memref<1x128xi32, #tpu.memory_space<hbm>>
        tpu.wait_dma2 semaphore(%run_scoped3A_93 : memref<!tpu.dma_semaphore, #tpu.memory_space<semaphore_mem>>) src(%dma_wait3A_115 : memref<1x128xi32, #tpu.memory_space<hbm>>) dst(%dma_wait3A_112 : memref<1x128xi32, #tpu.memory_space<vmem>>)
        tpu.yield
      }) : () -> ()
      %add3A_90 = arith.constant 78 : i32
      %add3A_91 = arith.addi %add3A_6, %add3A_90 : i32
      %run_scoped3A_92 = arith.constant 1 : i32
      "tpu.region"() ({
        %run_scoped3A_93 = tpu.sem_alloc : memref<!tpu.dma_semaphore, #tpu.memory_space<semaphore_mem>>
        %dma_start3A = arith.constant 78 : i32
        %dma_start3A_94 = arith.constant 0 : i32
        %dma_start3A_95 = tpu.memref_slice %arg8[%dma_start3A, %dma_start3A_94] : memref<79x128xi32, #tpu.memory_space<vmem>> -> memref<1x128xi32, #tpu.memory_space<vmem>>
        %dma_start3A_96 = arith.constant 0 : i32
        %dma_start3A_97 = tpu.memref_slice %arg4[%run_scoped3A_92, %add3A_91, %dma_start3A_96] : memref<2x1250x128xi32, #tpu.memory_space<hbm>> -> memref<1x1x128xi32, #tpu.memory_space<hbm>>
        %dma_start3A_98 = tpu.memref_squeeze %dma_start3A_97 : memref<1x1x128xi32, #tpu.memory_space<hbm>> -> memref<1x128xi32, #tpu.memory_space<hbm>>
        %dma_start3A_99 = arith.constant 78 : i32
        %dma_start3A_100 = arith.constant 0 : i32
        %dma_start3A_101 = tpu.memref_slice %arg8[%dma_start3A_99, %dma_start3A_100] : memref<79x128xi32, #tpu.memory_space<vmem>> -> memref<1x128xi32, #tpu.memory_space<vmem>>
        %dma_start3A_102 = arith.constant 0 : i32
        %dma_start3A_103 = tpu.memref_slice %arg4[%run_scoped3A_92, %add3A_91, %dma_start3A_102] : memref<2x1250x128xi32, #tpu.memory_space<hbm>> -> memref<1x1x128xi32, #tpu.memory_space<hbm>>
        %dma_start3A_104 = tpu.memref_squeeze %dma_start3A_103 : memref<1x1x128xi32, #tpu.memory_space<hbm>> -> memref<1x128xi32, #tpu.memory_space<hbm>>
        tpu.enqueue_dma source(%dma_start3A_104 : memref<1x128xi32, #tpu.memory_space<hbm>>) target(%dma_start3A_101 : memref<1x128xi32, #tpu.memory_space<vmem>>) target_semaphore(%run_scoped3A_93 : memref<!tpu.dma_semaphore, #tpu.memory_space<semaphore_mem>>)
        %dma_wait3A = arith.constant 78 : i32
        %dma_wait3A_105 = arith.constant 0 : i32
        %dma_wait3A_106 = tpu.memref_slice %arg8[%dma_wait3A, %dma_wait3A_105] : memref<79x128xi32, #tpu.memory_space<vmem>> -> memref<1x128xi32, #tpu.memory_space<vmem>>
        %dma_wait3A_107 = arith.constant 0 : i32
        %dma_wait3A_108 = tpu.memref_slice %arg4[%run_scoped3A_92, %add3A_91, %dma_wait3A_107] : memref<2x1250x128xi32, #tpu.memory_space<hbm>> -> memref<1x1x128xi32, #tpu.memory_space<hbm>>
        %dma_wait3A_109 = tpu.memref_squeeze %dma_wait3A_108 : memref<1x1x128xi32, #tpu.memory_space<hbm>> -> memref<1x128xi32, #tpu.memory_space<hbm>>
        %dma_wait3A_110 = arith.constant 78 : i32
        %dma_wait3A_111 = arith.constant 0 : i32
        %dma_wait3A_112 = tpu.memref_slice %arg8[%dma_wait3A_110, %dma_wait3A_111] : memref<79x128xi32, #tpu.memory_space<vmem>> -> memref<1x128xi32, #tpu.memory_space<vmem>>
        %dma_wait3A_113 = arith.constant 0 : i32
        %dma_wait3A_114 = tpu.memref_slice %arg4[%run_scoped3A_92, %add3A_91, %dma_wait3A_113] : memref<2x1250x128xi32, #tpu.memory_space<hbm>> -> memref<1x1x128xi32, #tpu.memory_space<hbm>>
        %dma_wait3A_115 = tpu.memref_squeeze %dma_wait3A_114 : memref<1x1x128xi32, #tpu.memory_space<hbm>> -> memref<1x128xi32, #tpu.memory_space<hbm>>
        tpu.wait_dma2 semaphore(%run_scoped3A_93 : memref<!tpu.dma_semaphore, #tpu.memory_space<semaphore_mem>>) src(%dma_wait3A_115 : memref<1x128xi32, #tpu.memory_space<hbm>>) dst(%dma_wait3A_112 : memref<1x128xi32, #tpu.memory_space<vmem>>)
        tpu.yield
      }) : () -> ()
    } else {
    }
    %eq3A = arith.constant 0 : i32
    %eq3A_12 = arith.cmpi eq, %arg0, %eq3A : i32
    %convert_element_type3A_13 = arith.extui %eq3A_12 : i1 to i32
    %cond3A_14 = arith.constant 0 : i32
    %cond3A_15 = arith.cmpi ne, %convert_element_type3A_13, %cond3A_14 : i32
    scf.if %cond3A_15 {
      "tpu.region"() ({
        %run_scoped3A_87 = tpu.sem_alloc : memref<!tpu.dma_semaphore, #tpu.memory_space<semaphore_mem>>
        %dma_start3A = arith.constant 0 : i32
        %dma_start3A_88 = tpu.memref_slice %arg10[%mul3A_0, %dma_start3A] : memref<10000x128xbf16, #tpu.memory_space<vmem_shared>> -> memref<625x128xbf16, #tpu.memory_space<vmem_shared>>
        %dma_start3A_89 = arith.constant 0 : i32
        %dma_start3A_90 = tpu.memref_slice %arg2[%mul3A_0, %dma_start3A_89] : memref<10000x128xbf16, #tpu.memory_space<hbm>> -> memref<625x128xbf16, #tpu.memory_space<hbm>>
        tpu.enqueue_dma source(%dma_start3A_90 : memref<625x128xbf16, #tpu.memory_space<hbm>>) target(%dma_start3A_88 : memref<625x128xbf16, #tpu.memory_space<vmem_shared>>) target_semaphore(%run_scoped3A_87 : memref<!tpu.dma_semaphore, #tpu.memory_space<semaphore_mem>>)
        %dma_wait3A = arith.constant 0 : i32
        %dma_wait3A_91 = tpu.memref_slice %arg10[%mul3A_0, %dma_wait3A] : memref<10000x128xbf16, #tpu.memory_space<vmem_shared>> -> memref<625x128xbf16, #tpu.memory_space<vmem_shared>>
        %dma_wait3A_92 = arith.constant 0 : i32
        %dma_wait3A_93 = tpu.memref_slice %arg2[%mul3A_0, %dma_wait3A_92] : memref<10000x128xbf16, #tpu.memory_space<hbm>> -> memref<625x128xbf16, #tpu.memory_space<hbm>>
        tpu.wait_dma2 semaphore(%run_scoped3A_87 : memref<!tpu.dma_semaphore, #tpu.memory_space<semaphore_mem>>) src(%dma_wait3A_93 : memref<625x128xbf16, #tpu.memory_space<hbm>>) dst(%dma_wait3A_91 : memref<625x128xbf16, #tpu.memory_space<vmem_shared>>)
        tpu.yield
      }) : () -> ()
    } else {
    }
    %eq3A_16 = arith.constant 1 : i32
    %eq3A_17 = arith.cmpi eq, %arg0, %eq3A_16 : i32
    %convert_element_type3A_18 = arith.extui %eq3A_17 : i1 to i32
    %cond3A_19 = arith.constant 0 : i32
    %cond3A_20 = arith.cmpi ne, %convert_element_type3A_18, %cond3A_19 : i32
    scf.if %cond3A_20 {
      "tpu.region"() ({
        %run_scoped3A_87 = tpu.sem_alloc : memref<!tpu.dma_semaphore, #tpu.memory_space<semaphore_mem>>
        %dma_start3A = arith.constant 0 : i32
        %dma_start3A_88 = tpu.memref_slice %arg10[%mul3A_0, %dma_start3A] : memref<10000x128xbf16, #tpu.memory_space<vmem_shared>> -> memref<625x128xbf16, #tpu.memory_space<vmem_shared>>
        %dma_start3A_89 = arith.constant 0 : i32
        %dma_start3A_90 = tpu.memref_slice %arg3[%mul3A_0, %dma_start3A_89] : memref<10000x128xbf16, #tpu.memory_space<hbm>> -> memref<625x128xbf16, #tpu.memory_space<hbm>>
        tpu.enqueue_dma source(%dma_start3A_90 : memref<625x128xbf16, #tpu.memory_space<hbm>>) target(%dma_start3A_88 : memref<625x128xbf16, #tpu.memory_space<vmem_shared>>) target_semaphore(%run_scoped3A_87 : memref<!tpu.dma_semaphore, #tpu.memory_space<semaphore_mem>>)
        %dma_wait3A = arith.constant 0 : i32
        %dma_wait3A_91 = tpu.memref_slice %arg10[%mul3A_0, %dma_wait3A] : memref<10000x128xbf16, #tpu.memory_space<vmem_shared>> -> memref<625x128xbf16, #tpu.memory_space<vmem_shared>>
        %dma_wait3A_92 = arith.constant 0 : i32
        %dma_wait3A_93 = tpu.memref_slice %arg3[%mul3A_0, %dma_wait3A_92] : memref<10000x128xbf16, #tpu.memory_space<hbm>> -> memref<625x128xbf16, #tpu.memory_space<hbm>>
        tpu.wait_dma2 semaphore(%run_scoped3A_87 : memref<!tpu.dma_semaphore, #tpu.memory_space<semaphore_mem>>) src(%dma_wait3A_93 : memref<625x128xbf16, #tpu.memory_space<hbm>>) dst(%dma_wait3A_91 : memref<625x128xbf16, #tpu.memory_space<vmem_shared>>)
        tpu.yield
      }) : () -> ()
    } else {
    }
    %barrier3A = arith.constant 0 : index
    tpu.barrier barrier_id(%barrier3A)
    %eq3A_21 = arith.constant 0 : i32
    %eq3A_22 = arith.cmpi eq, %arg0, %eq3A_21 : i32
    %convert_element_type3A_23 = arith.extui %eq3A_22 : i1 to i32
    %cond3A_24 = arith.constant 0 : i32
    %cond3A_25 = arith.cmpi ne, %convert_element_type3A_23, %cond3A_24 : i32
    scf.if %cond3A_25 {
      %dma_start3A = arith.constant 0 : i32
      %dma_start3A_87 = arith.constant 0 : i32
      %dma_start3A_88 = arith.constant 0 : i32
      %dma_start3A_89 = tpu.memref_slice %arg9[%dma_start3A_87, %dma_start3A_88] : memref<1024x128xbf16, #tpu.memory_space<vmem>> -> memref<128x128xbf16, #tpu.memory_space<vmem>>
      %dma_start3A_90 = arith.constant 0 : i32
      %dma_start3A_91 = tpu.memref_slice %arg7[%dma_start3A, %dma_start3A_90] : memref<79x128xi32, #tpu.memory_space<vmem>> -> memref<1x128xi32, #tpu.memory_space<vmem>>
      %dma_start3A_92 = tpu.memref_squeeze %dma_start3A_91 : memref<1x128xi32, #tpu.memory_space<vmem>> -> memref<128xi32, #tpu.memory_space<vmem>>
      %dma_start3A_93 = arith.constant 0 : i32
      %dma_start3A_94 = arith.constant 0 : i32
      %dma_start3A_95 = tpu.memref_slice %arg2[%dma_start3A_93, %dma_start3A_94] : memref<10000x128xbf16, #tpu.memory_space<hbm>> -> memref<10000x128xbf16, #tpu.memory_space<hbm>>
      tpu.enqueue_indirect_dma source(%dma_start3A_95 : memref<10000x128xbf16, #tpu.memory_space<hbm>>) target(%dma_start3A_89 : memref<128x128xbf16, #tpu.memory_space<vmem>>) offsets(%dma_start3A_92 : memref<128xi32, #tpu.memory_space<vmem>>) semaphore(%arg11 : memref<!tpu.dma_semaphore, #tpu.memory_space<semaphore_mem>>)
    } else {
    }
    %eq3A_26 = arith.constant 1 : i32
    %eq3A_27 = arith.cmpi eq, %arg0, %eq3A_26 : i32
    %convert_element_type3A_28 = arith.extui %eq3A_27 : i1 to i32
    %cond3A_29 = arith.constant 0 : i32
    %cond3A_30 = arith.cmpi ne, %convert_element_type3A_28, %cond3A_29 : i32
    scf.if %cond3A_30 {
      %dma_start3A = arith.constant 0 : i32
      %dma_start3A_87 = arith.constant 0 : i32
      %dma_start3A_88 = arith.constant 0 : i32
      %dma_start3A_89 = tpu.memref_slice %arg9[%dma_start3A_87, %dma_start3A_88] : memref<1024x128xbf16, #tpu.memory_space<vmem>> -> memref<128x128xbf16, #tpu.memory_space<vmem>>
      %dma_start3A_90 = arith.constant 0 : i32
      %dma_start3A_91 = tpu.memref_slice %arg7[%dma_start3A, %dma_start3A_90] : memref<79x128xi32, #tpu.memory_space<vmem>> -> memref<1x128xi32, #tpu.memory_space<vmem>>
      %dma_start3A_92 = tpu.memref_squeeze %dma_start3A_91 : memref<1x128xi32, #tpu.memory_space<vmem>> -> memref<128xi32, #tpu.memory_space<vmem>>
      %dma_start3A_93 = arith.constant 0 : i32
      %dma_start3A_94 = arith.constant 0 : i32
      %dma_start3A_95 = tpu.memref_slice %arg3[%dma_start3A_93, %dma_start3A_94] : memref<10000x128xbf16, #tpu.memory_space<hbm>> -> memref<10000x128xbf16, #tpu.memory_space<hbm>>
      tpu.enqueue_indirect_dma source(%dma_start3A_95 : memref<10000x128xbf16, #tpu.memory_space<hbm>>) target(%dma_start3A_89 : memref<128x128xbf16, #tpu.memory_space<vmem>>) offsets(%dma_start3A_92 : memref<128xi32, #tpu.memory_space<vmem>>) semaphore(%arg11 : memref<!tpu.dma_semaphore, #tpu.memory_space<semaphore_mem>>)
    } else {
    }
    %eq3A_31 = arith.constant 0 : i32
    %eq3A_32 = arith.cmpi eq, %arg0, %eq3A_31 : i32
    %convert_element_type3A_33 = arith.extui %eq3A_32 : i1 to i32
    %cond3A_34 = arith.constant 0 : i32
    %cond3A_35 = arith.cmpi ne, %convert_element_type3A_33, %cond3A_34 : i32
    scf.if %cond3A_35 {
      %dma_start3A = arith.constant 1 : i32
      %dma_start3A_87 = arith.constant 128 : i32
      %dma_start3A_88 = arith.constant 0 : i32
      %dma_start3A_89 = tpu.memref_slice %arg9[%dma_start3A_87, %dma_start3A_88] : memref<1024x128xbf16, #tpu.memory_space<vmem>> -> memref<128x128xbf16, #tpu.memory_space<vmem>>
      %dma_start3A_90 = arith.constant 0 : i32
      %dma_start3A_91 = tpu.memref_slice %arg7[%dma_start3A, %dma_start3A_90] : memref<79x128xi32, #tpu.memory_space<vmem>> -> memref<1x128xi32, #tpu.memory_space<vmem>>
      %dma_start3A_92 = tpu.memref_squeeze %dma_start3A_91 : memref<1x128xi32, #tpu.memory_space<vmem>> -> memref<128xi32, #tpu.memory_space<vmem>>
      %dma_start3A_93 = arith.constant 0 : i32
      %dma_start3A_94 = arith.constant 0 : i32
      %dma_start3A_95 = tpu.memref_slice %arg2[%dma_start3A_93, %dma_start3A_94] : memref<10000x128xbf16, #tpu.memory_space<hbm>> -> memref<10000x128xbf16, #tpu.memory_space<hbm>>
      tpu.enqueue_indirect_dma source(%dma_start3A_95 : memref<10000x128xbf16, #tpu.memory_space<hbm>>) target(%dma_start3A_89 : memref<128x128xbf16, #tpu.memory_space<vmem>>) offsets(%dma_start3A_92 : memref<128xi32, #tpu.memory_space<vmem>>) semaphore(%arg12 : memref<!tpu.dma_semaphore, #tpu.memory_space<semaphore_mem>>)
    } else {
    }
    %eq3A_36 = arith.constant 1 : i32
    %eq3A_37 = arith.cmpi eq, %arg0, %eq3A_36 : i32
    %convert_element_type3A_38 = arith.extui %eq3A_37 : i1 to i32
    %cond3A_39 = arith.constant 0 : i32
    %cond3A_40 = arith.cmpi ne, %convert_element_type3A_38, %cond3A_39 : i32
    scf.if %cond3A_40 {
      %dma_start3A = arith.constant 1 : i32
      %dma_start3A_87 = arith.constant 128 : i32
      %dma_start3A_88 = arith.constant 0 : i32
      %dma_start3A_89 = tpu.memref_slice %arg9[%dma_start3A_87, %dma_start3A_88] : memref<1024x128xbf16, #tpu.memory_space<vmem>> -> memref<128x128xbf16, #tpu.memory_space<vmem>>
      %dma_start3A_90 = arith.constant 0 : i32
      %dma_start3A_91 = tpu.memref_slice %arg7[%dma_start3A, %dma_start3A_90] : memref<79x128xi32, #tpu.memory_space<vmem>> -> memref<1x128xi32, #tpu.memory_space<vmem>>
      %dma_start3A_92 = tpu.memref_squeeze %dma_start3A_91 : memref<1x128xi32, #tpu.memory_space<vmem>> -> memref<128xi32, #tpu.memory_space<vmem>>
      %dma_start3A_93 = arith.constant 0 : i32
      %dma_start3A_94 = arith.constant 0 : i32
      %dma_start3A_95 = tpu.memref_slice %arg3[%dma_start3A_93, %dma_start3A_94] : memref<10000x128xbf16, #tpu.memory_space<hbm>> -> memref<10000x128xbf16, #tpu.memory_space<hbm>>
      tpu.enqueue_indirect_dma source(%dma_start3A_95 : memref<10000x128xbf16, #tpu.memory_space<hbm>>) target(%dma_start3A_89 : memref<128x128xbf16, #tpu.memory_space<vmem>>) offsets(%dma_start3A_92 : memref<128xi32, #tpu.memory_space<vmem>>) semaphore(%arg12 : memref<!tpu.dma_semaphore, #tpu.memory_space<semaphore_mem>>)
    } else {
    }
    %eq3A_41 = arith.constant 0 : i32
    %eq3A_42 = arith.cmpi eq, %arg0, %eq3A_41 : i32
    %convert_element_type3A_43 = arith.extui %eq3A_42 : i1 to i32
    %cond3A_44 = arith.constant 0 : i32
    %cond3A_45 = arith.cmpi ne, %convert_element_type3A_43, %cond3A_44 : i32
    scf.if %cond3A_45 {
      %dma_start3A = arith.constant 2 : i32
      %dma_start3A_87 = arith.constant 256 : i32
      %dma_start3A_88 = arith.constant 0 : i32
      %dma_start3A_89 = tpu.memref_slice %arg9[%dma_start3A_87, %dma_start3A_88] : memref<1024x128xbf16, #tpu.memory_space<vmem>> -> memref<128x128xbf16, #tpu.memory_space<vmem>>
      %dma_start3A_90 = arith.constant 0 : i32
      %dma_start3A_91 = tpu.memref_slice %arg7[%dma_start3A, %dma_start3A_90] : memref<79x128xi32, #tpu.memory_space<vmem>> -> memref<1x128xi32, #tpu.memory_space<vmem>>
      %dma_start3A_92 = tpu.memref_squeeze %dma_start3A_91 : memref<1x128xi32, #tpu.memory_space<vmem>> -> memref<128xi32, #tpu.memory_space<vmem>>
      %dma_start3A_93 = arith.constant 0 : i32
      %dma_start3A_94 = arith.constant 0 : i32
      %dma_start3A_95 = tpu.memref_slice %arg2[%dma_start3A_93, %dma_start3A_94] : memref<10000x128xbf16, #tpu.memory_space<hbm>> -> memref<10000x128xbf16, #tpu.memory_space<hbm>>
      tpu.enqueue_indirect_dma source(%dma_start3A_95 : memref<10000x128xbf16, #tpu.memory_space<hbm>>) target(%dma_start3A_89 : memref<128x128xbf16, #tpu.memory_space<vmem>>) offsets(%dma_start3A_92 : memref<128xi32, #tpu.memory_space<vmem>>) semaphore(%arg13 : memref<!tpu.dma_semaphore, #tpu.memory_space<semaphore_mem>>)
    } else {
    }
    %eq3A_46 = arith.constant 1 : i32
    %eq3A_47 = arith.cmpi eq, %arg0, %eq3A_46 : i32
    %convert_element_type3A_48 = arith.extui %eq3A_47 : i1 to i32
    %cond3A_49 = arith.constant 0 : i32
    %cond3A_50 = arith.cmpi ne, %convert_element_type3A_48, %cond3A_49 : i32
    scf.if %cond3A_50 {
      %dma_start3A = arith.constant 2 : i32
      %dma_start3A_87 = arith.constant 256 : i32
      %dma_start3A_88 = arith.constant 0 : i32
      %dma_start3A_89 = tpu.memref_slice %arg9[%dma_start3A_87, %dma_start3A_88] : memref<1024x128xbf16, #tpu.memory_space<vmem>> -> memref<128x128xbf16, #tpu.memory_space<vmem>>
      %dma_start3A_90 = arith.constant 0 : i32
      %dma_start3A_91 = tpu.memref_slice %arg7[%dma_start3A, %dma_start3A_90] : memref<79x128xi32, #tpu.memory_space<vmem>> -> memref<1x128xi32, #tpu.memory_space<vmem>>
      %dma_start3A_92 = tpu.memref_squeeze %dma_start3A_91 : memref<1x128xi32, #tpu.memory_space<vmem>> -> memref<128xi32, #tpu.memory_space<vmem>>
      %dma_start3A_93 = arith.constant 0 : i32
      %dma_start3A_94 = arith.constant 0 : i32
      %dma_start3A_95 = tpu.memref_slice %arg3[%dma_start3A_93, %dma_start3A_94] : memref<10000x128xbf16, #tpu.memory_space<hbm>> -> memref<10000x128xbf16, #tpu.memory_space<hbm>>
      tpu.enqueue_indirect_dma source(%dma_start3A_95 : memref<10000x128xbf16, #tpu.memory_space<hbm>>) target(%dma_start3A_89 : memref<128x128xbf16, #tpu.memory_space<vmem>>) offsets(%dma_start3A_92 : memref<128xi32, #tpu.memory_space<vmem>>) semaphore(%arg13 : memref<!tpu.dma_semaphore, #tpu.memory_space<semaphore_mem>>)
    } else {
    }
    %eq3A_51 = arith.constant 0 : i32
    %eq3A_52 = arith.cmpi eq, %arg0, %eq3A_51 : i32
    %convert_element_type3A_53 = arith.extui %eq3A_52 : i1 to i32
    %cond3A_54 = arith.constant 0 : i32
    %cond3A_55 = arith.cmpi ne, %convert_element_type3A_53, %cond3A_54 : i32
    scf.if %cond3A_55 {
      %dma_start3A = arith.constant 3 : i32
      %dma_start3A_87 = arith.constant 384 : i32
      %dma_start3A_88 = arith.constant 0 : i32
      %dma_start3A_89 = tpu.memref_slice %arg9[%dma_start3A_87, %dma_start3A_88] : memref<1024x128xbf16, #tpu.memory_space<vmem>> -> memref<128x128xbf16, #tpu.memory_space<vmem>>
      %dma_start3A_90 = arith.constant 0 : i32
      %dma_start3A_91 = tpu.memref_slice %arg7[%dma_start3A, %dma_start3A_90] : memref<79x128xi32, #tpu.memory_space<vmem>> -> memref<1x128xi32, #tpu.memory_space<vmem>>
      %dma_start3A_92 = tpu.memref_squeeze %dma_start3A_91 : memref<1x128xi32, #tpu.memory_space<vmem>> -> memref<128xi32, #tpu.memory_space<vmem>>
      %dma_start3A_93 = arith.constant 0 : i32
      %dma_start3A_94 = arith.constant 0 : i32
      %dma_start3A_95 = tpu.memref_slice %arg2[%dma_start3A_93, %dma_start3A_94] : memref<10000x128xbf16, #tpu.memory_space<hbm>> -> memref<10000x128xbf16, #tpu.memory_space<hbm>>
      tpu.enqueue_indirect_dma source(%dma_start3A_95 : memref<10000x128xbf16, #tpu.memory_space<hbm>>) target(%dma_start3A_89 : memref<128x128xbf16, #tpu.memory_space<vmem>>) offsets(%dma_start3A_92 : memref<128xi32, #tpu.memory_space<vmem>>) semaphore(%arg14 : memref<!tpu.dma_semaphore, #tpu.memory_space<semaphore_mem>>)
    } else {
    }
    %eq3A_56 = arith.constant 1 : i32
    %eq3A_57 = arith.cmpi eq, %arg0, %eq3A_56 : i32
    %convert_element_type3A_58 = arith.extui %eq3A_57 : i1 to i32
    %cond3A_59 = arith.constant 0 : i32
    %cond3A_60 = arith.cmpi ne, %convert_element_type3A_58, %cond3A_59 : i32
    scf.if %cond3A_60 {
      %dma_start3A = arith.constant 3 : i32
      %dma_start3A_87 = arith.constant 384 : i32
      %dma_start3A_88 = arith.constant 0 : i32
      %dma_start3A_89 = tpu.memref_slice %arg9[%dma_start3A_87, %dma_start3A_88] : memref<1024x128xbf16, #tpu.memory_space<vmem>> -> memref<128x128xbf16, #tpu.memory_space<vmem>>
      %dma_start3A_90 = arith.constant 0 : i32
      %dma_start3A_91 = tpu.memref_slice %arg7[%dma_start3A, %dma_start3A_90] : memref<79x128xi32, #tpu.memory_space<vmem>> -> memref<1x128xi32, #tpu.memory_space<vmem>>
      %dma_start3A_92 = tpu.memref_squeeze %dma_start3A_91 : memref<1x128xi32, #tpu.memory_space<vmem>> -> memref<128xi32, #tpu.memory_space<vmem>>
      %dma_start3A_93 = arith.constant 0 : i32
      %dma_start3A_94 = arith.constant 0 : i32
      %dma_start3A_95 = tpu.memref_slice %arg3[%dma_start3A_93, %dma_start3A_94] : memref<10000x128xbf16, #tpu.memory_space<hbm>> -> memref<10000x128xbf16, #tpu.memory_space<hbm>>
      tpu.enqueue_indirect_dma source(%dma_start3A_95 : memref<10000x128xbf16, #tpu.memory_space<hbm>>) target(%dma_start3A_89 : memref<128x128xbf16, #tpu.memory_space<vmem>>) offsets(%dma_start3A_92 : memref<128xi32, #tpu.memory_space<vmem>>) semaphore(%arg14 : memref<!tpu.dma_semaphore, #tpu.memory_space<semaphore_mem>>)
    } else {
    }
    %add3A_61 = arith.constant 8 : i32
    %add3A_62 = arith.addi %add3A_2, %add3A_61 : i32
    %add3A_63 = arith.constant 8 : i32
    %add3A_64 = arith.addi %add3A_62, %add3A_63 : i32
    %sub3A = arith.constant 1 : i32
    %sub3A_65 = arith.subi %add3A_64, %sub3A : i32
    %div3A = arith.constant 8 : i32
    %div3A_66 = arith.divsi %sub3A_65, %div3A : i32
    %while3A = arith.constant 0 : i32
    %while3A_67 = arith.constant 0 : i32
    %while3A_68 = arith.subi %div3A_66, %while3A_67 : i32
    %while3A_69 = arith.addi %while3A_67, %while3A_68 : i32
    %while3A_70 = arith.constant 1 : i32
    %while3A_71 = arith.divsi %while3A_68, %while3A_70 : i32
    %while3A_72 = arith.muli %while3A_71, %while3A_70 : i32
    %while3A_73 = arith.addi %while3A_67, %while3A_72 : i32
    %while3A_74 = arith.constant 1 : i32
    scf.for %while3A_87 = %while3A_67 to %while3A_73 step %while3A_74  : i32 {
      %mul3A_88 = arith.constant 8 : i32
      %mul3A_89 = arith.muli %while3A_87, %mul3A_88 : i32
      %add3A_90 = arith.constant 0 : i32
      %add3A_91 = arith.addi %mul3A_89, %add3A_90 : i32
      %lt3A_92 = arith.cmpi slt, %add3A_91, %add3A_2 : i32
      %convert_element_type3A_93 = arith.extui %lt3A_92 : i1 to i32
      %cond3A_94 = arith.constant 0 : i32
      %cond3A_95 = arith.cmpi ne, %convert_element_type3A_93, %cond3A_94 : i32
      scf.if %cond3A_95 {
        %dma_wait3A = arith.constant 0 : i32
        %dma_wait3A_285 = arith.constant 0 : i32
        %dma_wait3A_286 = tpu.memref_slice %arg9[%dma_wait3A, %dma_wait3A_285] : memref<1024x128xbf16, #tpu.memory_space<vmem>> -> memref<128x128xbf16, #tpu.memory_space<vmem>>
        %dma_wait3A_287 = arith.constant 0 : i32
        %dma_wait3A_288 = tpu.memref_slice %arg7[%add3A_91, %dma_wait3A_287] : memref<79x128xi32, #tpu.memory_space<vmem>> -> memref<1x128xi32, #tpu.memory_space<vmem>>
        %dma_wait3A_289 = tpu.memref_squeeze %dma_wait3A_288 : memref<1x128xi32, #tpu.memory_space<vmem>> -> memref<128xi32, #tpu.memory_space<vmem>>
        %dma_wait3A_290 = arith.constant 0 : i32
        %dma_wait3A_291 = arith.constant 0 : i32
        %dma_wait3A_292 = tpu.memref_slice %arg2[%dma_wait3A_290, %dma_wait3A_291] : memref<10000x128xbf16, #tpu.memory_space<hbm>> -> memref<10000x128xbf16, #tpu.memory_space<hbm>>
        tpu.wait_indirect_dma semaphore(%arg11 : memref<!tpu.dma_semaphore, #tpu.memory_space<semaphore_mem>>) src(%dma_wait3A_292 : memref<10000x128xbf16, #tpu.memory_space<hbm>>) dst(%dma_wait3A_286 : memref<128x128xbf16, #tpu.memory_space<vmem>>)
        %dma_start3A = arith.constant 0 : i32
        %dma_start3A_293 = arith.constant 0 : i32
        %dma_start3A_294 = tpu.memref_slice %arg9[%dma_start3A, %dma_start3A_293] : memref<1024x128xbf16, #tpu.memory_space<vmem>> -> memref<128x128xbf16, #tpu.memory_space<vmem>>
        %dma_start3A_295 = arith.constant 0 : i32
        %dma_start3A_296 = tpu.memref_slice %arg8[%add3A_91, %dma_start3A_295] : memref<79x128xi32, #tpu.memory_space<vmem>> -> memref<1x128xi32, #tpu.memory_space<vmem>>
        %dma_start3A_297 = tpu.memref_squeeze %dma_start3A_296 : memref<1x128xi32, #tpu.memory_space<vmem>> -> memref<128xi32, #tpu.memory_space<vmem>>
        %dma_start3A_298 = arith.constant 0 : i32
        %dma_start3A_299 = arith.constant 0 : i32
        %dma_start3A_300 = tpu.memref_slice %arg10[%dma_start3A_298, %dma_start3A_299] : memref<10000x128xbf16, #tpu.memory_space<vmem_shared>> -> memref<10000x128xbf16, #tpu.memory_space<vmem_shared>>
        tpu.enqueue_indirect_dma source(%dma_start3A_294 : memref<128x128xbf16, #tpu.memory_space<vmem>>) target(%dma_start3A_300 : memref<10000x128xbf16, #tpu.memory_space<vmem_shared>>) offsets(%dma_start3A_297 : memref<128xi32, #tpu.memory_space<vmem>>) semaphore(%arg19 : memref<!tpu.dma_semaphore, #tpu.memory_space<semaphore_mem>>) {add = true}
      } else {
      }
      %ge3A = arith.constant 4 : i32
      %ge3A_96 = arith.cmpi sge, %add3A_91, %ge3A : i32
      %add3A_97 = arith.constant 4 : i32
      %add3A_98 = arith.addi %add3A_2, %add3A_97 : i32
      %sub3A_99 = arith.constant 1 : i32
      %sub3A_100 = arith.subi %add3A_98, %sub3A_99 : i32
      %le3A = arith.cmpi sle, %add3A_91, %sub3A_100 : i32
      %and3A = arith.andi %ge3A_96, %le3A : i1
      %convert_element_type3A_101 = arith.extui %and3A : i1 to i32
      %cond3A_102 = arith.constant 0 : i32
      %cond3A_103 = arith.cmpi ne, %convert_element_type3A_101, %cond3A_102 : i32
      scf.if %cond3A_103 {
        %sub3A_285 = arith.constant 4 : i32
        %sub3A_286 = arith.subi %add3A_91, %sub3A_285 : i32
        %dma_wait3A = arith.constant 512 : i32
        %dma_wait3A_287 = arith.constant 0 : i32
        %dma_wait3A_288 = tpu.memref_slice %arg9[%dma_wait3A, %dma_wait3A_287] : memref<1024x128xbf16, #tpu.memory_space<vmem>> -> memref<128x128xbf16, #tpu.memory_space<vmem>>
        %dma_wait3A_289 = arith.constant 0 : i32
        %dma_wait3A_290 = tpu.memref_slice %arg8[%sub3A_286, %dma_wait3A_289] : memref<79x128xi32, #tpu.memory_space<vmem>> -> memref<1x128xi32, #tpu.memory_space<vmem>>
        %dma_wait3A_291 = tpu.memref_squeeze %dma_wait3A_290 : memref<1x128xi32, #tpu.memory_space<vmem>> -> memref<128xi32, #tpu.memory_space<vmem>>
        %dma_wait3A_292 = arith.constant 0 : i32
        %dma_wait3A_293 = arith.constant 0 : i32
        %dma_wait3A_294 = tpu.memref_slice %arg10[%dma_wait3A_292, %dma_wait3A_293] : memref<10000x128xbf16, #tpu.memory_space<vmem_shared>> -> memref<10000x128xbf16, #tpu.memory_space<vmem_shared>>
        tpu.wait_indirect_dma semaphore(%arg23 : memref<!tpu.dma_semaphore, #tpu.memory_space<semaphore_mem>>) src(%dma_wait3A_288 : memref<128x128xbf16, #tpu.memory_space<vmem>>) dst(%dma_wait3A_294 : memref<10000x128xbf16, #tpu.memory_space<vmem_shared>>)
      } else {
      }
      %add3A_104 = arith.constant 4 : i32
      %add3A_105 = arith.addi %add3A_91, %add3A_104 : i32
      %lt3A_106 = arith.cmpi slt, %add3A_105, %add3A_2 : i32
      %convert_element_type3A_107 = arith.extui %lt3A_106 : i1 to i32
      %cond3A_108 = arith.constant 0 : i32
      %cond3A_109 = arith.cmpi ne, %convert_element_type3A_107, %cond3A_108 : i32
      scf.if %cond3A_109 {
        %add3A_285 = arith.constant 4 : i32
        %add3A_286 = arith.addi %add3A_91, %add3A_285 : i32
        %eq3A_287 = arith.constant 0 : i32
        %eq3A_288 = arith.cmpi eq, %arg0, %eq3A_287 : i32
        %convert_element_type3A_289 = arith.extui %eq3A_288 : i1 to i32
        %cond3A_290 = arith.constant 0 : i32
        %cond3A_291 = arith.cmpi ne, %convert_element_type3A_289, %cond3A_290 : i32
        scf.if %cond3A_291 {
          %dma_start3A = arith.constant 512 : i32
          %dma_start3A_297 = arith.constant 0 : i32
          %dma_start3A_298 = tpu.memref_slice %arg9[%dma_start3A, %dma_start3A_297] : memref<1024x128xbf16, #tpu.memory_space<vmem>> -> memref<128x128xbf16, #tpu.memory_space<vmem>>
          %dma_start3A_299 = arith.constant 0 : i32
          %dma_start3A_300 = tpu.memref_slice %arg7[%add3A_286, %dma_start3A_299] : memref<79x128xi32, #tpu.memory_space<vmem>> -> memref<1x128xi32, #tpu.memory_space<vmem>>
          %dma_start3A_301 = tpu.memref_squeeze %dma_start3A_300 : memref<1x128xi32, #tpu.memory_space<vmem>> -> memref<128xi32, #tpu.memory_space<vmem>>
          %dma_start3A_302 = arith.constant 0 : i32
          %dma_start3A_303 = arith.constant 0 : i32
          %dma_start3A_304 = tpu.memref_slice %arg2[%dma_start3A_302, %dma_start3A_303] : memref<10000x128xbf16, #tpu.memory_space<hbm>> -> memref<10000x128xbf16, #tpu.memory_space<hbm>>
          tpu.enqueue_indirect_dma source(%dma_start3A_304 : memref<10000x128xbf16, #tpu.memory_space<hbm>>) target(%dma_start3A_298 : memref<128x128xbf16, #tpu.memory_space<vmem>>) offsets(%dma_start3A_301 : memref<128xi32, #tpu.memory_space<vmem>>) semaphore(%arg15 : memref<!tpu.dma_semaphore, #tpu.memory_space<semaphore_mem>>)
        } else {
        }
        %eq3A_292 = arith.constant 1 : i32
        %eq3A_293 = arith.cmpi eq, %arg0, %eq3A_292 : i32
        %convert_element_type3A_294 = arith.extui %eq3A_293 : i1 to i32
        %cond3A_295 = arith.constant 0 : i32
        %cond3A_296 = arith.cmpi ne, %convert_element_type3A_294, %cond3A_295 : i32
        scf.if %cond3A_296 {
          %dma_start3A = arith.constant 512 : i32
          %dma_start3A_297 = arith.constant 0 : i32
          %dma_start3A_298 = tpu.memref_slice %arg9[%dma_start3A, %dma_start3A_297] : memref<1024x128xbf16, #tpu.memory_space<vmem>> -> memref<128x128xbf16, #tpu.memory_space<vmem>>
          %dma_start3A_299 = arith.constant 0 : i32
          %dma_start3A_300 = tpu.memref_slice %arg7[%add3A_286, %dma_start3A_299] : memref<79x128xi32, #tpu.memory_space<vmem>> -> memref<1x128xi32, #tpu.memory_space<vmem>>
          %dma_start3A_301 = tpu.memref_squeeze %dma_start3A_300 : memref<1x128xi32, #tpu.memory_space<vmem>> -> memref<128xi32, #tpu.memory_space<vmem>>
          %dma_start3A_302 = arith.constant 0 : i32
          %dma_start3A_303 = arith.constant 0 : i32
          %dma_start3A_304 = tpu.memref_slice %arg3[%dma_start3A_302, %dma_start3A_303] : memref<10000x128xbf16, #tpu.memory_space<hbm>> -> memref<10000x128xbf16, #tpu.memory_space<hbm>>
          tpu.enqueue_indirect_dma source(%dma_start3A_304 : memref<10000x128xbf16, #tpu.memory_space<hbm>>) target(%dma_start3A_298 : memref<128x128xbf16, #tpu.memory_space<vmem>>) offsets(%dma_start3A_301 : memref<128xi32, #tpu.memory_space<vmem>>) semaphore(%arg15 : memref<!tpu.dma_semaphore, #tpu.memory_space<semaphore_mem>>)
        } else {
        }
      } else {
      }
      %mul3A_110 = arith.constant 8 : i32
      %mul3A_111 = arith.muli %while3A_87, %mul3A_110 : i32
      %add3A_112 = arith.constant 1 : i32
      %add3A_113 = arith.addi %mul3A_111, %add3A_112 : i32
      %lt3A_114 = arith.cmpi slt, %add3A_113, %add3A_2 : i32
      %convert_element_type3A_115 = arith.extui %lt3A_114 : i1 to i32
      %cond3A_116 = arith.constant 0 : i32
      %cond3A_117 = arith.cmpi ne, %convert_element_type3A_115, %cond3A_116 : i32
      scf.if %cond3A_117 {
        %dma_wait3A = arith.constant 128 : i32
        %dma_wait3A_285 = arith.constant 0 : i32
        %dma_wait3A_286 = tpu.memref_slice %arg9[%dma_wait3A, %dma_wait3A_285] : memref<1024x128xbf16, #tpu.memory_space<vmem>> -> memref<128x128xbf16, #tpu.memory_space<vmem>>
        %dma_wait3A_287 = arith.constant 0 : i32
        %dma_wait3A_288 = tpu.memref_slice %arg7[%add3A_113, %dma_wait3A_287] : memref<79x128xi32, #tpu.memory_space<vmem>> -> memref<1x128xi32, #tpu.memory_space<vmem>>
        %dma_wait3A_289 = tpu.memref_squeeze %dma_wait3A_288 : memref<1x128xi32, #tpu.memory_space<vmem>> -> memref<128xi32, #tpu.memory_space<vmem>>
        %dma_wait3A_290 = arith.constant 0 : i32
        %dma_wait3A_291 = arith.constant 0 : i32
        %dma_wait3A_292 = tpu.memref_slice %arg2[%dma_wait3A_290, %dma_wait3A_291] : memref<10000x128xbf16, #tpu.memory_space<hbm>> -> memref<10000x128xbf16, #tpu.memory_space<hbm>>
        tpu.wait_indirect_dma semaphore(%arg12 : memref<!tpu.dma_semaphore, #tpu.memory_space<semaphore_mem>>) src(%dma_wait3A_292 : memref<10000x128xbf16, #tpu.memory_space<hbm>>) dst(%dma_wait3A_286 : memref<128x128xbf16, #tpu.memory_space<vmem>>)
        %dma_start3A = arith.constant 128 : i32
        %dma_start3A_293 = arith.constant 0 : i32
        %dma_start3A_294 = tpu.memref_slice %arg9[%dma_start3A, %dma_start3A_293] : memref<1024x128xbf16, #tpu.memory_space<vmem>> -> memref<128x128xbf16, #tpu.memory_space<vmem>>
        %dma_start3A_295 = arith.constant 0 : i32
        %dma_start3A_296 = tpu.memref_slice %arg8[%add3A_113, %dma_start3A_295] : memref<79x128xi32, #tpu.memory_space<vmem>> -> memref<1x128xi32, #tpu.memory_space<vmem>>
        %dma_start3A_297 = tpu.memref_squeeze %dma_start3A_296 : memref<1x128xi32, #tpu.memory_space<vmem>> -> memref<128xi32, #tpu.memory_space<vmem>>
        %dma_start3A_298 = arith.constant 0 : i32
        %dma_start3A_299 = arith.constant 0 : i32
        %dma_start3A_300 = tpu.memref_slice %arg10[%dma_start3A_298, %dma_start3A_299] : memref<10000x128xbf16, #tpu.memory_space<vmem_shared>> -> memref<10000x128xbf16, #tpu.memory_space<vmem_shared>>
        tpu.enqueue_indirect_dma source(%dma_start3A_294 : memref<128x128xbf16, #tpu.memory_space<vmem>>) target(%dma_start3A_300 : memref<10000x128xbf16, #tpu.memory_space<vmem_shared>>) offsets(%dma_start3A_297 : memref<128xi32, #tpu.memory_space<vmem>>) semaphore(%arg20 : memref<!tpu.dma_semaphore, #tpu.memory_space<semaphore_mem>>) {add = true}
      } else {
      }
      %ge3A_118 = arith.constant 4 : i32
      %ge3A_119 = arith.cmpi sge, %add3A_113, %ge3A_118 : i32
      %add3A_120 = arith.constant 4 : i32
      %add3A_121 = arith.addi %add3A_2, %add3A_120 : i32
      %sub3A_122 = arith.constant 1 : i32
      %sub3A_123 = arith.subi %add3A_121, %sub3A_122 : i32
      %le3A_124 = arith.cmpi sle, %add3A_113, %sub3A_123 : i32
      %and3A_125 = arith.andi %ge3A_119, %le3A_124 : i1
      %convert_element_type3A_126 = arith.extui %and3A_125 : i1 to i32
      %cond3A_127 = arith.constant 0 : i32
      %cond3A_128 = arith.cmpi ne, %convert_element_type3A_126, %cond3A_127 : i32
      scf.if %cond3A_128 {
        %sub3A_285 = arith.constant 4 : i32
        %sub3A_286 = arith.subi %add3A_113, %sub3A_285 : i32
        %dma_wait3A = arith.constant 640 : i32
        %dma_wait3A_287 = arith.constant 0 : i32
        %dma_wait3A_288 = tpu.memref_slice %arg9[%dma_wait3A, %dma_wait3A_287] : memref<1024x128xbf16, #tpu.memory_space<vmem>> -> memref<128x128xbf16, #tpu.memory_space<vmem>>
        %dma_wait3A_289 = arith.constant 0 : i32
        %dma_wait3A_290 = tpu.memref_slice %arg8[%sub3A_286, %dma_wait3A_289] : memref<79x128xi32, #tpu.memory_space<vmem>> -> memref<1x128xi32, #tpu.memory_space<vmem>>
        %dma_wait3A_291 = tpu.memref_squeeze %dma_wait3A_290 : memref<1x128xi32, #tpu.memory_space<vmem>> -> memref<128xi32, #tpu.memory_space<vmem>>
        %dma_wait3A_292 = arith.constant 0 : i32
        %dma_wait3A_293 = arith.constant 0 : i32
        %dma_wait3A_294 = tpu.memref_slice %arg10[%dma_wait3A_292, %dma_wait3A_293] : memref<10000x128xbf16, #tpu.memory_space<vmem_shared>> -> memref<10000x128xbf16, #tpu.memory_space<vmem_shared>>
        tpu.wait_indirect_dma semaphore(%arg24 : memref<!tpu.dma_semaphore, #tpu.memory_space<semaphore_mem>>) src(%dma_wait3A_288 : memref<128x128xbf16, #tpu.memory_space<vmem>>) dst(%dma_wait3A_294 : memref<10000x128xbf16, #tpu.memory_space<vmem_shared>>)
      } else {
      }
      %add3A_129 = arith.constant 4 : i32
      %add3A_130 = arith.addi %add3A_113, %add3A_129 : i32
      %lt3A_131 = arith.cmpi slt, %add3A_130, %add3A_2 : i32
      %convert_element_type3A_132 = arith.extui %lt3A_131 : i1 to i32
      %cond3A_133 = arith.constant 0 : i32
      %cond3A_134 = arith.cmpi ne, %convert_element_type3A_132, %cond3A_133 : i32
      scf.if %cond3A_134 {
        %add3A_285 = arith.constant 4 : i32
        %add3A_286 = arith.addi %add3A_113, %add3A_285 : i32
        %eq3A_287 = arith.constant 0 : i32
        %eq3A_288 = arith.cmpi eq, %arg0, %eq3A_287 : i32
        %convert_element_type3A_289 = arith.extui %eq3A_288 : i1 to i32
        %cond3A_290 = arith.constant 0 : i32
        %cond3A_291 = arith.cmpi ne, %convert_element_type3A_289, %cond3A_290 : i32
        scf.if %cond3A_291 {
          %dma_start3A = arith.constant 640 : i32
          %dma_start3A_297 = arith.constant 0 : i32
          %dma_start3A_298 = tpu.memref_slice %arg9[%dma_start3A, %dma_start3A_297] : memref<1024x128xbf16, #tpu.memory_space<vmem>> -> memref<128x128xbf16, #tpu.memory_space<vmem>>
          %dma_start3A_299 = arith.constant 0 : i32
          %dma_start3A_300 = tpu.memref_slice %arg7[%add3A_286, %dma_start3A_299] : memref<79x128xi32, #tpu.memory_space<vmem>> -> memref<1x128xi32, #tpu.memory_space<vmem>>
          %dma_start3A_301 = tpu.memref_squeeze %dma_start3A_300 : memref<1x128xi32, #tpu.memory_space<vmem>> -> memref<128xi32, #tpu.memory_space<vmem>>
          %dma_start3A_302 = arith.constant 0 : i32
          %dma_start3A_303 = arith.constant 0 : i32
          %dma_start3A_304 = tpu.memref_slice %arg2[%dma_start3A_302, %dma_start3A_303] : memref<10000x128xbf16, #tpu.memory_space<hbm>> -> memref<10000x128xbf16, #tpu.memory_space<hbm>>
          tpu.enqueue_indirect_dma source(%dma_start3A_304 : memref<10000x128xbf16, #tpu.memory_space<hbm>>) target(%dma_start3A_298 : memref<128x128xbf16, #tpu.memory_space<vmem>>) offsets(%dma_start3A_301 : memref<128xi32, #tpu.memory_space<vmem>>) semaphore(%arg16 : memref<!tpu.dma_semaphore, #tpu.memory_space<semaphore_mem>>)
        } else {
        }
        %eq3A_292 = arith.constant 1 : i32
        %eq3A_293 = arith.cmpi eq, %arg0, %eq3A_292 : i32
        %convert_element_type3A_294 = arith.extui %eq3A_293 : i1 to i32
        %cond3A_295 = arith.constant 0 : i32
        %cond3A_296 = arith.cmpi ne, %convert_element_type3A_294, %cond3A_295 : i32
        scf.if %cond3A_296 {
          %dma_start3A = arith.constant 640 : i32
          %dma_start3A_297 = arith.constant 0 : i32
          %dma_start3A_298 = tpu.memref_slice %arg9[%dma_start3A, %dma_start3A_297] : memref<1024x128xbf16, #tpu.memory_space<vmem>> -> memref<128x128xbf16, #tpu.memory_space<vmem>>
          %dma_start3A_299 = arith.constant 0 : i32
          %dma_start3A_300 = tpu.memref_slice %arg7[%add3A_286, %dma_start3A_299] : memref<79x128xi32, #tpu.memory_space<vmem>> -> memref<1x128xi32, #tpu.memory_space<vmem>>
          %dma_start3A_301 = tpu.memref_squeeze %dma_start3A_300 : memref<1x128xi32, #tpu.memory_space<vmem>> -> memref<128xi32, #tpu.memory_space<vmem>>
          %dma_start3A_302 = arith.constant 0 : i32
          %dma_start3A_303 = arith.constant 0 : i32
          %dma_start3A_304 = tpu.memref_slice %arg3[%dma_start3A_302, %dma_start3A_303] : memref<10000x128xbf16, #tpu.memory_space<hbm>> -> memref<10000x128xbf16, #tpu.memory_space<hbm>>
          tpu.enqueue_indirect_dma source(%dma_start3A_304 : memref<10000x128xbf16, #tpu.memory_space<hbm>>) target(%dma_start3A_298 : memref<128x128xbf16, #tpu.memory_space<vmem>>) offsets(%dma_start3A_301 : memref<128xi32, #tpu.memory_space<vmem>>) semaphore(%arg16 : memref<!tpu.dma_semaphore, #tpu.memory_space<semaphore_mem>>)
        } else {
        }
      } else {
      }
      %mul3A_135 = arith.constant 8 : i32
      %mul3A_136 = arith.muli %while3A_87, %mul3A_135 : i32
      %add3A_137 = arith.constant 2 : i32
      %add3A_138 = arith.addi %mul3A_136, %add3A_137 : i32
      %lt3A_139 = arith.cmpi slt, %add3A_138, %add3A_2 : i32
      %convert_element_type3A_140 = arith.extui %lt3A_139 : i1 to i32
      %cond3A_141 = arith.constant 0 : i32
      %cond3A_142 = arith.cmpi ne, %convert_element_type3A_140, %cond3A_141 : i32
      scf.if %cond3A_142 {
        %dma_wait3A = arith.constant 256 : i32
        %dma_wait3A_285 = arith.constant 0 : i32
        %dma_wait3A_286 = tpu.memref_slice %arg9[%dma_wait3A, %dma_wait3A_285] : memref<1024x128xbf16, #tpu.memory_space<vmem>> -> memref<128x128xbf16, #tpu.memory_space<vmem>>
        %dma_wait3A_287 = arith.constant 0 : i32
        %dma_wait3A_288 = tpu.memref_slice %arg7[%add3A_138, %dma_wait3A_287] : memref<79x128xi32, #tpu.memory_space<vmem>> -> memref<1x128xi32, #tpu.memory_space<vmem>>
        %dma_wait3A_289 = tpu.memref_squeeze %dma_wait3A_288 : memref<1x128xi32, #tpu.memory_space<vmem>> -> memref<128xi32, #tpu.memory_space<vmem>>
        %dma_wait3A_290 = arith.constant 0 : i32
        %dma_wait3A_291 = arith.constant 0 : i32
        %dma_wait3A_292 = tpu.memref_slice %arg2[%dma_wait3A_290, %dma_wait3A_291] : memref<10000x128xbf16, #tpu.memory_space<hbm>> -> memref<10000x128xbf16, #tpu.memory_space<hbm>>
        tpu.wait_indirect_dma semaphore(%arg13 : memref<!tpu.dma_semaphore, #tpu.memory_space<semaphore_mem>>) src(%dma_wait3A_292 : memref<10000x128xbf16, #tpu.memory_space<hbm>>) dst(%dma_wait3A_286 : memref<128x128xbf16, #tpu.memory_space<vmem>>)
        %dma_start3A = arith.constant 256 : i32
        %dma_start3A_293 = arith.constant 0 : i32
        %dma_start3A_294 = tpu.memref_slice %arg9[%dma_start3A, %dma_start3A_293] : memref<1024x128xbf16, #tpu.memory_space<vmem>> -> memref<128x128xbf16, #tpu.memory_space<vmem>>
        %dma_start3A_295 = arith.constant 0 : i32
        %dma_start3A_296 = tpu.memref_slice %arg8[%add3A_138, %dma_start3A_295] : memref<79x128xi32, #tpu.memory_space<vmem>> -> memref<1x128xi32, #tpu.memory_space<vmem>>
        %dma_start3A_297 = tpu.memref_squeeze %dma_start3A_296 : memref<1x128xi32, #tpu.memory_space<vmem>> -> memref<128xi32, #tpu.memory_space<vmem>>
        %dma_start3A_298 = arith.constant 0 : i32
        %dma_start3A_299 = arith.constant 0 : i32
        %dma_start3A_300 = tpu.memref_slice %arg10[%dma_start3A_298, %dma_start3A_299] : memref<10000x128xbf16, #tpu.memory_space<vmem_shared>> -> memref<10000x128xbf16, #tpu.memory_space<vmem_shared>>
        tpu.enqueue_indirect_dma source(%dma_start3A_294 : memref<128x128xbf16, #tpu.memory_space<vmem>>) target(%dma_start3A_300 : memref<10000x128xbf16, #tpu.memory_space<vmem_shared>>) offsets(%dma_start3A_297 : memref<128xi32, #tpu.memory_space<vmem>>) semaphore(%arg21 : memref<!tpu.dma_semaphore, #tpu.memory_space<semaphore_mem>>) {add = true}
      } else {
      }
      %ge3A_143 = arith.constant 4 : i32
      %ge3A_144 = arith.cmpi sge, %add3A_138, %ge3A_143 : i32
      %add3A_145 = arith.constant 4 : i32
      %add3A_146 = arith.addi %add3A_2, %add3A_145 : i32
      %sub3A_147 = arith.constant 1 : i32
      %sub3A_148 = arith.subi %add3A_146, %sub3A_147 : i32
      %le3A_149 = arith.cmpi sle, %add3A_138, %sub3A_148 : i32
      %and3A_150 = arith.andi %ge3A_144, %le3A_149 : i1
      %convert_element_type3A_151 = arith.extui %and3A_150 : i1 to i32
      %cond3A_152 = arith.constant 0 : i32
      %cond3A_153 = arith.cmpi ne, %convert_element_type3A_151, %cond3A_152 : i32
      scf.if %cond3A_153 {
        %sub3A_285 = arith.constant 4 : i32
        %sub3A_286 = arith.subi %add3A_138, %sub3A_285 : i32
        %dma_wait3A = arith.constant 768 : i32
        %dma_wait3A_287 = arith.constant 0 : i32
        %dma_wait3A_288 = tpu.memref_slice %arg9[%dma_wait3A, %dma_wait3A_287] : memref<1024x128xbf16, #tpu.memory_space<vmem>> -> memref<128x128xbf16, #tpu.memory_space<vmem>>
        %dma_wait3A_289 = arith.constant 0 : i32
        %dma_wait3A_290 = tpu.memref_slice %arg8[%sub3A_286, %dma_wait3A_289] : memref<79x128xi32, #tpu.memory_space<vmem>> -> memref<1x128xi32, #tpu.memory_space<vmem>>
        %dma_wait3A_291 = tpu.memref_squeeze %dma_wait3A_290 : memref<1x128xi32, #tpu.memory_space<vmem>> -> memref<128xi32, #tpu.memory_space<vmem>>
        %dma_wait3A_292 = arith.constant 0 : i32
        %dma_wait3A_293 = arith.constant 0 : i32
        %dma_wait3A_294 = tpu.memref_slice %arg10[%dma_wait3A_292, %dma_wait3A_293] : memref<10000x128xbf16, #tpu.memory_space<vmem_shared>> -> memref<10000x128xbf16, #tpu.memory_space<vmem_shared>>
        tpu.wait_indirect_dma semaphore(%arg25 : memref<!tpu.dma_semaphore, #tpu.memory_space<semaphore_mem>>) src(%dma_wait3A_288 : memref<128x128xbf16, #tpu.memory_space<vmem>>) dst(%dma_wait3A_294 : memref<10000x128xbf16, #tpu.memory_space<vmem_shared>>)
      } else {
      }
      %add3A_154 = arith.constant 4 : i32
      %add3A_155 = arith.addi %add3A_138, %add3A_154 : i32
      %lt3A_156 = arith.cmpi slt, %add3A_155, %add3A_2 : i32
      %convert_element_type3A_157 = arith.extui %lt3A_156 : i1 to i32
      %cond3A_158 = arith.constant 0 : i32
      %cond3A_159 = arith.cmpi ne, %convert_element_type3A_157, %cond3A_158 : i32
      scf.if %cond3A_159 {
        %add3A_285 = arith.constant 4 : i32
        %add3A_286 = arith.addi %add3A_138, %add3A_285 : i32
        %eq3A_287 = arith.constant 0 : i32
        %eq3A_288 = arith.cmpi eq, %arg0, %eq3A_287 : i32
        %convert_element_type3A_289 = arith.extui %eq3A_288 : i1 to i32
        %cond3A_290 = arith.constant 0 : i32
        %cond3A_291 = arith.cmpi ne, %convert_element_type3A_289, %cond3A_290 : i32
        scf.if %cond3A_291 {
          %dma_start3A = arith.constant 768 : i32
          %dma_start3A_297 = arith.constant 0 : i32
          %dma_start3A_298 = tpu.memref_slice %arg9[%dma_start3A, %dma_start3A_297] : memref<1024x128xbf16, #tpu.memory_space<vmem>> -> memref<128x128xbf16, #tpu.memory_space<vmem>>
          %dma_start3A_299 = arith.constant 0 : i32
          %dma_start3A_300 = tpu.memref_slice %arg7[%add3A_286, %dma_start3A_299] : memref<79x128xi32, #tpu.memory_space<vmem>> -> memref<1x128xi32, #tpu.memory_space<vmem>>
          %dma_start3A_301 = tpu.memref_squeeze %dma_start3A_300 : memref<1x128xi32, #tpu.memory_space<vmem>> -> memref<128xi32, #tpu.memory_space<vmem>>
          %dma_start3A_302 = arith.constant 0 : i32
          %dma_start3A_303 = arith.constant 0 : i32
          %dma_start3A_304 = tpu.memref_slice %arg2[%dma_start3A_302, %dma_start3A_303] : memref<10000x128xbf16, #tpu.memory_space<hbm>> -> memref<10000x128xbf16, #tpu.memory_space<hbm>>
          tpu.enqueue_indirect_dma source(%dma_start3A_304 : memref<10000x128xbf16, #tpu.memory_space<hbm>>) target(%dma_start3A_298 : memref<128x128xbf16, #tpu.memory_space<vmem>>) offsets(%dma_start3A_301 : memref<128xi32, #tpu.memory_space<vmem>>) semaphore(%arg17 : memref<!tpu.dma_semaphore, #tpu.memory_space<semaphore_mem>>)
        } else {
        }
        %eq3A_292 = arith.constant 1 : i32
        %eq3A_293 = arith.cmpi eq, %arg0, %eq3A_292 : i32
        %convert_element_type3A_294 = arith.extui %eq3A_293 : i1 to i32
        %cond3A_295 = arith.constant 0 : i32
        %cond3A_296 = arith.cmpi ne, %convert_element_type3A_294, %cond3A_295 : i32
        scf.if %cond3A_296 {
          %dma_start3A = arith.constant 768 : i32
          %dma_start3A_297 = arith.constant 0 : i32
          %dma_start3A_298 = tpu.memref_slice %arg9[%dma_start3A, %dma_start3A_297] : memref<1024x128xbf16, #tpu.memory_space<vmem>> -> memref<128x128xbf16, #tpu.memory_space<vmem>>
          %dma_start3A_299 = arith.constant 0 : i32
          %dma_start3A_300 = tpu.memref_slice %arg7[%add3A_286, %dma_start3A_299] : memref<79x128xi32, #tpu.memory_space<vmem>> -> memref<1x128xi32, #tpu.memory_space<vmem>>
          %dma_start3A_301 = tpu.memref_squeeze %dma_start3A_300 : memref<1x128xi32, #tpu.memory_space<vmem>> -> memref<128xi32, #tpu.memory_space<vmem>>
          %dma_start3A_302 = arith.constant 0 : i32
          %dma_start3A_303 = arith.constant 0 : i32
          %dma_start3A_304 = tpu.memref_slice %arg3[%dma_start3A_302, %dma_start3A_303] : memref<10000x128xbf16, #tpu.memory_space<hbm>> -> memref<10000x128xbf16, #tpu.memory_space<hbm>>
          tpu.enqueue_indirect_dma source(%dma_start3A_304 : memref<10000x128xbf16, #tpu.memory_space<hbm>>) target(%dma_start3A_298 : memref<128x128xbf16, #tpu.memory_space<vmem>>) offsets(%dma_start3A_301 : memref<128xi32, #tpu.memory_space<vmem>>) semaphore(%arg17 : memref<!tpu.dma_semaphore, #tpu.memory_space<semaphore_mem>>)
        } else {
        }
      } else {
      }
      %mul3A_160 = arith.constant 8 : i32
      %mul3A_161 = arith.muli %while3A_87, %mul3A_160 : i32
      %add3A_162 = arith.constant 3 : i32
      %add3A_163 = arith.addi %mul3A_161, %add3A_162 : i32
      %lt3A_164 = arith.cmpi slt, %add3A_163, %add3A_2 : i32
      %convert_element_type3A_165 = arith.extui %lt3A_164 : i1 to i32
      %cond3A_166 = arith.constant 0 : i32
      %cond3A_167 = arith.cmpi ne, %convert_element_type3A_165, %cond3A_166 : i32
      scf.if %cond3A_167 {
        %dma_wait3A = arith.constant 384 : i32
        %dma_wait3A_285 = arith.constant 0 : i32
        %dma_wait3A_286 = tpu.memref_slice %arg9[%dma_wait3A, %dma_wait3A_285] : memref<1024x128xbf16, #tpu.memory_space<vmem>> -> memref<128x128xbf16, #tpu.memory_space<vmem>>
        %dma_wait3A_287 = arith.constant 0 : i32
        %dma_wait3A_288 = tpu.memref_slice %arg7[%add3A_163, %dma_wait3A_287] : memref<79x128xi32, #tpu.memory_space<vmem>> -> memref<1x128xi32, #tpu.memory_space<vmem>>
        %dma_wait3A_289 = tpu.memref_squeeze %dma_wait3A_288 : memref<1x128xi32, #tpu.memory_space<vmem>> -> memref<128xi32, #tpu.memory_space<vmem>>
        %dma_wait3A_290 = arith.constant 0 : i32
        %dma_wait3A_291 = arith.constant 0 : i32
        %dma_wait3A_292 = tpu.memref_slice %arg2[%dma_wait3A_290, %dma_wait3A_291] : memref<10000x128xbf16, #tpu.memory_space<hbm>> -> memref<10000x128xbf16, #tpu.memory_space<hbm>>
        tpu.wait_indirect_dma semaphore(%arg14 : memref<!tpu.dma_semaphore, #tpu.memory_space<semaphore_mem>>) src(%dma_wait3A_292 : memref<10000x128xbf16, #tpu.memory_space<hbm>>) dst(%dma_wait3A_286 : memref<128x128xbf16, #tpu.memory_space<vmem>>)
        %dma_start3A = arith.constant 384 : i32
        %dma_start3A_293 = arith.constant 0 : i32
        %dma_start3A_294 = tpu.memref_slice %arg9[%dma_start3A, %dma_start3A_293] : memref<1024x128xbf16, #tpu.memory_space<vmem>> -> memref<128x128xbf16, #tpu.memory_space<vmem>>
        %dma_start3A_295 = arith.constant 0 : i32
        %dma_start3A_296 = tpu.memref_slice %arg8[%add3A_163, %dma_start3A_295] : memref<79x128xi32, #tpu.memory_space<vmem>> -> memref<1x128xi32, #tpu.memory_space<vmem>>
        %dma_start3A_297 = tpu.memref_squeeze %dma_start3A_296 : memref<1x128xi32, #tpu.memory_space<vmem>> -> memref<128xi32, #tpu.memory_space<vmem>>
        %dma_start3A_298 = arith.constant 0 : i32
        %dma_start3A_299 = arith.constant 0 : i32
        %dma_start3A_300 = tpu.memref_slice %arg10[%dma_start3A_298, %dma_start3A_299] : memref<10000x128xbf16, #tpu.memory_space<vmem_shared>> -> memref<10000x128xbf16, #tpu.memory_space<vmem_shared>>
        tpu.enqueue_indirect_dma source(%dma_start3A_294 : memref<128x128xbf16, #tpu.memory_space<vmem>>) target(%dma_start3A_300 : memref<10000x128xbf16, #tpu.memory_space<vmem_shared>>) offsets(%dma_start3A_297 : memref<128xi32, #tpu.memory_space<vmem>>) semaphore(%arg22 : memref<!tpu.dma_semaphore, #tpu.memory_space<semaphore_mem>>) {add = true}
      } else {
      }
      %ge3A_168 = arith.constant 4 : i32
      %ge3A_169 = arith.cmpi sge, %add3A_163, %ge3A_168 : i32
      %add3A_170 = arith.constant 4 : i32
      %add3A_171 = arith.addi %add3A_2, %add3A_170 : i32
      %sub3A_172 = arith.constant 1 : i32
      %sub3A_173 = arith.subi %add3A_171, %sub3A_172 : i32
      %le3A_174 = arith.cmpi sle, %add3A_163, %sub3A_173 : i32
      %and3A_175 = arith.andi %ge3A_169, %le3A_174 : i1
      %convert_element_type3A_176 = arith.extui %and3A_175 : i1 to i32
      %cond3A_177 = arith.constant 0 : i32
      %cond3A_178 = arith.cmpi ne, %convert_element_type3A_176, %cond3A_177 : i32
      scf.if %cond3A_178 {
        %sub3A_285 = arith.constant 4 : i32
        %sub3A_286 = arith.subi %add3A_163, %sub3A_285 : i32
        %dma_wait3A = arith.constant 896 : i32
        %dma_wait3A_287 = arith.constant 0 : i32
        %dma_wait3A_288 = tpu.memref_slice %arg9[%dma_wait3A, %dma_wait3A_287] : memref<1024x128xbf16, #tpu.memory_space<vmem>> -> memref<128x128xbf16, #tpu.memory_space<vmem>>
        %dma_wait3A_289 = arith.constant 0 : i32
        %dma_wait3A_290 = tpu.memref_slice %arg8[%sub3A_286, %dma_wait3A_289] : memref<79x128xi32, #tpu.memory_space<vmem>> -> memref<1x128xi32, #tpu.memory_space<vmem>>
        %dma_wait3A_291 = tpu.memref_squeeze %dma_wait3A_290 : memref<1x128xi32, #tpu.memory_space<vmem>> -> memref<128xi32, #tpu.memory_space<vmem>>
        %dma_wait3A_292 = arith.constant 0 : i32
        %dma_wait3A_293 = arith.constant 0 : i32
        %dma_wait3A_294 = tpu.memref_slice %arg10[%dma_wait3A_292, %dma_wait3A_293] : memref<10000x128xbf16, #tpu.memory_space<vmem_shared>> -> memref<10000x128xbf16, #tpu.memory_space<vmem_shared>>
        tpu.wait_indirect_dma semaphore(%arg26 : memref<!tpu.dma_semaphore, #tpu.memory_space<semaphore_mem>>) src(%dma_wait3A_288 : memref<128x128xbf16, #tpu.memory_space<vmem>>) dst(%dma_wait3A_294 : memref<10000x128xbf16, #tpu.memory_space<vmem_shared>>)
      } else {
      }
      %add3A_179 = arith.constant 4 : i32
      %add3A_180 = arith.addi %add3A_163, %add3A_179 : i32
      %lt3A_181 = arith.cmpi slt, %add3A_180, %add3A_2 : i32
      %convert_element_type3A_182 = arith.extui %lt3A_181 : i1 to i32
      %cond3A_183 = arith.constant 0 : i32
      %cond3A_184 = arith.cmpi ne, %convert_element_type3A_182, %cond3A_183 : i32
      scf.if %cond3A_184 {
        %add3A_285 = arith.constant 4 : i32
        %add3A_286 = arith.addi %add3A_163, %add3A_285 : i32
        %eq3A_287 = arith.constant 0 : i32
        %eq3A_288 = arith.cmpi eq, %arg0, %eq3A_287 : i32
        %convert_element_type3A_289 = arith.extui %eq3A_288 : i1 to i32
        %cond3A_290 = arith.constant 0 : i32
        %cond3A_291 = arith.cmpi ne, %convert_element_type3A_289, %cond3A_290 : i32
        scf.if %cond3A_291 {
          %dma_start3A = arith.constant 896 : i32
          %dma_start3A_297 = arith.constant 0 : i32
          %dma_start3A_298 = tpu.memref_slice %arg9[%dma_start3A, %dma_start3A_297] : memref<1024x128xbf16, #tpu.memory_space<vmem>> -> memref<128x128xbf16, #tpu.memory_space<vmem>>
          %dma_start3A_299 = arith.constant 0 : i32
          %dma_start3A_300 = tpu.memref_slice %arg7[%add3A_286, %dma_start3A_299] : memref<79x128xi32, #tpu.memory_space<vmem>> -> memref<1x128xi32, #tpu.memory_space<vmem>>
          %dma_start3A_301 = tpu.memref_squeeze %dma_start3A_300 : memref<1x128xi32, #tpu.memory_space<vmem>> -> memref<128xi32, #tpu.memory_space<vmem>>
          %dma_start3A_302 = arith.constant 0 : i32
          %dma_start3A_303 = arith.constant 0 : i32
          %dma_start3A_304 = tpu.memref_slice %arg2[%dma_start3A_302, %dma_start3A_303] : memref<10000x128xbf16, #tpu.memory_space<hbm>> -> memref<10000x128xbf16, #tpu.memory_space<hbm>>
          tpu.enqueue_indirect_dma source(%dma_start3A_304 : memref<10000x128xbf16, #tpu.memory_space<hbm>>) target(%dma_start3A_298 : memref<128x128xbf16, #tpu.memory_space<vmem>>) offsets(%dma_start3A_301 : memref<128xi32, #tpu.memory_space<vmem>>) semaphore(%arg18 : memref<!tpu.dma_semaphore, #tpu.memory_space<semaphore_mem>>)
        } else {
        }
        %eq3A_292 = arith.constant 1 : i32
        %eq3A_293 = arith.cmpi eq, %arg0, %eq3A_292 : i32
        %convert_element_type3A_294 = arith.extui %eq3A_293 : i1 to i32
        %cond3A_295 = arith.constant 0 : i32
        %cond3A_296 = arith.cmpi ne, %convert_element_type3A_294, %cond3A_295 : i32
        scf.if %cond3A_296 {
          %dma_start3A = arith.constant 896 : i32
          %dma_start3A_297 = arith.constant 0 : i32
          %dma_start3A_298 = tpu.memref_slice %arg9[%dma_start3A, %dma_start3A_297] : memref<1024x128xbf16, #tpu.memory_space<vmem>> -> memref<128x128xbf16, #tpu.memory_space<vmem>>
          %dma_start3A_299 = arith.constant 0 : i32
          %dma_start3A_300 = tpu.memref_slice %arg7[%add3A_286, %dma_start3A_299] : memref<79x128xi32, #tpu.memory_space<vmem>> -> memref<1x128xi32, #tpu.memory_space<vmem>>
          %dma_start3A_301 = tpu.memref_squeeze %dma_start3A_300 : memref<1x128xi32, #tpu.memory_space<vmem>> -> memref<128xi32, #tpu.memory_space<vmem>>
          %dma_start3A_302 = arith.constant 0 : i32
          %dma_start3A_303 = arith.constant 0 : i32
          %dma_start3A_304 = tpu.memref_slice %arg3[%dma_start3A_302, %dma_start3A_303] : memref<10000x128xbf16, #tpu.memory_space<hbm>> -> memref<10000x128xbf16, #tpu.memory_space<hbm>>
          tpu.enqueue_indirect_dma source(%dma_start3A_304 : memref<10000x128xbf16, #tpu.memory_space<hbm>>) target(%dma_start3A_298 : memref<128x128xbf16, #tpu.memory_space<vmem>>) offsets(%dma_start3A_301 : memref<128xi32, #tpu.memory_space<vmem>>) semaphore(%arg18 : memref<!tpu.dma_semaphore, #tpu.memory_space<semaphore_mem>>)
        } else {
        }
      } else {
      }
      %mul3A_185 = arith.constant 8 : i32
      %mul3A_186 = arith.muli %while3A_87, %mul3A_185 : i32
      %add3A_187 = arith.constant 4 : i32
      %add3A_188 = arith.addi %mul3A_186, %add3A_187 : i32
      %lt3A_189 = arith.cmpi slt, %add3A_188, %add3A_2 : i32
      %convert_element_type3A_190 = arith.extui %lt3A_189 : i1 to i32
      %cond3A_191 = arith.constant 0 : i32
      %cond3A_192 = arith.cmpi ne, %convert_element_type3A_190, %cond3A_191 : i32
      scf.if %cond3A_192 {
        %dma_wait3A = arith.constant 512 : i32
        %dma_wait3A_285 = arith.constant 0 : i32
        %dma_wait3A_286 = tpu.memref_slice %arg9[%dma_wait3A, %dma_wait3A_285] : memref<1024x128xbf16, #tpu.memory_space<vmem>> -> memref<128x128xbf16, #tpu.memory_space<vmem>>
        %dma_wait3A_287 = arith.constant 0 : i32
        %dma_wait3A_288 = tpu.memref_slice %arg7[%add3A_188, %dma_wait3A_287] : memref<79x128xi32, #tpu.memory_space<vmem>> -> memref<1x128xi32, #tpu.memory_space<vmem>>
        %dma_wait3A_289 = tpu.memref_squeeze %dma_wait3A_288 : memref<1x128xi32, #tpu.memory_space<vmem>> -> memref<128xi32, #tpu.memory_space<vmem>>
        %dma_wait3A_290 = arith.constant 0 : i32
        %dma_wait3A_291 = arith.constant 0 : i32
        %dma_wait3A_292 = tpu.memref_slice %arg2[%dma_wait3A_290, %dma_wait3A_291] : memref<10000x128xbf16, #tpu.memory_space<hbm>> -> memref<10000x128xbf16, #tpu.memory_space<hbm>>
        tpu.wait_indirect_dma semaphore(%arg15 : memref<!tpu.dma_semaphore, #tpu.memory_space<semaphore_mem>>) src(%dma_wait3A_292 : memref<10000x128xbf16, #tpu.memory_space<hbm>>) dst(%dma_wait3A_286 : memref<128x128xbf16, #tpu.memory_space<vmem>>)
        %dma_start3A = arith.constant 512 : i32
        %dma_start3A_293 = arith.constant 0 : i32
        %dma_start3A_294 = tpu.memref_slice %arg9[%dma_start3A, %dma_start3A_293] : memref<1024x128xbf16, #tpu.memory_space<vmem>> -> memref<128x128xbf16, #tpu.memory_space<vmem>>
        %dma_start3A_295 = arith.constant 0 : i32
        %dma_start3A_296 = tpu.memref_slice %arg8[%add3A_188, %dma_start3A_295] : memref<79x128xi32, #tpu.memory_space<vmem>> -> memref<1x128xi32, #tpu.memory_space<vmem>>
        %dma_start3A_297 = tpu.memref_squeeze %dma_start3A_296 : memref<1x128xi32, #tpu.memory_space<vmem>> -> memref<128xi32, #tpu.memory_space<vmem>>
        %dma_start3A_298 = arith.constant 0 : i32
        %dma_start3A_299 = arith.constant 0 : i32
        %dma_start3A_300 = tpu.memref_slice %arg10[%dma_start3A_298, %dma_start3A_299] : memref<10000x128xbf16, #tpu.memory_space<vmem_shared>> -> memref<10000x128xbf16, #tpu.memory_space<vmem_shared>>
        tpu.enqueue_indirect_dma source(%dma_start3A_294 : memref<128x128xbf16, #tpu.memory_space<vmem>>) target(%dma_start3A_300 : memref<10000x128xbf16, #tpu.memory_space<vmem_shared>>) offsets(%dma_start3A_297 : memref<128xi32, #tpu.memory_space<vmem>>) semaphore(%arg23 : memref<!tpu.dma_semaphore, #tpu.memory_space<semaphore_mem>>) {add = true}
      } else {
      }
      %ge3A_193 = arith.constant 4 : i32
      %ge3A_194 = arith.cmpi sge, %add3A_188, %ge3A_193 : i32
      %add3A_195 = arith.constant 4 : i32
      %add3A_196 = arith.addi %add3A_2, %add3A_195 : i32
      %sub3A_197 = arith.constant 1 : i32
      %sub3A_198 = arith.subi %add3A_196, %sub3A_197 : i32
      %le3A_199 = arith.cmpi sle, %add3A_188, %sub3A_198 : i32
      %and3A_200 = arith.andi %ge3A_194, %le3A_199 : i1
      %convert_element_type3A_201 = arith.extui %and3A_200 : i1 to i32
      %cond3A_202 = arith.constant 0 : i32
      %cond3A_203 = arith.cmpi ne, %convert_element_type3A_201, %cond3A_202 : i32
      scf.if %cond3A_203 {
        %sub3A_285 = arith.constant 4 : i32
        %sub3A_286 = arith.subi %add3A_188, %sub3A_285 : i32
        %dma_wait3A = arith.constant 0 : i32
        %dma_wait3A_287 = arith.constant 0 : i32
        %dma_wait3A_288 = tpu.memref_slice %arg9[%dma_wait3A, %dma_wait3A_287] : memref<1024x128xbf16, #tpu.memory_space<vmem>> -> memref<128x128xbf16, #tpu.memory_space<vmem>>
        %dma_wait3A_289 = arith.constant 0 : i32
        %dma_wait3A_290 = tpu.memref_slice %arg8[%sub3A_286, %dma_wait3A_289] : memref<79x128xi32, #tpu.memory_space<vmem>> -> memref<1x128xi32, #tpu.memory_space<vmem>>
        %dma_wait3A_291 = tpu.memref_squeeze %dma_wait3A_290 : memref<1x128xi32, #tpu.memory_space<vmem>> -> memref<128xi32, #tpu.memory_space<vmem>>
        %dma_wait3A_292 = arith.constant 0 : i32
        %dma_wait3A_293 = arith.constant 0 : i32
        %dma_wait3A_294 = tpu.memref_slice %arg10[%dma_wait3A_292, %dma_wait3A_293] : memref<10000x128xbf16, #tpu.memory_space<vmem_shared>> -> memref<10000x128xbf16, #tpu.memory_space<vmem_shared>>
        tpu.wait_indirect_dma semaphore(%arg19 : memref<!tpu.dma_semaphore, #tpu.memory_space<semaphore_mem>>) src(%dma_wait3A_288 : memref<128x128xbf16, #tpu.memory_space<vmem>>) dst(%dma_wait3A_294 : memref<10000x128xbf16, #tpu.memory_space<vmem_shared>>)
      } else {
      }
      %add3A_204 = arith.constant 4 : i32
      %add3A_205 = arith.addi %add3A_188, %add3A_204 : i32
      %lt3A_206 = arith.cmpi slt, %add3A_205, %add3A_2 : i32
      %convert_element_type3A_207 = arith.extui %lt3A_206 : i1 to i32
      %cond3A_208 = arith.constant 0 : i32
      %cond3A_209 = arith.cmpi ne, %convert_element_type3A_207, %cond3A_208 : i32
      scf.if %cond3A_209 {
        %add3A_285 = arith.constant 4 : i32
        %add3A_286 = arith.addi %add3A_188, %add3A_285 : i32
        %eq3A_287 = arith.constant 0 : i32
        %eq3A_288 = arith.cmpi eq, %arg0, %eq3A_287 : i32
        %convert_element_type3A_289 = arith.extui %eq3A_288 : i1 to i32
        %cond3A_290 = arith.constant 0 : i32
        %cond3A_291 = arith.cmpi ne, %convert_element_type3A_289, %cond3A_290 : i32
        scf.if %cond3A_291 {
          %dma_start3A = arith.constant 0 : i32
          %dma_start3A_297 = arith.constant 0 : i32
          %dma_start3A_298 = tpu.memref_slice %arg9[%dma_start3A, %dma_start3A_297] : memref<1024x128xbf16, #tpu.memory_space<vmem>> -> memref<128x128xbf16, #tpu.memory_space<vmem>>
          %dma_start3A_299 = arith.constant 0 : i32
          %dma_start3A_300 = tpu.memref_slice %arg7[%add3A_286, %dma_start3A_299] : memref<79x128xi32, #tpu.memory_space<vmem>> -> memref<1x128xi32, #tpu.memory_space<vmem>>
          %dma_start3A_301 = tpu.memref_squeeze %dma_start3A_300 : memref<1x128xi32, #tpu.memory_space<vmem>> -> memref<128xi32, #tpu.memory_space<vmem>>
          %dma_start3A_302 = arith.constant 0 : i32
          %dma_start3A_303 = arith.constant 0 : i32
          %dma_start3A_304 = tpu.memref_slice %arg2[%dma_start3A_302, %dma_start3A_303] : memref<10000x128xbf16, #tpu.memory_space<hbm>> -> memref<10000x128xbf16, #tpu.memory_space<hbm>>
          tpu.enqueue_indirect_dma source(%dma_start3A_304 : memref<10000x128xbf16, #tpu.memory_space<hbm>>) target(%dma_start3A_298 : memref<128x128xbf16, #tpu.memory_space<vmem>>) offsets(%dma_start3A_301 : memref<128xi32, #tpu.memory_space<vmem>>) semaphore(%arg11 : memref<!tpu.dma_semaphore, #tpu.memory_space<semaphore_mem>>)
        } else {
        }
        %eq3A_292 = arith.constant 1 : i32
        %eq3A_293 = arith.cmpi eq, %arg0, %eq3A_292 : i32
        %convert_element_type3A_294 = arith.extui %eq3A_293 : i1 to i32
        %cond3A_295 = arith.constant 0 : i32
        %cond3A_296 = arith.cmpi ne, %convert_element_type3A_294, %cond3A_295 : i32
        scf.if %cond3A_296 {
          %dma_start3A = arith.constant 0 : i32
          %dma_start3A_297 = arith.constant 0 : i32
          %dma_start3A_298 = tpu.memref_slice %arg9[%dma_start3A, %dma_start3A_297] : memref<1024x128xbf16, #tpu.memory_space<vmem>> -> memref<128x128xbf16, #tpu.memory_space<vmem>>
          %dma_start3A_299 = arith.constant 0 : i32
          %dma_start3A_300 = tpu.memref_slice %arg7[%add3A_286, %dma_start3A_299] : memref<79x128xi32, #tpu.memory_space<vmem>> -> memref<1x128xi32, #tpu.memory_space<vmem>>
          %dma_start3A_301 = tpu.memref_squeeze %dma_start3A_300 : memref<1x128xi32, #tpu.memory_space<vmem>> -> memref<128xi32, #tpu.memory_space<vmem>>
          %dma_start3A_302 = arith.constant 0 : i32
          %dma_start3A_303 = arith.constant 0 : i32
          %dma_start3A_304 = tpu.memref_slice %arg3[%dma_start3A_302, %dma_start3A_303] : memref<10000x128xbf16, #tpu.memory_space<hbm>> -> memref<10000x128xbf16, #tpu.memory_space<hbm>>
          tpu.enqueue_indirect_dma source(%dma_start3A_304 : memref<10000x128xbf16, #tpu.memory_space<hbm>>) target(%dma_start3A_298 : memref<128x128xbf16, #tpu.memory_space<vmem>>) offsets(%dma_start3A_301 : memref<128xi32, #tpu.memory_space<vmem>>) semaphore(%arg11 : memref<!tpu.dma_semaphore, #tpu.memory_space<semaphore_mem>>)
        } else {
        }
      } else {
      }
      %mul3A_210 = arith.constant 8 : i32
      %mul3A_211 = arith.muli %while3A_87, %mul3A_210 : i32
      %add3A_212 = arith.constant 5 : i32
      %add3A_213 = arith.addi %mul3A_211, %add3A_212 : i32
      %lt3A_214 = arith.cmpi slt, %add3A_213, %add3A_2 : i32
      %convert_element_type3A_215 = arith.extui %lt3A_214 : i1 to i32
      %cond3A_216 = arith.constant 0 : i32
      %cond3A_217 = arith.cmpi ne, %convert_element_type3A_215, %cond3A_216 : i32
      scf.if %cond3A_217 {
        %dma_wait3A = arith.constant 640 : i32
        %dma_wait3A_285 = arith.constant 0 : i32
        %dma_wait3A_286 = tpu.memref_slice %arg9[%dma_wait3A, %dma_wait3A_285] : memref<1024x128xbf16, #tpu.memory_space<vmem>> -> memref<128x128xbf16, #tpu.memory_space<vmem>>
        %dma_wait3A_287 = arith.constant 0 : i32
        %dma_wait3A_288 = tpu.memref_slice %arg7[%add3A_213, %dma_wait3A_287] : memref<79x128xi32, #tpu.memory_space<vmem>> -> memref<1x128xi32, #tpu.memory_space<vmem>>
        %dma_wait3A_289 = tpu.memref_squeeze %dma_wait3A_288 : memref<1x128xi32, #tpu.memory_space<vmem>> -> memref<128xi32, #tpu.memory_space<vmem>>
        %dma_wait3A_290 = arith.constant 0 : i32
        %dma_wait3A_291 = arith.constant 0 : i32
        %dma_wait3A_292 = tpu.memref_slice %arg2[%dma_wait3A_290, %dma_wait3A_291] : memref<10000x128xbf16, #tpu.memory_space<hbm>> -> memref<10000x128xbf16, #tpu.memory_space<hbm>>
        tpu.wait_indirect_dma semaphore(%arg16 : memref<!tpu.dma_semaphore, #tpu.memory_space<semaphore_mem>>) src(%dma_wait3A_292 : memref<10000x128xbf16, #tpu.memory_space<hbm>>) dst(%dma_wait3A_286 : memref<128x128xbf16, #tpu.memory_space<vmem>>)
        %dma_start3A = arith.constant 640 : i32
        %dma_start3A_293 = arith.constant 0 : i32
        %dma_start3A_294 = tpu.memref_slice %arg9[%dma_start3A, %dma_start3A_293] : memref<1024x128xbf16, #tpu.memory_space<vmem>> -> memref<128x128xbf16, #tpu.memory_space<vmem>>
        %dma_start3A_295 = arith.constant 0 : i32
        %dma_start3A_296 = tpu.memref_slice %arg8[%add3A_213, %dma_start3A_295] : memref<79x128xi32, #tpu.memory_space<vmem>> -> memref<1x128xi32, #tpu.memory_space<vmem>>
        %dma_start3A_297 = tpu.memref_squeeze %dma_start3A_296 : memref<1x128xi32, #tpu.memory_space<vmem>> -> memref<128xi32, #tpu.memory_space<vmem>>
        %dma_start3A_298 = arith.constant 0 : i32
        %dma_start3A_299 = arith.constant 0 : i32
        %dma_start3A_300 = tpu.memref_slice %arg10[%dma_start3A_298, %dma_start3A_299] : memref<10000x128xbf16, #tpu.memory_space<vmem_shared>> -> memref<10000x128xbf16, #tpu.memory_space<vmem_shared>>
        tpu.enqueue_indirect_dma source(%dma_start3A_294 : memref<128x128xbf16, #tpu.memory_space<vmem>>) target(%dma_start3A_300 : memref<10000x128xbf16, #tpu.memory_space<vmem_shared>>) offsets(%dma_start3A_297 : memref<128xi32, #tpu.memory_space<vmem>>) semaphore(%arg24 : memref<!tpu.dma_semaphore, #tpu.memory_space<semaphore_mem>>) {add = true}
      } else {
      }
      %ge3A_218 = arith.constant 4 : i32
      %ge3A_219 = arith.cmpi sge, %add3A_213, %ge3A_218 : i32
      %add3A_220 = arith.constant 4 : i32
      %add3A_221 = arith.addi %add3A_2, %add3A_220 : i32
      %sub3A_222 = arith.constant 1 : i32
      %sub3A_223 = arith.subi %add3A_221, %sub3A_222 : i32
      %le3A_224 = arith.cmpi sle, %add3A_213, %sub3A_223 : i32
      %and3A_225 = arith.andi %ge3A_219, %le3A_224 : i1
      %convert_element_type3A_226 = arith.extui %and3A_225 : i1 to i32
      %cond3A_227 = arith.constant 0 : i32
      %cond3A_228 = arith.cmpi ne, %convert_element_type3A_226, %cond3A_227 : i32
      scf.if %cond3A_228 {
        %sub3A_285 = arith.constant 4 : i32
        %sub3A_286 = arith.subi %add3A_213, %sub3A_285 : i32
        %dma_wait3A = arith.constant 128 : i32
        %dma_wait3A_287 = arith.constant 0 : i32
        %dma_wait3A_288 = tpu.memref_slice %arg9[%dma_wait3A, %dma_wait3A_287] : memref<1024x128xbf16, #tpu.memory_space<vmem>> -> memref<128x128xbf16, #tpu.memory_space<vmem>>
        %dma_wait3A_289 = arith.constant 0 : i32
        %dma_wait3A_290 = tpu.memref_slice %arg8[%sub3A_286, %dma_wait3A_289] : memref<79x128xi32, #tpu.memory_space<vmem>> -> memref<1x128xi32, #tpu.memory_space<vmem>>
        %dma_wait3A_291 = tpu.memref_squeeze %dma_wait3A_290 : memref<1x128xi32, #tpu.memory_space<vmem>> -> memref<128xi32, #tpu.memory_space<vmem>>
        %dma_wait3A_292 = arith.constant 0 : i32
        %dma_wait3A_293 = arith.constant 0 : i32
        %dma_wait3A_294 = tpu.memref_slice %arg10[%dma_wait3A_292, %dma_wait3A_293] : memref<10000x128xbf16, #tpu.memory_space<vmem_shared>> -> memref<10000x128xbf16, #tpu.memory_space<vmem_shared>>
        tpu.wait_indirect_dma semaphore(%arg20 : memref<!tpu.dma_semaphore, #tpu.memory_space<semaphore_mem>>) src(%dma_wait3A_288 : memref<128x128xbf16, #tpu.memory_space<vmem>>) dst(%dma_wait3A_294 : memref<10000x128xbf16, #tpu.memory_space<vmem_shared>>)
      } else {
      }
      %add3A_229 = arith.constant 4 : i32
      %add3A_230 = arith.addi %add3A_213, %add3A_229 : i32
      %lt3A_231 = arith.cmpi slt, %add3A_230, %add3A_2 : i32
      %convert_element_type3A_232 = arith.extui %lt3A_231 : i1 to i32
      %cond3A_233 = arith.constant 0 : i32
      %cond3A_234 = arith.cmpi ne, %convert_element_type3A_232, %cond3A_233 : i32
      scf.if %cond3A_234 {
        %add3A_285 = arith.constant 4 : i32
        %add3A_286 = arith.addi %add3A_213, %add3A_285 : i32
        %eq3A_287 = arith.constant 0 : i32
        %eq3A_288 = arith.cmpi eq, %arg0, %eq3A_287 : i32
        %convert_element_type3A_289 = arith.extui %eq3A_288 : i1 to i32
        %cond3A_290 = arith.constant 0 : i32
        %cond3A_291 = arith.cmpi ne, %convert_element_type3A_289, %cond3A_290 : i32
        scf.if %cond3A_291 {
          %dma_start3A = arith.constant 128 : i32
          %dma_start3A_297 = arith.constant 0 : i32
          %dma_start3A_298 = tpu.memref_slice %arg9[%dma_start3A, %dma_start3A_297] : memref<1024x128xbf16, #tpu.memory_space<vmem>> -> memref<128x128xbf16, #tpu.memory_space<vmem>>
          %dma_start3A_299 = arith.constant 0 : i32
          %dma_start3A_300 = tpu.memref_slice %arg7[%add3A_286, %dma_start3A_299] : memref<79x128xi32, #tpu.memory_space<vmem>> -> memref<1x128xi32, #tpu.memory_space<vmem>>
          %dma_start3A_301 = tpu.memref_squeeze %dma_start3A_300 : memref<1x128xi32, #tpu.memory_space<vmem>> -> memref<128xi32, #tpu.memory_space<vmem>>
          %dma_start3A_302 = arith.constant 0 : i32
          %dma_start3A_303 = arith.constant 0 : i32
          %dma_start3A_304 = tpu.memref_slice %arg2[%dma_start3A_302, %dma_start3A_303] : memref<10000x128xbf16, #tpu.memory_space<hbm>> -> memref<10000x128xbf16, #tpu.memory_space<hbm>>
          tpu.enqueue_indirect_dma source(%dma_start3A_304 : memref<10000x128xbf16, #tpu.memory_space<hbm>>) target(%dma_start3A_298 : memref<128x128xbf16, #tpu.memory_space<vmem>>) offsets(%dma_start3A_301 : memref<128xi32, #tpu.memory_space<vmem>>) semaphore(%arg12 : memref<!tpu.dma_semaphore, #tpu.memory_space<semaphore_mem>>)
        } else {
        }
        %eq3A_292 = arith.constant 1 : i32
        %eq3A_293 = arith.cmpi eq, %arg0, %eq3A_292 : i32
        %convert_element_type3A_294 = arith.extui %eq3A_293 : i1 to i32
        %cond3A_295 = arith.constant 0 : i32
        %cond3A_296 = arith.cmpi ne, %convert_element_type3A_294, %cond3A_295 : i32
        scf.if %cond3A_296 {
          %dma_start3A = arith.constant 128 : i32
          %dma_start3A_297 = arith.constant 0 : i32
          %dma_start3A_298 = tpu.memref_slice %arg9[%dma_start3A, %dma_start3A_297] : memref<1024x128xbf16, #tpu.memory_space<vmem>> -> memref<128x128xbf16, #tpu.memory_space<vmem>>
          %dma_start3A_299 = arith.constant 0 : i32
          %dma_start3A_300 = tpu.memref_slice %arg7[%add3A_286, %dma_start3A_299] : memref<79x128xi32, #tpu.memory_space<vmem>> -> memref<1x128xi32, #tpu.memory_space<vmem>>
          %dma_start3A_301 = tpu.memref_squeeze %dma_start3A_300 : memref<1x128xi32, #tpu.memory_space<vmem>> -> memref<128xi32, #tpu.memory_space<vmem>>
          %dma_start3A_302 = arith.constant 0 : i32
          %dma_start3A_303 = arith.constant 0 : i32
          %dma_start3A_304 = tpu.memref_slice %arg3[%dma_start3A_302, %dma_start3A_303] : memref<10000x128xbf16, #tpu.memory_space<hbm>> -> memref<10000x128xbf16, #tpu.memory_space<hbm>>
          tpu.enqueue_indirect_dma source(%dma_start3A_304 : memref<10000x128xbf16, #tpu.memory_space<hbm>>) target(%dma_start3A_298 : memref<128x128xbf16, #tpu.memory_space<vmem>>) offsets(%dma_start3A_301 : memref<128xi32, #tpu.memory_space<vmem>>) semaphore(%arg12 : memref<!tpu.dma_semaphore, #tpu.memory_space<semaphore_mem>>)
        } else {
        }
      } else {
      }
      %mul3A_235 = arith.constant 8 : i32
      %mul3A_236 = arith.muli %while3A_87, %mul3A_235 : i32
      %add3A_237 = arith.constant 6 : i32
      %add3A_238 = arith.addi %mul3A_236, %add3A_237 : i32
      %lt3A_239 = arith.cmpi slt, %add3A_238, %add3A_2 : i32
      %convert_element_type3A_240 = arith.extui %lt3A_239 : i1 to i32
      %cond3A_241 = arith.constant 0 : i32
      %cond3A_242 = arith.cmpi ne, %convert_element_type3A_240, %cond3A_241 : i32
      scf.if %cond3A_242 {
        %dma_wait3A = arith.constant 768 : i32
        %dma_wait3A_285 = arith.constant 0 : i32
        %dma_wait3A_286 = tpu.memref_slice %arg9[%dma_wait3A, %dma_wait3A_285] : memref<1024x128xbf16, #tpu.memory_space<vmem>> -> memref<128x128xbf16, #tpu.memory_space<vmem>>
        %dma_wait3A_287 = arith.constant 0 : i32
        %dma_wait3A_288 = tpu.memref_slice %arg7[%add3A_238, %dma_wait3A_287] : memref<79x128xi32, #tpu.memory_space<vmem>> -> memref<1x128xi32, #tpu.memory_space<vmem>>
        %dma_wait3A_289 = tpu.memref_squeeze %dma_wait3A_288 : memref<1x128xi32, #tpu.memory_space<vmem>> -> memref<128xi32, #tpu.memory_space<vmem>>
        %dma_wait3A_290 = arith.constant 0 : i32
        %dma_wait3A_291 = arith.constant 0 : i32
        %dma_wait3A_292 = tpu.memref_slice %arg2[%dma_wait3A_290, %dma_wait3A_291] : memref<10000x128xbf16, #tpu.memory_space<hbm>> -> memref<10000x128xbf16, #tpu.memory_space<hbm>>
        tpu.wait_indirect_dma semaphore(%arg17 : memref<!tpu.dma_semaphore, #tpu.memory_space<semaphore_mem>>) src(%dma_wait3A_292 : memref<10000x128xbf16, #tpu.memory_space<hbm>>) dst(%dma_wait3A_286 : memref<128x128xbf16, #tpu.memory_space<vmem>>)
        %dma_start3A = arith.constant 768 : i32
        %dma_start3A_293 = arith.constant 0 : i32
        %dma_start3A_294 = tpu.memref_slice %arg9[%dma_start3A, %dma_start3A_293] : memref<1024x128xbf16, #tpu.memory_space<vmem>> -> memref<128x128xbf16, #tpu.memory_space<vmem>>
        %dma_start3A_295 = arith.constant 0 : i32
        %dma_start3A_296 = tpu.memref_slice %arg8[%add3A_238, %dma_start3A_295] : memref<79x128xi32, #tpu.memory_space<vmem>> -> memref<1x128xi32, #tpu.memory_space<vmem>>
        %dma_start3A_297 = tpu.memref_squeeze %dma_start3A_296 : memref<1x128xi32, #tpu.memory_space<vmem>> -> memref<128xi32, #tpu.memory_space<vmem>>
        %dma_start3A_298 = arith.constant 0 : i32
        %dma_start3A_299 = arith.constant 0 : i32
        %dma_start3A_300 = tpu.memref_slice %arg10[%dma_start3A_298, %dma_start3A_299] : memref<10000x128xbf16, #tpu.memory_space<vmem_shared>> -> memref<10000x128xbf16, #tpu.memory_space<vmem_shared>>
        tpu.enqueue_indirect_dma source(%dma_start3A_294 : memref<128x128xbf16, #tpu.memory_space<vmem>>) target(%dma_start3A_300 : memref<10000x128xbf16, #tpu.memory_space<vmem_shared>>) offsets(%dma_start3A_297 : memref<128xi32, #tpu.memory_space<vmem>>) semaphore(%arg25 : memref<!tpu.dma_semaphore, #tpu.memory_space<semaphore_mem>>) {add = true}
      } else {
      }
      %ge3A_243 = arith.constant 4 : i32
      %ge3A_244 = arith.cmpi sge, %add3A_238, %ge3A_243 : i32
      %add3A_245 = arith.constant 4 : i32
      %add3A_246 = arith.addi %add3A_2, %add3A_245 : i32
      %sub3A_247 = arith.constant 1 : i32
      %sub3A_248 = arith.subi %add3A_246, %sub3A_247 : i32
      %le3A_249 = arith.cmpi sle, %add3A_238, %sub3A_248 : i32
      %and3A_250 = arith.andi %ge3A_244, %le3A_249 : i1
      %convert_element_type3A_251 = arith.extui %and3A_250 : i1 to i32
      %cond3A_252 = arith.constant 0 : i32
      %cond3A_253 = arith.cmpi ne, %convert_element_type3A_251, %cond3A_252 : i32
      scf.if %cond3A_253 {
        %sub3A_285 = arith.constant 4 : i32
        %sub3A_286 = arith.subi %add3A_238, %sub3A_285 : i32
        %dma_wait3A = arith.constant 256 : i32
        %dma_wait3A_287 = arith.constant 0 : i32
        %dma_wait3A_288 = tpu.memref_slice %arg9[%dma_wait3A, %dma_wait3A_287] : memref<1024x128xbf16, #tpu.memory_space<vmem>> -> memref<128x128xbf16, #tpu.memory_space<vmem>>
        %dma_wait3A_289 = arith.constant 0 : i32
        %dma_wait3A_290 = tpu.memref_slice %arg8[%sub3A_286, %dma_wait3A_289] : memref<79x128xi32, #tpu.memory_space<vmem>> -> memref<1x128xi32, #tpu.memory_space<vmem>>
        %dma_wait3A_291 = tpu.memref_squeeze %dma_wait3A_290 : memref<1x128xi32, #tpu.memory_space<vmem>> -> memref<128xi32, #tpu.memory_space<vmem>>
        %dma_wait3A_292 = arith.constant 0 : i32
        %dma_wait3A_293 = arith.constant 0 : i32
        %dma_wait3A_294 = tpu.memref_slice %arg10[%dma_wait3A_292, %dma_wait3A_293] : memref<10000x128xbf16, #tpu.memory_space<vmem_shared>> -> memref<10000x128xbf16, #tpu.memory_space<vmem_shared>>
        tpu.wait_indirect_dma semaphore(%arg21 : memref<!tpu.dma_semaphore, #tpu.memory_space<semaphore_mem>>) src(%dma_wait3A_288 : memref<128x128xbf16, #tpu.memory_space<vmem>>) dst(%dma_wait3A_294 : memref<10000x128xbf16, #tpu.memory_space<vmem_shared>>)
      } else {
      }
      %add3A_254 = arith.constant 4 : i32
      %add3A_255 = arith.addi %add3A_238, %add3A_254 : i32
      %lt3A_256 = arith.cmpi slt, %add3A_255, %add3A_2 : i32
      %convert_element_type3A_257 = arith.extui %lt3A_256 : i1 to i32
      %cond3A_258 = arith.constant 0 : i32
      %cond3A_259 = arith.cmpi ne, %convert_element_type3A_257, %cond3A_258 : i32
      scf.if %cond3A_259 {
        %add3A_285 = arith.constant 4 : i32
        %add3A_286 = arith.addi %add3A_238, %add3A_285 : i32
        %eq3A_287 = arith.constant 0 : i32
        %eq3A_288 = arith.cmpi eq, %arg0, %eq3A_287 : i32
        %convert_element_type3A_289 = arith.extui %eq3A_288 : i1 to i32
        %cond3A_290 = arith.constant 0 : i32
        %cond3A_291 = arith.cmpi ne, %convert_element_type3A_289, %cond3A_290 : i32
        scf.if %cond3A_291 {
          %dma_start3A = arith.constant 256 : i32
          %dma_start3A_297 = arith.constant 0 : i32
          %dma_start3A_298 = tpu.memref_slice %arg9[%dma_start3A, %dma_start3A_297] : memref<1024x128xbf16, #tpu.memory_space<vmem>> -> memref<128x128xbf16, #tpu.memory_space<vmem>>
          %dma_start3A_299 = arith.constant 0 : i32
          %dma_start3A_300 = tpu.memref_slice %arg7[%add3A_286, %dma_start3A_299] : memref<79x128xi32, #tpu.memory_space<vmem>> -> memref<1x128xi32, #tpu.memory_space<vmem>>
          %dma_start3A_301 = tpu.memref_squeeze %dma_start3A_300 : memref<1x128xi32, #tpu.memory_space<vmem>> -> memref<128xi32, #tpu.memory_space<vmem>>
          %dma_start3A_302 = arith.constant 0 : i32
          %dma_start3A_303 = arith.constant 0 : i32
          %dma_start3A_304 = tpu.memref_slice %arg2[%dma_start3A_302, %dma_start3A_303] : memref<10000x128xbf16, #tpu.memory_space<hbm>> -> memref<10000x128xbf16, #tpu.memory_space<hbm>>
          tpu.enqueue_indirect_dma source(%dma_start3A_304 : memref<10000x128xbf16, #tpu.memory_space<hbm>>) target(%dma_start3A_298 : memref<128x128xbf16, #tpu.memory_space<vmem>>) offsets(%dma_start3A_301 : memref<128xi32, #tpu.memory_space<vmem>>) semaphore(%arg13 : memref<!tpu.dma_semaphore, #tpu.memory_space<semaphore_mem>>)
        } else {
        }
        %eq3A_292 = arith.constant 1 : i32
        %eq3A_293 = arith.cmpi eq, %arg0, %eq3A_292 : i32
        %convert_element_type3A_294 = arith.extui %eq3A_293 : i1 to i32
        %cond3A_295 = arith.constant 0 : i32
        %cond3A_296 = arith.cmpi ne, %convert_element_type3A_294, %cond3A_295 : i32
        scf.if %cond3A_296 {
          %dma_start3A = arith.constant 256 : i32
          %dma_start3A_297 = arith.constant 0 : i32
          %dma_start3A_298 = tpu.memref_slice %arg9[%dma_start3A, %dma_start3A_297] : memref<1024x128xbf16, #tpu.memory_space<vmem>> -> memref<128x128xbf16, #tpu.memory_space<vmem>>
          %dma_start3A_299 = arith.constant 0 : i32
          %dma_start3A_300 = tpu.memref_slice %arg7[%add3A_286, %dma_start3A_299] : memref<79x128xi32, #tpu.memory_space<vmem>> -> memref<1x128xi32, #tpu.memory_space<vmem>>
          %dma_start3A_301 = tpu.memref_squeeze %dma_start3A_300 : memref<1x128xi32, #tpu.memory_space<vmem>> -> memref<128xi32, #tpu.memory_space<vmem>>
          %dma_start3A_302 = arith.constant 0 : i32
          %dma_start3A_303 = arith.constant 0 : i32
          %dma_start3A_304 = tpu.memref_slice %arg3[%dma_start3A_302, %dma_start3A_303] : memref<10000x128xbf16, #tpu.memory_space<hbm>> -> memref<10000x128xbf16, #tpu.memory_space<hbm>>
          tpu.enqueue_indirect_dma source(%dma_start3A_304 : memref<10000x128xbf16, #tpu.memory_space<hbm>>) target(%dma_start3A_298 : memref<128x128xbf16, #tpu.memory_space<vmem>>) offsets(%dma_start3A_301 : memref<128xi32, #tpu.memory_space<vmem>>) semaphore(%arg13 : memref<!tpu.dma_semaphore, #tpu.memory_space<semaphore_mem>>)
        } else {
        }
      } else {
      }
      %mul3A_260 = arith.constant 8 : i32
      %mul3A_261 = arith.muli %while3A_87, %mul3A_260 : i32
      %add3A_262 = arith.constant 7 : i32
      %add3A_263 = arith.addi %mul3A_261, %add3A_262 : i32
      %lt3A_264 = arith.cmpi slt, %add3A_263, %add3A_2 : i32
      %convert_element_type3A_265 = arith.extui %lt3A_264 : i1 to i32
      %cond3A_266 = arith.constant 0 : i32
      %cond3A_267 = arith.cmpi ne, %convert_element_type3A_265, %cond3A_266 : i32
      scf.if %cond3A_267 {
        %dma_wait3A = arith.constant 896 : i32
        %dma_wait3A_285 = arith.constant 0 : i32
        %dma_wait3A_286 = tpu.memref_slice %arg9[%dma_wait3A, %dma_wait3A_285] : memref<1024x128xbf16, #tpu.memory_space<vmem>> -> memref<128x128xbf16, #tpu.memory_space<vmem>>
        %dma_wait3A_287 = arith.constant 0 : i32
        %dma_wait3A_288 = tpu.memref_slice %arg7[%add3A_263, %dma_wait3A_287] : memref<79x128xi32, #tpu.memory_space<vmem>> -> memref<1x128xi32, #tpu.memory_space<vmem>>
        %dma_wait3A_289 = tpu.memref_squeeze %dma_wait3A_288 : memref<1x128xi32, #tpu.memory_space<vmem>> -> memref<128xi32, #tpu.memory_space<vmem>>
        %dma_wait3A_290 = arith.constant 0 : i32
        %dma_wait3A_291 = arith.constant 0 : i32
        %dma_wait3A_292 = tpu.memref_slice %arg2[%dma_wait3A_290, %dma_wait3A_291] : memref<10000x128xbf16, #tpu.memory_space<hbm>> -> memref<10000x128xbf16, #tpu.memory_space<hbm>>
        tpu.wait_indirect_dma semaphore(%arg18 : memref<!tpu.dma_semaphore, #tpu.memory_space<semaphore_mem>>) src(%dma_wait3A_292 : memref<10000x128xbf16, #tpu.memory_space<hbm>>) dst(%dma_wait3A_286 : memref<128x128xbf16, #tpu.memory_space<vmem>>)
        %dma_start3A = arith.constant 896 : i32
        %dma_start3A_293 = arith.constant 0 : i32
        %dma_start3A_294 = tpu.memref_slice %arg9[%dma_start3A, %dma_start3A_293] : memref<1024x128xbf16, #tpu.memory_space<vmem>> -> memref<128x128xbf16, #tpu.memory_space<vmem>>
        %dma_start3A_295 = arith.constant 0 : i32
        %dma_start3A_296 = tpu.memref_slice %arg8[%add3A_263, %dma_start3A_295] : memref<79x128xi32, #tpu.memory_space<vmem>> -> memref<1x128xi32, #tpu.memory_space<vmem>>
        %dma_start3A_297 = tpu.memref_squeeze %dma_start3A_296 : memref<1x128xi32, #tpu.memory_space<vmem>> -> memref<128xi32, #tpu.memory_space<vmem>>
        %dma_start3A_298 = arith.constant 0 : i32
        %dma_start3A_299 = arith.constant 0 : i32
        %dma_start3A_300 = tpu.memref_slice %arg10[%dma_start3A_298, %dma_start3A_299] : memref<10000x128xbf16, #tpu.memory_space<vmem_shared>> -> memref<10000x128xbf16, #tpu.memory_space<vmem_shared>>
        tpu.enqueue_indirect_dma source(%dma_start3A_294 : memref<128x128xbf16, #tpu.memory_space<vmem>>) target(%dma_start3A_300 : memref<10000x128xbf16, #tpu.memory_space<vmem_shared>>) offsets(%dma_start3A_297 : memref<128xi32, #tpu.memory_space<vmem>>) semaphore(%arg26 : memref<!tpu.dma_semaphore, #tpu.memory_space<semaphore_mem>>) {add = true}
      } else {
      }
      %ge3A_268 = arith.constant 4 : i32
      %ge3A_269 = arith.cmpi sge, %add3A_263, %ge3A_268 : i32
      %add3A_270 = arith.constant 4 : i32
      %add3A_271 = arith.addi %add3A_2, %add3A_270 : i32
      %sub3A_272 = arith.constant 1 : i32
      %sub3A_273 = arith.subi %add3A_271, %sub3A_272 : i32
      %le3A_274 = arith.cmpi sle, %add3A_263, %sub3A_273 : i32
      %and3A_275 = arith.andi %ge3A_269, %le3A_274 : i1
      %convert_element_type3A_276 = arith.extui %and3A_275 : i1 to i32
      %cond3A_277 = arith.constant 0 : i32
      %cond3A_278 = arith.cmpi ne, %convert_element_type3A_276, %cond3A_277 : i32
      scf.if %cond3A_278 {
        %sub3A_285 = arith.constant 4 : i32
        %sub3A_286 = arith.subi %add3A_263, %sub3A_285 : i32
        %dma_wait3A = arith.constant 384 : i32
        %dma_wait3A_287 = arith.constant 0 : i32
        %dma_wait3A_288 = tpu.memref_slice %arg9[%dma_wait3A, %dma_wait3A_287] : memref<1024x128xbf16, #tpu.memory_space<vmem>> -> memref<128x128xbf16, #tpu.memory_space<vmem>>
        %dma_wait3A_289 = arith.constant 0 : i32
        %dma_wait3A_290 = tpu.memref_slice %arg8[%sub3A_286, %dma_wait3A_289] : memref<79x128xi32, #tpu.memory_space<vmem>> -> memref<1x128xi32, #tpu.memory_space<vmem>>
        %dma_wait3A_291 = tpu.memref_squeeze %dma_wait3A_290 : memref<1x128xi32, #tpu.memory_space<vmem>> -> memref<128xi32, #tpu.memory_space<vmem>>
        %dma_wait3A_292 = arith.constant 0 : i32
        %dma_wait3A_293 = arith.constant 0 : i32
        %dma_wait3A_294 = tpu.memref_slice %arg10[%dma_wait3A_292, %dma_wait3A_293] : memref<10000x128xbf16, #tpu.memory_space<vmem_shared>> -> memref<10000x128xbf16, #tpu.memory_space<vmem_shared>>
        tpu.wait_indirect_dma semaphore(%arg22 : memref<!tpu.dma_semaphore, #tpu.memory_space<semaphore_mem>>) src(%dma_wait3A_288 : memref<128x128xbf16, #tpu.memory_space<vmem>>) dst(%dma_wait3A_294 : memref<10000x128xbf16, #tpu.memory_space<vmem_shared>>)
      } else {
      }
      %add3A_279 = arith.constant 4 : i32
      %add3A_280 = arith.addi %add3A_263, %add3A_279 : i32
      %lt3A_281 = arith.cmpi slt, %add3A_280, %add3A_2 : i32
      %convert_element_type3A_282 = arith.extui %lt3A_281 : i1 to i32
      %cond3A_283 = arith.constant 0 : i32
      %cond3A_284 = arith.cmpi ne, %convert_element_type3A_282, %cond3A_283 : i32
      scf.if %cond3A_284 {
        %add3A_285 = arith.constant 4 : i32
        %add3A_286 = arith.addi %add3A_263, %add3A_285 : i32
        %eq3A_287 = arith.constant 0 : i32
        %eq3A_288 = arith.cmpi eq, %arg0, %eq3A_287 : i32
        %convert_element_type3A_289 = arith.extui %eq3A_288 : i1 to i32
        %cond3A_290 = arith.constant 0 : i32
        %cond3A_291 = arith.cmpi ne, %convert_element_type3A_289, %cond3A_290 : i32
        scf.if %cond3A_291 {
          %dma_start3A = arith.constant 384 : i32
          %dma_start3A_297 = arith.constant 0 : i32
          %dma_start3A_298 = tpu.memref_slice %arg9[%dma_start3A, %dma_start3A_297] : memref<1024x128xbf16, #tpu.memory_space<vmem>> -> memref<128x128xbf16, #tpu.memory_space<vmem>>
          %dma_start3A_299 = arith.constant 0 : i32
          %dma_start3A_300 = tpu.memref_slice %arg7[%add3A_286, %dma_start3A_299] : memref<79x128xi32, #tpu.memory_space<vmem>> -> memref<1x128xi32, #tpu.memory_space<vmem>>
          %dma_start3A_301 = tpu.memref_squeeze %dma_start3A_300 : memref<1x128xi32, #tpu.memory_space<vmem>> -> memref<128xi32, #tpu.memory_space<vmem>>
          %dma_start3A_302 = arith.constant 0 : i32
          %dma_start3A_303 = arith.constant 0 : i32
          %dma_start3A_304 = tpu.memref_slice %arg2[%dma_start3A_302, %dma_start3A_303] : memref<10000x128xbf16, #tpu.memory_space<hbm>> -> memref<10000x128xbf16, #tpu.memory_space<hbm>>
          tpu.enqueue_indirect_dma source(%dma_start3A_304 : memref<10000x128xbf16, #tpu.memory_space<hbm>>) target(%dma_start3A_298 : memref<128x128xbf16, #tpu.memory_space<vmem>>) offsets(%dma_start3A_301 : memref<128xi32, #tpu.memory_space<vmem>>) semaphore(%arg14 : memref<!tpu.dma_semaphore, #tpu.memory_space<semaphore_mem>>)
        } else {
        }
        %eq3A_292 = arith.constant 1 : i32
        %eq3A_293 = arith.cmpi eq, %arg0, %eq3A_292 : i32
        %convert_element_type3A_294 = arith.extui %eq3A_293 : i1 to i32
        %cond3A_295 = arith.constant 0 : i32
        %cond3A_296 = arith.cmpi ne, %convert_element_type3A_294, %cond3A_295 : i32
        scf.if %cond3A_296 {
          %dma_start3A = arith.constant 384 : i32
          %dma_start3A_297 = arith.constant 0 : i32
          %dma_start3A_298 = tpu.memref_slice %arg9[%dma_start3A, %dma_start3A_297] : memref<1024x128xbf16, #tpu.memory_space<vmem>> -> memref<128x128xbf16, #tpu.memory_space<vmem>>
          %dma_start3A_299 = arith.constant 0 : i32
          %dma_start3A_300 = tpu.memref_slice %arg7[%add3A_286, %dma_start3A_299] : memref<79x128xi32, #tpu.memory_space<vmem>> -> memref<1x128xi32, #tpu.memory_space<vmem>>
          %dma_start3A_301 = tpu.memref_squeeze %dma_start3A_300 : memref<1x128xi32, #tpu.memory_space<vmem>> -> memref<128xi32, #tpu.memory_space<vmem>>
          %dma_start3A_302 = arith.constant 0 : i32
          %dma_start3A_303 = arith.constant 0 : i32
          %dma_start3A_304 = tpu.memref_slice %arg3[%dma_start3A_302, %dma_start3A_303] : memref<10000x128xbf16, #tpu.memory_space<hbm>> -> memref<10000x128xbf16, #tpu.memory_space<hbm>>
          tpu.enqueue_indirect_dma source(%dma_start3A_304 : memref<10000x128xbf16, #tpu.memory_space<hbm>>) target(%dma_start3A_298 : memref<128x128xbf16, #tpu.memory_space<vmem>>) offsets(%dma_start3A_301 : memref<128xi32, #tpu.memory_space<vmem>>) semaphore(%arg14 : memref<!tpu.dma_semaphore, #tpu.memory_space<semaphore_mem>>)
        } else {
        }
      } else {
      }
    }
    %while3A_75 = arith.constant 1 : i32
    scf.for %while3A_87 = %while3A_73 to %while3A_69 step %while3A_75  : i32 {
      %mul3A_88 = arith.constant 8 : i32
      %mul3A_89 = arith.muli %while3A_87, %mul3A_88 : i32
      %add3A_90 = arith.constant 0 : i32
      %add3A_91 = arith.addi %mul3A_89, %add3A_90 : i32
      %lt3A_92 = arith.cmpi slt, %add3A_91, %add3A_2 : i32
      %convert_element_type3A_93 = arith.extui %lt3A_92 : i1 to i32
      %cond3A_94 = arith.constant 0 : i32
      %cond3A_95 = arith.cmpi ne, %convert_element_type3A_93, %cond3A_94 : i32
      scf.if %cond3A_95 {
        %dma_wait3A = arith.constant 0 : i32
        %dma_wait3A_285 = arith.constant 0 : i32
        %dma_wait3A_286 = tpu.memref_slice %arg9[%dma_wait3A, %dma_wait3A_285] : memref<1024x128xbf16, #tpu.memory_space<vmem>> -> memref<128x128xbf16, #tpu.memory_space<vmem>>
        %dma_wait3A_287 = arith.constant 0 : i32
        %dma_wait3A_288 = tpu.memref_slice %arg7[%add3A_91, %dma_wait3A_287] : memref<79x128xi32, #tpu.memory_space<vmem>> -> memref<1x128xi32, #tpu.memory_space<vmem>>
        %dma_wait3A_289 = tpu.memref_squeeze %dma_wait3A_288 : memref<1x128xi32, #tpu.memory_space<vmem>> -> memref<128xi32, #tpu.memory_space<vmem>>
        %dma_wait3A_290 = arith.constant 0 : i32
        %dma_wait3A_291 = arith.constant 0 : i32
        %dma_wait3A_292 = tpu.memref_slice %arg2[%dma_wait3A_290, %dma_wait3A_291] : memref<10000x128xbf16, #tpu.memory_space<hbm>> -> memref<10000x128xbf16, #tpu.memory_space<hbm>>
        tpu.wait_indirect_dma semaphore(%arg11 : memref<!tpu.dma_semaphore, #tpu.memory_space<semaphore_mem>>) src(%dma_wait3A_292 : memref<10000x128xbf16, #tpu.memory_space<hbm>>) dst(%dma_wait3A_286 : memref<128x128xbf16, #tpu.memory_space<vmem>>)
        %dma_start3A = arith.constant 0 : i32
        %dma_start3A_293 = arith.constant 0 : i32
        %dma_start3A_294 = tpu.memref_slice %arg9[%dma_start3A, %dma_start3A_293] : memref<1024x128xbf16, #tpu.memory_space<vmem>> -> memref<128x128xbf16, #tpu.memory_space<vmem>>
        %dma_start3A_295 = arith.constant 0 : i32
        %dma_start3A_296 = tpu.memref_slice %arg8[%add3A_91, %dma_start3A_295] : memref<79x128xi32, #tpu.memory_space<vmem>> -> memref<1x128xi32, #tpu.memory_space<vmem>>
        %dma_start3A_297 = tpu.memref_squeeze %dma_start3A_296 : memref<1x128xi32, #tpu.memory_space<vmem>> -> memref<128xi32, #tpu.memory_space<vmem>>
        %dma_start3A_298 = arith.constant 0 : i32
        %dma_start3A_299 = arith.constant 0 : i32
        %dma_start3A_300 = tpu.memref_slice %arg10[%dma_start3A_298, %dma_start3A_299] : memref<10000x128xbf16, #tpu.memory_space<vmem_shared>> -> memref<10000x128xbf16, #tpu.memory_space<vmem_shared>>
        tpu.enqueue_indirect_dma source(%dma_start3A_294 : memref<128x128xbf16, #tpu.memory_space<vmem>>) target(%dma_start3A_300 : memref<10000x128xbf16, #tpu.memory_space<vmem_shared>>) offsets(%dma_start3A_297 : memref<128xi32, #tpu.memory_space<vmem>>) semaphore(%arg19 : memref<!tpu.dma_semaphore, #tpu.memory_space<semaphore_mem>>) {add = true}
      } else {
      }
      %ge3A = arith.constant 4 : i32
      %ge3A_96 = arith.cmpi sge, %add3A_91, %ge3A : i32
      %add3A_97 = arith.constant 4 : i32
      %add3A_98 = arith.addi %add3A_2, %add3A_97 : i32
      %sub3A_99 = arith.constant 1 : i32
      %sub3A_100 = arith.subi %add3A_98, %sub3A_99 : i32
      %le3A = arith.cmpi sle, %add3A_91, %sub3A_100 : i32
      %and3A = arith.andi %ge3A_96, %le3A : i1
      %convert_element_type3A_101 = arith.extui %and3A : i1 to i32
      %cond3A_102 = arith.constant 0 : i32
      %cond3A_103 = arith.cmpi ne, %convert_element_type3A_101, %cond3A_102 : i32
      scf.if %cond3A_103 {
        %sub3A_285 = arith.constant 4 : i32
        %sub3A_286 = arith.subi %add3A_91, %sub3A_285 : i32
        %dma_wait3A = arith.constant 512 : i32
        %dma_wait3A_287 = arith.constant 0 : i32
        %dma_wait3A_288 = tpu.memref_slice %arg9[%dma_wait3A, %dma_wait3A_287] : memref<1024x128xbf16, #tpu.memory_space<vmem>> -> memref<128x128xbf16, #tpu.memory_space<vmem>>
        %dma_wait3A_289 = arith.constant 0 : i32
        %dma_wait3A_290 = tpu.memref_slice %arg8[%sub3A_286, %dma_wait3A_289] : memref<79x128xi32, #tpu.memory_space<vmem>> -> memref<1x128xi32, #tpu.memory_space<vmem>>
        %dma_wait3A_291 = tpu.memref_squeeze %dma_wait3A_290 : memref<1x128xi32, #tpu.memory_space<vmem>> -> memref<128xi32, #tpu.memory_space<vmem>>
        %dma_wait3A_292 = arith.constant 0 : i32
        %dma_wait3A_293 = arith.constant 0 : i32
        %dma_wait3A_294 = tpu.memref_slice %arg10[%dma_wait3A_292, %dma_wait3A_293] : memref<10000x128xbf16, #tpu.memory_space<vmem_shared>> -> memref<10000x128xbf16, #tpu.memory_space<vmem_shared>>
        tpu.wait_indirect_dma semaphore(%arg23 : memref<!tpu.dma_semaphore, #tpu.memory_space<semaphore_mem>>) src(%dma_wait3A_288 : memref<128x128xbf16, #tpu.memory_space<vmem>>) dst(%dma_wait3A_294 : memref<10000x128xbf16, #tpu.memory_space<vmem_shared>>)
      } else {
      }
      %add3A_104 = arith.constant 4 : i32
      %add3A_105 = arith.addi %add3A_91, %add3A_104 : i32
      %lt3A_106 = arith.cmpi slt, %add3A_105, %add3A_2 : i32
      %convert_element_type3A_107 = arith.extui %lt3A_106 : i1 to i32
      %cond3A_108 = arith.constant 0 : i32
      %cond3A_109 = arith.cmpi ne, %convert_element_type3A_107, %cond3A_108 : i32
      scf.if %cond3A_109 {
        %add3A_285 = arith.constant 4 : i32
        %add3A_286 = arith.addi %add3A_91, %add3A_285 : i32
        %eq3A_287 = arith.constant 0 : i32
        %eq3A_288 = arith.cmpi eq, %arg0, %eq3A_287 : i32
        %convert_element_type3A_289 = arith.extui %eq3A_288 : i1 to i32
        %cond3A_290 = arith.constant 0 : i32
        %cond3A_291 = arith.cmpi ne, %convert_element_type3A_289, %cond3A_290 : i32
        scf.if %cond3A_291 {
          %dma_start3A = arith.constant 512 : i32
          %dma_start3A_297 = arith.constant 0 : i32
          %dma_start3A_298 = tpu.memref_slice %arg9[%dma_start3A, %dma_start3A_297] : memref<1024x128xbf16, #tpu.memory_space<vmem>> -> memref<128x128xbf16, #tpu.memory_space<vmem>>
          %dma_start3A_299 = arith.constant 0 : i32
          %dma_start3A_300 = tpu.memref_slice %arg7[%add3A_286, %dma_start3A_299] : memref<79x128xi32, #tpu.memory_space<vmem>> -> memref<1x128xi32, #tpu.memory_space<vmem>>
          %dma_start3A_301 = tpu.memref_squeeze %dma_start3A_300 : memref<1x128xi32, #tpu.memory_space<vmem>> -> memref<128xi32, #tpu.memory_space<vmem>>
          %dma_start3A_302 = arith.constant 0 : i32
          %dma_start3A_303 = arith.constant 0 : i32
          %dma_start3A_304 = tpu.memref_slice %arg2[%dma_start3A_302, %dma_start3A_303] : memref<10000x128xbf16, #tpu.memory_space<hbm>> -> memref<10000x128xbf16, #tpu.memory_space<hbm>>
          tpu.enqueue_indirect_dma source(%dma_start3A_304 : memref<10000x128xbf16, #tpu.memory_space<hbm>>) target(%dma_start3A_298 : memref<128x128xbf16, #tpu.memory_space<vmem>>) offsets(%dma_start3A_301 : memref<128xi32, #tpu.memory_space<vmem>>) semaphore(%arg15 : memref<!tpu.dma_semaphore, #tpu.memory_space<semaphore_mem>>)
        } else {
        }
        %eq3A_292 = arith.constant 1 : i32
        %eq3A_293 = arith.cmpi eq, %arg0, %eq3A_292 : i32
        %convert_element_type3A_294 = arith.extui %eq3A_293 : i1 to i32
        %cond3A_295 = arith.constant 0 : i32
        %cond3A_296 = arith.cmpi ne, %convert_element_type3A_294, %cond3A_295 : i32
        scf.if %cond3A_296 {
          %dma_start3A = arith.constant 512 : i32
          %dma_start3A_297 = arith.constant 0 : i32
          %dma_start3A_298 = tpu.memref_slice %arg9[%dma_start3A, %dma_start3A_297] : memref<1024x128xbf16, #tpu.memory_space<vmem>> -> memref<128x128xbf16, #tpu.memory_space<vmem>>
          %dma_start3A_299 = arith.constant 0 : i32
          %dma_start3A_300 = tpu.memref_slice %arg7[%add3A_286, %dma_start3A_299] : memref<79x128xi32, #tpu.memory_space<vmem>> -> memref<1x128xi32, #tpu.memory_space<vmem>>
          %dma_start3A_301 = tpu.memref_squeeze %dma_start3A_300 : memref<1x128xi32, #tpu.memory_space<vmem>> -> memref<128xi32, #tpu.memory_space<vmem>>
          %dma_start3A_302 = arith.constant 0 : i32
          %dma_start3A_303 = arith.constant 0 : i32
          %dma_start3A_304 = tpu.memref_slice %arg3[%dma_start3A_302, %dma_start3A_303] : memref<10000x128xbf16, #tpu.memory_space<hbm>> -> memref<10000x128xbf16, #tpu.memory_space<hbm>>
          tpu.enqueue_indirect_dma source(%dma_start3A_304 : memref<10000x128xbf16, #tpu.memory_space<hbm>>) target(%dma_start3A_298 : memref<128x128xbf16, #tpu.memory_space<vmem>>) offsets(%dma_start3A_301 : memref<128xi32, #tpu.memory_space<vmem>>) semaphore(%arg15 : memref<!tpu.dma_semaphore, #tpu.memory_space<semaphore_mem>>)
        } else {
        }
      } else {
      }
      %mul3A_110 = arith.constant 8 : i32
      %mul3A_111 = arith.muli %while3A_87, %mul3A_110 : i32
      %add3A_112 = arith.constant 1 : i32
      %add3A_113 = arith.addi %mul3A_111, %add3A_112 : i32
      %lt3A_114 = arith.cmpi slt, %add3A_113, %add3A_2 : i32
      %convert_element_type3A_115 = arith.extui %lt3A_114 : i1 to i32
      %cond3A_116 = arith.constant 0 : i32
      %cond3A_117 = arith.cmpi ne, %convert_element_type3A_115, %cond3A_116 : i32
      scf.if %cond3A_117 {
        %dma_wait3A = arith.constant 128 : i32
        %dma_wait3A_285 = arith.constant 0 : i32
        %dma_wait3A_286 = tpu.memref_slice %arg9[%dma_wait3A, %dma_wait3A_285] : memref<1024x128xbf16, #tpu.memory_space<vmem>> -> memref<128x128xbf16, #tpu.memory_space<vmem>>
        %dma_wait3A_287 = arith.constant 0 : i32
        %dma_wait3A_288 = tpu.memref_slice %arg7[%add3A_113, %dma_wait3A_287] : memref<79x128xi32, #tpu.memory_space<vmem>> -> memref<1x128xi32, #tpu.memory_space<vmem>>
        %dma_wait3A_289 = tpu.memref_squeeze %dma_wait3A_288 : memref<1x128xi32, #tpu.memory_space<vmem>> -> memref<128xi32, #tpu.memory_space<vmem>>
        %dma_wait3A_290 = arith.constant 0 : i32
        %dma_wait3A_291 = arith.constant 0 : i32
        %dma_wait3A_292 = tpu.memref_slice %arg2[%dma_wait3A_290, %dma_wait3A_291] : memref<10000x128xbf16, #tpu.memory_space<hbm>> -> memref<10000x128xbf16, #tpu.memory_space<hbm>>
        tpu.wait_indirect_dma semaphore(%arg12 : memref<!tpu.dma_semaphore, #tpu.memory_space<semaphore_mem>>) src(%dma_wait3A_292 : memref<10000x128xbf16, #tpu.memory_space<hbm>>) dst(%dma_wait3A_286 : memref<128x128xbf16, #tpu.memory_space<vmem>>)
        %dma_start3A = arith.constant 128 : i32
        %dma_start3A_293 = arith.constant 0 : i32
        %dma_start3A_294 = tpu.memref_slice %arg9[%dma_start3A, %dma_start3A_293] : memref<1024x128xbf16, #tpu.memory_space<vmem>> -> memref<128x128xbf16, #tpu.memory_space<vmem>>
        %dma_start3A_295 = arith.constant 0 : i32
        %dma_start3A_296 = tpu.memref_slice %arg8[%add3A_113, %dma_start3A_295] : memref<79x128xi32, #tpu.memory_space<vmem>> -> memref<1x128xi32, #tpu.memory_space<vmem>>
        %dma_start3A_297 = tpu.memref_squeeze %dma_start3A_296 : memref<1x128xi32, #tpu.memory_space<vmem>> -> memref<128xi32, #tpu.memory_space<vmem>>
        %dma_start3A_298 = arith.constant 0 : i32
        %dma_start3A_299 = arith.constant 0 : i32
        %dma_start3A_300 = tpu.memref_slice %arg10[%dma_start3A_298, %dma_start3A_299] : memref<10000x128xbf16, #tpu.memory_space<vmem_shared>> -> memref<10000x128xbf16, #tpu.memory_space<vmem_shared>>
        tpu.enqueue_indirect_dma source(%dma_start3A_294 : memref<128x128xbf16, #tpu.memory_space<vmem>>) target(%dma_start3A_300 : memref<10000x128xbf16, #tpu.memory_space<vmem_shared>>) offsets(%dma_start3A_297 : memref<128xi32, #tpu.memory_space<vmem>>) semaphore(%arg20 : memref<!tpu.dma_semaphore, #tpu.memory_space<semaphore_mem>>) {add = true}
      } else {
      }
      %ge3A_118 = arith.constant 4 : i32
      %ge3A_119 = arith.cmpi sge, %add3A_113, %ge3A_118 : i32
      %add3A_120 = arith.constant 4 : i32
      %add3A_121 = arith.addi %add3A_2, %add3A_120 : i32
      %sub3A_122 = arith.constant 1 : i32
      %sub3A_123 = arith.subi %add3A_121, %sub3A_122 : i32
      %le3A_124 = arith.cmpi sle, %add3A_113, %sub3A_123 : i32
      %and3A_125 = arith.andi %ge3A_119, %le3A_124 : i1
      %convert_element_type3A_126 = arith.extui %and3A_125 : i1 to i32
      %cond3A_127 = arith.constant 0 : i32
      %cond3A_128 = arith.cmpi ne, %convert_element_type3A_126, %cond3A_127 : i32
      scf.if %cond3A_128 {
        %sub3A_285 = arith.constant 4 : i32
        %sub3A_286 = arith.subi %add3A_113, %sub3A_285 : i32
        %dma_wait3A = arith.constant 640 : i32
        %dma_wait3A_287 = arith.constant 0 : i32
        %dma_wait3A_288 = tpu.memref_slice %arg9[%dma_wait3A, %dma_wait3A_287] : memref<1024x128xbf16, #tpu.memory_space<vmem>> -> memref<128x128xbf16, #tpu.memory_space<vmem>>
        %dma_wait3A_289 = arith.constant 0 : i32
        %dma_wait3A_290 = tpu.memref_slice %arg8[%sub3A_286, %dma_wait3A_289] : memref<79x128xi32, #tpu.memory_space<vmem>> -> memref<1x128xi32, #tpu.memory_space<vmem>>
        %dma_wait3A_291 = tpu.memref_squeeze %dma_wait3A_290 : memref<1x128xi32, #tpu.memory_space<vmem>> -> memref<128xi32, #tpu.memory_space<vmem>>
        %dma_wait3A_292 = arith.constant 0 : i32
        %dma_wait3A_293 = arith.constant 0 : i32
        %dma_wait3A_294 = tpu.memref_slice %arg10[%dma_wait3A_292, %dma_wait3A_293] : memref<10000x128xbf16, #tpu.memory_space<vmem_shared>> -> memref<10000x128xbf16, #tpu.memory_space<vmem_shared>>
        tpu.wait_indirect_dma semaphore(%arg24 : memref<!tpu.dma_semaphore, #tpu.memory_space<semaphore_mem>>) src(%dma_wait3A_288 : memref<128x128xbf16, #tpu.memory_space<vmem>>) dst(%dma_wait3A_294 : memref<10000x128xbf16, #tpu.memory_space<vmem_shared>>)
      } else {
      }
      %add3A_129 = arith.constant 4 : i32
      %add3A_130 = arith.addi %add3A_113, %add3A_129 : i32
      %lt3A_131 = arith.cmpi slt, %add3A_130, %add3A_2 : i32
      %convert_element_type3A_132 = arith.extui %lt3A_131 : i1 to i32
      %cond3A_133 = arith.constant 0 : i32
      %cond3A_134 = arith.cmpi ne, %convert_element_type3A_132, %cond3A_133 : i32
      scf.if %cond3A_134 {
        %add3A_285 = arith.constant 4 : i32
        %add3A_286 = arith.addi %add3A_113, %add3A_285 : i32
        %eq3A_287 = arith.constant 0 : i32
        %eq3A_288 = arith.cmpi eq, %arg0, %eq3A_287 : i32
        %convert_element_type3A_289 = arith.extui %eq3A_288 : i1 to i32
        %cond3A_290 = arith.constant 0 : i32
        %cond3A_291 = arith.cmpi ne, %convert_element_type3A_289, %cond3A_290 : i32
        scf.if %cond3A_291 {
          %dma_start3A = arith.constant 640 : i32
          %dma_start3A_297 = arith.constant 0 : i32
          %dma_start3A_298 = tpu.memref_slice %arg9[%dma_start3A, %dma_start3A_297] : memref<1024x128xbf16, #tpu.memory_space<vmem>> -> memref<128x128xbf16, #tpu.memory_space<vmem>>
          %dma_start3A_299 = arith.constant 0 : i32
          %dma_start3A_300 = tpu.memref_slice %arg7[%add3A_286, %dma_start3A_299] : memref<79x128xi32, #tpu.memory_space<vmem>> -> memref<1x128xi32, #tpu.memory_space<vmem>>
          %dma_start3A_301 = tpu.memref_squeeze %dma_start3A_300 : memref<1x128xi32, #tpu.memory_space<vmem>> -> memref<128xi32, #tpu.memory_space<vmem>>
          %dma_start3A_302 = arith.constant 0 : i32
          %dma_start3A_303 = arith.constant 0 : i32
          %dma_start3A_304 = tpu.memref_slice %arg2[%dma_start3A_302, %dma_start3A_303] : memref<10000x128xbf16, #tpu.memory_space<hbm>> -> memref<10000x128xbf16, #tpu.memory_space<hbm>>
          tpu.enqueue_indirect_dma source(%dma_start3A_304 : memref<10000x128xbf16, #tpu.memory_space<hbm>>) target(%dma_start3A_298 : memref<128x128xbf16, #tpu.memory_space<vmem>>) offsets(%dma_start3A_301 : memref<128xi32, #tpu.memory_space<vmem>>) semaphore(%arg16 : memref<!tpu.dma_semaphore, #tpu.memory_space<semaphore_mem>>)
        } else {
        }
        %eq3A_292 = arith.constant 1 : i32
        %eq3A_293 = arith.cmpi eq, %arg0, %eq3A_292 : i32
        %convert_element_type3A_294 = arith.extui %eq3A_293 : i1 to i32
        %cond3A_295 = arith.constant 0 : i32
        %cond3A_296 = arith.cmpi ne, %convert_element_type3A_294, %cond3A_295 : i32
        scf.if %cond3A_296 {
          %dma_start3A = arith.constant 640 : i32
          %dma_start3A_297 = arith.constant 0 : i32
          %dma_start3A_298 = tpu.memref_slice %arg9[%dma_start3A, %dma_start3A_297] : memref<1024x128xbf16, #tpu.memory_space<vmem>> -> memref<128x128xbf16, #tpu.memory_space<vmem>>
          %dma_start3A_299 = arith.constant 0 : i32
          %dma_start3A_300 = tpu.memref_slice %arg7[%add3A_286, %dma_start3A_299] : memref<79x128xi32, #tpu.memory_space<vmem>> -> memref<1x128xi32, #tpu.memory_space<vmem>>
          %dma_start3A_301 = tpu.memref_squeeze %dma_start3A_300 : memref<1x128xi32, #tpu.memory_space<vmem>> -> memref<128xi32, #tpu.memory_space<vmem>>
          %dma_start3A_302 = arith.constant 0 : i32
          %dma_start3A_303 = arith.constant 0 : i32
          %dma_start3A_304 = tpu.memref_slice %arg3[%dma_start3A_302, %dma_start3A_303] : memref<10000x128xbf16, #tpu.memory_space<hbm>> -> memref<10000x128xbf16, #tpu.memory_space<hbm>>
          tpu.enqueue_indirect_dma source(%dma_start3A_304 : memref<10000x128xbf16, #tpu.memory_space<hbm>>) target(%dma_start3A_298 : memref<128x128xbf16, #tpu.memory_space<vmem>>) offsets(%dma_start3A_301 : memref<128xi32, #tpu.memory_space<vmem>>) semaphore(%arg16 : memref<!tpu.dma_semaphore, #tpu.memory_space<semaphore_mem>>)
        } else {
        }
      } else {
      }
      %mul3A_135 = arith.constant 8 : i32
      %mul3A_136 = arith.muli %while3A_87, %mul3A_135 : i32
      %add3A_137 = arith.constant 2 : i32
      %add3A_138 = arith.addi %mul3A_136, %add3A_137 : i32
      %lt3A_139 = arith.cmpi slt, %add3A_138, %add3A_2 : i32
      %convert_element_type3A_140 = arith.extui %lt3A_139 : i1 to i32
      %cond3A_141 = arith.constant 0 : i32
      %cond3A_142 = arith.cmpi ne, %convert_element_type3A_140, %cond3A_141 : i32
      scf.if %cond3A_142 {
        %dma_wait3A = arith.constant 256 : i32
        %dma_wait3A_285 = arith.constant 0 : i32
        %dma_wait3A_286 = tpu.memref_slice %arg9[%dma_wait3A, %dma_wait3A_285] : memref<1024x128xbf16, #tpu.memory_space<vmem>> -> memref<128x128xbf16, #tpu.memory_space<vmem>>
        %dma_wait3A_287 = arith.constant 0 : i32
        %dma_wait3A_288 = tpu.memref_slice %arg7[%add3A_138, %dma_wait3A_287] : memref<79x128xi32, #tpu.memory_space<vmem>> -> memref<1x128xi32, #tpu.memory_space<vmem>>
        %dma_wait3A_289 = tpu.memref_squeeze %dma_wait3A_288 : memref<1x128xi32, #tpu.memory_space<vmem>> -> memref<128xi32, #tpu.memory_space<vmem>>
        %dma_wait3A_290 = arith.constant 0 : i32
        %dma_wait3A_291 = arith.constant 0 : i32
        %dma_wait3A_292 = tpu.memref_slice %arg2[%dma_wait3A_290, %dma_wait3A_291] : memref<10000x128xbf16, #tpu.memory_space<hbm>> -> memref<10000x128xbf16, #tpu.memory_space<hbm>>
        tpu.wait_indirect_dma semaphore(%arg13 : memref<!tpu.dma_semaphore, #tpu.memory_space<semaphore_mem>>) src(%dma_wait3A_292 : memref<10000x128xbf16, #tpu.memory_space<hbm>>) dst(%dma_wait3A_286 : memref<128x128xbf16, #tpu.memory_space<vmem>>)
        %dma_start3A = arith.constant 256 : i32
        %dma_start3A_293 = arith.constant 0 : i32
        %dma_start3A_294 = tpu.memref_slice %arg9[%dma_start3A, %dma_start3A_293] : memref<1024x128xbf16, #tpu.memory_space<vmem>> -> memref<128x128xbf16, #tpu.memory_space<vmem>>
        %dma_start3A_295 = arith.constant 0 : i32
        %dma_start3A_296 = tpu.memref_slice %arg8[%add3A_138, %dma_start3A_295] : memref<79x128xi32, #tpu.memory_space<vmem>> -> memref<1x128xi32, #tpu.memory_space<vmem>>
        %dma_start3A_297 = tpu.memref_squeeze %dma_start3A_296 : memref<1x128xi32, #tpu.memory_space<vmem>> -> memref<128xi32, #tpu.memory_space<vmem>>
        %dma_start3A_298 = arith.constant 0 : i32
        %dma_start3A_299 = arith.constant 0 : i32
        %dma_start3A_300 = tpu.memref_slice %arg10[%dma_start3A_298, %dma_start3A_299] : memref<10000x128xbf16, #tpu.memory_space<vmem_shared>> -> memref<10000x128xbf16, #tpu.memory_space<vmem_shared>>
        tpu.enqueue_indirect_dma source(%dma_start3A_294 : memref<128x128xbf16, #tpu.memory_space<vmem>>) target(%dma_start3A_300 : memref<10000x128xbf16, #tpu.memory_space<vmem_shared>>) offsets(%dma_start3A_297 : memref<128xi32, #tpu.memory_space<vmem>>) semaphore(%arg21 : memref<!tpu.dma_semaphore, #tpu.memory_space<semaphore_mem>>) {add = true}
      } else {
      }
      %ge3A_143 = arith.constant 4 : i32
      %ge3A_144 = arith.cmpi sge, %add3A_138, %ge3A_143 : i32
      %add3A_145 = arith.constant 4 : i32
      %add3A_146 = arith.addi %add3A_2, %add3A_145 : i32
      %sub3A_147 = arith.constant 1 : i32
      %sub3A_148 = arith.subi %add3A_146, %sub3A_147 : i32
      %le3A_149 = arith.cmpi sle, %add3A_138, %sub3A_148 : i32
      %and3A_150 = arith.andi %ge3A_144, %le3A_149 : i1
      %convert_element_type3A_151 = arith.extui %and3A_150 : i1 to i32
      %cond3A_152 = arith.constant 0 : i32
      %cond3A_153 = arith.cmpi ne, %convert_element_type3A_151, %cond3A_152 : i32
      scf.if %cond3A_153 {
        %sub3A_285 = arith.constant 4 : i32
        %sub3A_286 = arith.subi %add3A_138, %sub3A_285 : i32
        %dma_wait3A = arith.constant 768 : i32
        %dma_wait3A_287 = arith.constant 0 : i32
        %dma_wait3A_288 = tpu.memref_slice %arg9[%dma_wait3A, %dma_wait3A_287] : memref<1024x128xbf16, #tpu.memory_space<vmem>> -> memref<128x128xbf16, #tpu.memory_space<vmem>>
        %dma_wait3A_289 = arith.constant 0 : i32
        %dma_wait3A_290 = tpu.memref_slice %arg8[%sub3A_286, %dma_wait3A_289] : memref<79x128xi32, #tpu.memory_space<vmem>> -> memref<1x128xi32, #tpu.memory_space<vmem>>
        %dma_wait3A_291 = tpu.memref_squeeze %dma_wait3A_290 : memref<1x128xi32, #tpu.memory_space<vmem>> -> memref<128xi32, #tpu.memory_space<vmem>>
        %dma_wait3A_292 = arith.constant 0 : i32
        %dma_wait3A_293 = arith.constant 0 : i32
        %dma_wait3A_294 = tpu.memref_slice %arg10[%dma_wait3A_292, %dma_wait3A_293] : memref<10000x128xbf16, #tpu.memory_space<vmem_shared>> -> memref<10000x128xbf16, #tpu.memory_space<vmem_shared>>
        tpu.wait_indirect_dma semaphore(%arg25 : memref<!tpu.dma_semaphore, #tpu.memory_space<semaphore_mem>>) src(%dma_wait3A_288 : memref<128x128xbf16, #tpu.memory_space<vmem>>) dst(%dma_wait3A_294 : memref<10000x128xbf16, #tpu.memory_space<vmem_shared>>)
      } else {
      }
      %add3A_154 = arith.constant 4 : i32
      %add3A_155 = arith.addi %add3A_138, %add3A_154 : i32
      %lt3A_156 = arith.cmpi slt, %add3A_155, %add3A_2 : i32
      %convert_element_type3A_157 = arith.extui %lt3A_156 : i1 to i32
      %cond3A_158 = arith.constant 0 : i32
      %cond3A_159 = arith.cmpi ne, %convert_element_type3A_157, %cond3A_158 : i32
      scf.if %cond3A_159 {
        %add3A_285 = arith.constant 4 : i32
        %add3A_286 = arith.addi %add3A_138, %add3A_285 : i32
        %eq3A_287 = arith.constant 0 : i32
        %eq3A_288 = arith.cmpi eq, %arg0, %eq3A_287 : i32
        %convert_element_type3A_289 = arith.extui %eq3A_288 : i1 to i32
        %cond3A_290 = arith.constant 0 : i32
        %cond3A_291 = arith.cmpi ne, %convert_element_type3A_289, %cond3A_290 : i32
        scf.if %cond3A_291 {
          %dma_start3A = arith.constant 768 : i32
          %dma_start3A_297 = arith.constant 0 : i32
          %dma_start3A_298 = tpu.memref_slice %arg9[%dma_start3A, %dma_start3A_297] : memref<1024x128xbf16, #tpu.memory_space<vmem>> -> memref<128x128xbf16, #tpu.memory_space<vmem>>
          %dma_start3A_299 = arith.constant 0 : i32
          %dma_start3A_300 = tpu.memref_slice %arg7[%add3A_286, %dma_start3A_299] : memref<79x128xi32, #tpu.memory_space<vmem>> -> memref<1x128xi32, #tpu.memory_space<vmem>>
          %dma_start3A_301 = tpu.memref_squeeze %dma_start3A_300 : memref<1x128xi32, #tpu.memory_space<vmem>> -> memref<128xi32, #tpu.memory_space<vmem>>
          %dma_start3A_302 = arith.constant 0 : i32
          %dma_start3A_303 = arith.constant 0 : i32
          %dma_start3A_304 = tpu.memref_slice %arg2[%dma_start3A_302, %dma_start3A_303] : memref<10000x128xbf16, #tpu.memory_space<hbm>> -> memref<10000x128xbf16, #tpu.memory_space<hbm>>
          tpu.enqueue_indirect_dma source(%dma_start3A_304 : memref<10000x128xbf16, #tpu.memory_space<hbm>>) target(%dma_start3A_298 : memref<128x128xbf16, #tpu.memory_space<vmem>>) offsets(%dma_start3A_301 : memref<128xi32, #tpu.memory_space<vmem>>) semaphore(%arg17 : memref<!tpu.dma_semaphore, #tpu.memory_space<semaphore_mem>>)
        } else {
        }
        %eq3A_292 = arith.constant 1 : i32
        %eq3A_293 = arith.cmpi eq, %arg0, %eq3A_292 : i32
        %convert_element_type3A_294 = arith.extui %eq3A_293 : i1 to i32
        %cond3A_295 = arith.constant 0 : i32
        %cond3A_296 = arith.cmpi ne, %convert_element_type3A_294, %cond3A_295 : i32
        scf.if %cond3A_296 {
          %dma_start3A = arith.constant 768 : i32
          %dma_start3A_297 = arith.constant 0 : i32
          %dma_start3A_298 = tpu.memref_slice %arg9[%dma_start3A, %dma_start3A_297] : memref<1024x128xbf16, #tpu.memory_space<vmem>> -> memref<128x128xbf16, #tpu.memory_space<vmem>>
          %dma_start3A_299 = arith.constant 0 : i32
          %dma_start3A_300 = tpu.memref_slice %arg7[%add3A_286, %dma_start3A_299] : memref<79x128xi32, #tpu.memory_space<vmem>> -> memref<1x128xi32, #tpu.memory_space<vmem>>
          %dma_start3A_301 = tpu.memref_squeeze %dma_start3A_300 : memref<1x128xi32, #tpu.memory_space<vmem>> -> memref<128xi32, #tpu.memory_space<vmem>>
          %dma_start3A_302 = arith.constant 0 : i32
          %dma_start3A_303 = arith.constant 0 : i32
          %dma_start3A_304 = tpu.memref_slice %arg3[%dma_start3A_302, %dma_start3A_303] : memref<10000x128xbf16, #tpu.memory_space<hbm>> -> memref<10000x128xbf16, #tpu.memory_space<hbm>>
          tpu.enqueue_indirect_dma source(%dma_start3A_304 : memref<10000x128xbf16, #tpu.memory_space<hbm>>) target(%dma_start3A_298 : memref<128x128xbf16, #tpu.memory_space<vmem>>) offsets(%dma_start3A_301 : memref<128xi32, #tpu.memory_space<vmem>>) semaphore(%arg17 : memref<!tpu.dma_semaphore, #tpu.memory_space<semaphore_mem>>)
        } else {
        }
      } else {
      }
      %mul3A_160 = arith.constant 8 : i32
      %mul3A_161 = arith.muli %while3A_87, %mul3A_160 : i32
      %add3A_162 = arith.constant 3 : i32
      %add3A_163 = arith.addi %mul3A_161, %add3A_162 : i32
      %lt3A_164 = arith.cmpi slt, %add3A_163, %add3A_2 : i32
      %convert_element_type3A_165 = arith.extui %lt3A_164 : i1 to i32
      %cond3A_166 = arith.constant 0 : i32
      %cond3A_167 = arith.cmpi ne, %convert_element_type3A_165, %cond3A_166 : i32
      scf.if %cond3A_167 {
        %dma_wait3A = arith.constant 384 : i32
        %dma_wait3A_285 = arith.constant 0 : i32
        %dma_wait3A_286 = tpu.memref_slice %arg9[%dma_wait3A, %dma_wait3A_285] : memref<1024x128xbf16, #tpu.memory_space<vmem>> -> memref<128x128xbf16, #tpu.memory_space<vmem>>
        %dma_wait3A_287 = arith.constant 0 : i32
        %dma_wait3A_288 = tpu.memref_slice %arg7[%add3A_163, %dma_wait3A_287] : memref<79x128xi32, #tpu.memory_space<vmem>> -> memref<1x128xi32, #tpu.memory_space<vmem>>
        %dma_wait3A_289 = tpu.memref_squeeze %dma_wait3A_288 : memref<1x128xi32, #tpu.memory_space<vmem>> -> memref<128xi32, #tpu.memory_space<vmem>>
        %dma_wait3A_290 = arith.constant 0 : i32
        %dma_wait3A_291 = arith.constant 0 : i32
        %dma_wait3A_292 = tpu.memref_slice %arg2[%dma_wait3A_290, %dma_wait3A_291] : memref<10000x128xbf16, #tpu.memory_space<hbm>> -> memref<10000x128xbf16, #tpu.memory_space<hbm>>
        tpu.wait_indirect_dma semaphore(%arg14 : memref<!tpu.dma_semaphore, #tpu.memory_space<semaphore_mem>>) src(%dma_wait3A_292 : memref<10000x128xbf16, #tpu.memory_space<hbm>>) dst(%dma_wait3A_286 : memref<128x128xbf16, #tpu.memory_space<vmem>>)
        %dma_start3A = arith.constant 384 : i32
        %dma_start3A_293 = arith.constant 0 : i32
        %dma_start3A_294 = tpu.memref_slice %arg9[%dma_start3A, %dma_start3A_293] : memref<1024x128xbf16, #tpu.memory_space<vmem>> -> memref<128x128xbf16, #tpu.memory_space<vmem>>
        %dma_start3A_295 = arith.constant 0 : i32
        %dma_start3A_296 = tpu.memref_slice %arg8[%add3A_163, %dma_start3A_295] : memref<79x128xi32, #tpu.memory_space<vmem>> -> memref<1x128xi32, #tpu.memory_space<vmem>>
        %dma_start3A_297 = tpu.memref_squeeze %dma_start3A_296 : memref<1x128xi32, #tpu.memory_space<vmem>> -> memref<128xi32, #tpu.memory_space<vmem>>
        %dma_start3A_298 = arith.constant 0 : i32
        %dma_start3A_299 = arith.constant 0 : i32
        %dma_start3A_300 = tpu.memref_slice %arg10[%dma_start3A_298, %dma_start3A_299] : memref<10000x128xbf16, #tpu.memory_space<vmem_shared>> -> memref<10000x128xbf16, #tpu.memory_space<vmem_shared>>
        tpu.enqueue_indirect_dma source(%dma_start3A_294 : memref<128x128xbf16, #tpu.memory_space<vmem>>) target(%dma_start3A_300 : memref<10000x128xbf16, #tpu.memory_space<vmem_shared>>) offsets(%dma_start3A_297 : memref<128xi32, #tpu.memory_space<vmem>>) semaphore(%arg22 : memref<!tpu.dma_semaphore, #tpu.memory_space<semaphore_mem>>) {add = true}
      } else {
      }
      %ge3A_168 = arith.constant 4 : i32
      %ge3A_169 = arith.cmpi sge, %add3A_163, %ge3A_168 : i32
      %add3A_170 = arith.constant 4 : i32
      %add3A_171 = arith.addi %add3A_2, %add3A_170 : i32
      %sub3A_172 = arith.constant 1 : i32
      %sub3A_173 = arith.subi %add3A_171, %sub3A_172 : i32
      %le3A_174 = arith.cmpi sle, %add3A_163, %sub3A_173 : i32
      %and3A_175 = arith.andi %ge3A_169, %le3A_174 : i1
      %convert_element_type3A_176 = arith.extui %and3A_175 : i1 to i32
      %cond3A_177 = arith.constant 0 : i32
      %cond3A_178 = arith.cmpi ne, %convert_element_type3A_176, %cond3A_177 : i32
      scf.if %cond3A_178 {
        %sub3A_285 = arith.constant 4 : i32
        %sub3A_286 = arith.subi %add3A_163, %sub3A_285 : i32
        %dma_wait3A = arith.constant 896 : i32
        %dma_wait3A_287 = arith.constant 0 : i32
        %dma_wait3A_288 = tpu.memref_slice %arg9[%dma_wait3A, %dma_wait3A_287] : memref<1024x128xbf16, #tpu.memory_space<vmem>> -> memref<128x128xbf16, #tpu.memory_space<vmem>>
        %dma_wait3A_289 = arith.constant 0 : i32
        %dma_wait3A_290 = tpu.memref_slice %arg8[%sub3A_286, %dma_wait3A_289] : memref<79x128xi32, #tpu.memory_space<vmem>> -> memref<1x128xi32, #tpu.memory_space<vmem>>
        %dma_wait3A_291 = tpu.memref_squeeze %dma_wait3A_290 : memref<1x128xi32, #tpu.memory_space<vmem>> -> memref<128xi32, #tpu.memory_space<vmem>>
        %dma_wait3A_292 = arith.constant 0 : i32
        %dma_wait3A_293 = arith.constant 0 : i32
        %dma_wait3A_294 = tpu.memref_slice %arg10[%dma_wait3A_292, %dma_wait3A_293] : memref<10000x128xbf16, #tpu.memory_space<vmem_shared>> -> memref<10000x128xbf16, #tpu.memory_space<vmem_shared>>
        tpu.wait_indirect_dma semaphore(%arg26 : memref<!tpu.dma_semaphore, #tpu.memory_space<semaphore_mem>>) src(%dma_wait3A_288 : memref<128x128xbf16, #tpu.memory_space<vmem>>) dst(%dma_wait3A_294 : memref<10000x128xbf16, #tpu.memory_space<vmem_shared>>)
      } else {
      }
      %add3A_179 = arith.constant 4 : i32
      %add3A_180 = arith.addi %add3A_163, %add3A_179 : i32
      %lt3A_181 = arith.cmpi slt, %add3A_180, %add3A_2 : i32
      %convert_element_type3A_182 = arith.extui %lt3A_181 : i1 to i32
      %cond3A_183 = arith.constant 0 : i32
      %cond3A_184 = arith.cmpi ne, %convert_element_type3A_182, %cond3A_183 : i32
      scf.if %cond3A_184 {
        %add3A_285 = arith.constant 4 : i32
        %add3A_286 = arith.addi %add3A_163, %add3A_285 : i32
        %eq3A_287 = arith.constant 0 : i32
        %eq3A_288 = arith.cmpi eq, %arg0, %eq3A_287 : i32
        %convert_element_type3A_289 = arith.extui %eq3A_288 : i1 to i32
        %cond3A_290 = arith.constant 0 : i32
        %cond3A_291 = arith.cmpi ne, %convert_element_type3A_289, %cond3A_290 : i32
        scf.if %cond3A_291 {
          %dma_start3A = arith.constant 896 : i32
          %dma_start3A_297 = arith.constant 0 : i32
          %dma_start3A_298 = tpu.memref_slice %arg9[%dma_start3A, %dma_start3A_297] : memref<1024x128xbf16, #tpu.memory_space<vmem>> -> memref<128x128xbf16, #tpu.memory_space<vmem>>
          %dma_start3A_299 = arith.constant 0 : i32
          %dma_start3A_300 = tpu.memref_slice %arg7[%add3A_286, %dma_start3A_299] : memref<79x128xi32, #tpu.memory_space<vmem>> -> memref<1x128xi32, #tpu.memory_space<vmem>>
          %dma_start3A_301 = tpu.memref_squeeze %dma_start3A_300 : memref<1x128xi32, #tpu.memory_space<vmem>> -> memref<128xi32, #tpu.memory_space<vmem>>
          %dma_start3A_302 = arith.constant 0 : i32
          %dma_start3A_303 = arith.constant 0 : i32
          %dma_start3A_304 = tpu.memref_slice %arg2[%dma_start3A_302, %dma_start3A_303] : memref<10000x128xbf16, #tpu.memory_space<hbm>> -> memref<10000x128xbf16, #tpu.memory_space<hbm>>
          tpu.enqueue_indirect_dma source(%dma_start3A_304 : memref<10000x128xbf16, #tpu.memory_space<hbm>>) target(%dma_start3A_298 : memref<128x128xbf16, #tpu.memory_space<vmem>>) offsets(%dma_start3A_301 : memref<128xi32, #tpu.memory_space<vmem>>) semaphore(%arg18 : memref<!tpu.dma_semaphore, #tpu.memory_space<semaphore_mem>>)
        } else {
        }
        %eq3A_292 = arith.constant 1 : i32
        %eq3A_293 = arith.cmpi eq, %arg0, %eq3A_292 : i32
        %convert_element_type3A_294 = arith.extui %eq3A_293 : i1 to i32
        %cond3A_295 = arith.constant 0 : i32
        %cond3A_296 = arith.cmpi ne, %convert_element_type3A_294, %cond3A_295 : i32
        scf.if %cond3A_296 {
          %dma_start3A = arith.constant 896 : i32
          %dma_start3A_297 = arith.constant 0 : i32
          %dma_start3A_298 = tpu.memref_slice %arg9[%dma_start3A, %dma_start3A_297] : memref<1024x128xbf16, #tpu.memory_space<vmem>> -> memref<128x128xbf16, #tpu.memory_space<vmem>>
          %dma_start3A_299 = arith.constant 0 : i32
          %dma_start3A_300 = tpu.memref_slice %arg7[%add3A_286, %dma_start3A_299] : memref<79x128xi32, #tpu.memory_space<vmem>> -> memref<1x128xi32, #tpu.memory_space<vmem>>
          %dma_start3A_301 = tpu.memref_squeeze %dma_start3A_300 : memref<1x128xi32, #tpu.memory_space<vmem>> -> memref<128xi32, #tpu.memory_space<vmem>>
          %dma_start3A_302 = arith.constant 0 : i32
          %dma_start3A_303 = arith.constant 0 : i32
          %dma_start3A_304 = tpu.memref_slice %arg3[%dma_start3A_302, %dma_start3A_303] : memref<10000x128xbf16, #tpu.memory_space<hbm>> -> memref<10000x128xbf16, #tpu.memory_space<hbm>>
          tpu.enqueue_indirect_dma source(%dma_start3A_304 : memref<10000x128xbf16, #tpu.memory_space<hbm>>) target(%dma_start3A_298 : memref<128x128xbf16, #tpu.memory_space<vmem>>) offsets(%dma_start3A_301 : memref<128xi32, #tpu.memory_space<vmem>>) semaphore(%arg18 : memref<!tpu.dma_semaphore, #tpu.memory_space<semaphore_mem>>)
        } else {
        }
      } else {
      }
      %mul3A_185 = arith.constant 8 : i32
      %mul3A_186 = arith.muli %while3A_87, %mul3A_185 : i32
      %add3A_187 = arith.constant 4 : i32
      %add3A_188 = arith.addi %mul3A_186, %add3A_187 : i32
      %lt3A_189 = arith.cmpi slt, %add3A_188, %add3A_2 : i32
      %convert_element_type3A_190 = arith.extui %lt3A_189 : i1 to i32
      %cond3A_191 = arith.constant 0 : i32
      %cond3A_192 = arith.cmpi ne, %convert_element_type3A_190, %cond3A_191 : i32
      scf.if %cond3A_192 {
        %dma_wait3A = arith.constant 512 : i32
        %dma_wait3A_285 = arith.constant 0 : i32
        %dma_wait3A_286 = tpu.memref_slice %arg9[%dma_wait3A, %dma_wait3A_285] : memref<1024x128xbf16, #tpu.memory_space<vmem>> -> memref<128x128xbf16, #tpu.memory_space<vmem>>
        %dma_wait3A_287 = arith.constant 0 : i32
        %dma_wait3A_288 = tpu.memref_slice %arg7[%add3A_188, %dma_wait3A_287] : memref<79x128xi32, #tpu.memory_space<vmem>> -> memref<1x128xi32, #tpu.memory_space<vmem>>
        %dma_wait3A_289 = tpu.memref_squeeze %dma_wait3A_288 : memref<1x128xi32, #tpu.memory_space<vmem>> -> memref<128xi32, #tpu.memory_space<vmem>>
        %dma_wait3A_290 = arith.constant 0 : i32
        %dma_wait3A_291 = arith.constant 0 : i32
        %dma_wait3A_292 = tpu.memref_slice %arg2[%dma_wait3A_290, %dma_wait3A_291] : memref<10000x128xbf16, #tpu.memory_space<hbm>> -> memref<10000x128xbf16, #tpu.memory_space<hbm>>
        tpu.wait_indirect_dma semaphore(%arg15 : memref<!tpu.dma_semaphore, #tpu.memory_space<semaphore_mem>>) src(%dma_wait3A_292 : memref<10000x128xbf16, #tpu.memory_space<hbm>>) dst(%dma_wait3A_286 : memref<128x128xbf16, #tpu.memory_space<vmem>>)
        %dma_start3A = arith.constant 512 : i32
        %dma_start3A_293 = arith.constant 0 : i32
        %dma_start3A_294 = tpu.memref_slice %arg9[%dma_start3A, %dma_start3A_293] : memref<1024x128xbf16, #tpu.memory_space<vmem>> -> memref<128x128xbf16, #tpu.memory_space<vmem>>
        %dma_start3A_295 = arith.constant 0 : i32
        %dma_start3A_296 = tpu.memref_slice %arg8[%add3A_188, %dma_start3A_295] : memref<79x128xi32, #tpu.memory_space<vmem>> -> memref<1x128xi32, #tpu.memory_space<vmem>>
        %dma_start3A_297 = tpu.memref_squeeze %dma_start3A_296 : memref<1x128xi32, #tpu.memory_space<vmem>> -> memref<128xi32, #tpu.memory_space<vmem>>
        %dma_start3A_298 = arith.constant 0 : i32
        %dma_start3A_299 = arith.constant 0 : i32
        %dma_start3A_300 = tpu.memref_slice %arg10[%dma_start3A_298, %dma_start3A_299] : memref<10000x128xbf16, #tpu.memory_space<vmem_shared>> -> memref<10000x128xbf16, #tpu.memory_space<vmem_shared>>
        tpu.enqueue_indirect_dma source(%dma_start3A_294 : memref<128x128xbf16, #tpu.memory_space<vmem>>) target(%dma_start3A_300 : memref<10000x128xbf16, #tpu.memory_space<vmem_shared>>) offsets(%dma_start3A_297 : memref<128xi32, #tpu.memory_space<vmem>>) semaphore(%arg23 : memref<!tpu.dma_semaphore, #tpu.memory_space<semaphore_mem>>) {add = true}
      } else {
      }
      %ge3A_193 = arith.constant 4 : i32
      %ge3A_194 = arith.cmpi sge, %add3A_188, %ge3A_193 : i32
      %add3A_195 = arith.constant 4 : i32
      %add3A_196 = arith.addi %add3A_2, %add3A_195 : i32
      %sub3A_197 = arith.constant 1 : i32
      %sub3A_198 = arith.subi %add3A_196, %sub3A_197 : i32
      %le3A_199 = arith.cmpi sle, %add3A_188, %sub3A_198 : i32
      %and3A_200 = arith.andi %ge3A_194, %le3A_199 : i1
      %convert_element_type3A_201 = arith.extui %and3A_200 : i1 to i32
      %cond3A_202 = arith.constant 0 : i32
      %cond3A_203 = arith.cmpi ne, %convert_element_type3A_201, %cond3A_202 : i32
      scf.if %cond3A_203 {
        %sub3A_285 = arith.constant 4 : i32
        %sub3A_286 = arith.subi %add3A_188, %sub3A_285 : i32
        %dma_wait3A = arith.constant 0 : i32
        %dma_wait3A_287 = arith.constant 0 : i32
        %dma_wait3A_288 = tpu.memref_slice %arg9[%dma_wait3A, %dma_wait3A_287] : memref<1024x128xbf16, #tpu.memory_space<vmem>> -> memref<128x128xbf16, #tpu.memory_space<vmem>>
        %dma_wait3A_289 = arith.constant 0 : i32
        %dma_wait3A_290 = tpu.memref_slice %arg8[%sub3A_286, %dma_wait3A_289] : memref<79x128xi32, #tpu.memory_space<vmem>> -> memref<1x128xi32, #tpu.memory_space<vmem>>
        %dma_wait3A_291 = tpu.memref_squeeze %dma_wait3A_290 : memref<1x128xi32, #tpu.memory_space<vmem>> -> memref<128xi32, #tpu.memory_space<vmem>>
        %dma_wait3A_292 = arith.constant 0 : i32
        %dma_wait3A_293 = arith.constant 0 : i32
        %dma_wait3A_294 = tpu.memref_slice %arg10[%dma_wait3A_292, %dma_wait3A_293] : memref<10000x128xbf16, #tpu.memory_space<vmem_shared>> -> memref<10000x128xbf16, #tpu.memory_space<vmem_shared>>
        tpu.wait_indirect_dma semaphore(%arg19 : memref<!tpu.dma_semaphore, #tpu.memory_space<semaphore_mem>>) src(%dma_wait3A_288 : memref<128x128xbf16, #tpu.memory_space<vmem>>) dst(%dma_wait3A_294 : memref<10000x128xbf16, #tpu.memory_space<vmem_shared>>)
      } else {
      }
      %add3A_204 = arith.constant 4 : i32
      %add3A_205 = arith.addi %add3A_188, %add3A_204 : i32
      %lt3A_206 = arith.cmpi slt, %add3A_205, %add3A_2 : i32
      %convert_element_type3A_207 = arith.extui %lt3A_206 : i1 to i32
      %cond3A_208 = arith.constant 0 : i32
      %cond3A_209 = arith.cmpi ne, %convert_element_type3A_207, %cond3A_208 : i32
      scf.if %cond3A_209 {
        %add3A_285 = arith.constant 4 : i32
        %add3A_286 = arith.addi %add3A_188, %add3A_285 : i32
        %eq3A_287 = arith.constant 0 : i32
        %eq3A_288 = arith.cmpi eq, %arg0, %eq3A_287 : i32
        %convert_element_type3A_289 = arith.extui %eq3A_288 : i1 to i32
        %cond3A_290 = arith.constant 0 : i32
        %cond3A_291 = arith.cmpi ne, %convert_element_type3A_289, %cond3A_290 : i32
        scf.if %cond3A_291 {
          %dma_start3A = arith.constant 0 : i32
          %dma_start3A_297 = arith.constant 0 : i32
          %dma_start3A_298 = tpu.memref_slice %arg9[%dma_start3A, %dma_start3A_297] : memref<1024x128xbf16, #tpu.memory_space<vmem>> -> memref<128x128xbf16, #tpu.memory_space<vmem>>
          %dma_start3A_299 = arith.constant 0 : i32
          %dma_start3A_300 = tpu.memref_slice %arg7[%add3A_286, %dma_start3A_299] : memref<79x128xi32, #tpu.memory_space<vmem>> -> memref<1x128xi32, #tpu.memory_space<vmem>>
          %dma_start3A_301 = tpu.memref_squeeze %dma_start3A_300 : memref<1x128xi32, #tpu.memory_space<vmem>> -> memref<128xi32, #tpu.memory_space<vmem>>
          %dma_start3A_302 = arith.constant 0 : i32
          %dma_start3A_303 = arith.constant 0 : i32
          %dma_start3A_304 = tpu.memref_slice %arg2[%dma_start3A_302, %dma_start3A_303] : memref<10000x128xbf16, #tpu.memory_space<hbm>> -> memref<10000x128xbf16, #tpu.memory_space<hbm>>
          tpu.enqueue_indirect_dma source(%dma_start3A_304 : memref<10000x128xbf16, #tpu.memory_space<hbm>>) target(%dma_start3A_298 : memref<128x128xbf16, #tpu.memory_space<vmem>>) offsets(%dma_start3A_301 : memref<128xi32, #tpu.memory_space<vmem>>) semaphore(%arg11 : memref<!tpu.dma_semaphore, #tpu.memory_space<semaphore_mem>>)
        } else {
        }
        %eq3A_292 = arith.constant 1 : i32
        %eq3A_293 = arith.cmpi eq, %arg0, %eq3A_292 : i32
        %convert_element_type3A_294 = arith.extui %eq3A_293 : i1 to i32
        %cond3A_295 = arith.constant 0 : i32
        %cond3A_296 = arith.cmpi ne, %convert_element_type3A_294, %cond3A_295 : i32
        scf.if %cond3A_296 {
          %dma_start3A = arith.constant 0 : i32
          %dma_start3A_297 = arith.constant 0 : i32
          %dma_start3A_298 = tpu.memref_slice %arg9[%dma_start3A, %dma_start3A_297] : memref<1024x128xbf16, #tpu.memory_space<vmem>> -> memref<128x128xbf16, #tpu.memory_space<vmem>>
          %dma_start3A_299 = arith.constant 0 : i32
          %dma_start3A_300 = tpu.memref_slice %arg7[%add3A_286, %dma_start3A_299] : memref<79x128xi32, #tpu.memory_space<vmem>> -> memref<1x128xi32, #tpu.memory_space<vmem>>
          %dma_start3A_301 = tpu.memref_squeeze %dma_start3A_300 : memref<1x128xi32, #tpu.memory_space<vmem>> -> memref<128xi32, #tpu.memory_space<vmem>>
          %dma_start3A_302 = arith.constant 0 : i32
          %dma_start3A_303 = arith.constant 0 : i32
          %dma_start3A_304 = tpu.memref_slice %arg3[%dma_start3A_302, %dma_start3A_303] : memref<10000x128xbf16, #tpu.memory_space<hbm>> -> memref<10000x128xbf16, #tpu.memory_space<hbm>>
          tpu.enqueue_indirect_dma source(%dma_start3A_304 : memref<10000x128xbf16, #tpu.memory_space<hbm>>) target(%dma_start3A_298 : memref<128x128xbf16, #tpu.memory_space<vmem>>) offsets(%dma_start3A_301 : memref<128xi32, #tpu.memory_space<vmem>>) semaphore(%arg11 : memref<!tpu.dma_semaphore, #tpu.memory_space<semaphore_mem>>)
        } else {
        }
      } else {
      }
      %mul3A_210 = arith.constant 8 : i32
      %mul3A_211 = arith.muli %while3A_87, %mul3A_210 : i32
      %add3A_212 = arith.constant 5 : i32
      %add3A_213 = arith.addi %mul3A_211, %add3A_212 : i32
      %lt3A_214 = arith.cmpi slt, %add3A_213, %add3A_2 : i32
      %convert_element_type3A_215 = arith.extui %lt3A_214 : i1 to i32
      %cond3A_216 = arith.constant 0 : i32
      %cond3A_217 = arith.cmpi ne, %convert_element_type3A_215, %cond3A_216 : i32
      scf.if %cond3A_217 {
        %dma_wait3A = arith.constant 640 : i32
        %dma_wait3A_285 = arith.constant 0 : i32
        %dma_wait3A_286 = tpu.memref_slice %arg9[%dma_wait3A, %dma_wait3A_285] : memref<1024x128xbf16, #tpu.memory_space<vmem>> -> memref<128x128xbf16, #tpu.memory_space<vmem>>
        %dma_wait3A_287 = arith.constant 0 : i32
        %dma_wait3A_288 = tpu.memref_slice %arg7[%add3A_213, %dma_wait3A_287] : memref<79x128xi32, #tpu.memory_space<vmem>> -> memref<1x128xi32, #tpu.memory_space<vmem>>
        %dma_wait3A_289 = tpu.memref_squeeze %dma_wait3A_288 : memref<1x128xi32, #tpu.memory_space<vmem>> -> memref<128xi32, #tpu.memory_space<vmem>>
        %dma_wait3A_290 = arith.constant 0 : i32
        %dma_wait3A_291 = arith.constant 0 : i32
        %dma_wait3A_292 = tpu.memref_slice %arg2[%dma_wait3A_290, %dma_wait3A_291] : memref<10000x128xbf16, #tpu.memory_space<hbm>> -> memref<10000x128xbf16, #tpu.memory_space<hbm>>
        tpu.wait_indirect_dma semaphore(%arg16 : memref<!tpu.dma_semaphore, #tpu.memory_space<semaphore_mem>>) src(%dma_wait3A_292 : memref<10000x128xbf16, #tpu.memory_space<hbm>>) dst(%dma_wait3A_286 : memref<128x128xbf16, #tpu.memory_space<vmem>>)
        %dma_start3A = arith.constant 640 : i32
        %dma_start3A_293 = arith.constant 0 : i32
        %dma_start3A_294 = tpu.memref_slice %arg9[%dma_start3A, %dma_start3A_293] : memref<1024x128xbf16, #tpu.memory_space<vmem>> -> memref<128x128xbf16, #tpu.memory_space<vmem>>
        %dma_start3A_295 = arith.constant 0 : i32
        %dma_start3A_296 = tpu.memref_slice %arg8[%add3A_213, %dma_start3A_295] : memref<79x128xi32, #tpu.memory_space<vmem>> -> memref<1x128xi32, #tpu.memory_space<vmem>>
        %dma_start3A_297 = tpu.memref_squeeze %dma_start3A_296 : memref<1x128xi32, #tpu.memory_space<vmem>> -> memref<128xi32, #tpu.memory_space<vmem>>
        %dma_start3A_298 = arith.constant 0 : i32
        %dma_start3A_299 = arith.constant 0 : i32
        %dma_start3A_300 = tpu.memref_slice %arg10[%dma_start3A_298, %dma_start3A_299] : memref<10000x128xbf16, #tpu.memory_space<vmem_shared>> -> memref<10000x128xbf16, #tpu.memory_space<vmem_shared>>
        tpu.enqueue_indirect_dma source(%dma_start3A_294 : memref<128x128xbf16, #tpu.memory_space<vmem>>) target(%dma_start3A_300 : memref<10000x128xbf16, #tpu.memory_space<vmem_shared>>) offsets(%dma_start3A_297 : memref<128xi32, #tpu.memory_space<vmem>>) semaphore(%arg24 : memref<!tpu.dma_semaphore, #tpu.memory_space<semaphore_mem>>) {add = true}
      } else {
      }
      %ge3A_218 = arith.constant 4 : i32
      %ge3A_219 = arith.cmpi sge, %add3A_213, %ge3A_218 : i32
      %add3A_220 = arith.constant 4 : i32
      %add3A_221 = arith.addi %add3A_2, %add3A_220 : i32
      %sub3A_222 = arith.constant 1 : i32
      %sub3A_223 = arith.subi %add3A_221, %sub3A_222 : i32
      %le3A_224 = arith.cmpi sle, %add3A_213, %sub3A_223 : i32
      %and3A_225 = arith.andi %ge3A_219, %le3A_224 : i1
      %convert_element_type3A_226 = arith.extui %and3A_225 : i1 to i32
      %cond3A_227 = arith.constant 0 : i32
      %cond3A_228 = arith.cmpi ne, %convert_element_type3A_226, %cond3A_227 : i32
      scf.if %cond3A_228 {
        %sub3A_285 = arith.constant 4 : i32
        %sub3A_286 = arith.subi %add3A_213, %sub3A_285 : i32
        %dma_wait3A = arith.constant 128 : i32
        %dma_wait3A_287 = arith.constant 0 : i32
        %dma_wait3A_288 = tpu.memref_slice %arg9[%dma_wait3A, %dma_wait3A_287] : memref<1024x128xbf16, #tpu.memory_space<vmem>> -> memref<128x128xbf16, #tpu.memory_space<vmem>>
        %dma_wait3A_289 = arith.constant 0 : i32
        %dma_wait3A_290 = tpu.memref_slice %arg8[%sub3A_286, %dma_wait3A_289] : memref<79x128xi32, #tpu.memory_space<vmem>> -> memref<1x128xi32, #tpu.memory_space<vmem>>
        %dma_wait3A_291 = tpu.memref_squeeze %dma_wait3A_290 : memref<1x128xi32, #tpu.memory_space<vmem>> -> memref<128xi32, #tpu.memory_space<vmem>>
        %dma_wait3A_292 = arith.constant 0 : i32
        %dma_wait3A_293 = arith.constant 0 : i32
        %dma_wait3A_294 = tpu.memref_slice %arg10[%dma_wait3A_292, %dma_wait3A_293] : memref<10000x128xbf16, #tpu.memory_space<vmem_shared>> -> memref<10000x128xbf16, #tpu.memory_space<vmem_shared>>
        tpu.wait_indirect_dma semaphore(%arg20 : memref<!tpu.dma_semaphore, #tpu.memory_space<semaphore_mem>>) src(%dma_wait3A_288 : memref<128x128xbf16, #tpu.memory_space<vmem>>) dst(%dma_wait3A_294 : memref<10000x128xbf16, #tpu.memory_space<vmem_shared>>)
      } else {
      }
      %add3A_229 = arith.constant 4 : i32
      %add3A_230 = arith.addi %add3A_213, %add3A_229 : i32
      %lt3A_231 = arith.cmpi slt, %add3A_230, %add3A_2 : i32
      %convert_element_type3A_232 = arith.extui %lt3A_231 : i1 to i32
      %cond3A_233 = arith.constant 0 : i32
      %cond3A_234 = arith.cmpi ne, %convert_element_type3A_232, %cond3A_233 : i32
      scf.if %cond3A_234 {
        %add3A_285 = arith.constant 4 : i32
        %add3A_286 = arith.addi %add3A_213, %add3A_285 : i32
        %eq3A_287 = arith.constant 0 : i32
        %eq3A_288 = arith.cmpi eq, %arg0, %eq3A_287 : i32
        %convert_element_type3A_289 = arith.extui %eq3A_288 : i1 to i32
        %cond3A_290 = arith.constant 0 : i32
        %cond3A_291 = arith.cmpi ne, %convert_element_type3A_289, %cond3A_290 : i32
        scf.if %cond3A_291 {
          %dma_start3A = arith.constant 128 : i32
          %dma_start3A_297 = arith.constant 0 : i32
          %dma_start3A_298 = tpu.memref_slice %arg9[%dma_start3A, %dma_start3A_297] : memref<1024x128xbf16, #tpu.memory_space<vmem>> -> memref<128x128xbf16, #tpu.memory_space<vmem>>
          %dma_start3A_299 = arith.constant 0 : i32
          %dma_start3A_300 = tpu.memref_slice %arg7[%add3A_286, %dma_start3A_299] : memref<79x128xi32, #tpu.memory_space<vmem>> -> memref<1x128xi32, #tpu.memory_space<vmem>>
          %dma_start3A_301 = tpu.memref_squeeze %dma_start3A_300 : memref<1x128xi32, #tpu.memory_space<vmem>> -> memref<128xi32, #tpu.memory_space<vmem>>
          %dma_start3A_302 = arith.constant 0 : i32
          %dma_start3A_303 = arith.constant 0 : i32
          %dma_start3A_304 = tpu.memref_slice %arg2[%dma_start3A_302, %dma_start3A_303] : memref<10000x128xbf16, #tpu.memory_space<hbm>> -> memref<10000x128xbf16, #tpu.memory_space<hbm>>
          tpu.enqueue_indirect_dma source(%dma_start3A_304 : memref<10000x128xbf16, #tpu.memory_space<hbm>>) target(%dma_start3A_298 : memref<128x128xbf16, #tpu.memory_space<vmem>>) offsets(%dma_start3A_301 : memref<128xi32, #tpu.memory_space<vmem>>) semaphore(%arg12 : memref<!tpu.dma_semaphore, #tpu.memory_space<semaphore_mem>>)
        } else {
        }
        %eq3A_292 = arith.constant 1 : i32
        %eq3A_293 = arith.cmpi eq, %arg0, %eq3A_292 : i32
        %convert_element_type3A_294 = arith.extui %eq3A_293 : i1 to i32
        %cond3A_295 = arith.constant 0 : i32
        %cond3A_296 = arith.cmpi ne, %convert_element_type3A_294, %cond3A_295 : i32
        scf.if %cond3A_296 {
          %dma_start3A = arith.constant 128 : i32
          %dma_start3A_297 = arith.constant 0 : i32
          %dma_start3A_298 = tpu.memref_slice %arg9[%dma_start3A, %dma_start3A_297] : memref<1024x128xbf16, #tpu.memory_space<vmem>> -> memref<128x128xbf16, #tpu.memory_space<vmem>>
          %dma_start3A_299 = arith.constant 0 : i32
          %dma_start3A_300 = tpu.memref_slice %arg7[%add3A_286, %dma_start3A_299] : memref<79x128xi32, #tpu.memory_space<vmem>> -> memref<1x128xi32, #tpu.memory_space<vmem>>
          %dma_start3A_301 = tpu.memref_squeeze %dma_start3A_300 : memref<1x128xi32, #tpu.memory_space<vmem>> -> memref<128xi32, #tpu.memory_space<vmem>>
          %dma_start3A_302 = arith.constant 0 : i32
          %dma_start3A_303 = arith.constant 0 : i32
          %dma_start3A_304 = tpu.memref_slice %arg3[%dma_start3A_302, %dma_start3A_303] : memref<10000x128xbf16, #tpu.memory_space<hbm>> -> memref<10000x128xbf16, #tpu.memory_space<hbm>>
          tpu.enqueue_indirect_dma source(%dma_start3A_304 : memref<10000x128xbf16, #tpu.memory_space<hbm>>) target(%dma_start3A_298 : memref<128x128xbf16, #tpu.memory_space<vmem>>) offsets(%dma_start3A_301 : memref<128xi32, #tpu.memory_space<vmem>>) semaphore(%arg12 : memref<!tpu.dma_semaphore, #tpu.memory_space<semaphore_mem>>)
        } else {
        }
      } else {
      }
      %mul3A_235 = arith.constant 8 : i32
      %mul3A_236 = arith.muli %while3A_87, %mul3A_235 : i32
      %add3A_237 = arith.constant 6 : i32
      %add3A_238 = arith.addi %mul3A_236, %add3A_237 : i32
      %lt3A_239 = arith.cmpi slt, %add3A_238, %add3A_2 : i32
      %convert_element_type3A_240 = arith.extui %lt3A_239 : i1 to i32
      %cond3A_241 = arith.constant 0 : i32
      %cond3A_242 = arith.cmpi ne, %convert_element_type3A_240, %cond3A_241 : i32
      scf.if %cond3A_242 {
        %dma_wait3A = arith.constant 768 : i32
        %dma_wait3A_285 = arith.constant 0 : i32
        %dma_wait3A_286 = tpu.memref_slice %arg9[%dma_wait3A, %dma_wait3A_285] : memref<1024x128xbf16, #tpu.memory_space<vmem>> -> memref<128x128xbf16, #tpu.memory_space<vmem>>
        %dma_wait3A_287 = arith.constant 0 : i32
        %dma_wait3A_288 = tpu.memref_slice %arg7[%add3A_238, %dma_wait3A_287] : memref<79x128xi32, #tpu.memory_space<vmem>> -> memref<1x128xi32, #tpu.memory_space<vmem>>
        %dma_wait3A_289 = tpu.memref_squeeze %dma_wait3A_288 : memref<1x128xi32, #tpu.memory_space<vmem>> -> memref<128xi32, #tpu.memory_space<vmem>>
        %dma_wait3A_290 = arith.constant 0 : i32
        %dma_wait3A_291 = arith.constant 0 : i32
        %dma_wait3A_292 = tpu.memref_slice %arg2[%dma_wait3A_290, %dma_wait3A_291] : memref<10000x128xbf16, #tpu.memory_space<hbm>> -> memref<10000x128xbf16, #tpu.memory_space<hbm>>
        tpu.wait_indirect_dma semaphore(%arg17 : memref<!tpu.dma_semaphore, #tpu.memory_space<semaphore_mem>>) src(%dma_wait3A_292 : memref<10000x128xbf16, #tpu.memory_space<hbm>>) dst(%dma_wait3A_286 : memref<128x128xbf16, #tpu.memory_space<vmem>>)
        %dma_start3A = arith.constant 768 : i32
        %dma_start3A_293 = arith.constant 0 : i32
        %dma_start3A_294 = tpu.memref_slice %arg9[%dma_start3A, %dma_start3A_293] : memref<1024x128xbf16, #tpu.memory_space<vmem>> -> memref<128x128xbf16, #tpu.memory_space<vmem>>
        %dma_start3A_295 = arith.constant 0 : i32
        %dma_start3A_296 = tpu.memref_slice %arg8[%add3A_238, %dma_start3A_295] : memref<79x128xi32, #tpu.memory_space<vmem>> -> memref<1x128xi32, #tpu.memory_space<vmem>>
        %dma_start3A_297 = tpu.memref_squeeze %dma_start3A_296 : memref<1x128xi32, #tpu.memory_space<vmem>> -> memref<128xi32, #tpu.memory_space<vmem>>
        %dma_start3A_298 = arith.constant 0 : i32
        %dma_start3A_299 = arith.constant 0 : i32
        %dma_start3A_300 = tpu.memref_slice %arg10[%dma_start3A_298, %dma_start3A_299] : memref<10000x128xbf16, #tpu.memory_space<vmem_shared>> -> memref<10000x128xbf16, #tpu.memory_space<vmem_shared>>
        tpu.enqueue_indirect_dma source(%dma_start3A_294 : memref<128x128xbf16, #tpu.memory_space<vmem>>) target(%dma_start3A_300 : memref<10000x128xbf16, #tpu.memory_space<vmem_shared>>) offsets(%dma_start3A_297 : memref<128xi32, #tpu.memory_space<vmem>>) semaphore(%arg25 : memref<!tpu.dma_semaphore, #tpu.memory_space<semaphore_mem>>) {add = true}
      } else {
      }
      %ge3A_243 = arith.constant 4 : i32
      %ge3A_244 = arith.cmpi sge, %add3A_238, %ge3A_243 : i32
      %add3A_245 = arith.constant 4 : i32
      %add3A_246 = arith.addi %add3A_2, %add3A_245 : i32
      %sub3A_247 = arith.constant 1 : i32
      %sub3A_248 = arith.subi %add3A_246, %sub3A_247 : i32
      %le3A_249 = arith.cmpi sle, %add3A_238, %sub3A_248 : i32
      %and3A_250 = arith.andi %ge3A_244, %le3A_249 : i1
      %convert_element_type3A_251 = arith.extui %and3A_250 : i1 to i32
      %cond3A_252 = arith.constant 0 : i32
      %cond3A_253 = arith.cmpi ne, %convert_element_type3A_251, %cond3A_252 : i32
      scf.if %cond3A_253 {
        %sub3A_285 = arith.constant 4 : i32
        %sub3A_286 = arith.subi %add3A_238, %sub3A_285 : i32
        %dma_wait3A = arith.constant 256 : i32
        %dma_wait3A_287 = arith.constant 0 : i32
        %dma_wait3A_288 = tpu.memref_slice %arg9[%dma_wait3A, %dma_wait3A_287] : memref<1024x128xbf16, #tpu.memory_space<vmem>> -> memref<128x128xbf16, #tpu.memory_space<vmem>>
        %dma_wait3A_289 = arith.constant 0 : i32
        %dma_wait3A_290 = tpu.memref_slice %arg8[%sub3A_286, %dma_wait3A_289] : memref<79x128xi32, #tpu.memory_space<vmem>> -> memref<1x128xi32, #tpu.memory_space<vmem>>
        %dma_wait3A_291 = tpu.memref_squeeze %dma_wait3A_290 : memref<1x128xi32, #tpu.memory_space<vmem>> -> memref<128xi32, #tpu.memory_space<vmem>>
        %dma_wait3A_292 = arith.constant 0 : i32
        %dma_wait3A_293 = arith.constant 0 : i32
        %dma_wait3A_294 = tpu.memref_slice %arg10[%dma_wait3A_292, %dma_wait3A_293] : memref<10000x128xbf16, #tpu.memory_space<vmem_shared>> -> memref<10000x128xbf16, #tpu.memory_space<vmem_shared>>
        tpu.wait_indirect_dma semaphore(%arg21 : memref<!tpu.dma_semaphore, #tpu.memory_space<semaphore_mem>>) src(%dma_wait3A_288 : memref<128x128xbf16, #tpu.memory_space<vmem>>) dst(%dma_wait3A_294 : memref<10000x128xbf16, #tpu.memory_space<vmem_shared>>)
      } else {
      }
      %add3A_254 = arith.constant 4 : i32
      %add3A_255 = arith.addi %add3A_238, %add3A_254 : i32
      %lt3A_256 = arith.cmpi slt, %add3A_255, %add3A_2 : i32
      %convert_element_type3A_257 = arith.extui %lt3A_256 : i1 to i32
      %cond3A_258 = arith.constant 0 : i32
      %cond3A_259 = arith.cmpi ne, %convert_element_type3A_257, %cond3A_258 : i32
      scf.if %cond3A_259 {
        %add3A_285 = arith.constant 4 : i32
        %add3A_286 = arith.addi %add3A_238, %add3A_285 : i32
        %eq3A_287 = arith.constant 0 : i32
        %eq3A_288 = arith.cmpi eq, %arg0, %eq3A_287 : i32
        %convert_element_type3A_289 = arith.extui %eq3A_288 : i1 to i32
        %cond3A_290 = arith.constant 0 : i32
        %cond3A_291 = arith.cmpi ne, %convert_element_type3A_289, %cond3A_290 : i32
        scf.if %cond3A_291 {
          %dma_start3A = arith.constant 256 : i32
          %dma_start3A_297 = arith.constant 0 : i32
          %dma_start3A_298 = tpu.memref_slice %arg9[%dma_start3A, %dma_start3A_297] : memref<1024x128xbf16, #tpu.memory_space<vmem>> -> memref<128x128xbf16, #tpu.memory_space<vmem>>
          %dma_start3A_299 = arith.constant 0 : i32
          %dma_start3A_300 = tpu.memref_slice %arg7[%add3A_286, %dma_start3A_299] : memref<79x128xi32, #tpu.memory_space<vmem>> -> memref<1x128xi32, #tpu.memory_space<vmem>>
          %dma_start3A_301 = tpu.memref_squeeze %dma_start3A_300 : memref<1x128xi32, #tpu.memory_space<vmem>> -> memref<128xi32, #tpu.memory_space<vmem>>
          %dma_start3A_302 = arith.constant 0 : i32
          %dma_start3A_303 = arith.constant 0 : i32
          %dma_start3A_304 = tpu.memref_slice %arg2[%dma_start3A_302, %dma_start3A_303] : memref<10000x128xbf16, #tpu.memory_space<hbm>> -> memref<10000x128xbf16, #tpu.memory_space<hbm>>
          tpu.enqueue_indirect_dma source(%dma_start3A_304 : memref<10000x128xbf16, #tpu.memory_space<hbm>>) target(%dma_start3A_298 : memref<128x128xbf16, #tpu.memory_space<vmem>>) offsets(%dma_start3A_301 : memref<128xi32, #tpu.memory_space<vmem>>) semaphore(%arg13 : memref<!tpu.dma_semaphore, #tpu.memory_space<semaphore_mem>>)
        } else {
        }
        %eq3A_292 = arith.constant 1 : i32
        %eq3A_293 = arith.cmpi eq, %arg0, %eq3A_292 : i32
        %convert_element_type3A_294 = arith.extui %eq3A_293 : i1 to i32
        %cond3A_295 = arith.constant 0 : i32
        %cond3A_296 = arith.cmpi ne, %convert_element_type3A_294, %cond3A_295 : i32
        scf.if %cond3A_296 {
          %dma_start3A = arith.constant 256 : i32
          %dma_start3A_297 = arith.constant 0 : i32
          %dma_start3A_298 = tpu.memref_slice %arg9[%dma_start3A, %dma_start3A_297] : memref<1024x128xbf16, #tpu.memory_space<vmem>> -> memref<128x128xbf16, #tpu.memory_space<vmem>>
          %dma_start3A_299 = arith.constant 0 : i32
          %dma_start3A_300 = tpu.memref_slice %arg7[%add3A_286, %dma_start3A_299] : memref<79x128xi32, #tpu.memory_space<vmem>> -> memref<1x128xi32, #tpu.memory_space<vmem>>
          %dma_start3A_301 = tpu.memref_squeeze %dma_start3A_300 : memref<1x128xi32, #tpu.memory_space<vmem>> -> memref<128xi32, #tpu.memory_space<vmem>>
          %dma_start3A_302 = arith.constant 0 : i32
          %dma_start3A_303 = arith.constant 0 : i32
          %dma_start3A_304 = tpu.memref_slice %arg3[%dma_start3A_302, %dma_start3A_303] : memref<10000x128xbf16, #tpu.memory_space<hbm>> -> memref<10000x128xbf16, #tpu.memory_space<hbm>>
          tpu.enqueue_indirect_dma source(%dma_start3A_304 : memref<10000x128xbf16, #tpu.memory_space<hbm>>) target(%dma_start3A_298 : memref<128x128xbf16, #tpu.memory_space<vmem>>) offsets(%dma_start3A_301 : memref<128xi32, #tpu.memory_space<vmem>>) semaphore(%arg13 : memref<!tpu.dma_semaphore, #tpu.memory_space<semaphore_mem>>)
        } else {
        }
      } else {
      }
      %mul3A_260 = arith.constant 8 : i32
      %mul3A_261 = arith.muli %while3A_87, %mul3A_260 : i32
      %add3A_262 = arith.constant 7 : i32
      %add3A_263 = arith.addi %mul3A_261, %add3A_262 : i32
      %lt3A_264 = arith.cmpi slt, %add3A_263, %add3A_2 : i32
      %convert_element_type3A_265 = arith.extui %lt3A_264 : i1 to i32
      %cond3A_266 = arith.constant 0 : i32
      %cond3A_267 = arith.cmpi ne, %convert_element_type3A_265, %cond3A_266 : i32
      scf.if %cond3A_267 {
        %dma_wait3A = arith.constant 896 : i32
        %dma_wait3A_285 = arith.constant 0 : i32
        %dma_wait3A_286 = tpu.memref_slice %arg9[%dma_wait3A, %dma_wait3A_285] : memref<1024x128xbf16, #tpu.memory_space<vmem>> -> memref<128x128xbf16, #tpu.memory_space<vmem>>
        %dma_wait3A_287 = arith.constant 0 : i32
        %dma_wait3A_288 = tpu.memref_slice %arg7[%add3A_263, %dma_wait3A_287] : memref<79x128xi32, #tpu.memory_space<vmem>> -> memref<1x128xi32, #tpu.memory_space<vmem>>
        %dma_wait3A_289 = tpu.memref_squeeze %dma_wait3A_288 : memref<1x128xi32, #tpu.memory_space<vmem>> -> memref<128xi32, #tpu.memory_space<vmem>>
        %dma_wait3A_290 = arith.constant 0 : i32
        %dma_wait3A_291 = arith.constant 0 : i32
        %dma_wait3A_292 = tpu.memref_slice %arg2[%dma_wait3A_290, %dma_wait3A_291] : memref<10000x128xbf16, #tpu.memory_space<hbm>> -> memref<10000x128xbf16, #tpu.memory_space<hbm>>
        tpu.wait_indirect_dma semaphore(%arg18 : memref<!tpu.dma_semaphore, #tpu.memory_space<semaphore_mem>>) src(%dma_wait3A_292 : memref<10000x128xbf16, #tpu.memory_space<hbm>>) dst(%dma_wait3A_286 : memref<128x128xbf16, #tpu.memory_space<vmem>>)
        %dma_start3A = arith.constant 896 : i32
        %dma_start3A_293 = arith.constant 0 : i32
        %dma_start3A_294 = tpu.memref_slice %arg9[%dma_start3A, %dma_start3A_293] : memref<1024x128xbf16, #tpu.memory_space<vmem>> -> memref<128x128xbf16, #tpu.memory_space<vmem>>
        %dma_start3A_295 = arith.constant 0 : i32
        %dma_start3A_296 = tpu.memref_slice %arg8[%add3A_263, %dma_start3A_295] : memref<79x128xi32, #tpu.memory_space<vmem>> -> memref<1x128xi32, #tpu.memory_space<vmem>>
        %dma_start3A_297 = tpu.memref_squeeze %dma_start3A_296 : memref<1x128xi32, #tpu.memory_space<vmem>> -> memref<128xi32, #tpu.memory_space<vmem>>
        %dma_start3A_298 = arith.constant 0 : i32
        %dma_start3A_299 = arith.constant 0 : i32
        %dma_start3A_300 = tpu.memref_slice %arg10[%dma_start3A_298, %dma_start3A_299] : memref<10000x128xbf16, #tpu.memory_space<vmem_shared>> -> memref<10000x128xbf16, #tpu.memory_space<vmem_shared>>
        tpu.enqueue_indirect_dma source(%dma_start3A_294 : memref<128x128xbf16, #tpu.memory_space<vmem>>) target(%dma_start3A_300 : memref<10000x128xbf16, #tpu.memory_space<vmem_shared>>) offsets(%dma_start3A_297 : memref<128xi32, #tpu.memory_space<vmem>>) semaphore(%arg26 : memref<!tpu.dma_semaphore, #tpu.memory_space<semaphore_mem>>) {add = true}
      } else {
      }
      %ge3A_268 = arith.constant 4 : i32
      %ge3A_269 = arith.cmpi sge, %add3A_263, %ge3A_268 : i32
      %add3A_270 = arith.constant 4 : i32
      %add3A_271 = arith.addi %add3A_2, %add3A_270 : i32
      %sub3A_272 = arith.constant 1 : i32
      %sub3A_273 = arith.subi %add3A_271, %sub3A_272 : i32
      %le3A_274 = arith.cmpi sle, %add3A_263, %sub3A_273 : i32
      %and3A_275 = arith.andi %ge3A_269, %le3A_274 : i1
      %convert_element_type3A_276 = arith.extui %and3A_275 : i1 to i32
      %cond3A_277 = arith.constant 0 : i32
      %cond3A_278 = arith.cmpi ne, %convert_element_type3A_276, %cond3A_277 : i32
      scf.if %cond3A_278 {
        %sub3A_285 = arith.constant 4 : i32
        %sub3A_286 = arith.subi %add3A_263, %sub3A_285 : i32
        %dma_wait3A = arith.constant 384 : i32
        %dma_wait3A_287 = arith.constant 0 : i32
        %dma_wait3A_288 = tpu.memref_slice %arg9[%dma_wait3A, %dma_wait3A_287] : memref<1024x128xbf16, #tpu.memory_space<vmem>> -> memref<128x128xbf16, #tpu.memory_space<vmem>>
        %dma_wait3A_289 = arith.constant 0 : i32
        %dma_wait3A_290 = tpu.memref_slice %arg8[%sub3A_286, %dma_wait3A_289] : memref<79x128xi32, #tpu.memory_space<vmem>> -> memref<1x128xi32, #tpu.memory_space<vmem>>
        %dma_wait3A_291 = tpu.memref_squeeze %dma_wait3A_290 : memref<1x128xi32, #tpu.memory_space<vmem>> -> memref<128xi32, #tpu.memory_space<vmem>>
        %dma_wait3A_292 = arith.constant 0 : i32
        %dma_wait3A_293 = arith.constant 0 : i32
        %dma_wait3A_294 = tpu.memref_slice %arg10[%dma_wait3A_292, %dma_wait3A_293] : memref<10000x128xbf16, #tpu.memory_space<vmem_shared>> -> memref<10000x128xbf16, #tpu.memory_space<vmem_shared>>
        tpu.wait_indirect_dma semaphore(%arg22 : memref<!tpu.dma_semaphore, #tpu.memory_space<semaphore_mem>>) src(%dma_wait3A_288 : memref<128x128xbf16, #tpu.memory_space<vmem>>) dst(%dma_wait3A_294 : memref<10000x128xbf16, #tpu.memory_space<vmem_shared>>)
      } else {
      }
      %add3A_279 = arith.constant 4 : i32
      %add3A_280 = arith.addi %add3A_263, %add3A_279 : i32
      %lt3A_281 = arith.cmpi slt, %add3A_280, %add3A_2 : i32
      %convert_element_type3A_282 = arith.extui %lt3A_281 : i1 to i32
      %cond3A_283 = arith.constant 0 : i32
      %cond3A_284 = arith.cmpi ne, %convert_element_type3A_282, %cond3A_283 : i32
      scf.if %cond3A_284 {
        %add3A_285 = arith.constant 4 : i32
        %add3A_286 = arith.addi %add3A_263, %add3A_285 : i32
        %eq3A_287 = arith.constant 0 : i32
        %eq3A_288 = arith.cmpi eq, %arg0, %eq3A_287 : i32
        %convert_element_type3A_289 = arith.extui %eq3A_288 : i1 to i32
        %cond3A_290 = arith.constant 0 : i32
        %cond3A_291 = arith.cmpi ne, %convert_element_type3A_289, %cond3A_290 : i32
        scf.if %cond3A_291 {
          %dma_start3A = arith.constant 384 : i32
          %dma_start3A_297 = arith.constant 0 : i32
          %dma_start3A_298 = tpu.memref_slice %arg9[%dma_start3A, %dma_start3A_297] : memref<1024x128xbf16, #tpu.memory_space<vmem>> -> memref<128x128xbf16, #tpu.memory_space<vmem>>
          %dma_start3A_299 = arith.constant 0 : i32
          %dma_start3A_300 = tpu.memref_slice %arg7[%add3A_286, %dma_start3A_299] : memref<79x128xi32, #tpu.memory_space<vmem>> -> memref<1x128xi32, #tpu.memory_space<vmem>>
          %dma_start3A_301 = tpu.memref_squeeze %dma_start3A_300 : memref<1x128xi32, #tpu.memory_space<vmem>> -> memref<128xi32, #tpu.memory_space<vmem>>
          %dma_start3A_302 = arith.constant 0 : i32
          %dma_start3A_303 = arith.constant 0 : i32
          %dma_start3A_304 = tpu.memref_slice %arg2[%dma_start3A_302, %dma_start3A_303] : memref<10000x128xbf16, #tpu.memory_space<hbm>> -> memref<10000x128xbf16, #tpu.memory_space<hbm>>
          tpu.enqueue_indirect_dma source(%dma_start3A_304 : memref<10000x128xbf16, #tpu.memory_space<hbm>>) target(%dma_start3A_298 : memref<128x128xbf16, #tpu.memory_space<vmem>>) offsets(%dma_start3A_301 : memref<128xi32, #tpu.memory_space<vmem>>) semaphore(%arg14 : memref<!tpu.dma_semaphore, #tpu.memory_space<semaphore_mem>>)
        } else {
        }
        %eq3A_292 = arith.constant 1 : i32
        %eq3A_293 = arith.cmpi eq, %arg0, %eq3A_292 : i32
        %convert_element_type3A_294 = arith.extui %eq3A_293 : i1 to i32
        %cond3A_295 = arith.constant 0 : i32
        %cond3A_296 = arith.cmpi ne, %convert_element_type3A_294, %cond3A_295 : i32
        scf.if %cond3A_296 {
          %dma_start3A = arith.constant 384 : i32
          %dma_start3A_297 = arith.constant 0 : i32
          %dma_start3A_298 = tpu.memref_slice %arg9[%dma_start3A, %dma_start3A_297] : memref<1024x128xbf16, #tpu.memory_space<vmem>> -> memref<128x128xbf16, #tpu.memory_space<vmem>>
          %dma_start3A_299 = arith.constant 0 : i32
          %dma_start3A_300 = tpu.memref_slice %arg7[%add3A_286, %dma_start3A_299] : memref<79x128xi32, #tpu.memory_space<vmem>> -> memref<1x128xi32, #tpu.memory_space<vmem>>
          %dma_start3A_301 = tpu.memref_squeeze %dma_start3A_300 : memref<1x128xi32, #tpu.memory_space<vmem>> -> memref<128xi32, #tpu.memory_space<vmem>>
          %dma_start3A_302 = arith.constant 0 : i32
          %dma_start3A_303 = arith.constant 0 : i32
          %dma_start3A_304 = tpu.memref_slice %arg3[%dma_start3A_302, %dma_start3A_303] : memref<10000x128xbf16, #tpu.memory_space<hbm>> -> memref<10000x128xbf16, #tpu.memory_space<hbm>>
          tpu.enqueue_indirect_dma source(%dma_start3A_304 : memref<10000x128xbf16, #tpu.memory_space<hbm>>) target(%dma_start3A_298 : memref<128x128xbf16, #tpu.memory_space<vmem>>) offsets(%dma_start3A_301 : memref<128xi32, #tpu.memory_space<vmem>>) semaphore(%arg14 : memref<!tpu.dma_semaphore, #tpu.memory_space<semaphore_mem>>)
        } else {
        }
      } else {
      }
    }
    %barrier3A_76 = arith.constant 0 : index
    tpu.barrier barrier_id(%barrier3A_76)
    %eq3A_77 = arith.constant 0 : i32
    %eq3A_78 = arith.cmpi eq, %arg0, %eq3A_77 : i32
    %convert_element_type3A_79 = arith.extui %eq3A_78 : i1 to i32
    %cond3A_80 = arith.constant 0 : i32
    %cond3A_81 = arith.cmpi ne, %convert_element_type3A_79, %cond3A_80 : i32
    scf.if %cond3A_81 {
      "tpu.region"() ({
        %run_scoped3A_87 = tpu.sem_alloc : memref<!tpu.dma_semaphore, #tpu.memory_space<semaphore_mem>>
        %dma_start3A = arith.constant 0 : i32
        %dma_start3A_88 = tpu.memref_slice %arg5[%mul3A_0, %dma_start3A] : memref<10000x128xbf16, #tpu.memory_space<hbm>> -> memref<625x128xbf16, #tpu.memory_space<hbm>>
        %dma_start3A_89 = arith.constant 0 : i32
        %dma_start3A_90 = tpu.memref_slice %arg10[%mul3A_0, %dma_start3A_89] : memref<10000x128xbf16, #tpu.memory_space<vmem_shared>> -> memref<625x128xbf16, #tpu.memory_space<vmem_shared>>
        tpu.enqueue_dma source(%dma_start3A_90 : memref<625x128xbf16, #tpu.memory_space<vmem_shared>>) target(%dma_start3A_88 : memref<625x128xbf16, #tpu.memory_space<hbm>>) target_semaphore(%run_scoped3A_87 : memref<!tpu.dma_semaphore, #tpu.memory_space<semaphore_mem>>)
        %dma_wait3A = arith.constant 0 : i32
        %dma_wait3A_91 = tpu.memref_slice %arg5[%mul3A_0, %dma_wait3A] : memref<10000x128xbf16, #tpu.memory_space<hbm>> -> memref<625x128xbf16, #tpu.memory_space<hbm>>
        %dma_wait3A_92 = arith.constant 0 : i32
        %dma_wait3A_93 = tpu.memref_slice %arg10[%mul3A_0, %dma_wait3A_92] : memref<10000x128xbf16, #tpu.memory_space<vmem_shared>> -> memref<625x128xbf16, #tpu.memory_space<vmem_shared>>
        tpu.wait_dma2 semaphore(%run_scoped3A_87 : memref<!tpu.dma_semaphore, #tpu.memory_space<semaphore_mem>>) src(%dma_wait3A_93 : memref<625x128xbf16, #tpu.memory_space<vmem_shared>>) dst(%dma_wait3A_91 : memref<625x128xbf16, #tpu.memory_space<hbm>>)
        tpu.yield
      }) : () -> ()
    } else {
    }
    %eq3A_82 = arith.constant 1 : i32
    %eq3A_83 = arith.cmpi eq, %arg0, %eq3A_82 : i32
    %convert_element_type3A_84 = arith.extui %eq3A_83 : i1 to i32
    %cond3A_85 = arith.constant 0 : i32
    %cond3A_86 = arith.cmpi ne, %convert_element_type3A_84, %cond3A_85 : i32
    scf.if %cond3A_86 {
      "tpu.region"() ({
        %run_scoped3A_87 = tpu.sem_alloc : memref<!tpu.dma_semaphore, #tpu.memory_space<semaphore_mem>>
        %dma_start3A = arith.constant 0 : i32
        %dma_start3A_88 = tpu.memref_slice %arg6[%mul3A_0, %dma_start3A] : memref<10000x128xbf16, #tpu.memory_space<hbm>> -> memref<625x128xbf16, #tpu.memory_space<hbm>>
        %dma_start3A_89 = arith.constant 0 : i32
        %dma_start3A_90 = tpu.memref_slice %arg10[%mul3A_0, %dma_start3A_89] : memref<10000x128xbf16, #tpu.memory_space<vmem_shared>> -> memref<625x128xbf16, #tpu.memory_space<vmem_shared>>
        tpu.enqueue_dma source(%dma_start3A_90 : memref<625x128xbf16, #tpu.memory_space<vmem_shared>>) target(%dma_start3A_88 : memref<625x128xbf16, #tpu.memory_space<hbm>>) target_semaphore(%run_scoped3A_87 : memref<!tpu.dma_semaphore, #tpu.memory_space<semaphore_mem>>)
        %dma_wait3A = arith.constant 0 : i32
        %dma_wait3A_91 = tpu.memref_slice %arg6[%mul3A_0, %dma_wait3A] : memref<10000x128xbf16, #tpu.memory_space<hbm>> -> memref<625x128xbf16, #tpu.memory_space<hbm>>
        %dma_wait3A_92 = arith.constant 0 : i32
        %dma_wait3A_93 = tpu.memref_slice %arg10[%mul3A_0, %dma_wait3A_92] : memref<10000x128xbf16, #tpu.memory_space<vmem_shared>> -> memref<625x128xbf16, #tpu.memory_space<vmem_shared>>
        tpu.wait_dma2 semaphore(%run_scoped3A_87 : memref<!tpu.dma_semaphore, #tpu.memory_space<semaphore_mem>>) src(%dma_wait3A_93 : memref<625x128xbf16, #tpu.memory_space<vmem_shared>>) dst(%dma_wait3A_91 : memref<625x128xbf16, #tpu.memory_space<hbm>>)
        tpu.yield
      }) : () -> ()
    } else {
    }
    return
  }
}

#map = affine_map<(d0, d1) -> (0, 0)>
#map1 = affine_map<(d0, d1) -> (0, 0, 0)>
module attributes {stable_mosaic.version = 14 : i64} {
  func.func @_agg2_kernel(%arg0: i32, %arg1: i32, %arg2: memref<10000x16xf32, #tpu.memory_space<hbm>>, %arg3: memref<2x1250x128xi32, #tpu.memory_space<hbm>>, %arg4: memref<10000x16xf32, #tpu.memory_space<hbm>>, %arg5: memref<10000x16xf32, #tpu.memory_space<hbm>>, %arg6: memref<40x128xi32, #tpu.memory_space<vmem>>, %arg7: memref<40x128xi32, #tpu.memory_space<vmem>>, %arg8: memref<1024x16xf32, #tpu.memory_space<vmem>>, %arg9: memref<10000x16xf32, #tpu.memory_space<vmem_shared>>, %arg10: memref<!tpu.dma_semaphore, #tpu.memory_space<semaphore_mem>>, %arg11: memref<!tpu.dma_semaphore, #tpu.memory_space<semaphore_mem>>, %arg12: memref<!tpu.dma_semaphore, #tpu.memory_space<semaphore_mem>>, %arg13: memref<!tpu.dma_semaphore, #tpu.memory_space<semaphore_mem>>, %arg14: memref<!tpu.dma_semaphore, #tpu.memory_space<semaphore_mem>>, %arg15: memref<!tpu.dma_semaphore, #tpu.memory_space<semaphore_mem>>, %arg16: memref<!tpu.dma_semaphore, #tpu.memory_space<semaphore_mem>>, %arg17: memref<!tpu.dma_semaphore, #tpu.memory_space<semaphore_mem>>, %arg18: memref<!tpu.dma_semaphore, #tpu.memory_space<semaphore_mem>>, %arg19: memref<!tpu.dma_semaphore, #tpu.memory_space<semaphore_mem>>, %arg20: memref<!tpu.dma_semaphore, #tpu.memory_space<semaphore_mem>>, %arg21: memref<!tpu.dma_semaphore, #tpu.memory_space<semaphore_mem>>, %arg22: memref<!tpu.dma_semaphore, #tpu.memory_space<semaphore_mem>>, %arg23: memref<!tpu.dma_semaphore, #tpu.memory_space<semaphore_mem>>, %arg24: memref<!tpu.dma_semaphore, #tpu.memory_space<semaphore_mem>>, %arg25: memref<!tpu.dma_semaphore, #tpu.memory_space<semaphore_mem>>) attributes {dimension_semantics = [#tpu.dimension_semantics<core_parallel>, #tpu.dimension_semantics<subcore_parallel>], iteration_bounds = array<i64: 2, 16>, scalar_prefetch = 0 : i64, scratch_operands = 20 : i64, tpu.core_type = #tpu.core_type<sc_vector_subcore>, window_params = [{transform_indices = #map}, {transform_indices = #map1}, {transform_indices = #map}, {transform_indices = #map}]} {
    %mul3A = arith.constant 625 : i32
    %mul3A_0 = arith.muli %arg1, %mul3A : i32
    %mul3A_1 = arith.constant 16 : i32
    %mul3A_2 = arith.muli %arg0, %mul3A_1 : i32
    %add3A = arith.addi %mul3A_2, %arg1 : i32
    %lt3A = arith.constant 2 : i32
    %lt3A_3 = arith.cmpi slt, %add3A, %lt3A : i32
    %convert_element_type3A = arith.extui %lt3A_3 : i1 to i32
    %add3A_4 = arith.constant 39 : i32
    %add3A_5 = arith.addi %add3A_4, %convert_element_type3A : i32
    %mul3A_6 = arith.constant 39 : i32
    %mul3A_7 = arith.muli %add3A, %mul3A_6 : i32
    %min3A = arith.constant 2 : i32
    %min3A_8 = arith.minsi %add3A, %min3A : i32
    %add3A_9 = arith.addi %mul3A_7, %min3A_8 : i32
    %run_scoped3A = arith.constant 0 : i32
    "tpu.region"() ({
      %run_scoped3A_79 = tpu.sem_alloc : memref<!tpu.dma_semaphore, #tpu.memory_space<semaphore_mem>>
      %dma_start3A_80 = arith.constant 0 : i32
      %dma_start3A_81 = arith.constant 0 : i32
      %dma_start3A_82 = tpu.memref_slice %arg6[%dma_start3A_80, %dma_start3A_81] : memref<40x128xi32, #tpu.memory_space<vmem>> -> memref<39x128xi32, #tpu.memory_space<vmem>>
      %dma_start3A_83 = arith.constant 0 : i32
      %dma_start3A_84 = tpu.memref_slice %arg3[%run_scoped3A, %add3A_9, %dma_start3A_83] : memref<2x1250x128xi32, #tpu.memory_space<hbm>> -> memref<1x39x128xi32, #tpu.memory_space<hbm>>
      %dma_start3A_85 = tpu.memref_squeeze %dma_start3A_84 : memref<1x39x128xi32, #tpu.memory_space<hbm>> -> memref<39x128xi32, #tpu.memory_space<hbm>>
      %dma_start3A_86 = arith.constant 0 : i32
      %dma_start3A_87 = arith.constant 0 : i32
      %dma_start3A_88 = tpu.memref_slice %arg6[%dma_start3A_86, %dma_start3A_87] : memref<40x128xi32, #tpu.memory_space<vmem>> -> memref<39x128xi32, #tpu.memory_space<vmem>>
      %dma_start3A_89 = arith.constant 0 : i32
      %dma_start3A_90 = tpu.memref_slice %arg3[%run_scoped3A, %add3A_9, %dma_start3A_89] : memref<2x1250x128xi32, #tpu.memory_space<hbm>> -> memref<1x39x128xi32, #tpu.memory_space<hbm>>
      %dma_start3A_91 = tpu.memref_squeeze %dma_start3A_90 : memref<1x39x128xi32, #tpu.memory_space<hbm>> -> memref<39x128xi32, #tpu.memory_space<hbm>>
      tpu.enqueue_dma source(%dma_start3A_91 : memref<39x128xi32, #tpu.memory_space<hbm>>) target(%dma_start3A_88 : memref<39x128xi32, #tpu.memory_space<vmem>>) target_semaphore(%run_scoped3A_79 : memref<!tpu.dma_semaphore, #tpu.memory_space<semaphore_mem>>)
      %dma_wait3A = arith.constant 0 : i32
      %dma_wait3A_92 = arith.constant 0 : i32
      %dma_wait3A_93 = tpu.memref_slice %arg6[%dma_wait3A, %dma_wait3A_92] : memref<40x128xi32, #tpu.memory_space<vmem>> -> memref<39x128xi32, #tpu.memory_space<vmem>>
      %dma_wait3A_94 = arith.constant 0 : i32
      %dma_wait3A_95 = tpu.memref_slice %arg3[%run_scoped3A, %add3A_9, %dma_wait3A_94] : memref<2x1250x128xi32, #tpu.memory_space<hbm>> -> memref<1x39x128xi32, #tpu.memory_space<hbm>>
      %dma_wait3A_96 = tpu.memref_squeeze %dma_wait3A_95 : memref<1x39x128xi32, #tpu.memory_space<hbm>> -> memref<39x128xi32, #tpu.memory_space<hbm>>
      %dma_wait3A_97 = arith.constant 0 : i32
      %dma_wait3A_98 = arith.constant 0 : i32
      %dma_wait3A_99 = tpu.memref_slice %arg6[%dma_wait3A_97, %dma_wait3A_98] : memref<40x128xi32, #tpu.memory_space<vmem>> -> memref<39x128xi32, #tpu.memory_space<vmem>>
      %dma_wait3A_100 = arith.constant 0 : i32
      %dma_wait3A_101 = tpu.memref_slice %arg3[%run_scoped3A, %add3A_9, %dma_wait3A_100] : memref<2x1250x128xi32, #tpu.memory_space<hbm>> -> memref<1x39x128xi32, #tpu.memory_space<hbm>>
      %dma_wait3A_102 = tpu.memref_squeeze %dma_wait3A_101 : memref<1x39x128xi32, #tpu.memory_space<hbm>> -> memref<39x128xi32, #tpu.memory_space<hbm>>
      tpu.wait_dma2 semaphore(%run_scoped3A_79 : memref<!tpu.dma_semaphore, #tpu.memory_space<semaphore_mem>>) src(%dma_wait3A_102 : memref<39x128xi32, #tpu.memory_space<hbm>>) dst(%dma_wait3A_99 : memref<39x128xi32, #tpu.memory_space<vmem>>)
      tpu.yield
    }) : () -> ()
    %run_scoped3A_10 = arith.constant 1 : i32
    "tpu.region"() ({
      %run_scoped3A_79 = tpu.sem_alloc : memref<!tpu.dma_semaphore, #tpu.memory_space<semaphore_mem>>
      %dma_start3A_80 = arith.constant 0 : i32
      %dma_start3A_81 = arith.constant 0 : i32
      %dma_start3A_82 = tpu.memref_slice %arg7[%dma_start3A_80, %dma_start3A_81] : memref<40x128xi32, #tpu.memory_space<vmem>> -> memref<39x128xi32, #tpu.memory_space<vmem>>
      %dma_start3A_83 = arith.constant 0 : i32
      %dma_start3A_84 = tpu.memref_slice %arg3[%run_scoped3A_10, %add3A_9, %dma_start3A_83] : memref<2x1250x128xi32, #tpu.memory_space<hbm>> -> memref<1x39x128xi32, #tpu.memory_space<hbm>>
      %dma_start3A_85 = tpu.memref_squeeze %dma_start3A_84 : memref<1x39x128xi32, #tpu.memory_space<hbm>> -> memref<39x128xi32, #tpu.memory_space<hbm>>
      %dma_start3A_86 = arith.constant 0 : i32
      %dma_start3A_87 = arith.constant 0 : i32
      %dma_start3A_88 = tpu.memref_slice %arg7[%dma_start3A_86, %dma_start3A_87] : memref<40x128xi32, #tpu.memory_space<vmem>> -> memref<39x128xi32, #tpu.memory_space<vmem>>
      %dma_start3A_89 = arith.constant 0 : i32
      %dma_start3A_90 = tpu.memref_slice %arg3[%run_scoped3A_10, %add3A_9, %dma_start3A_89] : memref<2x1250x128xi32, #tpu.memory_space<hbm>> -> memref<1x39x128xi32, #tpu.memory_space<hbm>>
      %dma_start3A_91 = tpu.memref_squeeze %dma_start3A_90 : memref<1x39x128xi32, #tpu.memory_space<hbm>> -> memref<39x128xi32, #tpu.memory_space<hbm>>
      tpu.enqueue_dma source(%dma_start3A_91 : memref<39x128xi32, #tpu.memory_space<hbm>>) target(%dma_start3A_88 : memref<39x128xi32, #tpu.memory_space<vmem>>) target_semaphore(%run_scoped3A_79 : memref<!tpu.dma_semaphore, #tpu.memory_space<semaphore_mem>>)
      %dma_wait3A = arith.constant 0 : i32
      %dma_wait3A_92 = arith.constant 0 : i32
      %dma_wait3A_93 = tpu.memref_slice %arg7[%dma_wait3A, %dma_wait3A_92] : memref<40x128xi32, #tpu.memory_space<vmem>> -> memref<39x128xi32, #tpu.memory_space<vmem>>
      %dma_wait3A_94 = arith.constant 0 : i32
      %dma_wait3A_95 = tpu.memref_slice %arg3[%run_scoped3A_10, %add3A_9, %dma_wait3A_94] : memref<2x1250x128xi32, #tpu.memory_space<hbm>> -> memref<1x39x128xi32, #tpu.memory_space<hbm>>
      %dma_wait3A_96 = tpu.memref_squeeze %dma_wait3A_95 : memref<1x39x128xi32, #tpu.memory_space<hbm>> -> memref<39x128xi32, #tpu.memory_space<hbm>>
      %dma_wait3A_97 = arith.constant 0 : i32
      %dma_wait3A_98 = arith.constant 0 : i32
      %dma_wait3A_99 = tpu.memref_slice %arg7[%dma_wait3A_97, %dma_wait3A_98] : memref<40x128xi32, #tpu.memory_space<vmem>> -> memref<39x128xi32, #tpu.memory_space<vmem>>
      %dma_wait3A_100 = arith.constant 0 : i32
      %dma_wait3A_101 = tpu.memref_slice %arg3[%run_scoped3A_10, %add3A_9, %dma_wait3A_100] : memref<2x1250x128xi32, #tpu.memory_space<hbm>> -> memref<1x39x128xi32, #tpu.memory_space<hbm>>
      %dma_wait3A_102 = tpu.memref_squeeze %dma_wait3A_101 : memref<1x39x128xi32, #tpu.memory_space<hbm>> -> memref<39x128xi32, #tpu.memory_space<hbm>>
      tpu.wait_dma2 semaphore(%run_scoped3A_79 : memref<!tpu.dma_semaphore, #tpu.memory_space<semaphore_mem>>) src(%dma_wait3A_102 : memref<39x128xi32, #tpu.memory_space<hbm>>) dst(%dma_wait3A_99 : memref<39x128xi32, #tpu.memory_space<vmem>>)
      tpu.yield
    }) : () -> ()
    %lt3A_11 = arith.constant 2 : i32
    %lt3A_12 = arith.cmpi slt, %add3A, %lt3A_11 : i32
    %convert_element_type3A_13 = arith.extui %lt3A_12 : i1 to i32
    %cond3A = arith.constant 0 : i32
    %cond3A_14 = arith.cmpi ne, %convert_element_type3A_13, %cond3A : i32
    scf.if %cond3A_14 {
      %add3A_79 = arith.constant 39 : i32
      %add3A_80 = arith.addi %add3A_9, %add3A_79 : i32
      %run_scoped3A_81 = arith.constant 0 : i32
      "tpu.region"() ({
        %run_scoped3A_85 = tpu.sem_alloc : memref<!tpu.dma_semaphore, #tpu.memory_space<semaphore_mem>>
        %dma_start3A_86 = arith.constant 39 : i32
        %dma_start3A_87 = arith.constant 0 : i32
        %dma_start3A_88 = tpu.memref_slice %arg6[%dma_start3A_86, %dma_start3A_87] : memref<40x128xi32, #tpu.memory_space<vmem>> -> memref<1x128xi32, #tpu.memory_space<vmem>>
        %dma_start3A_89 = arith.constant 0 : i32
        %dma_start3A_90 = tpu.memref_slice %arg3[%run_scoped3A_81, %add3A_80, %dma_start3A_89] : memref<2x1250x128xi32, #tpu.memory_space<hbm>> -> memref<1x1x128xi32, #tpu.memory_space<hbm>>
        %dma_start3A_91 = tpu.memref_squeeze %dma_start3A_90 : memref<1x1x128xi32, #tpu.memory_space<hbm>> -> memref<1x128xi32, #tpu.memory_space<hbm>>
        %dma_start3A_92 = arith.constant 39 : i32
        %dma_start3A_93 = arith.constant 0 : i32
        %dma_start3A_94 = tpu.memref_slice %arg6[%dma_start3A_92, %dma_start3A_93] : memref<40x128xi32, #tpu.memory_space<vmem>> -> memref<1x128xi32, #tpu.memory_space<vmem>>
        %dma_start3A_95 = arith.constant 0 : i32
        %dma_start3A_96 = tpu.memref_slice %arg3[%run_scoped3A_81, %add3A_80, %dma_start3A_95] : memref<2x1250x128xi32, #tpu.memory_space<hbm>> -> memref<1x1x128xi32, #tpu.memory_space<hbm>>
        %dma_start3A_97 = tpu.memref_squeeze %dma_start3A_96 : memref<1x1x128xi32, #tpu.memory_space<hbm>> -> memref<1x128xi32, #tpu.memory_space<hbm>>
        tpu.enqueue_dma source(%dma_start3A_97 : memref<1x128xi32, #tpu.memory_space<hbm>>) target(%dma_start3A_94 : memref<1x128xi32, #tpu.memory_space<vmem>>) target_semaphore(%run_scoped3A_85 : memref<!tpu.dma_semaphore, #tpu.memory_space<semaphore_mem>>)
        %dma_wait3A = arith.constant 39 : i32
        %dma_wait3A_98 = arith.constant 0 : i32
        %dma_wait3A_99 = tpu.memref_slice %arg6[%dma_wait3A, %dma_wait3A_98] : memref<40x128xi32, #tpu.memory_space<vmem>> -> memref<1x128xi32, #tpu.memory_space<vmem>>
        %dma_wait3A_100 = arith.constant 0 : i32
        %dma_wait3A_101 = tpu.memref_slice %arg3[%run_scoped3A_81, %add3A_80, %dma_wait3A_100] : memref<2x1250x128xi32, #tpu.memory_space<hbm>> -> memref<1x1x128xi32, #tpu.memory_space<hbm>>
        %dma_wait3A_102 = tpu.memref_squeeze %dma_wait3A_101 : memref<1x1x128xi32, #tpu.memory_space<hbm>> -> memref<1x128xi32, #tpu.memory_space<hbm>>
        %dma_wait3A_103 = arith.constant 39 : i32
        %dma_wait3A_104 = arith.constant 0 : i32
        %dma_wait3A_105 = tpu.memref_slice %arg6[%dma_wait3A_103, %dma_wait3A_104] : memref<40x128xi32, #tpu.memory_space<vmem>> -> memref<1x128xi32, #tpu.memory_space<vmem>>
        %dma_wait3A_106 = arith.constant 0 : i32
        %dma_wait3A_107 = tpu.memref_slice %arg3[%run_scoped3A_81, %add3A_80, %dma_wait3A_106] : memref<2x1250x128xi32, #tpu.memory_space<hbm>> -> memref<1x1x128xi32, #tpu.memory_space<hbm>>
        %dma_wait3A_108 = tpu.memref_squeeze %dma_wait3A_107 : memref<1x1x128xi32, #tpu.memory_space<hbm>> -> memref<1x128xi32, #tpu.memory_space<hbm>>
        tpu.wait_dma2 semaphore(%run_scoped3A_85 : memref<!tpu.dma_semaphore, #tpu.memory_space<semaphore_mem>>) src(%dma_wait3A_108 : memref<1x128xi32, #tpu.memory_space<hbm>>) dst(%dma_wait3A_105 : memref<1x128xi32, #tpu.memory_space<vmem>>)
        tpu.yield
      }) : () -> ()
      %add3A_82 = arith.constant 39 : i32
      %add3A_83 = arith.addi %add3A_9, %add3A_82 : i32
      %run_scoped3A_84 = arith.constant 1 : i32
      "tpu.region"() ({
        %run_scoped3A_85 = tpu.sem_alloc : memref<!tpu.dma_semaphore, #tpu.memory_space<semaphore_mem>>
        %dma_start3A_86 = arith.constant 39 : i32
        %dma_start3A_87 = arith.constant 0 : i32
        %dma_start3A_88 = tpu.memref_slice %arg7[%dma_start3A_86, %dma_start3A_87] : memref<40x128xi32, #tpu.memory_space<vmem>> -> memref<1x128xi32, #tpu.memory_space<vmem>>
        %dma_start3A_89 = arith.constant 0 : i32
        %dma_start3A_90 = tpu.memref_slice %arg3[%run_scoped3A_84, %add3A_83, %dma_start3A_89] : memref<2x1250x128xi32, #tpu.memory_space<hbm>> -> memref<1x1x128xi32, #tpu.memory_space<hbm>>
        %dma_start3A_91 = tpu.memref_squeeze %dma_start3A_90 : memref<1x1x128xi32, #tpu.memory_space<hbm>> -> memref<1x128xi32, #tpu.memory_space<hbm>>
        %dma_start3A_92 = arith.constant 39 : i32
        %dma_start3A_93 = arith.constant 0 : i32
        %dma_start3A_94 = tpu.memref_slice %arg7[%dma_start3A_92, %dma_start3A_93] : memref<40x128xi32, #tpu.memory_space<vmem>> -> memref<1x128xi32, #tpu.memory_space<vmem>>
        %dma_start3A_95 = arith.constant 0 : i32
        %dma_start3A_96 = tpu.memref_slice %arg3[%run_scoped3A_84, %add3A_83, %dma_start3A_95] : memref<2x1250x128xi32, #tpu.memory_space<hbm>> -> memref<1x1x128xi32, #tpu.memory_space<hbm>>
        %dma_start3A_97 = tpu.memref_squeeze %dma_start3A_96 : memref<1x1x128xi32, #tpu.memory_space<hbm>> -> memref<1x128xi32, #tpu.memory_space<hbm>>
        tpu.enqueue_dma source(%dma_start3A_97 : memref<1x128xi32, #tpu.memory_space<hbm>>) target(%dma_start3A_94 : memref<1x128xi32, #tpu.memory_space<vmem>>) target_semaphore(%run_scoped3A_85 : memref<!tpu.dma_semaphore, #tpu.memory_space<semaphore_mem>>)
        %dma_wait3A = arith.constant 39 : i32
        %dma_wait3A_98 = arith.constant 0 : i32
        %dma_wait3A_99 = tpu.memref_slice %arg7[%dma_wait3A, %dma_wait3A_98] : memref<40x128xi32, #tpu.memory_space<vmem>> -> memref<1x128xi32, #tpu.memory_space<vmem>>
        %dma_wait3A_100 = arith.constant 0 : i32
        %dma_wait3A_101 = tpu.memref_slice %arg3[%run_scoped3A_84, %add3A_83, %dma_wait3A_100] : memref<2x1250x128xi32, #tpu.memory_space<hbm>> -> memref<1x1x128xi32, #tpu.memory_space<hbm>>
        %dma_wait3A_102 = tpu.memref_squeeze %dma_wait3A_101 : memref<1x1x128xi32, #tpu.memory_space<hbm>> -> memref<1x128xi32, #tpu.memory_space<hbm>>
        %dma_wait3A_103 = arith.constant 39 : i32
        %dma_wait3A_104 = arith.constant 0 : i32
        %dma_wait3A_105 = tpu.memref_slice %arg7[%dma_wait3A_103, %dma_wait3A_104] : memref<40x128xi32, #tpu.memory_space<vmem>> -> memref<1x128xi32, #tpu.memory_space<vmem>>
        %dma_wait3A_106 = arith.constant 0 : i32
        %dma_wait3A_107 = tpu.memref_slice %arg3[%run_scoped3A_84, %add3A_83, %dma_wait3A_106] : memref<2x1250x128xi32, #tpu.memory_space<hbm>> -> memref<1x1x128xi32, #tpu.memory_space<hbm>>
        %dma_wait3A_108 = tpu.memref_squeeze %dma_wait3A_107 : memref<1x1x128xi32, #tpu.memory_space<hbm>> -> memref<1x128xi32, #tpu.memory_space<hbm>>
        tpu.wait_dma2 semaphore(%run_scoped3A_85 : memref<!tpu.dma_semaphore, #tpu.memory_space<semaphore_mem>>) src(%dma_wait3A_108 : memref<1x128xi32, #tpu.memory_space<hbm>>) dst(%dma_wait3A_105 : memref<1x128xi32, #tpu.memory_space<vmem>>)
        tpu.yield
      }) : () -> ()
    } else {
    }
    "tpu.region"() ({
      %run_scoped3A_79 = tpu.sem_alloc : memref<!tpu.dma_semaphore, #tpu.memory_space<semaphore_mem>>
      %dma_start3A_80 = arith.constant 0 : i32
      %dma_start3A_81 = tpu.memref_slice %arg9[%mul3A_0, %dma_start3A_80] : memref<10000x16xf32, #tpu.memory_space<vmem_shared>> -> memref<625x16xf32, #tpu.memory_space<vmem_shared>>
      %dma_start3A_82 = arith.constant 0 : i32
      %dma_start3A_83 = tpu.memref_slice %arg2[%mul3A_0, %dma_start3A_82] : memref<10000x16xf32, #tpu.memory_space<hbm>> -> memref<625x16xf32, #tpu.memory_space<hbm>>
      tpu.enqueue_dma source(%dma_start3A_83 : memref<625x16xf32, #tpu.memory_space<hbm>>) target(%dma_start3A_81 : memref<625x16xf32, #tpu.memory_space<vmem_shared>>) target_semaphore(%run_scoped3A_79 : memref<!tpu.dma_semaphore, #tpu.memory_space<semaphore_mem>>)
      %dma_wait3A = arith.constant 0 : i32
      %dma_wait3A_84 = tpu.memref_slice %arg9[%mul3A_0, %dma_wait3A] : memref<10000x16xf32, #tpu.memory_space<vmem_shared>> -> memref<625x16xf32, #tpu.memory_space<vmem_shared>>
      %dma_wait3A_85 = arith.constant 0 : i32
      %dma_wait3A_86 = tpu.memref_slice %arg2[%mul3A_0, %dma_wait3A_85] : memref<10000x16xf32, #tpu.memory_space<hbm>> -> memref<625x16xf32, #tpu.memory_space<hbm>>
      tpu.wait_dma2 semaphore(%run_scoped3A_79 : memref<!tpu.dma_semaphore, #tpu.memory_space<semaphore_mem>>) src(%dma_wait3A_86 : memref<625x16xf32, #tpu.memory_space<hbm>>) dst(%dma_wait3A_84 : memref<625x16xf32, #tpu.memory_space<vmem_shared>>)
      tpu.yield
    }) : () -> ()
    %barrier3A = arith.constant 0 : index
    tpu.barrier barrier_id(%barrier3A)
    %dma_start3A = arith.constant 0 : i32
    %dma_start3A_15 = arith.constant 0 : i32
    %dma_start3A_16 = arith.constant 0 : i32
    %dma_start3A_17 = tpu.memref_slice %arg8[%dma_start3A_15, %dma_start3A_16] : memref<1024x16xf32, #tpu.memory_space<vmem>> -> memref<128x16xf32, #tpu.memory_space<vmem>>
    %dma_start3A_18 = arith.constant 0 : i32
    %dma_start3A_19 = tpu.memref_slice %arg6[%dma_start3A, %dma_start3A_18] : memref<40x128xi32, #tpu.memory_space<vmem>> -> memref<1x128xi32, #tpu.memory_space<vmem>>
    %dma_start3A_20 = tpu.memref_squeeze %dma_start3A_19 : memref<1x128xi32, #tpu.memory_space<vmem>> -> memref<128xi32, #tpu.memory_space<vmem>>
    %dma_start3A_21 = arith.constant 0 : i32
    %dma_start3A_22 = arith.constant 0 : i32
    %dma_start3A_23 = tpu.memref_slice %arg2[%dma_start3A_21, %dma_start3A_22] : memref<10000x16xf32, #tpu.memory_space<hbm>> -> memref<10000x16xf32, #tpu.memory_space<hbm>>
    tpu.enqueue_indirect_dma source(%dma_start3A_23 : memref<10000x16xf32, #tpu.memory_space<hbm>>) target(%dma_start3A_17 : memref<128x16xf32, #tpu.memory_space<vmem>>) offsets(%dma_start3A_20 : memref<128xi32, #tpu.memory_space<vmem>>) semaphore(%arg10 : memref<!tpu.dma_semaphore, #tpu.memory_space<semaphore_mem>>)
    %dma_start3A_24 = arith.constant 1 : i32
    %dma_start3A_25 = arith.constant 128 : i32
    %dma_start3A_26 = arith.constant 0 : i32
    %dma_start3A_27 = tpu.memref_slice %arg8[%dma_start3A_25, %dma_start3A_26] : memref<1024x16xf32, #tpu.memory_space<vmem>> -> memref<128x16xf32, #tpu.memory_space<vmem>>
    %dma_start3A_28 = arith.constant 0 : i32
    %dma_start3A_29 = tpu.memref_slice %arg6[%dma_start3A_24, %dma_start3A_28] : memref<40x128xi32, #tpu.memory_space<vmem>> -> memref<1x128xi32, #tpu.memory_space<vmem>>
    %dma_start3A_30 = tpu.memref_squeeze %dma_start3A_29 : memref<1x128xi32, #tpu.memory_space<vmem>> -> memref<128xi32, #tpu.memory_space<vmem>>
    %dma_start3A_31 = arith.constant 0 : i32
    %dma_start3A_32 = arith.constant 0 : i32
    %dma_start3A_33 = tpu.memref_slice %arg2[%dma_start3A_31, %dma_start3A_32] : memref<10000x16xf32, #tpu.memory_space<hbm>> -> memref<10000x16xf32, #tpu.memory_space<hbm>>
    tpu.enqueue_indirect_dma source(%dma_start3A_33 : memref<10000x16xf32, #tpu.memory_space<hbm>>) target(%dma_start3A_27 : memref<128x16xf32, #tpu.memory_space<vmem>>) offsets(%dma_start3A_30 : memref<128xi32, #tpu.memory_space<vmem>>) semaphore(%arg11 : memref<!tpu.dma_semaphore, #tpu.memory_space<semaphore_mem>>)
    %dma_start3A_34 = arith.constant 2 : i32
    %dma_start3A_35 = arith.constant 256 : i32
    %dma_start3A_36 = arith.constant 0 : i32
    %dma_start3A_37 = tpu.memref_slice %arg8[%dma_start3A_35, %dma_start3A_36] : memref<1024x16xf32, #tpu.memory_space<vmem>> -> memref<128x16xf32, #tpu.memory_space<vmem>>
    %dma_start3A_38 = arith.constant 0 : i32
    %dma_start3A_39 = tpu.memref_slice %arg6[%dma_start3A_34, %dma_start3A_38] : memref<40x128xi32, #tpu.memory_space<vmem>> -> memref<1x128xi32, #tpu.memory_space<vmem>>
    %dma_start3A_40 = tpu.memref_squeeze %dma_start3A_39 : memref<1x128xi32, #tpu.memory_space<vmem>> -> memref<128xi32, #tpu.memory_space<vmem>>
    %dma_start3A_41 = arith.constant 0 : i32
    %dma_start3A_42 = arith.constant 0 : i32
    %dma_start3A_43 = tpu.memref_slice %arg2[%dma_start3A_41, %dma_start3A_42] : memref<10000x16xf32, #tpu.memory_space<hbm>> -> memref<10000x16xf32, #tpu.memory_space<hbm>>
    tpu.enqueue_indirect_dma source(%dma_start3A_43 : memref<10000x16xf32, #tpu.memory_space<hbm>>) target(%dma_start3A_37 : memref<128x16xf32, #tpu.memory_space<vmem>>) offsets(%dma_start3A_40 : memref<128xi32, #tpu.memory_space<vmem>>) semaphore(%arg12 : memref<!tpu.dma_semaphore, #tpu.memory_space<semaphore_mem>>)
    %dma_start3A_44 = arith.constant 3 : i32
    %dma_start3A_45 = arith.constant 384 : i32
    %dma_start3A_46 = arith.constant 0 : i32
    %dma_start3A_47 = tpu.memref_slice %arg8[%dma_start3A_45, %dma_start3A_46] : memref<1024x16xf32, #tpu.memory_space<vmem>> -> memref<128x16xf32, #tpu.memory_space<vmem>>
    %dma_start3A_48 = arith.constant 0 : i32
    %dma_start3A_49 = tpu.memref_slice %arg6[%dma_start3A_44, %dma_start3A_48] : memref<40x128xi32, #tpu.memory_space<vmem>> -> memref<1x128xi32, #tpu.memory_space<vmem>>
    %dma_start3A_50 = tpu.memref_squeeze %dma_start3A_49 : memref<1x128xi32, #tpu.memory_space<vmem>> -> memref<128xi32, #tpu.memory_space<vmem>>
    %dma_start3A_51 = arith.constant 0 : i32
    %dma_start3A_52 = arith.constant 0 : i32
    %dma_start3A_53 = tpu.memref_slice %arg2[%dma_start3A_51, %dma_start3A_52] : memref<10000x16xf32, #tpu.memory_space<hbm>> -> memref<10000x16xf32, #tpu.memory_space<hbm>>
    tpu.enqueue_indirect_dma source(%dma_start3A_53 : memref<10000x16xf32, #tpu.memory_space<hbm>>) target(%dma_start3A_47 : memref<128x16xf32, #tpu.memory_space<vmem>>) offsets(%dma_start3A_50 : memref<128xi32, #tpu.memory_space<vmem>>) semaphore(%arg13 : memref<!tpu.dma_semaphore, #tpu.memory_space<semaphore_mem>>)
    %add3A_54 = arith.constant 8 : i32
    %add3A_55 = arith.addi %add3A_5, %add3A_54 : i32
    %add3A_56 = arith.constant 8 : i32
    %add3A_57 = arith.addi %add3A_55, %add3A_56 : i32
    %sub3A = arith.constant 1 : i32
    %sub3A_58 = arith.subi %add3A_57, %sub3A : i32
    %div3A = arith.constant 8 : i32
    %div3A_59 = arith.divsi %sub3A_58, %div3A : i32
    %while3A = arith.constant 0 : i32
    %while3A_60 = arith.constant 0 : i32
    %while3A_61 = arith.subi %div3A_59, %while3A_60 : i32
    %while3A_62 = arith.addi %while3A_60, %while3A_61 : i32
    %while3A_63 = arith.constant 1 : i32
    %while3A_64 = arith.divsi %while3A_61, %while3A_63 : i32
    %while3A_65 = arith.muli %while3A_64, %while3A_63 : i32
    %while3A_66 = arith.addi %while3A_60, %while3A_65 : i32
    %while3A_67 = arith.constant 1 : i32
    scf.for %while3A_79 = %while3A_60 to %while3A_66 step %while3A_67  : i32 {
      %mul3A_80 = arith.constant 8 : i32
      %mul3A_81 = arith.muli %while3A_79, %mul3A_80 : i32
      %add3A_82 = arith.constant 0 : i32
      %add3A_83 = arith.addi %mul3A_81, %add3A_82 : i32
      %lt3A_84 = arith.cmpi slt, %add3A_83, %add3A_5 : i32
      %convert_element_type3A_85 = arith.extui %lt3A_84 : i1 to i32
      %cond3A_86 = arith.constant 0 : i32
      %cond3A_87 = arith.cmpi ne, %convert_element_type3A_85, %cond3A_86 : i32
      scf.if %cond3A_87 {
        %dma_wait3A = arith.constant 0 : i32
        %dma_wait3A_277 = arith.constant 0 : i32
        %dma_wait3A_278 = tpu.memref_slice %arg8[%dma_wait3A, %dma_wait3A_277] : memref<1024x16xf32, #tpu.memory_space<vmem>> -> memref<128x16xf32, #tpu.memory_space<vmem>>
        %dma_wait3A_279 = arith.constant 0 : i32
        %dma_wait3A_280 = tpu.memref_slice %arg6[%add3A_83, %dma_wait3A_279] : memref<40x128xi32, #tpu.memory_space<vmem>> -> memref<1x128xi32, #tpu.memory_space<vmem>>
        %dma_wait3A_281 = tpu.memref_squeeze %dma_wait3A_280 : memref<1x128xi32, #tpu.memory_space<vmem>> -> memref<128xi32, #tpu.memory_space<vmem>>
        %dma_wait3A_282 = arith.constant 0 : i32
        %dma_wait3A_283 = arith.constant 0 : i32
        %dma_wait3A_284 = tpu.memref_slice %arg2[%dma_wait3A_282, %dma_wait3A_283] : memref<10000x16xf32, #tpu.memory_space<hbm>> -> memref<10000x16xf32, #tpu.memory_space<hbm>>
        tpu.wait_indirect_dma semaphore(%arg10 : memref<!tpu.dma_semaphore, #tpu.memory_space<semaphore_mem>>) src(%dma_wait3A_284 : memref<10000x16xf32, #tpu.memory_space<hbm>>) dst(%dma_wait3A_278 : memref<128x16xf32, #tpu.memory_space<vmem>>)
        %dma_start3A_285 = arith.constant 0 : i32
        %dma_start3A_286 = arith.constant 0 : i32
        %dma_start3A_287 = tpu.memref_slice %arg8[%dma_start3A_285, %dma_start3A_286] : memref<1024x16xf32, #tpu.memory_space<vmem>> -> memref<128x16xf32, #tpu.memory_space<vmem>>
        %dma_start3A_288 = arith.constant 0 : i32
        %dma_start3A_289 = tpu.memref_slice %arg7[%add3A_83, %dma_start3A_288] : memref<40x128xi32, #tpu.memory_space<vmem>> -> memref<1x128xi32, #tpu.memory_space<vmem>>
        %dma_start3A_290 = tpu.memref_squeeze %dma_start3A_289 : memref<1x128xi32, #tpu.memory_space<vmem>> -> memref<128xi32, #tpu.memory_space<vmem>>
        %dma_start3A_291 = arith.constant 0 : i32
        %dma_start3A_292 = arith.constant 0 : i32
        %dma_start3A_293 = tpu.memref_slice %arg9[%dma_start3A_291, %dma_start3A_292] : memref<10000x16xf32, #tpu.memory_space<vmem_shared>> -> memref<10000x16xf32, #tpu.memory_space<vmem_shared>>
        tpu.enqueue_indirect_dma source(%dma_start3A_287 : memref<128x16xf32, #tpu.memory_space<vmem>>) target(%dma_start3A_293 : memref<10000x16xf32, #tpu.memory_space<vmem_shared>>) offsets(%dma_start3A_290 : memref<128xi32, #tpu.memory_space<vmem>>) semaphore(%arg18 : memref<!tpu.dma_semaphore, #tpu.memory_space<semaphore_mem>>) {add = true}
      } else {
      }
      %ge3A = arith.constant 4 : i32
      %ge3A_88 = arith.cmpi sge, %add3A_83, %ge3A : i32
      %add3A_89 = arith.constant 4 : i32
      %add3A_90 = arith.addi %add3A_5, %add3A_89 : i32
      %sub3A_91 = arith.constant 1 : i32
      %sub3A_92 = arith.subi %add3A_90, %sub3A_91 : i32
      %le3A = arith.cmpi sle, %add3A_83, %sub3A_92 : i32
      %and3A = arith.andi %ge3A_88, %le3A : i1
      %convert_element_type3A_93 = arith.extui %and3A : i1 to i32
      %cond3A_94 = arith.constant 0 : i32
      %cond3A_95 = arith.cmpi ne, %convert_element_type3A_93, %cond3A_94 : i32
      scf.if %cond3A_95 {
        %sub3A_277 = arith.constant 4 : i32
        %sub3A_278 = arith.subi %add3A_83, %sub3A_277 : i32
        %dma_wait3A = arith.constant 512 : i32
        %dma_wait3A_279 = arith.constant 0 : i32
        %dma_wait3A_280 = tpu.memref_slice %arg8[%dma_wait3A, %dma_wait3A_279] : memref<1024x16xf32, #tpu.memory_space<vmem>> -> memref<128x16xf32, #tpu.memory_space<vmem>>
        %dma_wait3A_281 = arith.constant 0 : i32
        %dma_wait3A_282 = tpu.memref_slice %arg7[%sub3A_278, %dma_wait3A_281] : memref<40x128xi32, #tpu.memory_space<vmem>> -> memref<1x128xi32, #tpu.memory_space<vmem>>
        %dma_wait3A_283 = tpu.memref_squeeze %dma_wait3A_282 : memref<1x128xi32, #tpu.memory_space<vmem>> -> memref<128xi32, #tpu.memory_space<vmem>>
        %dma_wait3A_284 = arith.constant 0 : i32
        %dma_wait3A_285 = arith.constant 0 : i32
        %dma_wait3A_286 = tpu.memref_slice %arg9[%dma_wait3A_284, %dma_wait3A_285] : memref<10000x16xf32, #tpu.memory_space<vmem_shared>> -> memref<10000x16xf32, #tpu.memory_space<vmem_shared>>
        tpu.wait_indirect_dma semaphore(%arg22 : memref<!tpu.dma_semaphore, #tpu.memory_space<semaphore_mem>>) src(%dma_wait3A_280 : memref<128x16xf32, #tpu.memory_space<vmem>>) dst(%dma_wait3A_286 : memref<10000x16xf32, #tpu.memory_space<vmem_shared>>)
      } else {
      }
      %add3A_96 = arith.constant 4 : i32
      %add3A_97 = arith.addi %add3A_83, %add3A_96 : i32
      %lt3A_98 = arith.cmpi slt, %add3A_97, %add3A_5 : i32
      %convert_element_type3A_99 = arith.extui %lt3A_98 : i1 to i32
      %cond3A_100 = arith.constant 0 : i32
      %cond3A_101 = arith.cmpi ne, %convert_element_type3A_99, %cond3A_100 : i32
      scf.if %cond3A_101 {
        %add3A_277 = arith.constant 4 : i32
        %add3A_278 = arith.addi %add3A_83, %add3A_277 : i32
        %dma_start3A_279 = arith.constant 512 : i32
        %dma_start3A_280 = arith.constant 0 : i32
        %dma_start3A_281 = tpu.memref_slice %arg8[%dma_start3A_279, %dma_start3A_280] : memref<1024x16xf32, #tpu.memory_space<vmem>> -> memref<128x16xf32, #tpu.memory_space<vmem>>
        %dma_start3A_282 = arith.constant 0 : i32
        %dma_start3A_283 = tpu.memref_slice %arg6[%add3A_278, %dma_start3A_282] : memref<40x128xi32, #tpu.memory_space<vmem>> -> memref<1x128xi32, #tpu.memory_space<vmem>>
        %dma_start3A_284 = tpu.memref_squeeze %dma_start3A_283 : memref<1x128xi32, #tpu.memory_space<vmem>> -> memref<128xi32, #tpu.memory_space<vmem>>
        %dma_start3A_285 = arith.constant 0 : i32
        %dma_start3A_286 = arith.constant 0 : i32
        %dma_start3A_287 = tpu.memref_slice %arg2[%dma_start3A_285, %dma_start3A_286] : memref<10000x16xf32, #tpu.memory_space<hbm>> -> memref<10000x16xf32, #tpu.memory_space<hbm>>
        tpu.enqueue_indirect_dma source(%dma_start3A_287 : memref<10000x16xf32, #tpu.memory_space<hbm>>) target(%dma_start3A_281 : memref<128x16xf32, #tpu.memory_space<vmem>>) offsets(%dma_start3A_284 : memref<128xi32, #tpu.memory_space<vmem>>) semaphore(%arg14 : memref<!tpu.dma_semaphore, #tpu.memory_space<semaphore_mem>>)
      } else {
      }
      %mul3A_102 = arith.constant 8 : i32
      %mul3A_103 = arith.muli %while3A_79, %mul3A_102 : i32
      %add3A_104 = arith.constant 1 : i32
      %add3A_105 = arith.addi %mul3A_103, %add3A_104 : i32
      %lt3A_106 = arith.cmpi slt, %add3A_105, %add3A_5 : i32
      %convert_element_type3A_107 = arith.extui %lt3A_106 : i1 to i32
      %cond3A_108 = arith.constant 0 : i32
      %cond3A_109 = arith.cmpi ne, %convert_element_type3A_107, %cond3A_108 : i32
      scf.if %cond3A_109 {
        %dma_wait3A = arith.constant 128 : i32
        %dma_wait3A_277 = arith.constant 0 : i32
        %dma_wait3A_278 = tpu.memref_slice %arg8[%dma_wait3A, %dma_wait3A_277] : memref<1024x16xf32, #tpu.memory_space<vmem>> -> memref<128x16xf32, #tpu.memory_space<vmem>>
        %dma_wait3A_279 = arith.constant 0 : i32
        %dma_wait3A_280 = tpu.memref_slice %arg6[%add3A_105, %dma_wait3A_279] : memref<40x128xi32, #tpu.memory_space<vmem>> -> memref<1x128xi32, #tpu.memory_space<vmem>>
        %dma_wait3A_281 = tpu.memref_squeeze %dma_wait3A_280 : memref<1x128xi32, #tpu.memory_space<vmem>> -> memref<128xi32, #tpu.memory_space<vmem>>
        %dma_wait3A_282 = arith.constant 0 : i32
        %dma_wait3A_283 = arith.constant 0 : i32
        %dma_wait3A_284 = tpu.memref_slice %arg2[%dma_wait3A_282, %dma_wait3A_283] : memref<10000x16xf32, #tpu.memory_space<hbm>> -> memref<10000x16xf32, #tpu.memory_space<hbm>>
        tpu.wait_indirect_dma semaphore(%arg11 : memref<!tpu.dma_semaphore, #tpu.memory_space<semaphore_mem>>) src(%dma_wait3A_284 : memref<10000x16xf32, #tpu.memory_space<hbm>>) dst(%dma_wait3A_278 : memref<128x16xf32, #tpu.memory_space<vmem>>)
        %dma_start3A_285 = arith.constant 128 : i32
        %dma_start3A_286 = arith.constant 0 : i32
        %dma_start3A_287 = tpu.memref_slice %arg8[%dma_start3A_285, %dma_start3A_286] : memref<1024x16xf32, #tpu.memory_space<vmem>> -> memref<128x16xf32, #tpu.memory_space<vmem>>
        %dma_start3A_288 = arith.constant 0 : i32
        %dma_start3A_289 = tpu.memref_slice %arg7[%add3A_105, %dma_start3A_288] : memref<40x128xi32, #tpu.memory_space<vmem>> -> memref<1x128xi32, #tpu.memory_space<vmem>>
        %dma_start3A_290 = tpu.memref_squeeze %dma_start3A_289 : memref<1x128xi32, #tpu.memory_space<vmem>> -> memref<128xi32, #tpu.memory_space<vmem>>
        %dma_start3A_291 = arith.constant 0 : i32
        %dma_start3A_292 = arith.constant 0 : i32
        %dma_start3A_293 = tpu.memref_slice %arg9[%dma_start3A_291, %dma_start3A_292] : memref<10000x16xf32, #tpu.memory_space<vmem_shared>> -> memref<10000x16xf32, #tpu.memory_space<vmem_shared>>
        tpu.enqueue_indirect_dma source(%dma_start3A_287 : memref<128x16xf32, #tpu.memory_space<vmem>>) target(%dma_start3A_293 : memref<10000x16xf32, #tpu.memory_space<vmem_shared>>) offsets(%dma_start3A_290 : memref<128xi32, #tpu.memory_space<vmem>>) semaphore(%arg19 : memref<!tpu.dma_semaphore, #tpu.memory_space<semaphore_mem>>) {add = true}
      } else {
      }
      %ge3A_110 = arith.constant 4 : i32
      %ge3A_111 = arith.cmpi sge, %add3A_105, %ge3A_110 : i32
      %add3A_112 = arith.constant 4 : i32
      %add3A_113 = arith.addi %add3A_5, %add3A_112 : i32
      %sub3A_114 = arith.constant 1 : i32
      %sub3A_115 = arith.subi %add3A_113, %sub3A_114 : i32
      %le3A_116 = arith.cmpi sle, %add3A_105, %sub3A_115 : i32
      %and3A_117 = arith.andi %ge3A_111, %le3A_116 : i1
      %convert_element_type3A_118 = arith.extui %and3A_117 : i1 to i32
      %cond3A_119 = arith.constant 0 : i32
      %cond3A_120 = arith.cmpi ne, %convert_element_type3A_118, %cond3A_119 : i32
      scf.if %cond3A_120 {
        %sub3A_277 = arith.constant 4 : i32
        %sub3A_278 = arith.subi %add3A_105, %sub3A_277 : i32
        %dma_wait3A = arith.constant 640 : i32
        %dma_wait3A_279 = arith.constant 0 : i32
        %dma_wait3A_280 = tpu.memref_slice %arg8[%dma_wait3A, %dma_wait3A_279] : memref<1024x16xf32, #tpu.memory_space<vmem>> -> memref<128x16xf32, #tpu.memory_space<vmem>>
        %dma_wait3A_281 = arith.constant 0 : i32
        %dma_wait3A_282 = tpu.memref_slice %arg7[%sub3A_278, %dma_wait3A_281] : memref<40x128xi32, #tpu.memory_space<vmem>> -> memref<1x128xi32, #tpu.memory_space<vmem>>
        %dma_wait3A_283 = tpu.memref_squeeze %dma_wait3A_282 : memref<1x128xi32, #tpu.memory_space<vmem>> -> memref<128xi32, #tpu.memory_space<vmem>>
        %dma_wait3A_284 = arith.constant 0 : i32
        %dma_wait3A_285 = arith.constant 0 : i32
        %dma_wait3A_286 = tpu.memref_slice %arg9[%dma_wait3A_284, %dma_wait3A_285] : memref<10000x16xf32, #tpu.memory_space<vmem_shared>> -> memref<10000x16xf32, #tpu.memory_space<vmem_shared>>
        tpu.wait_indirect_dma semaphore(%arg23 : memref<!tpu.dma_semaphore, #tpu.memory_space<semaphore_mem>>) src(%dma_wait3A_280 : memref<128x16xf32, #tpu.memory_space<vmem>>) dst(%dma_wait3A_286 : memref<10000x16xf32, #tpu.memory_space<vmem_shared>>)
      } else {
      }
      %add3A_121 = arith.constant 4 : i32
      %add3A_122 = arith.addi %add3A_105, %add3A_121 : i32
      %lt3A_123 = arith.cmpi slt, %add3A_122, %add3A_5 : i32
      %convert_element_type3A_124 = arith.extui %lt3A_123 : i1 to i32
      %cond3A_125 = arith.constant 0 : i32
      %cond3A_126 = arith.cmpi ne, %convert_element_type3A_124, %cond3A_125 : i32
      scf.if %cond3A_126 {
        %add3A_277 = arith.constant 4 : i32
        %add3A_278 = arith.addi %add3A_105, %add3A_277 : i32
        %dma_start3A_279 = arith.constant 640 : i32
        %dma_start3A_280 = arith.constant 0 : i32
        %dma_start3A_281 = tpu.memref_slice %arg8[%dma_start3A_279, %dma_start3A_280] : memref<1024x16xf32, #tpu.memory_space<vmem>> -> memref<128x16xf32, #tpu.memory_space<vmem>>
        %dma_start3A_282 = arith.constant 0 : i32
        %dma_start3A_283 = tpu.memref_slice %arg6[%add3A_278, %dma_start3A_282] : memref<40x128xi32, #tpu.memory_space<vmem>> -> memref<1x128xi32, #tpu.memory_space<vmem>>
        %dma_start3A_284 = tpu.memref_squeeze %dma_start3A_283 : memref<1x128xi32, #tpu.memory_space<vmem>> -> memref<128xi32, #tpu.memory_space<vmem>>
        %dma_start3A_285 = arith.constant 0 : i32
        %dma_start3A_286 = arith.constant 0 : i32
        %dma_start3A_287 = tpu.memref_slice %arg2[%dma_start3A_285, %dma_start3A_286] : memref<10000x16xf32, #tpu.memory_space<hbm>> -> memref<10000x16xf32, #tpu.memory_space<hbm>>
        tpu.enqueue_indirect_dma source(%dma_start3A_287 : memref<10000x16xf32, #tpu.memory_space<hbm>>) target(%dma_start3A_281 : memref<128x16xf32, #tpu.memory_space<vmem>>) offsets(%dma_start3A_284 : memref<128xi32, #tpu.memory_space<vmem>>) semaphore(%arg15 : memref<!tpu.dma_semaphore, #tpu.memory_space<semaphore_mem>>)
      } else {
      }
      %mul3A_127 = arith.constant 8 : i32
      %mul3A_128 = arith.muli %while3A_79, %mul3A_127 : i32
      %add3A_129 = arith.constant 2 : i32
      %add3A_130 = arith.addi %mul3A_128, %add3A_129 : i32
      %lt3A_131 = arith.cmpi slt, %add3A_130, %add3A_5 : i32
      %convert_element_type3A_132 = arith.extui %lt3A_131 : i1 to i32
      %cond3A_133 = arith.constant 0 : i32
      %cond3A_134 = arith.cmpi ne, %convert_element_type3A_132, %cond3A_133 : i32
      scf.if %cond3A_134 {
        %dma_wait3A = arith.constant 256 : i32
        %dma_wait3A_277 = arith.constant 0 : i32
        %dma_wait3A_278 = tpu.memref_slice %arg8[%dma_wait3A, %dma_wait3A_277] : memref<1024x16xf32, #tpu.memory_space<vmem>> -> memref<128x16xf32, #tpu.memory_space<vmem>>
        %dma_wait3A_279 = arith.constant 0 : i32
        %dma_wait3A_280 = tpu.memref_slice %arg6[%add3A_130, %dma_wait3A_279] : memref<40x128xi32, #tpu.memory_space<vmem>> -> memref<1x128xi32, #tpu.memory_space<vmem>>
        %dma_wait3A_281 = tpu.memref_squeeze %dma_wait3A_280 : memref<1x128xi32, #tpu.memory_space<vmem>> -> memref<128xi32, #tpu.memory_space<vmem>>
        %dma_wait3A_282 = arith.constant 0 : i32
        %dma_wait3A_283 = arith.constant 0 : i32
        %dma_wait3A_284 = tpu.memref_slice %arg2[%dma_wait3A_282, %dma_wait3A_283] : memref<10000x16xf32, #tpu.memory_space<hbm>> -> memref<10000x16xf32, #tpu.memory_space<hbm>>
        tpu.wait_indirect_dma semaphore(%arg12 : memref<!tpu.dma_semaphore, #tpu.memory_space<semaphore_mem>>) src(%dma_wait3A_284 : memref<10000x16xf32, #tpu.memory_space<hbm>>) dst(%dma_wait3A_278 : memref<128x16xf32, #tpu.memory_space<vmem>>)
        %dma_start3A_285 = arith.constant 256 : i32
        %dma_start3A_286 = arith.constant 0 : i32
        %dma_start3A_287 = tpu.memref_slice %arg8[%dma_start3A_285, %dma_start3A_286] : memref<1024x16xf32, #tpu.memory_space<vmem>> -> memref<128x16xf32, #tpu.memory_space<vmem>>
        %dma_start3A_288 = arith.constant 0 : i32
        %dma_start3A_289 = tpu.memref_slice %arg7[%add3A_130, %dma_start3A_288] : memref<40x128xi32, #tpu.memory_space<vmem>> -> memref<1x128xi32, #tpu.memory_space<vmem>>
        %dma_start3A_290 = tpu.memref_squeeze %dma_start3A_289 : memref<1x128xi32, #tpu.memory_space<vmem>> -> memref<128xi32, #tpu.memory_space<vmem>>
        %dma_start3A_291 = arith.constant 0 : i32
        %dma_start3A_292 = arith.constant 0 : i32
        %dma_start3A_293 = tpu.memref_slice %arg9[%dma_start3A_291, %dma_start3A_292] : memref<10000x16xf32, #tpu.memory_space<vmem_shared>> -> memref<10000x16xf32, #tpu.memory_space<vmem_shared>>
        tpu.enqueue_indirect_dma source(%dma_start3A_287 : memref<128x16xf32, #tpu.memory_space<vmem>>) target(%dma_start3A_293 : memref<10000x16xf32, #tpu.memory_space<vmem_shared>>) offsets(%dma_start3A_290 : memref<128xi32, #tpu.memory_space<vmem>>) semaphore(%arg20 : memref<!tpu.dma_semaphore, #tpu.memory_space<semaphore_mem>>) {add = true}
      } else {
      }
      %ge3A_135 = arith.constant 4 : i32
      %ge3A_136 = arith.cmpi sge, %add3A_130, %ge3A_135 : i32
      %add3A_137 = arith.constant 4 : i32
      %add3A_138 = arith.addi %add3A_5, %add3A_137 : i32
      %sub3A_139 = arith.constant 1 : i32
      %sub3A_140 = arith.subi %add3A_138, %sub3A_139 : i32
      %le3A_141 = arith.cmpi sle, %add3A_130, %sub3A_140 : i32
      %and3A_142 = arith.andi %ge3A_136, %le3A_141 : i1
      %convert_element_type3A_143 = arith.extui %and3A_142 : i1 to i32
      %cond3A_144 = arith.constant 0 : i32
      %cond3A_145 = arith.cmpi ne, %convert_element_type3A_143, %cond3A_144 : i32
      scf.if %cond3A_145 {
        %sub3A_277 = arith.constant 4 : i32
        %sub3A_278 = arith.subi %add3A_130, %sub3A_277 : i32
        %dma_wait3A = arith.constant 768 : i32
        %dma_wait3A_279 = arith.constant 0 : i32
        %dma_wait3A_280 = tpu.memref_slice %arg8[%dma_wait3A, %dma_wait3A_279] : memref<1024x16xf32, #tpu.memory_space<vmem>> -> memref<128x16xf32, #tpu.memory_space<vmem>>
        %dma_wait3A_281 = arith.constant 0 : i32
        %dma_wait3A_282 = tpu.memref_slice %arg7[%sub3A_278, %dma_wait3A_281] : memref<40x128xi32, #tpu.memory_space<vmem>> -> memref<1x128xi32, #tpu.memory_space<vmem>>
        %dma_wait3A_283 = tpu.memref_squeeze %dma_wait3A_282 : memref<1x128xi32, #tpu.memory_space<vmem>> -> memref<128xi32, #tpu.memory_space<vmem>>
        %dma_wait3A_284 = arith.constant 0 : i32
        %dma_wait3A_285 = arith.constant 0 : i32
        %dma_wait3A_286 = tpu.memref_slice %arg9[%dma_wait3A_284, %dma_wait3A_285] : memref<10000x16xf32, #tpu.memory_space<vmem_shared>> -> memref<10000x16xf32, #tpu.memory_space<vmem_shared>>
        tpu.wait_indirect_dma semaphore(%arg24 : memref<!tpu.dma_semaphore, #tpu.memory_space<semaphore_mem>>) src(%dma_wait3A_280 : memref<128x16xf32, #tpu.memory_space<vmem>>) dst(%dma_wait3A_286 : memref<10000x16xf32, #tpu.memory_space<vmem_shared>>)
      } else {
      }
      %add3A_146 = arith.constant 4 : i32
      %add3A_147 = arith.addi %add3A_130, %add3A_146 : i32
      %lt3A_148 = arith.cmpi slt, %add3A_147, %add3A_5 : i32
      %convert_element_type3A_149 = arith.extui %lt3A_148 : i1 to i32
      %cond3A_150 = arith.constant 0 : i32
      %cond3A_151 = arith.cmpi ne, %convert_element_type3A_149, %cond3A_150 : i32
      scf.if %cond3A_151 {
        %add3A_277 = arith.constant 4 : i32
        %add3A_278 = arith.addi %add3A_130, %add3A_277 : i32
        %dma_start3A_279 = arith.constant 768 : i32
        %dma_start3A_280 = arith.constant 0 : i32
        %dma_start3A_281 = tpu.memref_slice %arg8[%dma_start3A_279, %dma_start3A_280] : memref<1024x16xf32, #tpu.memory_space<vmem>> -> memref<128x16xf32, #tpu.memory_space<vmem>>
        %dma_start3A_282 = arith.constant 0 : i32
        %dma_start3A_283 = tpu.memref_slice %arg6[%add3A_278, %dma_start3A_282] : memref<40x128xi32, #tpu.memory_space<vmem>> -> memref<1x128xi32, #tpu.memory_space<vmem>>
        %dma_start3A_284 = tpu.memref_squeeze %dma_start3A_283 : memref<1x128xi32, #tpu.memory_space<vmem>> -> memref<128xi32, #tpu.memory_space<vmem>>
        %dma_start3A_285 = arith.constant 0 : i32
        %dma_start3A_286 = arith.constant 0 : i32
        %dma_start3A_287 = tpu.memref_slice %arg2[%dma_start3A_285, %dma_start3A_286] : memref<10000x16xf32, #tpu.memory_space<hbm>> -> memref<10000x16xf32, #tpu.memory_space<hbm>>
        tpu.enqueue_indirect_dma source(%dma_start3A_287 : memref<10000x16xf32, #tpu.memory_space<hbm>>) target(%dma_start3A_281 : memref<128x16xf32, #tpu.memory_space<vmem>>) offsets(%dma_start3A_284 : memref<128xi32, #tpu.memory_space<vmem>>) semaphore(%arg16 : memref<!tpu.dma_semaphore, #tpu.memory_space<semaphore_mem>>)
      } else {
      }
      %mul3A_152 = arith.constant 8 : i32
      %mul3A_153 = arith.muli %while3A_79, %mul3A_152 : i32
      %add3A_154 = arith.constant 3 : i32
      %add3A_155 = arith.addi %mul3A_153, %add3A_154 : i32
      %lt3A_156 = arith.cmpi slt, %add3A_155, %add3A_5 : i32
      %convert_element_type3A_157 = arith.extui %lt3A_156 : i1 to i32
      %cond3A_158 = arith.constant 0 : i32
      %cond3A_159 = arith.cmpi ne, %convert_element_type3A_157, %cond3A_158 : i32
      scf.if %cond3A_159 {
        %dma_wait3A = arith.constant 384 : i32
        %dma_wait3A_277 = arith.constant 0 : i32
        %dma_wait3A_278 = tpu.memref_slice %arg8[%dma_wait3A, %dma_wait3A_277] : memref<1024x16xf32, #tpu.memory_space<vmem>> -> memref<128x16xf32, #tpu.memory_space<vmem>>
        %dma_wait3A_279 = arith.constant 0 : i32
        %dma_wait3A_280 = tpu.memref_slice %arg6[%add3A_155, %dma_wait3A_279] : memref<40x128xi32, #tpu.memory_space<vmem>> -> memref<1x128xi32, #tpu.memory_space<vmem>>
        %dma_wait3A_281 = tpu.memref_squeeze %dma_wait3A_280 : memref<1x128xi32, #tpu.memory_space<vmem>> -> memref<128xi32, #tpu.memory_space<vmem>>
        %dma_wait3A_282 = arith.constant 0 : i32
        %dma_wait3A_283 = arith.constant 0 : i32
        %dma_wait3A_284 = tpu.memref_slice %arg2[%dma_wait3A_282, %dma_wait3A_283] : memref<10000x16xf32, #tpu.memory_space<hbm>> -> memref<10000x16xf32, #tpu.memory_space<hbm>>
        tpu.wait_indirect_dma semaphore(%arg13 : memref<!tpu.dma_semaphore, #tpu.memory_space<semaphore_mem>>) src(%dma_wait3A_284 : memref<10000x16xf32, #tpu.memory_space<hbm>>) dst(%dma_wait3A_278 : memref<128x16xf32, #tpu.memory_space<vmem>>)
        %dma_start3A_285 = arith.constant 384 : i32
        %dma_start3A_286 = arith.constant 0 : i32
        %dma_start3A_287 = tpu.memref_slice %arg8[%dma_start3A_285, %dma_start3A_286] : memref<1024x16xf32, #tpu.memory_space<vmem>> -> memref<128x16xf32, #tpu.memory_space<vmem>>
        %dma_start3A_288 = arith.constant 0 : i32
        %dma_start3A_289 = tpu.memref_slice %arg7[%add3A_155, %dma_start3A_288] : memref<40x128xi32, #tpu.memory_space<vmem>> -> memref<1x128xi32, #tpu.memory_space<vmem>>
        %dma_start3A_290 = tpu.memref_squeeze %dma_start3A_289 : memref<1x128xi32, #tpu.memory_space<vmem>> -> memref<128xi32, #tpu.memory_space<vmem>>
        %dma_start3A_291 = arith.constant 0 : i32
        %dma_start3A_292 = arith.constant 0 : i32
        %dma_start3A_293 = tpu.memref_slice %arg9[%dma_start3A_291, %dma_start3A_292] : memref<10000x16xf32, #tpu.memory_space<vmem_shared>> -> memref<10000x16xf32, #tpu.memory_space<vmem_shared>>
        tpu.enqueue_indirect_dma source(%dma_start3A_287 : memref<128x16xf32, #tpu.memory_space<vmem>>) target(%dma_start3A_293 : memref<10000x16xf32, #tpu.memory_space<vmem_shared>>) offsets(%dma_start3A_290 : memref<128xi32, #tpu.memory_space<vmem>>) semaphore(%arg21 : memref<!tpu.dma_semaphore, #tpu.memory_space<semaphore_mem>>) {add = true}
      } else {
      }
      %ge3A_160 = arith.constant 4 : i32
      %ge3A_161 = arith.cmpi sge, %add3A_155, %ge3A_160 : i32
      %add3A_162 = arith.constant 4 : i32
      %add3A_163 = arith.addi %add3A_5, %add3A_162 : i32
      %sub3A_164 = arith.constant 1 : i32
      %sub3A_165 = arith.subi %add3A_163, %sub3A_164 : i32
      %le3A_166 = arith.cmpi sle, %add3A_155, %sub3A_165 : i32
      %and3A_167 = arith.andi %ge3A_161, %le3A_166 : i1
      %convert_element_type3A_168 = arith.extui %and3A_167 : i1 to i32
      %cond3A_169 = arith.constant 0 : i32
      %cond3A_170 = arith.cmpi ne, %convert_element_type3A_168, %cond3A_169 : i32
      scf.if %cond3A_170 {
        %sub3A_277 = arith.constant 4 : i32
        %sub3A_278 = arith.subi %add3A_155, %sub3A_277 : i32
        %dma_wait3A = arith.constant 896 : i32
        %dma_wait3A_279 = arith.constant 0 : i32
        %dma_wait3A_280 = tpu.memref_slice %arg8[%dma_wait3A, %dma_wait3A_279] : memref<1024x16xf32, #tpu.memory_space<vmem>> -> memref<128x16xf32, #tpu.memory_space<vmem>>
        %dma_wait3A_281 = arith.constant 0 : i32
        %dma_wait3A_282 = tpu.memref_slice %arg7[%sub3A_278, %dma_wait3A_281] : memref<40x128xi32, #tpu.memory_space<vmem>> -> memref<1x128xi32, #tpu.memory_space<vmem>>
        %dma_wait3A_283 = tpu.memref_squeeze %dma_wait3A_282 : memref<1x128xi32, #tpu.memory_space<vmem>> -> memref<128xi32, #tpu.memory_space<vmem>>
        %dma_wait3A_284 = arith.constant 0 : i32
        %dma_wait3A_285 = arith.constant 0 : i32
        %dma_wait3A_286 = tpu.memref_slice %arg9[%dma_wait3A_284, %dma_wait3A_285] : memref<10000x16xf32, #tpu.memory_space<vmem_shared>> -> memref<10000x16xf32, #tpu.memory_space<vmem_shared>>
        tpu.wait_indirect_dma semaphore(%arg25 : memref<!tpu.dma_semaphore, #tpu.memory_space<semaphore_mem>>) src(%dma_wait3A_280 : memref<128x16xf32, #tpu.memory_space<vmem>>) dst(%dma_wait3A_286 : memref<10000x16xf32, #tpu.memory_space<vmem_shared>>)
      } else {
      }
      %add3A_171 = arith.constant 4 : i32
      %add3A_172 = arith.addi %add3A_155, %add3A_171 : i32
      %lt3A_173 = arith.cmpi slt, %add3A_172, %add3A_5 : i32
      %convert_element_type3A_174 = arith.extui %lt3A_173 : i1 to i32
      %cond3A_175 = arith.constant 0 : i32
      %cond3A_176 = arith.cmpi ne, %convert_element_type3A_174, %cond3A_175 : i32
      scf.if %cond3A_176 {
        %add3A_277 = arith.constant 4 : i32
        %add3A_278 = arith.addi %add3A_155, %add3A_277 : i32
        %dma_start3A_279 = arith.constant 896 : i32
        %dma_start3A_280 = arith.constant 0 : i32
        %dma_start3A_281 = tpu.memref_slice %arg8[%dma_start3A_279, %dma_start3A_280] : memref<1024x16xf32, #tpu.memory_space<vmem>> -> memref<128x16xf32, #tpu.memory_space<vmem>>
        %dma_start3A_282 = arith.constant 0 : i32
        %dma_start3A_283 = tpu.memref_slice %arg6[%add3A_278, %dma_start3A_282] : memref<40x128xi32, #tpu.memory_space<vmem>> -> memref<1x128xi32, #tpu.memory_space<vmem>>
        %dma_start3A_284 = tpu.memref_squeeze %dma_start3A_283 : memref<1x128xi32, #tpu.memory_space<vmem>> -> memref<128xi32, #tpu.memory_space<vmem>>
        %dma_start3A_285 = arith.constant 0 : i32
        %dma_start3A_286 = arith.constant 0 : i32
        %dma_start3A_287 = tpu.memref_slice %arg2[%dma_start3A_285, %dma_start3A_286] : memref<10000x16xf32, #tpu.memory_space<hbm>> -> memref<10000x16xf32, #tpu.memory_space<hbm>>
        tpu.enqueue_indirect_dma source(%dma_start3A_287 : memref<10000x16xf32, #tpu.memory_space<hbm>>) target(%dma_start3A_281 : memref<128x16xf32, #tpu.memory_space<vmem>>) offsets(%dma_start3A_284 : memref<128xi32, #tpu.memory_space<vmem>>) semaphore(%arg17 : memref<!tpu.dma_semaphore, #tpu.memory_space<semaphore_mem>>)
      } else {
      }
      %mul3A_177 = arith.constant 8 : i32
      %mul3A_178 = arith.muli %while3A_79, %mul3A_177 : i32
      %add3A_179 = arith.constant 4 : i32
      %add3A_180 = arith.addi %mul3A_178, %add3A_179 : i32
      %lt3A_181 = arith.cmpi slt, %add3A_180, %add3A_5 : i32
      %convert_element_type3A_182 = arith.extui %lt3A_181 : i1 to i32
      %cond3A_183 = arith.constant 0 : i32
      %cond3A_184 = arith.cmpi ne, %convert_element_type3A_182, %cond3A_183 : i32
      scf.if %cond3A_184 {
        %dma_wait3A = arith.constant 512 : i32
        %dma_wait3A_277 = arith.constant 0 : i32
        %dma_wait3A_278 = tpu.memref_slice %arg8[%dma_wait3A, %dma_wait3A_277] : memref<1024x16xf32, #tpu.memory_space<vmem>> -> memref<128x16xf32, #tpu.memory_space<vmem>>
        %dma_wait3A_279 = arith.constant 0 : i32
        %dma_wait3A_280 = tpu.memref_slice %arg6[%add3A_180, %dma_wait3A_279] : memref<40x128xi32, #tpu.memory_space<vmem>> -> memref<1x128xi32, #tpu.memory_space<vmem>>
        %dma_wait3A_281 = tpu.memref_squeeze %dma_wait3A_280 : memref<1x128xi32, #tpu.memory_space<vmem>> -> memref<128xi32, #tpu.memory_space<vmem>>
        %dma_wait3A_282 = arith.constant 0 : i32
        %dma_wait3A_283 = arith.constant 0 : i32
        %dma_wait3A_284 = tpu.memref_slice %arg2[%dma_wait3A_282, %dma_wait3A_283] : memref<10000x16xf32, #tpu.memory_space<hbm>> -> memref<10000x16xf32, #tpu.memory_space<hbm>>
        tpu.wait_indirect_dma semaphore(%arg14 : memref<!tpu.dma_semaphore, #tpu.memory_space<semaphore_mem>>) src(%dma_wait3A_284 : memref<10000x16xf32, #tpu.memory_space<hbm>>) dst(%dma_wait3A_278 : memref<128x16xf32, #tpu.memory_space<vmem>>)
        %dma_start3A_285 = arith.constant 512 : i32
        %dma_start3A_286 = arith.constant 0 : i32
        %dma_start3A_287 = tpu.memref_slice %arg8[%dma_start3A_285, %dma_start3A_286] : memref<1024x16xf32, #tpu.memory_space<vmem>> -> memref<128x16xf32, #tpu.memory_space<vmem>>
        %dma_start3A_288 = arith.constant 0 : i32
        %dma_start3A_289 = tpu.memref_slice %arg7[%add3A_180, %dma_start3A_288] : memref<40x128xi32, #tpu.memory_space<vmem>> -> memref<1x128xi32, #tpu.memory_space<vmem>>
        %dma_start3A_290 = tpu.memref_squeeze %dma_start3A_289 : memref<1x128xi32, #tpu.memory_space<vmem>> -> memref<128xi32, #tpu.memory_space<vmem>>
        %dma_start3A_291 = arith.constant 0 : i32
        %dma_start3A_292 = arith.constant 0 : i32
        %dma_start3A_293 = tpu.memref_slice %arg9[%dma_start3A_291, %dma_start3A_292] : memref<10000x16xf32, #tpu.memory_space<vmem_shared>> -> memref<10000x16xf32, #tpu.memory_space<vmem_shared>>
        tpu.enqueue_indirect_dma source(%dma_start3A_287 : memref<128x16xf32, #tpu.memory_space<vmem>>) target(%dma_start3A_293 : memref<10000x16xf32, #tpu.memory_space<vmem_shared>>) offsets(%dma_start3A_290 : memref<128xi32, #tpu.memory_space<vmem>>) semaphore(%arg22 : memref<!tpu.dma_semaphore, #tpu.memory_space<semaphore_mem>>) {add = true}
      } else {
      }
      %ge3A_185 = arith.constant 4 : i32
      %ge3A_186 = arith.cmpi sge, %add3A_180, %ge3A_185 : i32
      %add3A_187 = arith.constant 4 : i32
      %add3A_188 = arith.addi %add3A_5, %add3A_187 : i32
      %sub3A_189 = arith.constant 1 : i32
      %sub3A_190 = arith.subi %add3A_188, %sub3A_189 : i32
      %le3A_191 = arith.cmpi sle, %add3A_180, %sub3A_190 : i32
      %and3A_192 = arith.andi %ge3A_186, %le3A_191 : i1
      %convert_element_type3A_193 = arith.extui %and3A_192 : i1 to i32
      %cond3A_194 = arith.constant 0 : i32
      %cond3A_195 = arith.cmpi ne, %convert_element_type3A_193, %cond3A_194 : i32
      scf.if %cond3A_195 {
        %sub3A_277 = arith.constant 4 : i32
        %sub3A_278 = arith.subi %add3A_180, %sub3A_277 : i32
        %dma_wait3A = arith.constant 0 : i32
        %dma_wait3A_279 = arith.constant 0 : i32
        %dma_wait3A_280 = tpu.memref_slice %arg8[%dma_wait3A, %dma_wait3A_279] : memref<1024x16xf32, #tpu.memory_space<vmem>> -> memref<128x16xf32, #tpu.memory_space<vmem>>
        %dma_wait3A_281 = arith.constant 0 : i32
        %dma_wait3A_282 = tpu.memref_slice %arg7[%sub3A_278, %dma_wait3A_281] : memref<40x128xi32, #tpu.memory_space<vmem>> -> memref<1x128xi32, #tpu.memory_space<vmem>>
        %dma_wait3A_283 = tpu.memref_squeeze %dma_wait3A_282 : memref<1x128xi32, #tpu.memory_space<vmem>> -> memref<128xi32, #tpu.memory_space<vmem>>
        %dma_wait3A_284 = arith.constant 0 : i32
        %dma_wait3A_285 = arith.constant 0 : i32
        %dma_wait3A_286 = tpu.memref_slice %arg9[%dma_wait3A_284, %dma_wait3A_285] : memref<10000x16xf32, #tpu.memory_space<vmem_shared>> -> memref<10000x16xf32, #tpu.memory_space<vmem_shared>>
        tpu.wait_indirect_dma semaphore(%arg18 : memref<!tpu.dma_semaphore, #tpu.memory_space<semaphore_mem>>) src(%dma_wait3A_280 : memref<128x16xf32, #tpu.memory_space<vmem>>) dst(%dma_wait3A_286 : memref<10000x16xf32, #tpu.memory_space<vmem_shared>>)
      } else {
      }
      %add3A_196 = arith.constant 4 : i32
      %add3A_197 = arith.addi %add3A_180, %add3A_196 : i32
      %lt3A_198 = arith.cmpi slt, %add3A_197, %add3A_5 : i32
      %convert_element_type3A_199 = arith.extui %lt3A_198 : i1 to i32
      %cond3A_200 = arith.constant 0 : i32
      %cond3A_201 = arith.cmpi ne, %convert_element_type3A_199, %cond3A_200 : i32
      scf.if %cond3A_201 {
        %add3A_277 = arith.constant 4 : i32
        %add3A_278 = arith.addi %add3A_180, %add3A_277 : i32
        %dma_start3A_279 = arith.constant 0 : i32
        %dma_start3A_280 = arith.constant 0 : i32
        %dma_start3A_281 = tpu.memref_slice %arg8[%dma_start3A_279, %dma_start3A_280] : memref<1024x16xf32, #tpu.memory_space<vmem>> -> memref<128x16xf32, #tpu.memory_space<vmem>>
        %dma_start3A_282 = arith.constant 0 : i32
        %dma_start3A_283 = tpu.memref_slice %arg6[%add3A_278, %dma_start3A_282] : memref<40x128xi32, #tpu.memory_space<vmem>> -> memref<1x128xi32, #tpu.memory_space<vmem>>
        %dma_start3A_284 = tpu.memref_squeeze %dma_start3A_283 : memref<1x128xi32, #tpu.memory_space<vmem>> -> memref<128xi32, #tpu.memory_space<vmem>>
        %dma_start3A_285 = arith.constant 0 : i32
        %dma_start3A_286 = arith.constant 0 : i32
        %dma_start3A_287 = tpu.memref_slice %arg2[%dma_start3A_285, %dma_start3A_286] : memref<10000x16xf32, #tpu.memory_space<hbm>> -> memref<10000x16xf32, #tpu.memory_space<hbm>>
        tpu.enqueue_indirect_dma source(%dma_start3A_287 : memref<10000x16xf32, #tpu.memory_space<hbm>>) target(%dma_start3A_281 : memref<128x16xf32, #tpu.memory_space<vmem>>) offsets(%dma_start3A_284 : memref<128xi32, #tpu.memory_space<vmem>>) semaphore(%arg10 : memref<!tpu.dma_semaphore, #tpu.memory_space<semaphore_mem>>)
      } else {
      }
      %mul3A_202 = arith.constant 8 : i32
      %mul3A_203 = arith.muli %while3A_79, %mul3A_202 : i32
      %add3A_204 = arith.constant 5 : i32
      %add3A_205 = arith.addi %mul3A_203, %add3A_204 : i32
      %lt3A_206 = arith.cmpi slt, %add3A_205, %add3A_5 : i32
      %convert_element_type3A_207 = arith.extui %lt3A_206 : i1 to i32
      %cond3A_208 = arith.constant 0 : i32
      %cond3A_209 = arith.cmpi ne, %convert_element_type3A_207, %cond3A_208 : i32
      scf.if %cond3A_209 {
        %dma_wait3A = arith.constant 640 : i32
        %dma_wait3A_277 = arith.constant 0 : i32
        %dma_wait3A_278 = tpu.memref_slice %arg8[%dma_wait3A, %dma_wait3A_277] : memref<1024x16xf32, #tpu.memory_space<vmem>> -> memref<128x16xf32, #tpu.memory_space<vmem>>
        %dma_wait3A_279 = arith.constant 0 : i32
        %dma_wait3A_280 = tpu.memref_slice %arg6[%add3A_205, %dma_wait3A_279] : memref<40x128xi32, #tpu.memory_space<vmem>> -> memref<1x128xi32, #tpu.memory_space<vmem>>
        %dma_wait3A_281 = tpu.memref_squeeze %dma_wait3A_280 : memref<1x128xi32, #tpu.memory_space<vmem>> -> memref<128xi32, #tpu.memory_space<vmem>>
        %dma_wait3A_282 = arith.constant 0 : i32
        %dma_wait3A_283 = arith.constant 0 : i32
        %dma_wait3A_284 = tpu.memref_slice %arg2[%dma_wait3A_282, %dma_wait3A_283] : memref<10000x16xf32, #tpu.memory_space<hbm>> -> memref<10000x16xf32, #tpu.memory_space<hbm>>
        tpu.wait_indirect_dma semaphore(%arg15 : memref<!tpu.dma_semaphore, #tpu.memory_space<semaphore_mem>>) src(%dma_wait3A_284 : memref<10000x16xf32, #tpu.memory_space<hbm>>) dst(%dma_wait3A_278 : memref<128x16xf32, #tpu.memory_space<vmem>>)
        %dma_start3A_285 = arith.constant 640 : i32
        %dma_start3A_286 = arith.constant 0 : i32
        %dma_start3A_287 = tpu.memref_slice %arg8[%dma_start3A_285, %dma_start3A_286] : memref<1024x16xf32, #tpu.memory_space<vmem>> -> memref<128x16xf32, #tpu.memory_space<vmem>>
        %dma_start3A_288 = arith.constant 0 : i32
        %dma_start3A_289 = tpu.memref_slice %arg7[%add3A_205, %dma_start3A_288] : memref<40x128xi32, #tpu.memory_space<vmem>> -> memref<1x128xi32, #tpu.memory_space<vmem>>
        %dma_start3A_290 = tpu.memref_squeeze %dma_start3A_289 : memref<1x128xi32, #tpu.memory_space<vmem>> -> memref<128xi32, #tpu.memory_space<vmem>>
        %dma_start3A_291 = arith.constant 0 : i32
        %dma_start3A_292 = arith.constant 0 : i32
        %dma_start3A_293 = tpu.memref_slice %arg9[%dma_start3A_291, %dma_start3A_292] : memref<10000x16xf32, #tpu.memory_space<vmem_shared>> -> memref<10000x16xf32, #tpu.memory_space<vmem_shared>>
        tpu.enqueue_indirect_dma source(%dma_start3A_287 : memref<128x16xf32, #tpu.memory_space<vmem>>) target(%dma_start3A_293 : memref<10000x16xf32, #tpu.memory_space<vmem_shared>>) offsets(%dma_start3A_290 : memref<128xi32, #tpu.memory_space<vmem>>) semaphore(%arg23 : memref<!tpu.dma_semaphore, #tpu.memory_space<semaphore_mem>>) {add = true}
      } else {
      }
      %ge3A_210 = arith.constant 4 : i32
      %ge3A_211 = arith.cmpi sge, %add3A_205, %ge3A_210 : i32
      %add3A_212 = arith.constant 4 : i32
      %add3A_213 = arith.addi %add3A_5, %add3A_212 : i32
      %sub3A_214 = arith.constant 1 : i32
      %sub3A_215 = arith.subi %add3A_213, %sub3A_214 : i32
      %le3A_216 = arith.cmpi sle, %add3A_205, %sub3A_215 : i32
      %and3A_217 = arith.andi %ge3A_211, %le3A_216 : i1
      %convert_element_type3A_218 = arith.extui %and3A_217 : i1 to i32
      %cond3A_219 = arith.constant 0 : i32
      %cond3A_220 = arith.cmpi ne, %convert_element_type3A_218, %cond3A_219 : i32
      scf.if %cond3A_220 {
        %sub3A_277 = arith.constant 4 : i32
        %sub3A_278 = arith.subi %add3A_205, %sub3A_277 : i32
        %dma_wait3A = arith.constant 128 : i32
        %dma_wait3A_279 = arith.constant 0 : i32
        %dma_wait3A_280 = tpu.memref_slice %arg8[%dma_wait3A, %dma_wait3A_279] : memref<1024x16xf32, #tpu.memory_space<vmem>> -> memref<128x16xf32, #tpu.memory_space<vmem>>
        %dma_wait3A_281 = arith.constant 0 : i32
        %dma_wait3A_282 = tpu.memref_slice %arg7[%sub3A_278, %dma_wait3A_281] : memref<40x128xi32, #tpu.memory_space<vmem>> -> memref<1x128xi32, #tpu.memory_space<vmem>>
        %dma_wait3A_283 = tpu.memref_squeeze %dma_wait3A_282 : memref<1x128xi32, #tpu.memory_space<vmem>> -> memref<128xi32, #tpu.memory_space<vmem>>
        %dma_wait3A_284 = arith.constant 0 : i32
        %dma_wait3A_285 = arith.constant 0 : i32
        %dma_wait3A_286 = tpu.memref_slice %arg9[%dma_wait3A_284, %dma_wait3A_285] : memref<10000x16xf32, #tpu.memory_space<vmem_shared>> -> memref<10000x16xf32, #tpu.memory_space<vmem_shared>>
        tpu.wait_indirect_dma semaphore(%arg19 : memref<!tpu.dma_semaphore, #tpu.memory_space<semaphore_mem>>) src(%dma_wait3A_280 : memref<128x16xf32, #tpu.memory_space<vmem>>) dst(%dma_wait3A_286 : memref<10000x16xf32, #tpu.memory_space<vmem_shared>>)
      } else {
      }
      %add3A_221 = arith.constant 4 : i32
      %add3A_222 = arith.addi %add3A_205, %add3A_221 : i32
      %lt3A_223 = arith.cmpi slt, %add3A_222, %add3A_5 : i32
      %convert_element_type3A_224 = arith.extui %lt3A_223 : i1 to i32
      %cond3A_225 = arith.constant 0 : i32
      %cond3A_226 = arith.cmpi ne, %convert_element_type3A_224, %cond3A_225 : i32
      scf.if %cond3A_226 {
        %add3A_277 = arith.constant 4 : i32
        %add3A_278 = arith.addi %add3A_205, %add3A_277 : i32
        %dma_start3A_279 = arith.constant 128 : i32
        %dma_start3A_280 = arith.constant 0 : i32
        %dma_start3A_281 = tpu.memref_slice %arg8[%dma_start3A_279, %dma_start3A_280] : memref<1024x16xf32, #tpu.memory_space<vmem>> -> memref<128x16xf32, #tpu.memory_space<vmem>>
        %dma_start3A_282 = arith.constant 0 : i32
        %dma_start3A_283 = tpu.memref_slice %arg6[%add3A_278, %dma_start3A_282] : memref<40x128xi32, #tpu.memory_space<vmem>> -> memref<1x128xi32, #tpu.memory_space<vmem>>
        %dma_start3A_284 = tpu.memref_squeeze %dma_start3A_283 : memref<1x128xi32, #tpu.memory_space<vmem>> -> memref<128xi32, #tpu.memory_space<vmem>>
        %dma_start3A_285 = arith.constant 0 : i32
        %dma_start3A_286 = arith.constant 0 : i32
        %dma_start3A_287 = tpu.memref_slice %arg2[%dma_start3A_285, %dma_start3A_286] : memref<10000x16xf32, #tpu.memory_space<hbm>> -> memref<10000x16xf32, #tpu.memory_space<hbm>>
        tpu.enqueue_indirect_dma source(%dma_start3A_287 : memref<10000x16xf32, #tpu.memory_space<hbm>>) target(%dma_start3A_281 : memref<128x16xf32, #tpu.memory_space<vmem>>) offsets(%dma_start3A_284 : memref<128xi32, #tpu.memory_space<vmem>>) semaphore(%arg11 : memref<!tpu.dma_semaphore, #tpu.memory_space<semaphore_mem>>)
      } else {
      }
      %mul3A_227 = arith.constant 8 : i32
      %mul3A_228 = arith.muli %while3A_79, %mul3A_227 : i32
      %add3A_229 = arith.constant 6 : i32
      %add3A_230 = arith.addi %mul3A_228, %add3A_229 : i32
      %lt3A_231 = arith.cmpi slt, %add3A_230, %add3A_5 : i32
      %convert_element_type3A_232 = arith.extui %lt3A_231 : i1 to i32
      %cond3A_233 = arith.constant 0 : i32
      %cond3A_234 = arith.cmpi ne, %convert_element_type3A_232, %cond3A_233 : i32
      scf.if %cond3A_234 {
        %dma_wait3A = arith.constant 768 : i32
        %dma_wait3A_277 = arith.constant 0 : i32
        %dma_wait3A_278 = tpu.memref_slice %arg8[%dma_wait3A, %dma_wait3A_277] : memref<1024x16xf32, #tpu.memory_space<vmem>> -> memref<128x16xf32, #tpu.memory_space<vmem>>
        %dma_wait3A_279 = arith.constant 0 : i32
        %dma_wait3A_280 = tpu.memref_slice %arg6[%add3A_230, %dma_wait3A_279] : memref<40x128xi32, #tpu.memory_space<vmem>> -> memref<1x128xi32, #tpu.memory_space<vmem>>
        %dma_wait3A_281 = tpu.memref_squeeze %dma_wait3A_280 : memref<1x128xi32, #tpu.memory_space<vmem>> -> memref<128xi32, #tpu.memory_space<vmem>>
        %dma_wait3A_282 = arith.constant 0 : i32
        %dma_wait3A_283 = arith.constant 0 : i32
        %dma_wait3A_284 = tpu.memref_slice %arg2[%dma_wait3A_282, %dma_wait3A_283] : memref<10000x16xf32, #tpu.memory_space<hbm>> -> memref<10000x16xf32, #tpu.memory_space<hbm>>
        tpu.wait_indirect_dma semaphore(%arg16 : memref<!tpu.dma_semaphore, #tpu.memory_space<semaphore_mem>>) src(%dma_wait3A_284 : memref<10000x16xf32, #tpu.memory_space<hbm>>) dst(%dma_wait3A_278 : memref<128x16xf32, #tpu.memory_space<vmem>>)
        %dma_start3A_285 = arith.constant 768 : i32
        %dma_start3A_286 = arith.constant 0 : i32
        %dma_start3A_287 = tpu.memref_slice %arg8[%dma_start3A_285, %dma_start3A_286] : memref<1024x16xf32, #tpu.memory_space<vmem>> -> memref<128x16xf32, #tpu.memory_space<vmem>>
        %dma_start3A_288 = arith.constant 0 : i32
        %dma_start3A_289 = tpu.memref_slice %arg7[%add3A_230, %dma_start3A_288] : memref<40x128xi32, #tpu.memory_space<vmem>> -> memref<1x128xi32, #tpu.memory_space<vmem>>
        %dma_start3A_290 = tpu.memref_squeeze %dma_start3A_289 : memref<1x128xi32, #tpu.memory_space<vmem>> -> memref<128xi32, #tpu.memory_space<vmem>>
        %dma_start3A_291 = arith.constant 0 : i32
        %dma_start3A_292 = arith.constant 0 : i32
        %dma_start3A_293 = tpu.memref_slice %arg9[%dma_start3A_291, %dma_start3A_292] : memref<10000x16xf32, #tpu.memory_space<vmem_shared>> -> memref<10000x16xf32, #tpu.memory_space<vmem_shared>>
        tpu.enqueue_indirect_dma source(%dma_start3A_287 : memref<128x16xf32, #tpu.memory_space<vmem>>) target(%dma_start3A_293 : memref<10000x16xf32, #tpu.memory_space<vmem_shared>>) offsets(%dma_start3A_290 : memref<128xi32, #tpu.memory_space<vmem>>) semaphore(%arg24 : memref<!tpu.dma_semaphore, #tpu.memory_space<semaphore_mem>>) {add = true}
      } else {
      }
      %ge3A_235 = arith.constant 4 : i32
      %ge3A_236 = arith.cmpi sge, %add3A_230, %ge3A_235 : i32
      %add3A_237 = arith.constant 4 : i32
      %add3A_238 = arith.addi %add3A_5, %add3A_237 : i32
      %sub3A_239 = arith.constant 1 : i32
      %sub3A_240 = arith.subi %add3A_238, %sub3A_239 : i32
      %le3A_241 = arith.cmpi sle, %add3A_230, %sub3A_240 : i32
      %and3A_242 = arith.andi %ge3A_236, %le3A_241 : i1
      %convert_element_type3A_243 = arith.extui %and3A_242 : i1 to i32
      %cond3A_244 = arith.constant 0 : i32
      %cond3A_245 = arith.cmpi ne, %convert_element_type3A_243, %cond3A_244 : i32
      scf.if %cond3A_245 {
        %sub3A_277 = arith.constant 4 : i32
        %sub3A_278 = arith.subi %add3A_230, %sub3A_277 : i32
        %dma_wait3A = arith.constant 256 : i32
        %dma_wait3A_279 = arith.constant 0 : i32
        %dma_wait3A_280 = tpu.memref_slice %arg8[%dma_wait3A, %dma_wait3A_279] : memref<1024x16xf32, #tpu.memory_space<vmem>> -> memref<128x16xf32, #tpu.memory_space<vmem>>
        %dma_wait3A_281 = arith.constant 0 : i32
        %dma_wait3A_282 = tpu.memref_slice %arg7[%sub3A_278, %dma_wait3A_281] : memref<40x128xi32, #tpu.memory_space<vmem>> -> memref<1x128xi32, #tpu.memory_space<vmem>>
        %dma_wait3A_283 = tpu.memref_squeeze %dma_wait3A_282 : memref<1x128xi32, #tpu.memory_space<vmem>> -> memref<128xi32, #tpu.memory_space<vmem>>
        %dma_wait3A_284 = arith.constant 0 : i32
        %dma_wait3A_285 = arith.constant 0 : i32
        %dma_wait3A_286 = tpu.memref_slice %arg9[%dma_wait3A_284, %dma_wait3A_285] : memref<10000x16xf32, #tpu.memory_space<vmem_shared>> -> memref<10000x16xf32, #tpu.memory_space<vmem_shared>>
        tpu.wait_indirect_dma semaphore(%arg20 : memref<!tpu.dma_semaphore, #tpu.memory_space<semaphore_mem>>) src(%dma_wait3A_280 : memref<128x16xf32, #tpu.memory_space<vmem>>) dst(%dma_wait3A_286 : memref<10000x16xf32, #tpu.memory_space<vmem_shared>>)
      } else {
      }
      %add3A_246 = arith.constant 4 : i32
      %add3A_247 = arith.addi %add3A_230, %add3A_246 : i32
      %lt3A_248 = arith.cmpi slt, %add3A_247, %add3A_5 : i32
      %convert_element_type3A_249 = arith.extui %lt3A_248 : i1 to i32
      %cond3A_250 = arith.constant 0 : i32
      %cond3A_251 = arith.cmpi ne, %convert_element_type3A_249, %cond3A_250 : i32
      scf.if %cond3A_251 {
        %add3A_277 = arith.constant 4 : i32
        %add3A_278 = arith.addi %add3A_230, %add3A_277 : i32
        %dma_start3A_279 = arith.constant 256 : i32
        %dma_start3A_280 = arith.constant 0 : i32
        %dma_start3A_281 = tpu.memref_slice %arg8[%dma_start3A_279, %dma_start3A_280] : memref<1024x16xf32, #tpu.memory_space<vmem>> -> memref<128x16xf32, #tpu.memory_space<vmem>>
        %dma_start3A_282 = arith.constant 0 : i32
        %dma_start3A_283 = tpu.memref_slice %arg6[%add3A_278, %dma_start3A_282] : memref<40x128xi32, #tpu.memory_space<vmem>> -> memref<1x128xi32, #tpu.memory_space<vmem>>
        %dma_start3A_284 = tpu.memref_squeeze %dma_start3A_283 : memref<1x128xi32, #tpu.memory_space<vmem>> -> memref<128xi32, #tpu.memory_space<vmem>>
        %dma_start3A_285 = arith.constant 0 : i32
        %dma_start3A_286 = arith.constant 0 : i32
        %dma_start3A_287 = tpu.memref_slice %arg2[%dma_start3A_285, %dma_start3A_286] : memref<10000x16xf32, #tpu.memory_space<hbm>> -> memref<10000x16xf32, #tpu.memory_space<hbm>>
        tpu.enqueue_indirect_dma source(%dma_start3A_287 : memref<10000x16xf32, #tpu.memory_space<hbm>>) target(%dma_start3A_281 : memref<128x16xf32, #tpu.memory_space<vmem>>) offsets(%dma_start3A_284 : memref<128xi32, #tpu.memory_space<vmem>>) semaphore(%arg12 : memref<!tpu.dma_semaphore, #tpu.memory_space<semaphore_mem>>)
      } else {
      }
      %mul3A_252 = arith.constant 8 : i32
      %mul3A_253 = arith.muli %while3A_79, %mul3A_252 : i32
      %add3A_254 = arith.constant 7 : i32
      %add3A_255 = arith.addi %mul3A_253, %add3A_254 : i32
      %lt3A_256 = arith.cmpi slt, %add3A_255, %add3A_5 : i32
      %convert_element_type3A_257 = arith.extui %lt3A_256 : i1 to i32
      %cond3A_258 = arith.constant 0 : i32
      %cond3A_259 = arith.cmpi ne, %convert_element_type3A_257, %cond3A_258 : i32
      scf.if %cond3A_259 {
        %dma_wait3A = arith.constant 896 : i32
        %dma_wait3A_277 = arith.constant 0 : i32
        %dma_wait3A_278 = tpu.memref_slice %arg8[%dma_wait3A, %dma_wait3A_277] : memref<1024x16xf32, #tpu.memory_space<vmem>> -> memref<128x16xf32, #tpu.memory_space<vmem>>
        %dma_wait3A_279 = arith.constant 0 : i32
        %dma_wait3A_280 = tpu.memref_slice %arg6[%add3A_255, %dma_wait3A_279] : memref<40x128xi32, #tpu.memory_space<vmem>> -> memref<1x128xi32, #tpu.memory_space<vmem>>
        %dma_wait3A_281 = tpu.memref_squeeze %dma_wait3A_280 : memref<1x128xi32, #tpu.memory_space<vmem>> -> memref<128xi32, #tpu.memory_space<vmem>>
        %dma_wait3A_282 = arith.constant 0 : i32
        %dma_wait3A_283 = arith.constant 0 : i32
        %dma_wait3A_284 = tpu.memref_slice %arg2[%dma_wait3A_282, %dma_wait3A_283] : memref<10000x16xf32, #tpu.memory_space<hbm>> -> memref<10000x16xf32, #tpu.memory_space<hbm>>
        tpu.wait_indirect_dma semaphore(%arg17 : memref<!tpu.dma_semaphore, #tpu.memory_space<semaphore_mem>>) src(%dma_wait3A_284 : memref<10000x16xf32, #tpu.memory_space<hbm>>) dst(%dma_wait3A_278 : memref<128x16xf32, #tpu.memory_space<vmem>>)
        %dma_start3A_285 = arith.constant 896 : i32
        %dma_start3A_286 = arith.constant 0 : i32
        %dma_start3A_287 = tpu.memref_slice %arg8[%dma_start3A_285, %dma_start3A_286] : memref<1024x16xf32, #tpu.memory_space<vmem>> -> memref<128x16xf32, #tpu.memory_space<vmem>>
        %dma_start3A_288 = arith.constant 0 : i32
        %dma_start3A_289 = tpu.memref_slice %arg7[%add3A_255, %dma_start3A_288] : memref<40x128xi32, #tpu.memory_space<vmem>> -> memref<1x128xi32, #tpu.memory_space<vmem>>
        %dma_start3A_290 = tpu.memref_squeeze %dma_start3A_289 : memref<1x128xi32, #tpu.memory_space<vmem>> -> memref<128xi32, #tpu.memory_space<vmem>>
        %dma_start3A_291 = arith.constant 0 : i32
        %dma_start3A_292 = arith.constant 0 : i32
        %dma_start3A_293 = tpu.memref_slice %arg9[%dma_start3A_291, %dma_start3A_292] : memref<10000x16xf32, #tpu.memory_space<vmem_shared>> -> memref<10000x16xf32, #tpu.memory_space<vmem_shared>>
        tpu.enqueue_indirect_dma source(%dma_start3A_287 : memref<128x16xf32, #tpu.memory_space<vmem>>) target(%dma_start3A_293 : memref<10000x16xf32, #tpu.memory_space<vmem_shared>>) offsets(%dma_start3A_290 : memref<128xi32, #tpu.memory_space<vmem>>) semaphore(%arg25 : memref<!tpu.dma_semaphore, #tpu.memory_space<semaphore_mem>>) {add = true}
      } else {
      }
      %ge3A_260 = arith.constant 4 : i32
      %ge3A_261 = arith.cmpi sge, %add3A_255, %ge3A_260 : i32
      %add3A_262 = arith.constant 4 : i32
      %add3A_263 = arith.addi %add3A_5, %add3A_262 : i32
      %sub3A_264 = arith.constant 1 : i32
      %sub3A_265 = arith.subi %add3A_263, %sub3A_264 : i32
      %le3A_266 = arith.cmpi sle, %add3A_255, %sub3A_265 : i32
      %and3A_267 = arith.andi %ge3A_261, %le3A_266 : i1
      %convert_element_type3A_268 = arith.extui %and3A_267 : i1 to i32
      %cond3A_269 = arith.constant 0 : i32
      %cond3A_270 = arith.cmpi ne, %convert_element_type3A_268, %cond3A_269 : i32
      scf.if %cond3A_270 {
        %sub3A_277 = arith.constant 4 : i32
        %sub3A_278 = arith.subi %add3A_255, %sub3A_277 : i32
        %dma_wait3A = arith.constant 384 : i32
        %dma_wait3A_279 = arith.constant 0 : i32
        %dma_wait3A_280 = tpu.memref_slice %arg8[%dma_wait3A, %dma_wait3A_279] : memref<1024x16xf32, #tpu.memory_space<vmem>> -> memref<128x16xf32, #tpu.memory_space<vmem>>
        %dma_wait3A_281 = arith.constant 0 : i32
        %dma_wait3A_282 = tpu.memref_slice %arg7[%sub3A_278, %dma_wait3A_281] : memref<40x128xi32, #tpu.memory_space<vmem>> -> memref<1x128xi32, #tpu.memory_space<vmem>>
        %dma_wait3A_283 = tpu.memref_squeeze %dma_wait3A_282 : memref<1x128xi32, #tpu.memory_space<vmem>> -> memref<128xi32, #tpu.memory_space<vmem>>
        %dma_wait3A_284 = arith.constant 0 : i32
        %dma_wait3A_285 = arith.constant 0 : i32
        %dma_wait3A_286 = tpu.memref_slice %arg9[%dma_wait3A_284, %dma_wait3A_285] : memref<10000x16xf32, #tpu.memory_space<vmem_shared>> -> memref<10000x16xf32, #tpu.memory_space<vmem_shared>>
        tpu.wait_indirect_dma semaphore(%arg21 : memref<!tpu.dma_semaphore, #tpu.memory_space<semaphore_mem>>) src(%dma_wait3A_280 : memref<128x16xf32, #tpu.memory_space<vmem>>) dst(%dma_wait3A_286 : memref<10000x16xf32, #tpu.memory_space<vmem_shared>>)
      } else {
      }
      %add3A_271 = arith.constant 4 : i32
      %add3A_272 = arith.addi %add3A_255, %add3A_271 : i32
      %lt3A_273 = arith.cmpi slt, %add3A_272, %add3A_5 : i32
      %convert_element_type3A_274 = arith.extui %lt3A_273 : i1 to i32
      %cond3A_275 = arith.constant 0 : i32
      %cond3A_276 = arith.cmpi ne, %convert_element_type3A_274, %cond3A_275 : i32
      scf.if %cond3A_276 {
        %add3A_277 = arith.constant 4 : i32
        %add3A_278 = arith.addi %add3A_255, %add3A_277 : i32
        %dma_start3A_279 = arith.constant 384 : i32
        %dma_start3A_280 = arith.constant 0 : i32
        %dma_start3A_281 = tpu.memref_slice %arg8[%dma_start3A_279, %dma_start3A_280] : memref<1024x16xf32, #tpu.memory_space<vmem>> -> memref<128x16xf32, #tpu.memory_space<vmem>>
        %dma_start3A_282 = arith.constant 0 : i32
        %dma_start3A_283 = tpu.memref_slice %arg6[%add3A_278, %dma_start3A_282] : memref<40x128xi32, #tpu.memory_space<vmem>> -> memref<1x128xi32, #tpu.memory_space<vmem>>
        %dma_start3A_284 = tpu.memref_squeeze %dma_start3A_283 : memref<1x128xi32, #tpu.memory_space<vmem>> -> memref<128xi32, #tpu.memory_space<vmem>>
        %dma_start3A_285 = arith.constant 0 : i32
        %dma_start3A_286 = arith.constant 0 : i32
        %dma_start3A_287 = tpu.memref_slice %arg2[%dma_start3A_285, %dma_start3A_286] : memref<10000x16xf32, #tpu.memory_space<hbm>> -> memref<10000x16xf32, #tpu.memory_space<hbm>>
        tpu.enqueue_indirect_dma source(%dma_start3A_287 : memref<10000x16xf32, #tpu.memory_space<hbm>>) target(%dma_start3A_281 : memref<128x16xf32, #tpu.memory_space<vmem>>) offsets(%dma_start3A_284 : memref<128xi32, #tpu.memory_space<vmem>>) semaphore(%arg13 : memref<!tpu.dma_semaphore, #tpu.memory_space<semaphore_mem>>)
      } else {
      }
    }
    %while3A_68 = arith.constant 1 : i32
    scf.for %while3A_79 = %while3A_66 to %while3A_62 step %while3A_68  : i32 {
      %mul3A_80 = arith.constant 8 : i32
      %mul3A_81 = arith.muli %while3A_79, %mul3A_80 : i32
      %add3A_82 = arith.constant 0 : i32
      %add3A_83 = arith.addi %mul3A_81, %add3A_82 : i32
      %lt3A_84 = arith.cmpi slt, %add3A_83, %add3A_5 : i32
      %convert_element_type3A_85 = arith.extui %lt3A_84 : i1 to i32
      %cond3A_86 = arith.constant 0 : i32
      %cond3A_87 = arith.cmpi ne, %convert_element_type3A_85, %cond3A_86 : i32
      scf.if %cond3A_87 {
        %dma_wait3A = arith.constant 0 : i32
        %dma_wait3A_277 = arith.constant 0 : i32
        %dma_wait3A_278 = tpu.memref_slice %arg8[%dma_wait3A, %dma_wait3A_277] : memref<1024x16xf32, #tpu.memory_space<vmem>> -> memref<128x16xf32, #tpu.memory_space<vmem>>
        %dma_wait3A_279 = arith.constant 0 : i32
        %dma_wait3A_280 = tpu.memref_slice %arg6[%add3A_83, %dma_wait3A_279] : memref<40x128xi32, #tpu.memory_space<vmem>> -> memref<1x128xi32, #tpu.memory_space<vmem>>
        %dma_wait3A_281 = tpu.memref_squeeze %dma_wait3A_280 : memref<1x128xi32, #tpu.memory_space<vmem>> -> memref<128xi32, #tpu.memory_space<vmem>>
        %dma_wait3A_282 = arith.constant 0 : i32
        %dma_wait3A_283 = arith.constant 0 : i32
        %dma_wait3A_284 = tpu.memref_slice %arg2[%dma_wait3A_282, %dma_wait3A_283] : memref<10000x16xf32, #tpu.memory_space<hbm>> -> memref<10000x16xf32, #tpu.memory_space<hbm>>
        tpu.wait_indirect_dma semaphore(%arg10 : memref<!tpu.dma_semaphore, #tpu.memory_space<semaphore_mem>>) src(%dma_wait3A_284 : memref<10000x16xf32, #tpu.memory_space<hbm>>) dst(%dma_wait3A_278 : memref<128x16xf32, #tpu.memory_space<vmem>>)
        %dma_start3A_285 = arith.constant 0 : i32
        %dma_start3A_286 = arith.constant 0 : i32
        %dma_start3A_287 = tpu.memref_slice %arg8[%dma_start3A_285, %dma_start3A_286] : memref<1024x16xf32, #tpu.memory_space<vmem>> -> memref<128x16xf32, #tpu.memory_space<vmem>>
        %dma_start3A_288 = arith.constant 0 : i32
        %dma_start3A_289 = tpu.memref_slice %arg7[%add3A_83, %dma_start3A_288] : memref<40x128xi32, #tpu.memory_space<vmem>> -> memref<1x128xi32, #tpu.memory_space<vmem>>
        %dma_start3A_290 = tpu.memref_squeeze %dma_start3A_289 : memref<1x128xi32, #tpu.memory_space<vmem>> -> memref<128xi32, #tpu.memory_space<vmem>>
        %dma_start3A_291 = arith.constant 0 : i32
        %dma_start3A_292 = arith.constant 0 : i32
        %dma_start3A_293 = tpu.memref_slice %arg9[%dma_start3A_291, %dma_start3A_292] : memref<10000x16xf32, #tpu.memory_space<vmem_shared>> -> memref<10000x16xf32, #tpu.memory_space<vmem_shared>>
        tpu.enqueue_indirect_dma source(%dma_start3A_287 : memref<128x16xf32, #tpu.memory_space<vmem>>) target(%dma_start3A_293 : memref<10000x16xf32, #tpu.memory_space<vmem_shared>>) offsets(%dma_start3A_290 : memref<128xi32, #tpu.memory_space<vmem>>) semaphore(%arg18 : memref<!tpu.dma_semaphore, #tpu.memory_space<semaphore_mem>>) {add = true}
      } else {
      }
      %ge3A = arith.constant 4 : i32
      %ge3A_88 = arith.cmpi sge, %add3A_83, %ge3A : i32
      %add3A_89 = arith.constant 4 : i32
      %add3A_90 = arith.addi %add3A_5, %add3A_89 : i32
      %sub3A_91 = arith.constant 1 : i32
      %sub3A_92 = arith.subi %add3A_90, %sub3A_91 : i32
      %le3A = arith.cmpi sle, %add3A_83, %sub3A_92 : i32
      %and3A = arith.andi %ge3A_88, %le3A : i1
      %convert_element_type3A_93 = arith.extui %and3A : i1 to i32
      %cond3A_94 = arith.constant 0 : i32
      %cond3A_95 = arith.cmpi ne, %convert_element_type3A_93, %cond3A_94 : i32
      scf.if %cond3A_95 {
        %sub3A_277 = arith.constant 4 : i32
        %sub3A_278 = arith.subi %add3A_83, %sub3A_277 : i32
        %dma_wait3A = arith.constant 512 : i32
        %dma_wait3A_279 = arith.constant 0 : i32
        %dma_wait3A_280 = tpu.memref_slice %arg8[%dma_wait3A, %dma_wait3A_279] : memref<1024x16xf32, #tpu.memory_space<vmem>> -> memref<128x16xf32, #tpu.memory_space<vmem>>
        %dma_wait3A_281 = arith.constant 0 : i32
        %dma_wait3A_282 = tpu.memref_slice %arg7[%sub3A_278, %dma_wait3A_281] : memref<40x128xi32, #tpu.memory_space<vmem>> -> memref<1x128xi32, #tpu.memory_space<vmem>>
        %dma_wait3A_283 = tpu.memref_squeeze %dma_wait3A_282 : memref<1x128xi32, #tpu.memory_space<vmem>> -> memref<128xi32, #tpu.memory_space<vmem>>
        %dma_wait3A_284 = arith.constant 0 : i32
        %dma_wait3A_285 = arith.constant 0 : i32
        %dma_wait3A_286 = tpu.memref_slice %arg9[%dma_wait3A_284, %dma_wait3A_285] : memref<10000x16xf32, #tpu.memory_space<vmem_shared>> -> memref<10000x16xf32, #tpu.memory_space<vmem_shared>>
        tpu.wait_indirect_dma semaphore(%arg22 : memref<!tpu.dma_semaphore, #tpu.memory_space<semaphore_mem>>) src(%dma_wait3A_280 : memref<128x16xf32, #tpu.memory_space<vmem>>) dst(%dma_wait3A_286 : memref<10000x16xf32, #tpu.memory_space<vmem_shared>>)
      } else {
      }
      %add3A_96 = arith.constant 4 : i32
      %add3A_97 = arith.addi %add3A_83, %add3A_96 : i32
      %lt3A_98 = arith.cmpi slt, %add3A_97, %add3A_5 : i32
      %convert_element_type3A_99 = arith.extui %lt3A_98 : i1 to i32
      %cond3A_100 = arith.constant 0 : i32
      %cond3A_101 = arith.cmpi ne, %convert_element_type3A_99, %cond3A_100 : i32
      scf.if %cond3A_101 {
        %add3A_277 = arith.constant 4 : i32
        %add3A_278 = arith.addi %add3A_83, %add3A_277 : i32
        %dma_start3A_279 = arith.constant 512 : i32
        %dma_start3A_280 = arith.constant 0 : i32
        %dma_start3A_281 = tpu.memref_slice %arg8[%dma_start3A_279, %dma_start3A_280] : memref<1024x16xf32, #tpu.memory_space<vmem>> -> memref<128x16xf32, #tpu.memory_space<vmem>>
        %dma_start3A_282 = arith.constant 0 : i32
        %dma_start3A_283 = tpu.memref_slice %arg6[%add3A_278, %dma_start3A_282] : memref<40x128xi32, #tpu.memory_space<vmem>> -> memref<1x128xi32, #tpu.memory_space<vmem>>
        %dma_start3A_284 = tpu.memref_squeeze %dma_start3A_283 : memref<1x128xi32, #tpu.memory_space<vmem>> -> memref<128xi32, #tpu.memory_space<vmem>>
        %dma_start3A_285 = arith.constant 0 : i32
        %dma_start3A_286 = arith.constant 0 : i32
        %dma_start3A_287 = tpu.memref_slice %arg2[%dma_start3A_285, %dma_start3A_286] : memref<10000x16xf32, #tpu.memory_space<hbm>> -> memref<10000x16xf32, #tpu.memory_space<hbm>>
        tpu.enqueue_indirect_dma source(%dma_start3A_287 : memref<10000x16xf32, #tpu.memory_space<hbm>>) target(%dma_start3A_281 : memref<128x16xf32, #tpu.memory_space<vmem>>) offsets(%dma_start3A_284 : memref<128xi32, #tpu.memory_space<vmem>>) semaphore(%arg14 : memref<!tpu.dma_semaphore, #tpu.memory_space<semaphore_mem>>)
      } else {
      }
      %mul3A_102 = arith.constant 8 : i32
      %mul3A_103 = arith.muli %while3A_79, %mul3A_102 : i32
      %add3A_104 = arith.constant 1 : i32
      %add3A_105 = arith.addi %mul3A_103, %add3A_104 : i32
      %lt3A_106 = arith.cmpi slt, %add3A_105, %add3A_5 : i32
      %convert_element_type3A_107 = arith.extui %lt3A_106 : i1 to i32
      %cond3A_108 = arith.constant 0 : i32
      %cond3A_109 = arith.cmpi ne, %convert_element_type3A_107, %cond3A_108 : i32
      scf.if %cond3A_109 {
        %dma_wait3A = arith.constant 128 : i32
        %dma_wait3A_277 = arith.constant 0 : i32
        %dma_wait3A_278 = tpu.memref_slice %arg8[%dma_wait3A, %dma_wait3A_277] : memref<1024x16xf32, #tpu.memory_space<vmem>> -> memref<128x16xf32, #tpu.memory_space<vmem>>
        %dma_wait3A_279 = arith.constant 0 : i32
        %dma_wait3A_280 = tpu.memref_slice %arg6[%add3A_105, %dma_wait3A_279] : memref<40x128xi32, #tpu.memory_space<vmem>> -> memref<1x128xi32, #tpu.memory_space<vmem>>
        %dma_wait3A_281 = tpu.memref_squeeze %dma_wait3A_280 : memref<1x128xi32, #tpu.memory_space<vmem>> -> memref<128xi32, #tpu.memory_space<vmem>>
        %dma_wait3A_282 = arith.constant 0 : i32
        %dma_wait3A_283 = arith.constant 0 : i32
        %dma_wait3A_284 = tpu.memref_slice %arg2[%dma_wait3A_282, %dma_wait3A_283] : memref<10000x16xf32, #tpu.memory_space<hbm>> -> memref<10000x16xf32, #tpu.memory_space<hbm>>
        tpu.wait_indirect_dma semaphore(%arg11 : memref<!tpu.dma_semaphore, #tpu.memory_space<semaphore_mem>>) src(%dma_wait3A_284 : memref<10000x16xf32, #tpu.memory_space<hbm>>) dst(%dma_wait3A_278 : memref<128x16xf32, #tpu.memory_space<vmem>>)
        %dma_start3A_285 = arith.constant 128 : i32
        %dma_start3A_286 = arith.constant 0 : i32
        %dma_start3A_287 = tpu.memref_slice %arg8[%dma_start3A_285, %dma_start3A_286] : memref<1024x16xf32, #tpu.memory_space<vmem>> -> memref<128x16xf32, #tpu.memory_space<vmem>>
        %dma_start3A_288 = arith.constant 0 : i32
        %dma_start3A_289 = tpu.memref_slice %arg7[%add3A_105, %dma_start3A_288] : memref<40x128xi32, #tpu.memory_space<vmem>> -> memref<1x128xi32, #tpu.memory_space<vmem>>
        %dma_start3A_290 = tpu.memref_squeeze %dma_start3A_289 : memref<1x128xi32, #tpu.memory_space<vmem>> -> memref<128xi32, #tpu.memory_space<vmem>>
        %dma_start3A_291 = arith.constant 0 : i32
        %dma_start3A_292 = arith.constant 0 : i32
        %dma_start3A_293 = tpu.memref_slice %arg9[%dma_start3A_291, %dma_start3A_292] : memref<10000x16xf32, #tpu.memory_space<vmem_shared>> -> memref<10000x16xf32, #tpu.memory_space<vmem_shared>>
        tpu.enqueue_indirect_dma source(%dma_start3A_287 : memref<128x16xf32, #tpu.memory_space<vmem>>) target(%dma_start3A_293 : memref<10000x16xf32, #tpu.memory_space<vmem_shared>>) offsets(%dma_start3A_290 : memref<128xi32, #tpu.memory_space<vmem>>) semaphore(%arg19 : memref<!tpu.dma_semaphore, #tpu.memory_space<semaphore_mem>>) {add = true}
      } else {
      }
      %ge3A_110 = arith.constant 4 : i32
      %ge3A_111 = arith.cmpi sge, %add3A_105, %ge3A_110 : i32
      %add3A_112 = arith.constant 4 : i32
      %add3A_113 = arith.addi %add3A_5, %add3A_112 : i32
      %sub3A_114 = arith.constant 1 : i32
      %sub3A_115 = arith.subi %add3A_113, %sub3A_114 : i32
      %le3A_116 = arith.cmpi sle, %add3A_105, %sub3A_115 : i32
      %and3A_117 = arith.andi %ge3A_111, %le3A_116 : i1
      %convert_element_type3A_118 = arith.extui %and3A_117 : i1 to i32
      %cond3A_119 = arith.constant 0 : i32
      %cond3A_120 = arith.cmpi ne, %convert_element_type3A_118, %cond3A_119 : i32
      scf.if %cond3A_120 {
        %sub3A_277 = arith.constant 4 : i32
        %sub3A_278 = arith.subi %add3A_105, %sub3A_277 : i32
        %dma_wait3A = arith.constant 640 : i32
        %dma_wait3A_279 = arith.constant 0 : i32
        %dma_wait3A_280 = tpu.memref_slice %arg8[%dma_wait3A, %dma_wait3A_279] : memref<1024x16xf32, #tpu.memory_space<vmem>> -> memref<128x16xf32, #tpu.memory_space<vmem>>
        %dma_wait3A_281 = arith.constant 0 : i32
        %dma_wait3A_282 = tpu.memref_slice %arg7[%sub3A_278, %dma_wait3A_281] : memref<40x128xi32, #tpu.memory_space<vmem>> -> memref<1x128xi32, #tpu.memory_space<vmem>>
        %dma_wait3A_283 = tpu.memref_squeeze %dma_wait3A_282 : memref<1x128xi32, #tpu.memory_space<vmem>> -> memref<128xi32, #tpu.memory_space<vmem>>
        %dma_wait3A_284 = arith.constant 0 : i32
        %dma_wait3A_285 = arith.constant 0 : i32
        %dma_wait3A_286 = tpu.memref_slice %arg9[%dma_wait3A_284, %dma_wait3A_285] : memref<10000x16xf32, #tpu.memory_space<vmem_shared>> -> memref<10000x16xf32, #tpu.memory_space<vmem_shared>>
        tpu.wait_indirect_dma semaphore(%arg23 : memref<!tpu.dma_semaphore, #tpu.memory_space<semaphore_mem>>) src(%dma_wait3A_280 : memref<128x16xf32, #tpu.memory_space<vmem>>) dst(%dma_wait3A_286 : memref<10000x16xf32, #tpu.memory_space<vmem_shared>>)
      } else {
      }
      %add3A_121 = arith.constant 4 : i32
      %add3A_122 = arith.addi %add3A_105, %add3A_121 : i32
      %lt3A_123 = arith.cmpi slt, %add3A_122, %add3A_5 : i32
      %convert_element_type3A_124 = arith.extui %lt3A_123 : i1 to i32
      %cond3A_125 = arith.constant 0 : i32
      %cond3A_126 = arith.cmpi ne, %convert_element_type3A_124, %cond3A_125 : i32
      scf.if %cond3A_126 {
        %add3A_277 = arith.constant 4 : i32
        %add3A_278 = arith.addi %add3A_105, %add3A_277 : i32
        %dma_start3A_279 = arith.constant 640 : i32
        %dma_start3A_280 = arith.constant 0 : i32
        %dma_start3A_281 = tpu.memref_slice %arg8[%dma_start3A_279, %dma_start3A_280] : memref<1024x16xf32, #tpu.memory_space<vmem>> -> memref<128x16xf32, #tpu.memory_space<vmem>>
        %dma_start3A_282 = arith.constant 0 : i32
        %dma_start3A_283 = tpu.memref_slice %arg6[%add3A_278, %dma_start3A_282] : memref<40x128xi32, #tpu.memory_space<vmem>> -> memref<1x128xi32, #tpu.memory_space<vmem>>
        %dma_start3A_284 = tpu.memref_squeeze %dma_start3A_283 : memref<1x128xi32, #tpu.memory_space<vmem>> -> memref<128xi32, #tpu.memory_space<vmem>>
        %dma_start3A_285 = arith.constant 0 : i32
        %dma_start3A_286 = arith.constant 0 : i32
        %dma_start3A_287 = tpu.memref_slice %arg2[%dma_start3A_285, %dma_start3A_286] : memref<10000x16xf32, #tpu.memory_space<hbm>> -> memref<10000x16xf32, #tpu.memory_space<hbm>>
        tpu.enqueue_indirect_dma source(%dma_start3A_287 : memref<10000x16xf32, #tpu.memory_space<hbm>>) target(%dma_start3A_281 : memref<128x16xf32, #tpu.memory_space<vmem>>) offsets(%dma_start3A_284 : memref<128xi32, #tpu.memory_space<vmem>>) semaphore(%arg15 : memref<!tpu.dma_semaphore, #tpu.memory_space<semaphore_mem>>)
      } else {
      }
      %mul3A_127 = arith.constant 8 : i32
      %mul3A_128 = arith.muli %while3A_79, %mul3A_127 : i32
      %add3A_129 = arith.constant 2 : i32
      %add3A_130 = arith.addi %mul3A_128, %add3A_129 : i32
      %lt3A_131 = arith.cmpi slt, %add3A_130, %add3A_5 : i32
      %convert_element_type3A_132 = arith.extui %lt3A_131 : i1 to i32
      %cond3A_133 = arith.constant 0 : i32
      %cond3A_134 = arith.cmpi ne, %convert_element_type3A_132, %cond3A_133 : i32
      scf.if %cond3A_134 {
        %dma_wait3A = arith.constant 256 : i32
        %dma_wait3A_277 = arith.constant 0 : i32
        %dma_wait3A_278 = tpu.memref_slice %arg8[%dma_wait3A, %dma_wait3A_277] : memref<1024x16xf32, #tpu.memory_space<vmem>> -> memref<128x16xf32, #tpu.memory_space<vmem>>
        %dma_wait3A_279 = arith.constant 0 : i32
        %dma_wait3A_280 = tpu.memref_slice %arg6[%add3A_130, %dma_wait3A_279] : memref<40x128xi32, #tpu.memory_space<vmem>> -> memref<1x128xi32, #tpu.memory_space<vmem>>
        %dma_wait3A_281 = tpu.memref_squeeze %dma_wait3A_280 : memref<1x128xi32, #tpu.memory_space<vmem>> -> memref<128xi32, #tpu.memory_space<vmem>>
        %dma_wait3A_282 = arith.constant 0 : i32
        %dma_wait3A_283 = arith.constant 0 : i32
        %dma_wait3A_284 = tpu.memref_slice %arg2[%dma_wait3A_282, %dma_wait3A_283] : memref<10000x16xf32, #tpu.memory_space<hbm>> -> memref<10000x16xf32, #tpu.memory_space<hbm>>
        tpu.wait_indirect_dma semaphore(%arg12 : memref<!tpu.dma_semaphore, #tpu.memory_space<semaphore_mem>>) src(%dma_wait3A_284 : memref<10000x16xf32, #tpu.memory_space<hbm>>) dst(%dma_wait3A_278 : memref<128x16xf32, #tpu.memory_space<vmem>>)
        %dma_start3A_285 = arith.constant 256 : i32
        %dma_start3A_286 = arith.constant 0 : i32
        %dma_start3A_287 = tpu.memref_slice %arg8[%dma_start3A_285, %dma_start3A_286] : memref<1024x16xf32, #tpu.memory_space<vmem>> -> memref<128x16xf32, #tpu.memory_space<vmem>>
        %dma_start3A_288 = arith.constant 0 : i32
        %dma_start3A_289 = tpu.memref_slice %arg7[%add3A_130, %dma_start3A_288] : memref<40x128xi32, #tpu.memory_space<vmem>> -> memref<1x128xi32, #tpu.memory_space<vmem>>
        %dma_start3A_290 = tpu.memref_squeeze %dma_start3A_289 : memref<1x128xi32, #tpu.memory_space<vmem>> -> memref<128xi32, #tpu.memory_space<vmem>>
        %dma_start3A_291 = arith.constant 0 : i32
        %dma_start3A_292 = arith.constant 0 : i32
        %dma_start3A_293 = tpu.memref_slice %arg9[%dma_start3A_291, %dma_start3A_292] : memref<10000x16xf32, #tpu.memory_space<vmem_shared>> -> memref<10000x16xf32, #tpu.memory_space<vmem_shared>>
        tpu.enqueue_indirect_dma source(%dma_start3A_287 : memref<128x16xf32, #tpu.memory_space<vmem>>) target(%dma_start3A_293 : memref<10000x16xf32, #tpu.memory_space<vmem_shared>>) offsets(%dma_start3A_290 : memref<128xi32, #tpu.memory_space<vmem>>) semaphore(%arg20 : memref<!tpu.dma_semaphore, #tpu.memory_space<semaphore_mem>>) {add = true}
      } else {
      }
      %ge3A_135 = arith.constant 4 : i32
      %ge3A_136 = arith.cmpi sge, %add3A_130, %ge3A_135 : i32
      %add3A_137 = arith.constant 4 : i32
      %add3A_138 = arith.addi %add3A_5, %add3A_137 : i32
      %sub3A_139 = arith.constant 1 : i32
      %sub3A_140 = arith.subi %add3A_138, %sub3A_139 : i32
      %le3A_141 = arith.cmpi sle, %add3A_130, %sub3A_140 : i32
      %and3A_142 = arith.andi %ge3A_136, %le3A_141 : i1
      %convert_element_type3A_143 = arith.extui %and3A_142 : i1 to i32
      %cond3A_144 = arith.constant 0 : i32
      %cond3A_145 = arith.cmpi ne, %convert_element_type3A_143, %cond3A_144 : i32
      scf.if %cond3A_145 {
        %sub3A_277 = arith.constant 4 : i32
        %sub3A_278 = arith.subi %add3A_130, %sub3A_277 : i32
        %dma_wait3A = arith.constant 768 : i32
        %dma_wait3A_279 = arith.constant 0 : i32
        %dma_wait3A_280 = tpu.memref_slice %arg8[%dma_wait3A, %dma_wait3A_279] : memref<1024x16xf32, #tpu.memory_space<vmem>> -> memref<128x16xf32, #tpu.memory_space<vmem>>
        %dma_wait3A_281 = arith.constant 0 : i32
        %dma_wait3A_282 = tpu.memref_slice %arg7[%sub3A_278, %dma_wait3A_281] : memref<40x128xi32, #tpu.memory_space<vmem>> -> memref<1x128xi32, #tpu.memory_space<vmem>>
        %dma_wait3A_283 = tpu.memref_squeeze %dma_wait3A_282 : memref<1x128xi32, #tpu.memory_space<vmem>> -> memref<128xi32, #tpu.memory_space<vmem>>
        %dma_wait3A_284 = arith.constant 0 : i32
        %dma_wait3A_285 = arith.constant 0 : i32
        %dma_wait3A_286 = tpu.memref_slice %arg9[%dma_wait3A_284, %dma_wait3A_285] : memref<10000x16xf32, #tpu.memory_space<vmem_shared>> -> memref<10000x16xf32, #tpu.memory_space<vmem_shared>>
        tpu.wait_indirect_dma semaphore(%arg24 : memref<!tpu.dma_semaphore, #tpu.memory_space<semaphore_mem>>) src(%dma_wait3A_280 : memref<128x16xf32, #tpu.memory_space<vmem>>) dst(%dma_wait3A_286 : memref<10000x16xf32, #tpu.memory_space<vmem_shared>>)
      } else {
      }
      %add3A_146 = arith.constant 4 : i32
      %add3A_147 = arith.addi %add3A_130, %add3A_146 : i32
      %lt3A_148 = arith.cmpi slt, %add3A_147, %add3A_5 : i32
      %convert_element_type3A_149 = arith.extui %lt3A_148 : i1 to i32
      %cond3A_150 = arith.constant 0 : i32
      %cond3A_151 = arith.cmpi ne, %convert_element_type3A_149, %cond3A_150 : i32
      scf.if %cond3A_151 {
        %add3A_277 = arith.constant 4 : i32
        %add3A_278 = arith.addi %add3A_130, %add3A_277 : i32
        %dma_start3A_279 = arith.constant 768 : i32
        %dma_start3A_280 = arith.constant 0 : i32
        %dma_start3A_281 = tpu.memref_slice %arg8[%dma_start3A_279, %dma_start3A_280] : memref<1024x16xf32, #tpu.memory_space<vmem>> -> memref<128x16xf32, #tpu.memory_space<vmem>>
        %dma_start3A_282 = arith.constant 0 : i32
        %dma_start3A_283 = tpu.memref_slice %arg6[%add3A_278, %dma_start3A_282] : memref<40x128xi32, #tpu.memory_space<vmem>> -> memref<1x128xi32, #tpu.memory_space<vmem>>
        %dma_start3A_284 = tpu.memref_squeeze %dma_start3A_283 : memref<1x128xi32, #tpu.memory_space<vmem>> -> memref<128xi32, #tpu.memory_space<vmem>>
        %dma_start3A_285 = arith.constant 0 : i32
        %dma_start3A_286 = arith.constant 0 : i32
        %dma_start3A_287 = tpu.memref_slice %arg2[%dma_start3A_285, %dma_start3A_286] : memref<10000x16xf32, #tpu.memory_space<hbm>> -> memref<10000x16xf32, #tpu.memory_space<hbm>>
        tpu.enqueue_indirect_dma source(%dma_start3A_287 : memref<10000x16xf32, #tpu.memory_space<hbm>>) target(%dma_start3A_281 : memref<128x16xf32, #tpu.memory_space<vmem>>) offsets(%dma_start3A_284 : memref<128xi32, #tpu.memory_space<vmem>>) semaphore(%arg16 : memref<!tpu.dma_semaphore, #tpu.memory_space<semaphore_mem>>)
      } else {
      }
      %mul3A_152 = arith.constant 8 : i32
      %mul3A_153 = arith.muli %while3A_79, %mul3A_152 : i32
      %add3A_154 = arith.constant 3 : i32
      %add3A_155 = arith.addi %mul3A_153, %add3A_154 : i32
      %lt3A_156 = arith.cmpi slt, %add3A_155, %add3A_5 : i32
      %convert_element_type3A_157 = arith.extui %lt3A_156 : i1 to i32
      %cond3A_158 = arith.constant 0 : i32
      %cond3A_159 = arith.cmpi ne, %convert_element_type3A_157, %cond3A_158 : i32
      scf.if %cond3A_159 {
        %dma_wait3A = arith.constant 384 : i32
        %dma_wait3A_277 = arith.constant 0 : i32
        %dma_wait3A_278 = tpu.memref_slice %arg8[%dma_wait3A, %dma_wait3A_277] : memref<1024x16xf32, #tpu.memory_space<vmem>> -> memref<128x16xf32, #tpu.memory_space<vmem>>
        %dma_wait3A_279 = arith.constant 0 : i32
        %dma_wait3A_280 = tpu.memref_slice %arg6[%add3A_155, %dma_wait3A_279] : memref<40x128xi32, #tpu.memory_space<vmem>> -> memref<1x128xi32, #tpu.memory_space<vmem>>
        %dma_wait3A_281 = tpu.memref_squeeze %dma_wait3A_280 : memref<1x128xi32, #tpu.memory_space<vmem>> -> memref<128xi32, #tpu.memory_space<vmem>>
        %dma_wait3A_282 = arith.constant 0 : i32
        %dma_wait3A_283 = arith.constant 0 : i32
        %dma_wait3A_284 = tpu.memref_slice %arg2[%dma_wait3A_282, %dma_wait3A_283] : memref<10000x16xf32, #tpu.memory_space<hbm>> -> memref<10000x16xf32, #tpu.memory_space<hbm>>
        tpu.wait_indirect_dma semaphore(%arg13 : memref<!tpu.dma_semaphore, #tpu.memory_space<semaphore_mem>>) src(%dma_wait3A_284 : memref<10000x16xf32, #tpu.memory_space<hbm>>) dst(%dma_wait3A_278 : memref<128x16xf32, #tpu.memory_space<vmem>>)
        %dma_start3A_285 = arith.constant 384 : i32
        %dma_start3A_286 = arith.constant 0 : i32
        %dma_start3A_287 = tpu.memref_slice %arg8[%dma_start3A_285, %dma_start3A_286] : memref<1024x16xf32, #tpu.memory_space<vmem>> -> memref<128x16xf32, #tpu.memory_space<vmem>>
        %dma_start3A_288 = arith.constant 0 : i32
        %dma_start3A_289 = tpu.memref_slice %arg7[%add3A_155, %dma_start3A_288] : memref<40x128xi32, #tpu.memory_space<vmem>> -> memref<1x128xi32, #tpu.memory_space<vmem>>
        %dma_start3A_290 = tpu.memref_squeeze %dma_start3A_289 : memref<1x128xi32, #tpu.memory_space<vmem>> -> memref<128xi32, #tpu.memory_space<vmem>>
        %dma_start3A_291 = arith.constant 0 : i32
        %dma_start3A_292 = arith.constant 0 : i32
        %dma_start3A_293 = tpu.memref_slice %arg9[%dma_start3A_291, %dma_start3A_292] : memref<10000x16xf32, #tpu.memory_space<vmem_shared>> -> memref<10000x16xf32, #tpu.memory_space<vmem_shared>>
        tpu.enqueue_indirect_dma source(%dma_start3A_287 : memref<128x16xf32, #tpu.memory_space<vmem>>) target(%dma_start3A_293 : memref<10000x16xf32, #tpu.memory_space<vmem_shared>>) offsets(%dma_start3A_290 : memref<128xi32, #tpu.memory_space<vmem>>) semaphore(%arg21 : memref<!tpu.dma_semaphore, #tpu.memory_space<semaphore_mem>>) {add = true}
      } else {
      }
      %ge3A_160 = arith.constant 4 : i32
      %ge3A_161 = arith.cmpi sge, %add3A_155, %ge3A_160 : i32
      %add3A_162 = arith.constant 4 : i32
      %add3A_163 = arith.addi %add3A_5, %add3A_162 : i32
      %sub3A_164 = arith.constant 1 : i32
      %sub3A_165 = arith.subi %add3A_163, %sub3A_164 : i32
      %le3A_166 = arith.cmpi sle, %add3A_155, %sub3A_165 : i32
      %and3A_167 = arith.andi %ge3A_161, %le3A_166 : i1
      %convert_element_type3A_168 = arith.extui %and3A_167 : i1 to i32
      %cond3A_169 = arith.constant 0 : i32
      %cond3A_170 = arith.cmpi ne, %convert_element_type3A_168, %cond3A_169 : i32
      scf.if %cond3A_170 {
        %sub3A_277 = arith.constant 4 : i32
        %sub3A_278 = arith.subi %add3A_155, %sub3A_277 : i32
        %dma_wait3A = arith.constant 896 : i32
        %dma_wait3A_279 = arith.constant 0 : i32
        %dma_wait3A_280 = tpu.memref_slice %arg8[%dma_wait3A, %dma_wait3A_279] : memref<1024x16xf32, #tpu.memory_space<vmem>> -> memref<128x16xf32, #tpu.memory_space<vmem>>
        %dma_wait3A_281 = arith.constant 0 : i32
        %dma_wait3A_282 = tpu.memref_slice %arg7[%sub3A_278, %dma_wait3A_281] : memref<40x128xi32, #tpu.memory_space<vmem>> -> memref<1x128xi32, #tpu.memory_space<vmem>>
        %dma_wait3A_283 = tpu.memref_squeeze %dma_wait3A_282 : memref<1x128xi32, #tpu.memory_space<vmem>> -> memref<128xi32, #tpu.memory_space<vmem>>
        %dma_wait3A_284 = arith.constant 0 : i32
        %dma_wait3A_285 = arith.constant 0 : i32
        %dma_wait3A_286 = tpu.memref_slice %arg9[%dma_wait3A_284, %dma_wait3A_285] : memref<10000x16xf32, #tpu.memory_space<vmem_shared>> -> memref<10000x16xf32, #tpu.memory_space<vmem_shared>>
        tpu.wait_indirect_dma semaphore(%arg25 : memref<!tpu.dma_semaphore, #tpu.memory_space<semaphore_mem>>) src(%dma_wait3A_280 : memref<128x16xf32, #tpu.memory_space<vmem>>) dst(%dma_wait3A_286 : memref<10000x16xf32, #tpu.memory_space<vmem_shared>>)
      } else {
      }
      %add3A_171 = arith.constant 4 : i32
      %add3A_172 = arith.addi %add3A_155, %add3A_171 : i32
      %lt3A_173 = arith.cmpi slt, %add3A_172, %add3A_5 : i32
      %convert_element_type3A_174 = arith.extui %lt3A_173 : i1 to i32
      %cond3A_175 = arith.constant 0 : i32
      %cond3A_176 = arith.cmpi ne, %convert_element_type3A_174, %cond3A_175 : i32
      scf.if %cond3A_176 {
        %add3A_277 = arith.constant 4 : i32
        %add3A_278 = arith.addi %add3A_155, %add3A_277 : i32
        %dma_start3A_279 = arith.constant 896 : i32
        %dma_start3A_280 = arith.constant 0 : i32
        %dma_start3A_281 = tpu.memref_slice %arg8[%dma_start3A_279, %dma_start3A_280] : memref<1024x16xf32, #tpu.memory_space<vmem>> -> memref<128x16xf32, #tpu.memory_space<vmem>>
        %dma_start3A_282 = arith.constant 0 : i32
        %dma_start3A_283 = tpu.memref_slice %arg6[%add3A_278, %dma_start3A_282] : memref<40x128xi32, #tpu.memory_space<vmem>> -> memref<1x128xi32, #tpu.memory_space<vmem>>
        %dma_start3A_284 = tpu.memref_squeeze %dma_start3A_283 : memref<1x128xi32, #tpu.memory_space<vmem>> -> memref<128xi32, #tpu.memory_space<vmem>>
        %dma_start3A_285 = arith.constant 0 : i32
        %dma_start3A_286 = arith.constant 0 : i32
        %dma_start3A_287 = tpu.memref_slice %arg2[%dma_start3A_285, %dma_start3A_286] : memref<10000x16xf32, #tpu.memory_space<hbm>> -> memref<10000x16xf32, #tpu.memory_space<hbm>>
        tpu.enqueue_indirect_dma source(%dma_start3A_287 : memref<10000x16xf32, #tpu.memory_space<hbm>>) target(%dma_start3A_281 : memref<128x16xf32, #tpu.memory_space<vmem>>) offsets(%dma_start3A_284 : memref<128xi32, #tpu.memory_space<vmem>>) semaphore(%arg17 : memref<!tpu.dma_semaphore, #tpu.memory_space<semaphore_mem>>)
      } else {
      }
      %mul3A_177 = arith.constant 8 : i32
      %mul3A_178 = arith.muli %while3A_79, %mul3A_177 : i32
      %add3A_179 = arith.constant 4 : i32
      %add3A_180 = arith.addi %mul3A_178, %add3A_179 : i32
      %lt3A_181 = arith.cmpi slt, %add3A_180, %add3A_5 : i32
      %convert_element_type3A_182 = arith.extui %lt3A_181 : i1 to i32
      %cond3A_183 = arith.constant 0 : i32
      %cond3A_184 = arith.cmpi ne, %convert_element_type3A_182, %cond3A_183 : i32
      scf.if %cond3A_184 {
        %dma_wait3A = arith.constant 512 : i32
        %dma_wait3A_277 = arith.constant 0 : i32
        %dma_wait3A_278 = tpu.memref_slice %arg8[%dma_wait3A, %dma_wait3A_277] : memref<1024x16xf32, #tpu.memory_space<vmem>> -> memref<128x16xf32, #tpu.memory_space<vmem>>
        %dma_wait3A_279 = arith.constant 0 : i32
        %dma_wait3A_280 = tpu.memref_slice %arg6[%add3A_180, %dma_wait3A_279] : memref<40x128xi32, #tpu.memory_space<vmem>> -> memref<1x128xi32, #tpu.memory_space<vmem>>
        %dma_wait3A_281 = tpu.memref_squeeze %dma_wait3A_280 : memref<1x128xi32, #tpu.memory_space<vmem>> -> memref<128xi32, #tpu.memory_space<vmem>>
        %dma_wait3A_282 = arith.constant 0 : i32
        %dma_wait3A_283 = arith.constant 0 : i32
        %dma_wait3A_284 = tpu.memref_slice %arg2[%dma_wait3A_282, %dma_wait3A_283] : memref<10000x16xf32, #tpu.memory_space<hbm>> -> memref<10000x16xf32, #tpu.memory_space<hbm>>
        tpu.wait_indirect_dma semaphore(%arg14 : memref<!tpu.dma_semaphore, #tpu.memory_space<semaphore_mem>>) src(%dma_wait3A_284 : memref<10000x16xf32, #tpu.memory_space<hbm>>) dst(%dma_wait3A_278 : memref<128x16xf32, #tpu.memory_space<vmem>>)
        %dma_start3A_285 = arith.constant 512 : i32
        %dma_start3A_286 = arith.constant 0 : i32
        %dma_start3A_287 = tpu.memref_slice %arg8[%dma_start3A_285, %dma_start3A_286] : memref<1024x16xf32, #tpu.memory_space<vmem>> -> memref<128x16xf32, #tpu.memory_space<vmem>>
        %dma_start3A_288 = arith.constant 0 : i32
        %dma_start3A_289 = tpu.memref_slice %arg7[%add3A_180, %dma_start3A_288] : memref<40x128xi32, #tpu.memory_space<vmem>> -> memref<1x128xi32, #tpu.memory_space<vmem>>
        %dma_start3A_290 = tpu.memref_squeeze %dma_start3A_289 : memref<1x128xi32, #tpu.memory_space<vmem>> -> memref<128xi32, #tpu.memory_space<vmem>>
        %dma_start3A_291 = arith.constant 0 : i32
        %dma_start3A_292 = arith.constant 0 : i32
        %dma_start3A_293 = tpu.memref_slice %arg9[%dma_start3A_291, %dma_start3A_292] : memref<10000x16xf32, #tpu.memory_space<vmem_shared>> -> memref<10000x16xf32, #tpu.memory_space<vmem_shared>>
        tpu.enqueue_indirect_dma source(%dma_start3A_287 : memref<128x16xf32, #tpu.memory_space<vmem>>) target(%dma_start3A_293 : memref<10000x16xf32, #tpu.memory_space<vmem_shared>>) offsets(%dma_start3A_290 : memref<128xi32, #tpu.memory_space<vmem>>) semaphore(%arg22 : memref<!tpu.dma_semaphore, #tpu.memory_space<semaphore_mem>>) {add = true}
      } else {
      }
      %ge3A_185 = arith.constant 4 : i32
      %ge3A_186 = arith.cmpi sge, %add3A_180, %ge3A_185 : i32
      %add3A_187 = arith.constant 4 : i32
      %add3A_188 = arith.addi %add3A_5, %add3A_187 : i32
      %sub3A_189 = arith.constant 1 : i32
      %sub3A_190 = arith.subi %add3A_188, %sub3A_189 : i32
      %le3A_191 = arith.cmpi sle, %add3A_180, %sub3A_190 : i32
      %and3A_192 = arith.andi %ge3A_186, %le3A_191 : i1
      %convert_element_type3A_193 = arith.extui %and3A_192 : i1 to i32
      %cond3A_194 = arith.constant 0 : i32
      %cond3A_195 = arith.cmpi ne, %convert_element_type3A_193, %cond3A_194 : i32
      scf.if %cond3A_195 {
        %sub3A_277 = arith.constant 4 : i32
        %sub3A_278 = arith.subi %add3A_180, %sub3A_277 : i32
        %dma_wait3A = arith.constant 0 : i32
        %dma_wait3A_279 = arith.constant 0 : i32
        %dma_wait3A_280 = tpu.memref_slice %arg8[%dma_wait3A, %dma_wait3A_279] : memref<1024x16xf32, #tpu.memory_space<vmem>> -> memref<128x16xf32, #tpu.memory_space<vmem>>
        %dma_wait3A_281 = arith.constant 0 : i32
        %dma_wait3A_282 = tpu.memref_slice %arg7[%sub3A_278, %dma_wait3A_281] : memref<40x128xi32, #tpu.memory_space<vmem>> -> memref<1x128xi32, #tpu.memory_space<vmem>>
        %dma_wait3A_283 = tpu.memref_squeeze %dma_wait3A_282 : memref<1x128xi32, #tpu.memory_space<vmem>> -> memref<128xi32, #tpu.memory_space<vmem>>
        %dma_wait3A_284 = arith.constant 0 : i32
        %dma_wait3A_285 = arith.constant 0 : i32
        %dma_wait3A_286 = tpu.memref_slice %arg9[%dma_wait3A_284, %dma_wait3A_285] : memref<10000x16xf32, #tpu.memory_space<vmem_shared>> -> memref<10000x16xf32, #tpu.memory_space<vmem_shared>>
        tpu.wait_indirect_dma semaphore(%arg18 : memref<!tpu.dma_semaphore, #tpu.memory_space<semaphore_mem>>) src(%dma_wait3A_280 : memref<128x16xf32, #tpu.memory_space<vmem>>) dst(%dma_wait3A_286 : memref<10000x16xf32, #tpu.memory_space<vmem_shared>>)
      } else {
      }
      %add3A_196 = arith.constant 4 : i32
      %add3A_197 = arith.addi %add3A_180, %add3A_196 : i32
      %lt3A_198 = arith.cmpi slt, %add3A_197, %add3A_5 : i32
      %convert_element_type3A_199 = arith.extui %lt3A_198 : i1 to i32
      %cond3A_200 = arith.constant 0 : i32
      %cond3A_201 = arith.cmpi ne, %convert_element_type3A_199, %cond3A_200 : i32
      scf.if %cond3A_201 {
        %add3A_277 = arith.constant 4 : i32
        %add3A_278 = arith.addi %add3A_180, %add3A_277 : i32
        %dma_start3A_279 = arith.constant 0 : i32
        %dma_start3A_280 = arith.constant 0 : i32
        %dma_start3A_281 = tpu.memref_slice %arg8[%dma_start3A_279, %dma_start3A_280] : memref<1024x16xf32, #tpu.memory_space<vmem>> -> memref<128x16xf32, #tpu.memory_space<vmem>>
        %dma_start3A_282 = arith.constant 0 : i32
        %dma_start3A_283 = tpu.memref_slice %arg6[%add3A_278, %dma_start3A_282] : memref<40x128xi32, #tpu.memory_space<vmem>> -> memref<1x128xi32, #tpu.memory_space<vmem>>
        %dma_start3A_284 = tpu.memref_squeeze %dma_start3A_283 : memref<1x128xi32, #tpu.memory_space<vmem>> -> memref<128xi32, #tpu.memory_space<vmem>>
        %dma_start3A_285 = arith.constant 0 : i32
        %dma_start3A_286 = arith.constant 0 : i32
        %dma_start3A_287 = tpu.memref_slice %arg2[%dma_start3A_285, %dma_start3A_286] : memref<10000x16xf32, #tpu.memory_space<hbm>> -> memref<10000x16xf32, #tpu.memory_space<hbm>>
        tpu.enqueue_indirect_dma source(%dma_start3A_287 : memref<10000x16xf32, #tpu.memory_space<hbm>>) target(%dma_start3A_281 : memref<128x16xf32, #tpu.memory_space<vmem>>) offsets(%dma_start3A_284 : memref<128xi32, #tpu.memory_space<vmem>>) semaphore(%arg10 : memref<!tpu.dma_semaphore, #tpu.memory_space<semaphore_mem>>)
      } else {
      }
      %mul3A_202 = arith.constant 8 : i32
      %mul3A_203 = arith.muli %while3A_79, %mul3A_202 : i32
      %add3A_204 = arith.constant 5 : i32
      %add3A_205 = arith.addi %mul3A_203, %add3A_204 : i32
      %lt3A_206 = arith.cmpi slt, %add3A_205, %add3A_5 : i32
      %convert_element_type3A_207 = arith.extui %lt3A_206 : i1 to i32
      %cond3A_208 = arith.constant 0 : i32
      %cond3A_209 = arith.cmpi ne, %convert_element_type3A_207, %cond3A_208 : i32
      scf.if %cond3A_209 {
        %dma_wait3A = arith.constant 640 : i32
        %dma_wait3A_277 = arith.constant 0 : i32
        %dma_wait3A_278 = tpu.memref_slice %arg8[%dma_wait3A, %dma_wait3A_277] : memref<1024x16xf32, #tpu.memory_space<vmem>> -> memref<128x16xf32, #tpu.memory_space<vmem>>
        %dma_wait3A_279 = arith.constant 0 : i32
        %dma_wait3A_280 = tpu.memref_slice %arg6[%add3A_205, %dma_wait3A_279] : memref<40x128xi32, #tpu.memory_space<vmem>> -> memref<1x128xi32, #tpu.memory_space<vmem>>
        %dma_wait3A_281 = tpu.memref_squeeze %dma_wait3A_280 : memref<1x128xi32, #tpu.memory_space<vmem>> -> memref<128xi32, #tpu.memory_space<vmem>>
        %dma_wait3A_282 = arith.constant 0 : i32
        %dma_wait3A_283 = arith.constant 0 : i32
        %dma_wait3A_284 = tpu.memref_slice %arg2[%dma_wait3A_282, %dma_wait3A_283] : memref<10000x16xf32, #tpu.memory_space<hbm>> -> memref<10000x16xf32, #tpu.memory_space<hbm>>
        tpu.wait_indirect_dma semaphore(%arg15 : memref<!tpu.dma_semaphore, #tpu.memory_space<semaphore_mem>>) src(%dma_wait3A_284 : memref<10000x16xf32, #tpu.memory_space<hbm>>) dst(%dma_wait3A_278 : memref<128x16xf32, #tpu.memory_space<vmem>>)
        %dma_start3A_285 = arith.constant 640 : i32
        %dma_start3A_286 = arith.constant 0 : i32
        %dma_start3A_287 = tpu.memref_slice %arg8[%dma_start3A_285, %dma_start3A_286] : memref<1024x16xf32, #tpu.memory_space<vmem>> -> memref<128x16xf32, #tpu.memory_space<vmem>>
        %dma_start3A_288 = arith.constant 0 : i32
        %dma_start3A_289 = tpu.memref_slice %arg7[%add3A_205, %dma_start3A_288] : memref<40x128xi32, #tpu.memory_space<vmem>> -> memref<1x128xi32, #tpu.memory_space<vmem>>
        %dma_start3A_290 = tpu.memref_squeeze %dma_start3A_289 : memref<1x128xi32, #tpu.memory_space<vmem>> -> memref<128xi32, #tpu.memory_space<vmem>>
        %dma_start3A_291 = arith.constant 0 : i32
        %dma_start3A_292 = arith.constant 0 : i32
        %dma_start3A_293 = tpu.memref_slice %arg9[%dma_start3A_291, %dma_start3A_292] : memref<10000x16xf32, #tpu.memory_space<vmem_shared>> -> memref<10000x16xf32, #tpu.memory_space<vmem_shared>>
        tpu.enqueue_indirect_dma source(%dma_start3A_287 : memref<128x16xf32, #tpu.memory_space<vmem>>) target(%dma_start3A_293 : memref<10000x16xf32, #tpu.memory_space<vmem_shared>>) offsets(%dma_start3A_290 : memref<128xi32, #tpu.memory_space<vmem>>) semaphore(%arg23 : memref<!tpu.dma_semaphore, #tpu.memory_space<semaphore_mem>>) {add = true}
      } else {
      }
      %ge3A_210 = arith.constant 4 : i32
      %ge3A_211 = arith.cmpi sge, %add3A_205, %ge3A_210 : i32
      %add3A_212 = arith.constant 4 : i32
      %add3A_213 = arith.addi %add3A_5, %add3A_212 : i32
      %sub3A_214 = arith.constant 1 : i32
      %sub3A_215 = arith.subi %add3A_213, %sub3A_214 : i32
      %le3A_216 = arith.cmpi sle, %add3A_205, %sub3A_215 : i32
      %and3A_217 = arith.andi %ge3A_211, %le3A_216 : i1
      %convert_element_type3A_218 = arith.extui %and3A_217 : i1 to i32
      %cond3A_219 = arith.constant 0 : i32
      %cond3A_220 = arith.cmpi ne, %convert_element_type3A_218, %cond3A_219 : i32
      scf.if %cond3A_220 {
        %sub3A_277 = arith.constant 4 : i32
        %sub3A_278 = arith.subi %add3A_205, %sub3A_277 : i32
        %dma_wait3A = arith.constant 128 : i32
        %dma_wait3A_279 = arith.constant 0 : i32
        %dma_wait3A_280 = tpu.memref_slice %arg8[%dma_wait3A, %dma_wait3A_279] : memref<1024x16xf32, #tpu.memory_space<vmem>> -> memref<128x16xf32, #tpu.memory_space<vmem>>
        %dma_wait3A_281 = arith.constant 0 : i32
        %dma_wait3A_282 = tpu.memref_slice %arg7[%sub3A_278, %dma_wait3A_281] : memref<40x128xi32, #tpu.memory_space<vmem>> -> memref<1x128xi32, #tpu.memory_space<vmem>>
        %dma_wait3A_283 = tpu.memref_squeeze %dma_wait3A_282 : memref<1x128xi32, #tpu.memory_space<vmem>> -> memref<128xi32, #tpu.memory_space<vmem>>
        %dma_wait3A_284 = arith.constant 0 : i32
        %dma_wait3A_285 = arith.constant 0 : i32
        %dma_wait3A_286 = tpu.memref_slice %arg9[%dma_wait3A_284, %dma_wait3A_285] : memref<10000x16xf32, #tpu.memory_space<vmem_shared>> -> memref<10000x16xf32, #tpu.memory_space<vmem_shared>>
        tpu.wait_indirect_dma semaphore(%arg19 : memref<!tpu.dma_semaphore, #tpu.memory_space<semaphore_mem>>) src(%dma_wait3A_280 : memref<128x16xf32, #tpu.memory_space<vmem>>) dst(%dma_wait3A_286 : memref<10000x16xf32, #tpu.memory_space<vmem_shared>>)
      } else {
      }
      %add3A_221 = arith.constant 4 : i32
      %add3A_222 = arith.addi %add3A_205, %add3A_221 : i32
      %lt3A_223 = arith.cmpi slt, %add3A_222, %add3A_5 : i32
      %convert_element_type3A_224 = arith.extui %lt3A_223 : i1 to i32
      %cond3A_225 = arith.constant 0 : i32
      %cond3A_226 = arith.cmpi ne, %convert_element_type3A_224, %cond3A_225 : i32
      scf.if %cond3A_226 {
        %add3A_277 = arith.constant 4 : i32
        %add3A_278 = arith.addi %add3A_205, %add3A_277 : i32
        %dma_start3A_279 = arith.constant 128 : i32
        %dma_start3A_280 = arith.constant 0 : i32
        %dma_start3A_281 = tpu.memref_slice %arg8[%dma_start3A_279, %dma_start3A_280] : memref<1024x16xf32, #tpu.memory_space<vmem>> -> memref<128x16xf32, #tpu.memory_space<vmem>>
        %dma_start3A_282 = arith.constant 0 : i32
        %dma_start3A_283 = tpu.memref_slice %arg6[%add3A_278, %dma_start3A_282] : memref<40x128xi32, #tpu.memory_space<vmem>> -> memref<1x128xi32, #tpu.memory_space<vmem>>
        %dma_start3A_284 = tpu.memref_squeeze %dma_start3A_283 : memref<1x128xi32, #tpu.memory_space<vmem>> -> memref<128xi32, #tpu.memory_space<vmem>>
        %dma_start3A_285 = arith.constant 0 : i32
        %dma_start3A_286 = arith.constant 0 : i32
        %dma_start3A_287 = tpu.memref_slice %arg2[%dma_start3A_285, %dma_start3A_286] : memref<10000x16xf32, #tpu.memory_space<hbm>> -> memref<10000x16xf32, #tpu.memory_space<hbm>>
        tpu.enqueue_indirect_dma source(%dma_start3A_287 : memref<10000x16xf32, #tpu.memory_space<hbm>>) target(%dma_start3A_281 : memref<128x16xf32, #tpu.memory_space<vmem>>) offsets(%dma_start3A_284 : memref<128xi32, #tpu.memory_space<vmem>>) semaphore(%arg11 : memref<!tpu.dma_semaphore, #tpu.memory_space<semaphore_mem>>)
      } else {
      }
      %mul3A_227 = arith.constant 8 : i32
      %mul3A_228 = arith.muli %while3A_79, %mul3A_227 : i32
      %add3A_229 = arith.constant 6 : i32
      %add3A_230 = arith.addi %mul3A_228, %add3A_229 : i32
      %lt3A_231 = arith.cmpi slt, %add3A_230, %add3A_5 : i32
      %convert_element_type3A_232 = arith.extui %lt3A_231 : i1 to i32
      %cond3A_233 = arith.constant 0 : i32
      %cond3A_234 = arith.cmpi ne, %convert_element_type3A_232, %cond3A_233 : i32
      scf.if %cond3A_234 {
        %dma_wait3A = arith.constant 768 : i32
        %dma_wait3A_277 = arith.constant 0 : i32
        %dma_wait3A_278 = tpu.memref_slice %arg8[%dma_wait3A, %dma_wait3A_277] : memref<1024x16xf32, #tpu.memory_space<vmem>> -> memref<128x16xf32, #tpu.memory_space<vmem>>
        %dma_wait3A_279 = arith.constant 0 : i32
        %dma_wait3A_280 = tpu.memref_slice %arg6[%add3A_230, %dma_wait3A_279] : memref<40x128xi32, #tpu.memory_space<vmem>> -> memref<1x128xi32, #tpu.memory_space<vmem>>
        %dma_wait3A_281 = tpu.memref_squeeze %dma_wait3A_280 : memref<1x128xi32, #tpu.memory_space<vmem>> -> memref<128xi32, #tpu.memory_space<vmem>>
        %dma_wait3A_282 = arith.constant 0 : i32
        %dma_wait3A_283 = arith.constant 0 : i32
        %dma_wait3A_284 = tpu.memref_slice %arg2[%dma_wait3A_282, %dma_wait3A_283] : memref<10000x16xf32, #tpu.memory_space<hbm>> -> memref<10000x16xf32, #tpu.memory_space<hbm>>
        tpu.wait_indirect_dma semaphore(%arg16 : memref<!tpu.dma_semaphore, #tpu.memory_space<semaphore_mem>>) src(%dma_wait3A_284 : memref<10000x16xf32, #tpu.memory_space<hbm>>) dst(%dma_wait3A_278 : memref<128x16xf32, #tpu.memory_space<vmem>>)
        %dma_start3A_285 = arith.constant 768 : i32
        %dma_start3A_286 = arith.constant 0 : i32
        %dma_start3A_287 = tpu.memref_slice %arg8[%dma_start3A_285, %dma_start3A_286] : memref<1024x16xf32, #tpu.memory_space<vmem>> -> memref<128x16xf32, #tpu.memory_space<vmem>>
        %dma_start3A_288 = arith.constant 0 : i32
        %dma_start3A_289 = tpu.memref_slice %arg7[%add3A_230, %dma_start3A_288] : memref<40x128xi32, #tpu.memory_space<vmem>> -> memref<1x128xi32, #tpu.memory_space<vmem>>
        %dma_start3A_290 = tpu.memref_squeeze %dma_start3A_289 : memref<1x128xi32, #tpu.memory_space<vmem>> -> memref<128xi32, #tpu.memory_space<vmem>>
        %dma_start3A_291 = arith.constant 0 : i32
        %dma_start3A_292 = arith.constant 0 : i32
        %dma_start3A_293 = tpu.memref_slice %arg9[%dma_start3A_291, %dma_start3A_292] : memref<10000x16xf32, #tpu.memory_space<vmem_shared>> -> memref<10000x16xf32, #tpu.memory_space<vmem_shared>>
        tpu.enqueue_indirect_dma source(%dma_start3A_287 : memref<128x16xf32, #tpu.memory_space<vmem>>) target(%dma_start3A_293 : memref<10000x16xf32, #tpu.memory_space<vmem_shared>>) offsets(%dma_start3A_290 : memref<128xi32, #tpu.memory_space<vmem>>) semaphore(%arg24 : memref<!tpu.dma_semaphore, #tpu.memory_space<semaphore_mem>>) {add = true}
      } else {
      }
      %ge3A_235 = arith.constant 4 : i32
      %ge3A_236 = arith.cmpi sge, %add3A_230, %ge3A_235 : i32
      %add3A_237 = arith.constant 4 : i32
      %add3A_238 = arith.addi %add3A_5, %add3A_237 : i32
      %sub3A_239 = arith.constant 1 : i32
      %sub3A_240 = arith.subi %add3A_238, %sub3A_239 : i32
      %le3A_241 = arith.cmpi sle, %add3A_230, %sub3A_240 : i32
      %and3A_242 = arith.andi %ge3A_236, %le3A_241 : i1
      %convert_element_type3A_243 = arith.extui %and3A_242 : i1 to i32
      %cond3A_244 = arith.constant 0 : i32
      %cond3A_245 = arith.cmpi ne, %convert_element_type3A_243, %cond3A_244 : i32
      scf.if %cond3A_245 {
        %sub3A_277 = arith.constant 4 : i32
        %sub3A_278 = arith.subi %add3A_230, %sub3A_277 : i32
        %dma_wait3A = arith.constant 256 : i32
        %dma_wait3A_279 = arith.constant 0 : i32
        %dma_wait3A_280 = tpu.memref_slice %arg8[%dma_wait3A, %dma_wait3A_279] : memref<1024x16xf32, #tpu.memory_space<vmem>> -> memref<128x16xf32, #tpu.memory_space<vmem>>
        %dma_wait3A_281 = arith.constant 0 : i32
        %dma_wait3A_282 = tpu.memref_slice %arg7[%sub3A_278, %dma_wait3A_281] : memref<40x128xi32, #tpu.memory_space<vmem>> -> memref<1x128xi32, #tpu.memory_space<vmem>>
        %dma_wait3A_283 = tpu.memref_squeeze %dma_wait3A_282 : memref<1x128xi32, #tpu.memory_space<vmem>> -> memref<128xi32, #tpu.memory_space<vmem>>
        %dma_wait3A_284 = arith.constant 0 : i32
        %dma_wait3A_285 = arith.constant 0 : i32
        %dma_wait3A_286 = tpu.memref_slice %arg9[%dma_wait3A_284, %dma_wait3A_285] : memref<10000x16xf32, #tpu.memory_space<vmem_shared>> -> memref<10000x16xf32, #tpu.memory_space<vmem_shared>>
        tpu.wait_indirect_dma semaphore(%arg20 : memref<!tpu.dma_semaphore, #tpu.memory_space<semaphore_mem>>) src(%dma_wait3A_280 : memref<128x16xf32, #tpu.memory_space<vmem>>) dst(%dma_wait3A_286 : memref<10000x16xf32, #tpu.memory_space<vmem_shared>>)
      } else {
      }
      %add3A_246 = arith.constant 4 : i32
      %add3A_247 = arith.addi %add3A_230, %add3A_246 : i32
      %lt3A_248 = arith.cmpi slt, %add3A_247, %add3A_5 : i32
      %convert_element_type3A_249 = arith.extui %lt3A_248 : i1 to i32
      %cond3A_250 = arith.constant 0 : i32
      %cond3A_251 = arith.cmpi ne, %convert_element_type3A_249, %cond3A_250 : i32
      scf.if %cond3A_251 {
        %add3A_277 = arith.constant 4 : i32
        %add3A_278 = arith.addi %add3A_230, %add3A_277 : i32
        %dma_start3A_279 = arith.constant 256 : i32
        %dma_start3A_280 = arith.constant 0 : i32
        %dma_start3A_281 = tpu.memref_slice %arg8[%dma_start3A_279, %dma_start3A_280] : memref<1024x16xf32, #tpu.memory_space<vmem>> -> memref<128x16xf32, #tpu.memory_space<vmem>>
        %dma_start3A_282 = arith.constant 0 : i32
        %dma_start3A_283 = tpu.memref_slice %arg6[%add3A_278, %dma_start3A_282] : memref<40x128xi32, #tpu.memory_space<vmem>> -> memref<1x128xi32, #tpu.memory_space<vmem>>
        %dma_start3A_284 = tpu.memref_squeeze %dma_start3A_283 : memref<1x128xi32, #tpu.memory_space<vmem>> -> memref<128xi32, #tpu.memory_space<vmem>>
        %dma_start3A_285 = arith.constant 0 : i32
        %dma_start3A_286 = arith.constant 0 : i32
        %dma_start3A_287 = tpu.memref_slice %arg2[%dma_start3A_285, %dma_start3A_286] : memref<10000x16xf32, #tpu.memory_space<hbm>> -> memref<10000x16xf32, #tpu.memory_space<hbm>>
        tpu.enqueue_indirect_dma source(%dma_start3A_287 : memref<10000x16xf32, #tpu.memory_space<hbm>>) target(%dma_start3A_281 : memref<128x16xf32, #tpu.memory_space<vmem>>) offsets(%dma_start3A_284 : memref<128xi32, #tpu.memory_space<vmem>>) semaphore(%arg12 : memref<!tpu.dma_semaphore, #tpu.memory_space<semaphore_mem>>)
      } else {
      }
      %mul3A_252 = arith.constant 8 : i32
      %mul3A_253 = arith.muli %while3A_79, %mul3A_252 : i32
      %add3A_254 = arith.constant 7 : i32
      %add3A_255 = arith.addi %mul3A_253, %add3A_254 : i32
      %lt3A_256 = arith.cmpi slt, %add3A_255, %add3A_5 : i32
      %convert_element_type3A_257 = arith.extui %lt3A_256 : i1 to i32
      %cond3A_258 = arith.constant 0 : i32
      %cond3A_259 = arith.cmpi ne, %convert_element_type3A_257, %cond3A_258 : i32
      scf.if %cond3A_259 {
        %dma_wait3A = arith.constant 896 : i32
        %dma_wait3A_277 = arith.constant 0 : i32
        %dma_wait3A_278 = tpu.memref_slice %arg8[%dma_wait3A, %dma_wait3A_277] : memref<1024x16xf32, #tpu.memory_space<vmem>> -> memref<128x16xf32, #tpu.memory_space<vmem>>
        %dma_wait3A_279 = arith.constant 0 : i32
        %dma_wait3A_280 = tpu.memref_slice %arg6[%add3A_255, %dma_wait3A_279] : memref<40x128xi32, #tpu.memory_space<vmem>> -> memref<1x128xi32, #tpu.memory_space<vmem>>
        %dma_wait3A_281 = tpu.memref_squeeze %dma_wait3A_280 : memref<1x128xi32, #tpu.memory_space<vmem>> -> memref<128xi32, #tpu.memory_space<vmem>>
        %dma_wait3A_282 = arith.constant 0 : i32
        %dma_wait3A_283 = arith.constant 0 : i32
        %dma_wait3A_284 = tpu.memref_slice %arg2[%dma_wait3A_282, %dma_wait3A_283] : memref<10000x16xf32, #tpu.memory_space<hbm>> -> memref<10000x16xf32, #tpu.memory_space<hbm>>
        tpu.wait_indirect_dma semaphore(%arg17 : memref<!tpu.dma_semaphore, #tpu.memory_space<semaphore_mem>>) src(%dma_wait3A_284 : memref<10000x16xf32, #tpu.memory_space<hbm>>) dst(%dma_wait3A_278 : memref<128x16xf32, #tpu.memory_space<vmem>>)
        %dma_start3A_285 = arith.constant 896 : i32
        %dma_start3A_286 = arith.constant 0 : i32
        %dma_start3A_287 = tpu.memref_slice %arg8[%dma_start3A_285, %dma_start3A_286] : memref<1024x16xf32, #tpu.memory_space<vmem>> -> memref<128x16xf32, #tpu.memory_space<vmem>>
        %dma_start3A_288 = arith.constant 0 : i32
        %dma_start3A_289 = tpu.memref_slice %arg7[%add3A_255, %dma_start3A_288] : memref<40x128xi32, #tpu.memory_space<vmem>> -> memref<1x128xi32, #tpu.memory_space<vmem>>
        %dma_start3A_290 = tpu.memref_squeeze %dma_start3A_289 : memref<1x128xi32, #tpu.memory_space<vmem>> -> memref<128xi32, #tpu.memory_space<vmem>>
        %dma_start3A_291 = arith.constant 0 : i32
        %dma_start3A_292 = arith.constant 0 : i32
        %dma_start3A_293 = tpu.memref_slice %arg9[%dma_start3A_291, %dma_start3A_292] : memref<10000x16xf32, #tpu.memory_space<vmem_shared>> -> memref<10000x16xf32, #tpu.memory_space<vmem_shared>>
        tpu.enqueue_indirect_dma source(%dma_start3A_287 : memref<128x16xf32, #tpu.memory_space<vmem>>) target(%dma_start3A_293 : memref<10000x16xf32, #tpu.memory_space<vmem_shared>>) offsets(%dma_start3A_290 : memref<128xi32, #tpu.memory_space<vmem>>) semaphore(%arg25 : memref<!tpu.dma_semaphore, #tpu.memory_space<semaphore_mem>>) {add = true}
      } else {
      }
      %ge3A_260 = arith.constant 4 : i32
      %ge3A_261 = arith.cmpi sge, %add3A_255, %ge3A_260 : i32
      %add3A_262 = arith.constant 4 : i32
      %add3A_263 = arith.addi %add3A_5, %add3A_262 : i32
      %sub3A_264 = arith.constant 1 : i32
      %sub3A_265 = arith.subi %add3A_263, %sub3A_264 : i32
      %le3A_266 = arith.cmpi sle, %add3A_255, %sub3A_265 : i32
      %and3A_267 = arith.andi %ge3A_261, %le3A_266 : i1
      %convert_element_type3A_268 = arith.extui %and3A_267 : i1 to i32
      %cond3A_269 = arith.constant 0 : i32
      %cond3A_270 = arith.cmpi ne, %convert_element_type3A_268, %cond3A_269 : i32
      scf.if %cond3A_270 {
        %sub3A_277 = arith.constant 4 : i32
        %sub3A_278 = arith.subi %add3A_255, %sub3A_277 : i32
        %dma_wait3A = arith.constant 384 : i32
        %dma_wait3A_279 = arith.constant 0 : i32
        %dma_wait3A_280 = tpu.memref_slice %arg8[%dma_wait3A, %dma_wait3A_279] : memref<1024x16xf32, #tpu.memory_space<vmem>> -> memref<128x16xf32, #tpu.memory_space<vmem>>
        %dma_wait3A_281 = arith.constant 0 : i32
        %dma_wait3A_282 = tpu.memref_slice %arg7[%sub3A_278, %dma_wait3A_281] : memref<40x128xi32, #tpu.memory_space<vmem>> -> memref<1x128xi32, #tpu.memory_space<vmem>>
        %dma_wait3A_283 = tpu.memref_squeeze %dma_wait3A_282 : memref<1x128xi32, #tpu.memory_space<vmem>> -> memref<128xi32, #tpu.memory_space<vmem>>
        %dma_wait3A_284 = arith.constant 0 : i32
        %dma_wait3A_285 = arith.constant 0 : i32
        %dma_wait3A_286 = tpu.memref_slice %arg9[%dma_wait3A_284, %dma_wait3A_285] : memref<10000x16xf32, #tpu.memory_space<vmem_shared>> -> memref<10000x16xf32, #tpu.memory_space<vmem_shared>>
        tpu.wait_indirect_dma semaphore(%arg21 : memref<!tpu.dma_semaphore, #tpu.memory_space<semaphore_mem>>) src(%dma_wait3A_280 : memref<128x16xf32, #tpu.memory_space<vmem>>) dst(%dma_wait3A_286 : memref<10000x16xf32, #tpu.memory_space<vmem_shared>>)
      } else {
      }
      %add3A_271 = arith.constant 4 : i32
      %add3A_272 = arith.addi %add3A_255, %add3A_271 : i32
      %lt3A_273 = arith.cmpi slt, %add3A_272, %add3A_5 : i32
      %convert_element_type3A_274 = arith.extui %lt3A_273 : i1 to i32
      %cond3A_275 = arith.constant 0 : i32
      %cond3A_276 = arith.cmpi ne, %convert_element_type3A_274, %cond3A_275 : i32
      scf.if %cond3A_276 {
        %add3A_277 = arith.constant 4 : i32
        %add3A_278 = arith.addi %add3A_255, %add3A_277 : i32
        %dma_start3A_279 = arith.constant 384 : i32
        %dma_start3A_280 = arith.constant 0 : i32
        %dma_start3A_281 = tpu.memref_slice %arg8[%dma_start3A_279, %dma_start3A_280] : memref<1024x16xf32, #tpu.memory_space<vmem>> -> memref<128x16xf32, #tpu.memory_space<vmem>>
        %dma_start3A_282 = arith.constant 0 : i32
        %dma_start3A_283 = tpu.memref_slice %arg6[%add3A_278, %dma_start3A_282] : memref<40x128xi32, #tpu.memory_space<vmem>> -> memref<1x128xi32, #tpu.memory_space<vmem>>
        %dma_start3A_284 = tpu.memref_squeeze %dma_start3A_283 : memref<1x128xi32, #tpu.memory_space<vmem>> -> memref<128xi32, #tpu.memory_space<vmem>>
        %dma_start3A_285 = arith.constant 0 : i32
        %dma_start3A_286 = arith.constant 0 : i32
        %dma_start3A_287 = tpu.memref_slice %arg2[%dma_start3A_285, %dma_start3A_286] : memref<10000x16xf32, #tpu.memory_space<hbm>> -> memref<10000x16xf32, #tpu.memory_space<hbm>>
        tpu.enqueue_indirect_dma source(%dma_start3A_287 : memref<10000x16xf32, #tpu.memory_space<hbm>>) target(%dma_start3A_281 : memref<128x16xf32, #tpu.memory_space<vmem>>) offsets(%dma_start3A_284 : memref<128xi32, #tpu.memory_space<vmem>>) semaphore(%arg13 : memref<!tpu.dma_semaphore, #tpu.memory_space<semaphore_mem>>)
      } else {
      }
    }
    %barrier3A_69 = arith.constant 0 : index
    tpu.barrier barrier_id(%barrier3A_69)
    %eq3A = arith.constant 0 : i32
    %eq3A_70 = arith.cmpi eq, %arg0, %eq3A : i32
    %convert_element_type3A_71 = arith.extui %eq3A_70 : i1 to i32
    %cond3A_72 = arith.constant 0 : i32
    %cond3A_73 = arith.cmpi ne, %convert_element_type3A_71, %cond3A_72 : i32
    scf.if %cond3A_73 {
      "tpu.region"() ({
        %run_scoped3A_79 = tpu.sem_alloc : memref<!tpu.dma_semaphore, #tpu.memory_space<semaphore_mem>>
        %dma_start3A_80 = arith.constant 0 : i32
        %dma_start3A_81 = tpu.memref_slice %arg4[%mul3A_0, %dma_start3A_80] : memref<10000x16xf32, #tpu.memory_space<hbm>> -> memref<625x16xf32, #tpu.memory_space<hbm>>
        %dma_start3A_82 = arith.constant 0 : i32
        %dma_start3A_83 = tpu.memref_slice %arg9[%mul3A_0, %dma_start3A_82] : memref<10000x16xf32, #tpu.memory_space<vmem_shared>> -> memref<625x16xf32, #tpu.memory_space<vmem_shared>>
        tpu.enqueue_dma source(%dma_start3A_83 : memref<625x16xf32, #tpu.memory_space<vmem_shared>>) target(%dma_start3A_81 : memref<625x16xf32, #tpu.memory_space<hbm>>) target_semaphore(%run_scoped3A_79 : memref<!tpu.dma_semaphore, #tpu.memory_space<semaphore_mem>>)
        %dma_wait3A = arith.constant 0 : i32
        %dma_wait3A_84 = tpu.memref_slice %arg4[%mul3A_0, %dma_wait3A] : memref<10000x16xf32, #tpu.memory_space<hbm>> -> memref<625x16xf32, #tpu.memory_space<hbm>>
        %dma_wait3A_85 = arith.constant 0 : i32
        %dma_wait3A_86 = tpu.memref_slice %arg9[%mul3A_0, %dma_wait3A_85] : memref<10000x16xf32, #tpu.memory_space<vmem_shared>> -> memref<625x16xf32, #tpu.memory_space<vmem_shared>>
        tpu.wait_dma2 semaphore(%run_scoped3A_79 : memref<!tpu.dma_semaphore, #tpu.memory_space<semaphore_mem>>) src(%dma_wait3A_86 : memref<625x16xf32, #tpu.memory_space<vmem_shared>>) dst(%dma_wait3A_84 : memref<625x16xf32, #tpu.memory_space<hbm>>)
        tpu.yield
      }) : () -> ()
    } else {
    }
    %eq3A_74 = arith.constant 1 : i32
    %eq3A_75 = arith.cmpi eq, %arg0, %eq3A_74 : i32
    %convert_element_type3A_76 = arith.extui %eq3A_75 : i1 to i32
    %cond3A_77 = arith.constant 0 : i32
    %cond3A_78 = arith.cmpi ne, %convert_element_type3A_76, %cond3A_77 : i32
    scf.if %cond3A_78 {
      "tpu.region"() ({
        %run_scoped3A_79 = tpu.sem_alloc : memref<!tpu.dma_semaphore, #tpu.memory_space<semaphore_mem>>
        %dma_start3A_80 = arith.constant 0 : i32
        %dma_start3A_81 = tpu.memref_slice %arg5[%mul3A_0, %dma_start3A_80] : memref<10000x16xf32, #tpu.memory_space<hbm>> -> memref<625x16xf32, #tpu.memory_space<hbm>>
        %dma_start3A_82 = arith.constant 0 : i32
        %dma_start3A_83 = tpu.memref_slice %arg9[%mul3A_0, %dma_start3A_82] : memref<10000x16xf32, #tpu.memory_space<vmem_shared>> -> memref<625x16xf32, #tpu.memory_space<vmem_shared>>
        tpu.enqueue_dma source(%dma_start3A_83 : memref<625x16xf32, #tpu.memory_space<vmem_shared>>) target(%dma_start3A_81 : memref<625x16xf32, #tpu.memory_space<hbm>>) target_semaphore(%run_scoped3A_79 : memref<!tpu.dma_semaphore, #tpu.memory_space<semaphore_mem>>)
        %dma_wait3A = arith.constant 0 : i32
        %dma_wait3A_84 = tpu.memref_slice %arg5[%mul3A_0, %dma_wait3A] : memref<10000x16xf32, #tpu.memory_space<hbm>> -> memref<625x16xf32, #tpu.memory_space<hbm>>
        %dma_wait3A_85 = arith.constant 0 : i32
        %dma_wait3A_86 = tpu.memref_slice %arg9[%mul3A_0, %dma_wait3A_85] : memref<10000x16xf32, #tpu.memory_space<vmem_shared>> -> memref<625x16xf32, #tpu.memory_space<vmem_shared>>
        tpu.wait_dma2 semaphore(%run_scoped3A_79 : memref<!tpu.dma_semaphore, #tpu.memory_space<semaphore_mem>>) src(%dma_wait3A_86 : memref<625x16xf32, #tpu.memory_space<vmem_shared>>) dst(%dma_wait3A_84 : memref<625x16xf32, #tpu.memory_space<hbm>>)
        tpu.yield
      }) : () -> ()
    } else {
    }
    return
  }
}

module attributes {stable_mosaic.version = 14 : i64} {
  func.func @_tc_a_body(%arg0: memref<10000x16xf32, #tpu.memory_space<vmem>>, %arg1: memref<10000x16xf32, #tpu.memory_space<vmem>>, %arg2: memref<10000x256xf32, #tpu.memory_space<vmem>>, %arg3: memref<256x256xf32, #tpu.memory_space<vmem>>, %arg4: memref<10000x128xbf16, #tpu.memory_space<vmem>>, %arg5: memref<10000x128xbf16, #tpu.memory_space<vmem>>, %arg6: memref<10000x16xf32, #tpu.memory_space<vmem>>) attributes {dimension_semantics = [], scalar_prefetch = 0 : i64, scratch_operands = 0 : i64, tpu.core_type = #tpu.core_type<tc>} {
    %get3A = arith.constant 0 : index
    %get3A_0 = arith.constant 0 : index
    %get3A_1 = vector.load %arg0[%get3A, %get3A_0] : memref<10000x16xf32, #tpu.memory_space<vmem>>, vector<10000x1xf32>
    %get3A_2 = arith.constant 0 : index
    %get3A_3 = arith.constant 0 : index
    %get3A_4 = vector.load %arg1[%get3A_2, %get3A_3] : memref<10000x16xf32, #tpu.memory_space<vmem>>, vector<10000x1xf32>
    %add3A = arith.addf %get3A_1, %get3A_4 : vector<10000x1xf32>
    %add3A_5 = arith.constant 1.000000e+00 : f32
    %add3A_6 = vector.broadcast %add3A_5 : f32 to vector<10000x1xf32>
    %add3A_7 = arith.addf %add3A, %add3A_6 : vector<10000x1xf32>
    %rsqrt3A = math.rsqrt %add3A_7 : vector<10000x1xf32>
    %get3A_8 = arith.constant 0 : index
    %get3A_9 = arith.constant 0 : index
    %get3A_10 = vector.load %arg2[%get3A_8, %get3A_9] : memref<10000x256xf32, #tpu.memory_space<vmem>>, vector<10000x256xf32>
    %get3A_11 = arith.constant 0 : index
    %get3A_12 = arith.constant 0 : index
    %get3A_13 = vector.load %arg3[%get3A_11, %get3A_12] : memref<256x256xf32, #tpu.memory_space<vmem>>, vector<256x256xf32>
    %dot_general3A = arith.constant dense<0.000000e+00> : vector<10000x256xf32>
    %dot_general3A_14 = tpu.matmul %get3A_10, %get3A_13, %dot_general3A {dimension_numbers = #tpu.dot_dimension_numbers<[1], [0], [0], [1], [0, 0, 1, 1], [], []>, transpose_lhs_hint = false} : vector<10000x256xf32>, vector<256x256xf32>, vector<10000x256xf32> -> vector<10000x256xf32>
    %mul3A = vector.broadcast %rsqrt3A : vector<10000x1xf32> to vector<10000x256xf32>
    %mul3A_15 = arith.mulf %dot_general3A_14, %mul3A : vector<10000x256xf32>
    %convert_element_type3A = arith.truncf %mul3A_15 : vector<10000x256xf32> to vector<10000x256xbf16>
    %slice3A = vector.extract_strided_slice %convert_element_type3A {offsets = [0, 0], sizes = [10000, 128], strides = [1, 1]} : vector<10000x256xbf16> to vector<10000x128xbf16>
    %swap3A = arith.constant 0 : index
    %swap3A_16 = arith.constant 0 : index
    %swap3A_17 = vector.load %arg4[%swap3A, %swap3A_16] : memref<10000x128xbf16, #tpu.memory_space<vmem>>, vector<10000x128xbf16>
    tpu.vector_store %arg4[%swap3A, %swap3A_16], %slice3A {strides = array<i32>} : memref<10000x128xbf16, #tpu.memory_space<vmem>>, vector<10000x128xbf16>,
    %slice3A_18 = vector.extract_strided_slice %convert_element_type3A {offsets = [0, 128], sizes = [10000, 128], strides = [1, 1]} : vector<10000x256xbf16> to vector<10000x128xbf16>
    %swap3A_19 = arith.constant 0 : index
    %swap3A_20 = arith.constant 0 : index
    %swap3A_21 = vector.load %arg5[%swap3A_19, %swap3A_20] : memref<10000x128xbf16, #tpu.memory_space<vmem>>, vector<10000x128xbf16>
    tpu.vector_store %arg5[%swap3A_19, %swap3A_20], %slice3A_18 {strides = array<i32>} : memref<10000x128xbf16, #tpu.memory_space<vmem>>, vector<10000x128xbf16>,
    %broadcast_in_dim3A = vector.shape_cast %rsqrt3A : vector<10000x1xf32> to vector<10000x1xf32>
    %broadcast_in_dim3A_22 = vector.broadcast %broadcast_in_dim3A : vector<10000x1xf32> to vector<10000x16xf32>
    %swap3A_23 = arith.constant 0 : index
    %swap3A_24 = arith.constant 0 : index
    %swap3A_25 = vector.load %arg6[%swap3A_23, %swap3A_24] : memref<10000x16xf32, #tpu.memory_space<vmem>>, vector<10000x16xf32>
    tpu.vector_store %arg6[%swap3A_23, %swap3A_24], %broadcast_in_dim3A_22 {strides = array<i32>} : memref<10000x16xf32, #tpu.memory_space<vmem>>, vector<10000x16xf32>,
    return
  }
}

module attributes {stable_mosaic.version = 14 : i64} {
  func.func @_tc_b_body(%arg0: memref<10000x128xbf16, #tpu.memory_space<vmem>>, %arg1: memref<10000x128xbf16, #tpu.memory_space<vmem>>, %arg2: memref<10000x16xf32, #tpu.memory_space<vmem>>, %arg3: memref<1x128xf32, #tpu.memory_space<vmem>>, %arg4: memref<1x128xf32, #tpu.memory_space<vmem>>, %arg5: memref<128x16xf32, #tpu.memory_space<vmem>>, %arg6: memref<128x16xf32, #tpu.memory_space<vmem>>, %arg7: memref<10000x16xf32, #tpu.memory_space<vmem>>) attributes {dimension_semantics = [], scalar_prefetch = 0 : i64, scratch_operands = 0 : i64, tpu.core_type = #tpu.core_type<tc>} {
    %get3A = arith.constant 0 : index
    %get3A_0 = arith.constant 0 : index
    %get3A_1 = vector.load %arg2[%get3A, %get3A_0] : memref<10000x16xf32, #tpu.memory_space<vmem>>, vector<10000x1xf32>
    %get3A_2 = arith.constant 0 : index
    %get3A_3 = arith.constant 0 : index
    %get3A_4 = vector.load %arg0[%get3A_2, %get3A_3] : memref<10000x128xbf16, #tpu.memory_space<vmem>>, vector<10000x128xbf16>
    %convert_element_type3A = arith.extf %get3A_4 : vector<10000x128xbf16> to vector<10000x128xf32>
    %mul3A = vector.broadcast %get3A_1 : vector<10000x1xf32> to vector<10000x128xf32>
    %mul3A_5 = arith.mulf %convert_element_type3A, %mul3A : vector<10000x128xf32>
    %get3A_6 = arith.constant 0 : index
    %get3A_7 = arith.constant 0 : index
    %get3A_8 = vector.load %arg3[%get3A_6, %get3A_7] : memref<1x128xf32, #tpu.memory_space<vmem>>, vector<1x128xf32>
    %add3A = vector.broadcast %get3A_8 : vector<1x128xf32> to vector<10000x128xf32>
    %add3A_9 = arith.addf %mul3A_5, %add3A : vector<10000x128xf32>
    %max3A = arith.constant 0.000000e+00 : f32
    %max3A_10 = vector.broadcast %max3A : f32 to vector<10000x128xf32>
    %max3A_11 = arith.maximumf %add3A_9, %max3A_10 : vector<10000x128xf32>
    %get3A_12 = arith.constant 0 : index
    %get3A_13 = arith.constant 0 : index
    %get3A_14 = vector.load %arg1[%get3A_12, %get3A_13] : memref<10000x128xbf16, #tpu.memory_space<vmem>>, vector<10000x128xbf16>
    %convert_element_type3A_15 = arith.extf %get3A_14 : vector<10000x128xbf16> to vector<10000x128xf32>
    %mul3A_16 = vector.broadcast %get3A_1 : vector<10000x1xf32> to vector<10000x128xf32>
    %mul3A_17 = arith.mulf %convert_element_type3A_15, %mul3A_16 : vector<10000x128xf32>
    %get3A_18 = arith.constant 0 : index
    %get3A_19 = arith.constant 0 : index
    %get3A_20 = vector.load %arg4[%get3A_18, %get3A_19] : memref<1x128xf32, #tpu.memory_space<vmem>>, vector<1x128xf32>
    %add3A_21 = vector.broadcast %get3A_20 : vector<1x128xf32> to vector<10000x128xf32>
    %add3A_22 = arith.addf %mul3A_17, %add3A_21 : vector<10000x128xf32>
    %max3A_23 = arith.constant 0.000000e+00 : f32
    %max3A_24 = vector.broadcast %max3A_23 : f32 to vector<10000x128xf32>
    %max3A_25 = arith.maximumf %add3A_22, %max3A_24 : vector<10000x128xf32>
    %get3A_26 = arith.constant 0 : index
    %get3A_27 = arith.constant 0 : index
    %get3A_28 = vector.load %arg5[%get3A_26, %get3A_27] : memref<128x16xf32, #tpu.memory_space<vmem>>, vector<128x16xf32>
    %dot_general3A = arith.constant dense<0.000000e+00> : vector<10000x16xf32>
    %dot_general3A_29 = tpu.matmul %max3A_11, %get3A_28, %dot_general3A {dimension_numbers = #tpu.dot_dimension_numbers<[1], [0], [0], [1], [0, 0, 1, 1], [], []>, transpose_lhs_hint = false} : vector<10000x128xf32>, vector<128x16xf32>, vector<10000x16xf32> -> vector<10000x16xf32>
    %get3A_30 = arith.constant 0 : index
    %get3A_31 = arith.constant 0 : index
    %get3A_32 = vector.load %arg6[%get3A_30, %get3A_31] : memref<128x16xf32, #tpu.memory_space<vmem>>, vector<128x16xf32>
    %dot_general3A_33 = arith.constant dense<0.000000e+00> : vector<10000x16xf32>
    %dot_general3A_34 = tpu.matmul %max3A_25, %get3A_32, %dot_general3A_33 {dimension_numbers = #tpu.dot_dimension_numbers<[1], [0], [0], [1], [0, 0, 1, 1], [], []>, transpose_lhs_hint = false} : vector<10000x128xf32>, vector<128x16xf32>, vector<10000x16xf32> -> vector<10000x16xf32>
    %add3A_35 = arith.addf %dot_general3A_29, %dot_general3A_34 : vector<10000x16xf32>
    %mul3A_36 = vector.broadcast %get3A_1 : vector<10000x1xf32> to vector<10000x16xf32>
    %mul3A_37 = arith.mulf %add3A_35, %mul3A_36 : vector<10000x16xf32>
    %swap3A = arith.constant 0 : index
    %swap3A_38 = arith.constant 0 : index
    %swap3A_39 = vector.load %arg7[%swap3A, %swap3A_38] : memref<10000x16xf32, #tpu.memory_space<vmem>>, vector<10000x16xf32>
    tpu.vector_store %arg7[%swap3A, %swap3A_38], %mul3A_37 {strides = array<i32>} : memref<10000x16xf32, #tpu.memory_space<vmem>>, vector<10000x16xf32>,
    return
  }
}

module attributes {stable_mosaic.version = 14 : i64} {
  func.func @_tc_c_body(%arg0: memref<10000x16xf32, #tpu.memory_space<vmem>>, %arg1: memref<10000x16xf32, #tpu.memory_space<vmem>>, %arg2: memref<10000x16xf32, #tpu.memory_space<vmem>>, %arg3: memref<10000x16xf32, #tpu.memory_space<vmem>>, %arg4: memref<1x16xf32, #tpu.memory_space<vmem>>, %arg5: memref<10000x4xf32, #tpu.memory_space<vmem>>) attributes {dimension_semantics = [], scalar_prefetch = 0 : i64, scratch_operands = 0 : i64, tpu.core_type = #tpu.core_type<tc>} {
    %get3A = arith.constant 0 : index
    %get3A_0 = arith.constant 0 : index
    %get3A_1 = vector.load %arg0[%get3A, %get3A_0] : memref<10000x16xf32, #tpu.memory_space<vmem>>, vector<10000x16xf32>
    %get3A_2 = arith.constant 0 : index
    %get3A_3 = arith.constant 0 : index
    %get3A_4 = vector.load %arg1[%get3A_2, %get3A_3] : memref<10000x16xf32, #tpu.memory_space<vmem>>, vector<10000x16xf32>
    %add3A = arith.addf %get3A_1, %get3A_4 : vector<10000x16xf32>
    %get3A_5 = arith.constant 0 : index
    %get3A_6 = arith.constant 0 : index
    %get3A_7 = vector.load %arg2[%get3A_5, %get3A_6] : memref<10000x16xf32, #tpu.memory_space<vmem>>, vector<10000x16xf32>
    %sub3A = arith.subf %add3A, %get3A_7 : vector<10000x16xf32>
    %get3A_8 = arith.constant 0 : index
    %get3A_9 = arith.constant 0 : index
    %get3A_10 = vector.load %arg3[%get3A_8, %get3A_9] : memref<10000x16xf32, #tpu.memory_space<vmem>>, vector<10000x1xf32>
    %mul3A = vector.broadcast %get3A_10 : vector<10000x1xf32> to vector<10000x16xf32>
    %mul3A_11 = arith.mulf %sub3A, %mul3A : vector<10000x16xf32>
    %get3A_12 = arith.constant 0 : index
    %get3A_13 = arith.constant 0 : index
    %get3A_14 = vector.load %arg4[%get3A_12, %get3A_13] : memref<1x16xf32, #tpu.memory_space<vmem>>, vector<1x16xf32>
    %add3A_15 = vector.broadcast %get3A_14 : vector<1x16xf32> to vector<10000x16xf32>
    %add3A_16 = arith.addf %mul3A_11, %add3A_15 : vector<10000x16xf32>
    %slice3A = vector.extract_strided_slice %add3A_16 {offsets = [0, 0], sizes = [10000, 4], strides = [1, 1]} : vector<10000x16xf32> to vector<10000x4xf32>
    %swap3A = arith.constant 0 : index
    %swap3A_17 = arith.constant 0 : index
    %swap3A_18 = vector.load %arg5[%swap3A, %swap3A_17] : memref<10000x4xf32, #tpu.memory_space<vmem>>, vector<10000x4xf32>
    tpu.vector_store %arg5[%swap3A, %swap3A_17], %slice3A {strides = array<i32>} : memref<10000x4xf32, #tpu.memory_space<vmem>>, vector<10000x4xf32>,
    return
  }
}

</mosaic_0001>

<sc_bundles>
// kernel: kernel.11.cloned.1.call-start
scs
__scs_entry_jumppad:
0x0: {  	(pc) =	sbr.rel $0x88, $3  }
0x1: {  	(tag) =	ssettag $0x0;
	lr =	simm.s32 $0x1  }
0x2: {  	[smem:$0x3F9B] =	sst lr;
	_ =	strace $0xD0000000  }
0x3: {  	_ = 	snop  }
0x4: {  	_ = 	snop  }
0x5: {  	_ = 	snop  }
0x6: {  	_ = 	snop  }
0x7: {  	_ = 	snop  }
__scs_overlays_trampoline_lowered:
0x8: {  	[smem:$0x3FAA] =	sst s0  }
0x9: {  	[smem:$0x3FAB] =	sst s1  }
0xa: {  	[smem:$0x3FAC] =	sst s2  }
0xb: {  	[smem:$0x3FAD] =	sst s3  }
0xc: {  	[smem:$0x3FAE] =	sst s4  }
0xd: {  	[smem:$0x3FAF] =	sst s5  }
0xe: {  	[smem:$0x3FB0] =	sst s6  }
0xf: {  	[smem:$0x3FB1] =	sst s7  }
0x10: {  	[smem:$0x3FB2] =	sst s8  }
0x11: {  	[smem:$0x3FB3] =	sst s9;
	s0 =	simm.s32 @!p0 $0x0  }
0x12: {  	s1 =	sld [smem:$0x3F99];
	s0 =	simm.s32 @p0 $0x1  }
0x13: {  	[smem:$0x3FB4] =	sst s0;
	s0 =	simm.s32 @!p1 $0x0  }
0x14: {  	s2 =	sld [smem:$0x3F98];
	s0 =	simm.s32 @p1 $0x1  }
0x15: {  	[smem:$0x3FB5] =	sst s0;
	s0 =	simm.s32 @!p2 $0x0  }
0x16: {  	s3 =	sld [smem:$0x3FDB];
	s0 =	simm.s32 @p2 $0x1  }
0x17: {  	s4 =	simm.s32 $0x1BF5;
	[smem:$0x3FB7] =	sst s0  }
0x18: {  	s0 =	sld [smem:$0x3F9A];
	_ =	swait.ge [sflag:s4], $0x0  }
0x19: {  	s7 =	sld [smem:$0x3F9B]  }
0x1a: {  	s8 =	sadd.s32 $0xFFFFE003, lr  }
0x1b: {  	s9 =	sadd.s32 $0xFFFFFEF7, lr;
	s5 =	simm.s32 $0xFFFFFFFF;
	p2 =	slt.u32 s8, $0xFFFFF086  }
0x1c: {  	p1 =	slt.u32 s9, $0xF7A;
	s5 =	simm.s32 @!p2 $0x0  }
0x1d: {  	s5 =	simm.s32 @p1 $0x1;
	p0 =	seq.s32 s7, s2  }
0x1e: {  	s7 =	smul.u32 @!p0 $0xF7A, s2;
	p2 =	seq.s32 @!p0 s5, $0x0  }
0x1f: {  	s9 =	smul.u32 $0xF7A, s1;
	s8 =	simm.s32 @!p0 $0x1BF5;
	p2 =	por !p2, p0  }
0x20: {  	[sflag:s8] =	ssyncset.s32 @!p0 $0xFFFFF086;
	s6 =	sadd.s32 @!p0 s3, s7;
	s7 =	simm.s32 @!p0 $0x108  }
0x21: {  	s3 =	sadd.s32 s3, s9;
	s6 =	sadd.s32 @!p0 $0x88, s6;
	s7 =	simm.s32 @p2 $0x1082  }
0x22: {  	[simem:s7], [sflag:s8] =	dma.local @!p0 [hbm:s6], $0xF7A  }
0x23: {  	s9 =	sor.u32 $0xD0000000, s2;
	s6 =	simm.s32 $0x108;
	_ =	swait.ge @!p0 [sflag:s8], $0x0  }
0x24: {  	s3 =	sadd.s32 $0x88, s3;
	s6 =	simm.s32 @!p1 $0x1082;
	[sflag:s4] =	ssyncset.s32 $0xFFFFF086  }
0x25: {  	[simem:s6], [sflag:s4] =	dma.local [hbm:s3], $0xF7A  }
0x26: {  	[smem:$0x3F9B] =	sst s1;
	(tag) =	ssettag s2;
	_ =	strace s9  }
0x27: {  	s1 =	sld [smem:$0x3FAB]  }
0x28: {  	s2 =	sld [smem:$0x3FAC]  }
0x29: {  	s4 =	sld [smem:$0x3FAE]  }
0x2a: {  	p0 =	seq.s32 s5, $0x0;
	s5 =	sld [smem:$0x3FAF]  }
0x2b: {  	s6 =	sld [smem:$0x3FB0]  }
0x2c: {  	s7 =	sld [smem:$0x3FB1]  }
0x2d: {  	s3 =	simm.s32 $0x108;
	s8 =	sld [smem:$0x3FB2]  }
0x2e: {  	s3 =	simm.s32 @!p0 $0x1082;
	s9 =	sld [smem:$0x3FB3]  }
0x2f: {  	lr =	sadd.s32 s0, s3;
	s0 =	sld [smem:$0x3FAA]  }
0x30: {  	s3 =	sld [smem:$0x3FAD]  }
0x31: {  	[smem:$0x3FB6] =	sst s10  }
0x32: {  	s10 =	sld [smem:$0x3FB4];
	_ =	sdelay $0x3  }
0x33: {  	p0 =	seq.s32 s10, $0x1;
	s10 =	sld [smem:$0x3FB6];
	_ =	sdelay $0x3  }
0x34: {  	[smem:$0x3FB6] =	sst s10  }
0x35: {  	s10 =	sld [smem:$0x3FB5];
	_ =	sdelay $0x3  }
0x36: {  	p1 =	seq.s32 s10, $0x1;
	s10 =	sld [smem:$0x3FB6];
	_ =	sdelay $0x3  }
0x37: {  	[smem:$0x3FB6] =	sst s10  }
0x38: {  	s10 =	sld [smem:$0x3FB7]  }
0x39: {  	_ = 	snop;
	(pc) =	sbr.ind lr, $3  }
0x3a: {  	_ = 	snop  }
0x3b: {  	_ = 	snop  }
0x3c: {  	p2 =	seq.s32 s10, $0x1;
	s10 =	sld [smem:$0x3FB6]  }
0x3d: {  	_ =	shalt  }
0x3e: {  	_ =	shalt  }
0x3f: {  	_ =	shalt  }
0x40: {  	_ =	shalt  }
0x41: {  	_ =	shalt  }
0x42: {  	_ =	shalt  }
0x43: {  	_ =	shalt  }
0x44: {  	_ =	shalt  }
0x45: {  	_ =	shalt  }
0x46: {  	_ =	shalt  }
0x47: {  	_ =	shalt  }
0x48: {  	_ =	shalt  }
0x49: {  	_ =	shalt  }
0x4a: {  	_ =	shalt  }
0x4b: {  	_ =	shalt  }
0x4c: {  	_ =	shalt  }
0x4d: {  	_ =	shalt  }
0x4e: {  	_ =	shalt  }
0x4f: {  	_ =	shalt  }
0x50: {  	_ =	shalt  }
0x51: {  	_ =	shalt  }
0x52: {  	_ =	shalt  }
0x53: {  	_ =	shalt  }
0x54: {  	_ =	shalt  }
0x55: {  	_ =	shalt  }
0x56: {  	_ =	shalt  }
0x57: {  	_ =	shalt  }
0x58: {  	_ =	shalt  }
0x59: {  	_ =	shalt  }
0x5a: {  	_ =	shalt  }
0x5b: {  	_ =	shalt  }
0x5c: {  	_ =	shalt  }
0x5d: {  	_ =	shalt  }
0x5e: {  	_ =	shalt  }
0x5f: {  	_ =	shalt  }
0x60: {  	_ =	shalt  }
0x61: {  	_ =	shalt  }
0x62: {  	_ =	shalt  }
0x63: {  	_ =	shalt  }
0x64: {  	_ =	shalt  }
0x65: {  	_ =	shalt  }
0x66: {  	_ =	shalt  }
0x67: {  	_ =	shalt  }
0x68: {  	_ =	shalt  }
0x69: {  	_ =	shalt  }
0x6a: {  	_ =	shalt  }
0x6b: {  	_ =	shalt  }
0x6c: {  	_ =	shalt  }
0x6d: {  	_ =	shalt  }
0x6e: {  	_ =	shalt  }
0x6f: {  	_ =	shalt  }
0x70: {  	_ =	shalt  }
0x71: {  	_ =	shalt  }
0x72: {  	_ =	shalt  }
0x73: {  	_ =	shalt  }
0x74: {  	_ =	shalt  }
0x75: {  	_ =	shalt  }
0x76: {  	_ =	shalt  }
0x77: {  	_ =	shalt  }
0x78: {  	_ =	shalt  }
0x79: {  	_ =	shalt  }
0x7a: {  	_ =	shalt  }
0x7b: {  	_ =	shalt  }
0x7c: {  	_ =	shalt  }
0x7d: {  	_ =	shalt  }
0x7e: {  	_ =	shalt  }
0x7f: {  	_ =	shalt  }
0x80: {  	_ =	shalt  }
0x81: {  	_ =	shalt  }
0x82: {  	_ =	shalt  }
0x83: {  	_ =	shalt  }
0x84: {  	_ =	shalt  }
0x85: {  	_ =	shalt  }
0x86: {  	_ =	shalt  }
0x87: {  	_ =	shalt  }
.Lfunc_end0:
.L_simem_size_0:
called_computation.1_lowered:
.L_overlay_start_0:
0x88: {  	s2 =	sld [smem:$0x3FD9]  }
0x89: {  	s3 =	sld [smem:$0x3FFE];
	_ =	sdelay $0x1  }
0x8a: {  	s1 =	srdreg.scid  }
0x8b: {  	s0 =	sand.u32 $0x1, s1  }
0x8c: {  	s16 =	sshll.u32 s0, $0xA;
	s2 =	sadd.s32 s3, s2  }
0x8d: {  	s2 =	sadd.s32 s2, s16  }
0x8e: {  	[smem:$0x3FC2] =	sst s2  }
0x8f: {  	_ = 	snop  }
0x90: {  	(tm) =	ssettm $0x1  }
0x91: {  	s17 =	sld [smem:$0x3FFB];
	_ =	sdelay $0x3  }
0x92: {  	_ =	strace s17  }
0x93: {  	s2 =	sld [smem:$0x3FFC];
	_ =	sdelay $0x3  }
0x94: {  	_ =	strace s2  }
0x95: {  	s2 =	sld [smem:$0x3FFD];
	_ =	sdelay $0x3  }
0x96: {  	_ =	strace s2  }
0x97: {  	_ =	strace $0x8FFFFFFF  }
0x98: {  	s18 =	sld [smem:$0x3FDB];
	_ =	sdelay $0x1  }
0x99: {  	s19 =	simm.s32 $_scs_section_size  }
0x9a: {  	s4 =	simm.s32 $_size__tile_overlayer_lowered;
	s5 =	simm.s32 $_tile_overlayer_lowered  }
0x9b: {  	s22 =	simm.s32 $0x1BFF;
	s21 =	sshll.u32 s5, $0x1;
	s2 =	sadd.s32 s19, s18  }
0x9c: {  	s6 =	simm.s32 $0x0;
	s20 =	sshll.u32 s4, $0x1;
	s4 =	sadd.s32 s21, s2  }
0x9d: {  	[timem:s6], [sflag:s22] =	dma.local [hbm:s4], s20  }
0x9e: {  	_ =	swait.ge [sflag:s22], s20  }
0x9f: {  	s3 =	ssub.s32 $0x0, s20;
	[sflag:s22] =	ssyncset.done $0x0  }
0xa0: {  	[sflag:s22] =	ssyncadd.s32 s3;
	_ =	sdelay $0x1  }
0xa1: {  	s23 =	simm.s32 $0x1B8B  }
0xa2: {  	_ =	swait.ge [sflag:s23], $0x1  }
0xa3: {  	[sflag:s23] =	ssyncset.done $0x0  }
0xa4: {  	s25 =	simm.s32 $0x1B8E;
	s24 =	sld [smem:$0x3FFE];
	[sflag:s23] =	ssyncadd.s32 $0xFFFFFFFF  }
0xa5: {  	s26 =	simm.s32 $execute0_lowered;
	[smem:$0x3FD2] =	sst s25  }
0xa6: {  	s4 =	sshll.u32 s26, $0x1;
	_ =	strace $0x80000049;
	[dreg:$0x1] =	wrdreg $0xFFFFFFFF  }
0xa7: {  	s28 =	simm.s32 $_size_execute0_lowered;
	s2 =	sadd.s32 s2, s4;
	[dreg:$0x0] =	wrdreg $0x0  }
0xa8: {  	s4 =	sshll.u32 s28, $0x1;
	[dreg:$0x2] =	wrdreg s2  }
0xa9: {  	[dreg:$0x3] =	wrdreg s4  }
0xaa: {  	[dreg:$0x4] =	wrdreg $0xC0  }
0xab: {  	_ =	task [dreg:s6], $0x5FFFF  }
0xac: {  	[dreg:$0x1] =	wrdreg $0xFFFFFFFF  }
0xad: {  	[dreg:$0x0] =	wrdreg $0x60  }
0xae: {  	[dreg:$0x2] =	wrdreg s24  }
0xaf: {  	[dreg:$0x3] =	wrdreg $0x14F000  }
0xb0: {  	[dreg:$0x4] =	wrdreg $0x9  }
0xb1: {  	_ =	task.clear_ibuf [dreg:s6], $0x5FFFF;
	_ =	strace $0x90000049  }
0xb2: {  	s29 =	simm.s32 $0x9;
	_ =	strace $0x8000004B  }
0xb3: {  	_ =	swait.ge [sflag:s29], $0x1  }
0xb4: {  	[sflag:s29] =	ssyncadd.s32 $0xFFFFFFFF  }
0xb5: {  	_ =	strace $0x9000004B  }
0xb6: {  	_ =	sfence  }
0xb7: {  	s30 =	sld [smem:$0x0];
	_ =	sdelay $0x2  }
0xb8: {  	s31 =	sshll.u32 s1, $0xD;
	s1 =	sshrl.u32 s1, $0x2  }
0xb9: {  	s3 =	sand.u32 $0x4000, s31;
	s1 =	sadd.s32 s1, s30  }
0xba: {  	s0 =	sor.u32 s3, s0;
	s1 =	sshll.u32 s1, $0x11  }
0xbb: {  	s0 =	sor.u32 s1, s0  }
0xbc: {  	s0 =	sadd.s32 $0x8F2B, s0  }
0xbd: {  	[sflag:s0] =	ssyncadd.remote.s32 $0x1  }
0xbe: {  	_ =	sfence.sel $0xFFFF  }
0xbf: {  	[dreg:$0x0] =	wrdreg $0xFFFFFFFF;
	(pc) =	sbr.abs _section_cstart, $3  }
0xc0: {  	[dreg:$0x1] =	wrdreg $0xFFFFFFFF  }
0xc1: {  	_ =	task.clear_ibuf [dreg:s6], $0x2FFFF;
	_ =	strace $0x9FFFFFFF  }
0xc2: {  	(tm) =	ssettm $0x7FFFFFFF  }
0xc3: {  	_ =	shalt  }
tec
execute0_lowered:
.L_overlay_start_1:
0x0: {  	(tag) =	ssettag $0x1  }
0x1: {  	s0 =	rddreg [dreg:$0x0]  }
0x2: {  	s2 =	rddreg [dreg:$0x1];
	s3 =	stileid.u32  }
0x3: {  	s4 =	simm.s32 $0x0;
	s6 =	srdreg.scid;
	s8 =	simm.s32 $0x4F  }
0x4: {  	s14 =	simm.s32 $0x52;
	s18 =	simm.s32 $0x11;
	s29 =	simm.s32 $0xAF00  }
0x5: {  	s30 =	simm.s32 $0x0;
	s1 =	smul.u32 $0x4E, s3;
	[smem:$0x7FF] =	sst s4  }
0x6: {  	s19 =	smin.u32 s3, $0x2;
	s4 =	sadd.s32 $0x33A00, s0;
	s5 =	sadd.s32 $0x47400, s0  }
0x7: {  	s6 =	sand.u32 $0x1, s6;
	s7 =	sadd.s32 $0x5AE00, s0;
	p1 =	slt.u32 s3, $0x2  }
0x8: {  	s22 =	smul.u32 $0x13880, s3;
	s31 =	sshll.u32 s3, $0x6;
	_ =	strace $0x8000004A  }
0x9: {  	[dreg:$0x3] =	wrdreg s7;
	s20 =	ssub.s32 $0x2, s6;
	s8 =	simm.s32 @!p1 $0x4E  }
0xa: {  	p0 =	seq.s32 s6, $0x0;
	s15 =	smov.u32 s5;
	s14 =	simm.s32 @!p1 $0x51  }
0xb: {  	s1 =	sadd.s32 s19, s1;
	s26 =	sshrl.u32 s22, $0x4;
	s15 =	smov.u32 @p0 s4  }
0xc: {  	s1 =	sshll.u32 s1, $0x4;
	[dreg:$0x9] =	wrdreg s26;
	s28 =	sadd.s32 s15, s26  }
0xd: {  	s1 =	sadd.s32 s1, s0;
	s0 =	sadd.s32 $0x6E800, s0;
	[dreg:$0xb] =	wrdreg s28  }
0xe: {  	p1 =	sgt.u32 s3, $0x1;
	[dreg:$0x4] =	wrdreg s0;
	s9 =	sadd.s32 $0x2A00, s1  }
0xf: {  	s21 =	sshrl.u32 s20, $0x1;
	s23 =	sadd.s32 $0x7820, s1;
	[dreg:$0x5] =	wrdreg s9  }
.Ltmp0:
0x10: {  	s24 =	sadd.s32 $0x2EE0, s1;
	[dreg:$0x6] =	wrdreg s23;
	(pc) =	sbr.rel .LBB2_1-.Ltmp0, $4  }
0x11: {  	s0 =	ssub.s32 s20, s21;
	s1 =	sadd.s32 $0x7D00, s1;
	[dreg:$0x7] =	wrdreg s24  }
0x12: {  	s25 =	sshrl.u32 s22, $0x1;
	[dreg:$0x8] =	wrdreg s1;
	s0 =	smax.u32 s0, $0x1  }
0x13: {  	s1 =	sadd.s32 s25, s2;
	s9 =	sor.u32 $0x1C11, s31;
	[dreg:$0xa] =	wrdreg s0  }
0x14: {  	s22 =	simm.s32 $0x80;
	s10 =	sshrl.u32 s1, $0x3;
	[dreg:$0xc] =	wrdreg s9  }
.LBB2_11:
0x15: {  	s0 =	rddreg [dreg:$0x4]  }
.LBB2_12:
0x16: {  	s1 =	rddreg [dreg:$0x9]  }
0x17: {  	s9 =	rddreg [dreg:$0xc];
	s0 =	sadd.s32 s0, s1  }
0x18: {  	[hbm:s0], [sflag:s9] =	dma.local [spmem:s21], $0x1388  }
0x19: {  	_ =	swait.ge [sflag:s18], $0x1388  }
0x1a: {  	s30 =	sadd.s32 $0x1, s30;
	s31 =	rddreg [dreg:$0xa]  }
0x1b: {  	p2 =	sne.s32 s30, s31  }
.Ltmp1:
0x1c: {  	_ = 	snop;
	(pc) =	sbr.rel @!p2 .LBB2_13-.Ltmp1, $3  }
0x1d: {  	_ =	sdelay $0x1  }
0x1e: {  	[sflag:s18] =	ssyncset.done $0x0  }
0x1f: {  	s10 =	smov.u32 s21;
	[sflag:s18] =	ssyncadd.s32 $0xFFFFEC78  }
.LBB2_1:
0x20: {  	s3 =	simm.s32 $0x0;
	s0 =	rddreg [dreg:$0x5]  }
0x21: {  	[tilespmem:s3], [sflag:$0x11] =	stream.linear.gather [hbm4b:s0+s3], $0x2700, $0x38;
	[tilespmem:$0x1EB40] =	vst v63  }
0x22: {  	_ =	swait.ge [sflag:s18], $0x2700  }
0x23: {  	[sflag:s18] =	ssyncset.done $0x0  }
0x24: {  	s1 =	simm.s32 $0x2780;
	s19 =	rddreg [dreg:$0x6];
	[sflag:s18] =	ssyncadd.s32 $0xFFFFD900  }
0x25: {  	[tilespmem:s1], [sflag:$0x11] =	stream.linear.gather [hbm4b:s19+s3], $0x2700, $0x38;
	[tilespmem:$0x1EB40] =	vst v63  }
0x26: {  	_ =	swait.ge [sflag:s18], $0x2700  }
0x27: {  	s0 =	simm.s32 @!p1 $0x0;
	[sflag:s18] =	ssyncset.done $0x0  }
0x28: {  	s1 =	simm.s32 @!p1 $0x2700;
	s6 =	rddreg [dreg:$0x7];
	[sflag:s18] =	ssyncadd.s32 $0xFFFFD900  }
0x29: {  	[tilespmem:s1], [sflag:$0x11] =	stream.linear.gather @!p1 [hbm4b:s6+s0], $0x80, $0x38;
	[tilespmem:$0x1EB40] =	vst v63  }
0x2a: {  	s1 =	simm.s32 @!p1 $0x11  }
0x2b: {  	_ =	swait.ge @!p1 [sflag:s1], $0x80  }
0x2c: {  	[sflag:s1] =	ssyncset.done @!p1 $0x0  }
0x2d: {  	s6 =	simm.s32 @!p1 $0x4E80;
	s7 =	rddreg [dreg:$0x8];
	[sflag:s1] =	ssyncadd.s32 @!p1 $0xFFFFFF80  }
0x2e: {  	[tilespmem:s6], [sflag:$0x11] =	stream.linear.gather @!p1 [hbm4b:s7+s0], $0x80, $0x38;
	[tilespmem:$0x1EB40] =	vst v63  }
0x2f: {  	_ =	swait.ge @!p1 [sflag:s1], $0x80  }
0x30: {  	[sflag:s1] =	ssyncset.done @!p1 $0x0  }
0x31: {  	s20 =	rddreg [dreg:$0xb];
	[sflag:s1] =	ssyncadd.s32 @!p1 $0xFFFFFF80  }
0x32: {  	[spmem:s10], [sflag:s9] =	dma.local [hbm:s20], $0x1388  }
0x33: {  	_ =	swait.ge [sflag:s18], $0x1388  }
0x34: {  	[sflag:s18] =	ssyncset.done $0x0  }
0x35: {  	[sflag:s18] =	ssyncadd.s32 $0xFFFFEC78  }
0x36: {  	s23 =	simm.s32 $0x4F00;
	[bflag:$0x0] =	sbarrier.arrive $0xFFFF  }
0x37: {  	[tilespmem:s23], [sflag:$0x1] =	stream.indirect.gather [hbm4b:s15+s22], $0x40, s3, s22, $0xb8;
	[tilespmem:$0x1EB40] =	vst v63  }
0x38: {  	s24 =	simm.s32 $0x6F00  }
0x39: {  	[tilespmem:s24], [sflag:$0x2] =	stream.indirect.gather [hbm4b:s15+s22], $0x40, s22, s22, $0xb8;
	[tilespmem:$0x1EB40] =	vst v63  }
.Ltmp2:
0x3a: {  	s21 =	smov.u32 s10;
	s25 =	simm.s32 $0x100;
	(pc) =	sbr.rel .LBB2_2-.Ltmp2, $4  }
0x3b: {  	s26 =	simm.s32 $0x8F00;
	s28 =	simm.s32 $0x180;
	s31 =	simm.s32 $0xA  }
0x3c: {  	[tilespmem:s26], [sflag:$0x3] =	stream.indirect.gather [hbm4b:s15+s22], $0x40, s25, s22, $0xb8;
	[tilespmem:$0x1EB40] =	vst v63  }
0x3d: {  	s0 =	simm.s32 $0x5;
	s7 =	simm.s32 $0x0;
	s1 =	simm.s32 $0x0  }
0x3e: {  	[tilespmem:s29], [sflag:$0x4] =	stream.indirect.gather [hbm4b:s15+s22], $0x40, s28, s22, $0xb8;
	[tilespmem:$0x1EB40] =	vst v63  }
.LBB2_6:
0x3f: {  	p2 =	seq.s32 s31, $0x0  }
.Ltmp3:
0x40: {  	_ = 	snop;
	(pc) =	sbr.rel @p2 .LBB2_10-.Ltmp3, $1  }
0x41: {  	_ =	sdelay $0x3  }
.LBB2_7:
0x42: {  	s31 =	sadd.s32 $0xFFFFFFFF, s31;
	s1 =	sadd.s32 $0x1000, s1;
	s0 =	sadd.s32 $0x8, s0  }
.LBB2_2:
0x43: {  	s6 =	sadd.s32 $0xFFFFFFFB, s0  }
0x44: {  	p2 =	sge.u32 s6, s8  }
0x45: {  	s6 =	simm.s32 @!p2 $0x1  }
0x46: {  	_ =	swait.ge @!p2 [sflag:s6], $0x2000  }
0x47: {  	[sflag:s6] =	ssyncset.done @!p2 $0x0  }
0x48: {  	p5 =	seq.s32 s31, $0xA;
	[sflag:s6] =	ssyncadd.s32 @!p2 $0xFFFFE000;
	s6 =	sshra.s32 @!p2 s1, $0x2  }
0x49: {  	s9 =	simm.s32 @!p2 $0x80;
	s10 =	simm.s32 @!p2 $0x4F00;
	s6 =	sadd.s32 @!p2 $0x2780, s6  }
0x4a: {  	[spmem:s2] =	stream.indirect.scatter.add.bf16 @!p2 [tilespmem:s10], [sflag:$0x9], $0x40, s6, s9, $0xb8;
	[tilespmem:$0x1EB40] =	vst v63  }
0x4b: {  	s19 =	sadd.s32 $0xFFFFFFFF, s0;
	s20 =	sadd.s32 $0xFFFFFFFC, s0;
	s6 =	simm.s32 @!p5 $0xD  }
0x4c: {  	p3 =	sge.u32 s20, s8;
	p2 =	sge.u32 s19, s8;
	_ =	swait.ge @!p5 [sflag:s6], $0x2000  }
0x4d: {  	s23 =	sshra.s32 @!p2 s1, $0x2;
	s24 =	simm.s32 @!p2 $0x80;
	[sflag:s6] =	ssyncset.done @!p5 $0x0  }
0x4e: {  	s25 =	simm.s32 @!p2 $0xCF00;
	[sflag:s6] =	ssyncadd.s32 @!p5 $0xFFFFE000;
	s6 =	sadd.s32 @!p2 $0x200, s23  }
0x4f: {  	[tilespmem:s25], [sflag:$0x5] =	stream.indirect.gather @!p2 [hbm4b:s15+s24], $0x40, s6, s24, $0xb8;
	[tilespmem:$0x1EB40] =	vst v63  }
0x50: {  	s6 =	simm.s32 @!p3 $0x2  }
0x51: {  	_ =	swait.ge @!p3 [sflag:s6], $0x2000  }
0x52: {  	[sflag:s6] =	ssyncset.done @!p3 $0x0  }
0x53: {  	[sflag:s6] =	ssyncadd.s32 @!p3 $0xFFFFE000;
	s6 =	sshra.s32 @!p3 s1, $0x2  }
0x54: {  	s9 =	simm.s32 @!p3 $0x80;
	s10 =	simm.s32 @!p3 $0x6F00;
	s6 =	sadd.s32 @!p3 $0x2800, s6  }
0x55: {  	[spmem:s2] =	stream.indirect.scatter.add.bf16 @!p3 [tilespmem:s10], [sflag:$0xA], $0x40, s6, s9, $0xb8;
	[tilespmem:$0x1EB40] =	vst v63  }
0x56: {  	s6 =	simm.s32 @!p5 $0xE  }
0x57: {  	p3 =	sge.u32 s0, s8;
	_ =	swait.ge @!p5 [sflag:s6], $0x2000  }
0x58: {  	s28 =	sshra.s32 @!p3 s1, $0x2;
	s9 =	simm.s32 @!p3 $0xEF00;
	[sflag:s6] =	ssyncset.done @!p5 $0x0  }
0x59: {  	s10 =	sadd.s32 @!p3 $0x280, s28;
	[sflag:s6] =	ssyncadd.s32 @!p5 $0xFFFFE000;
	s6 =	simm.s32 @!p3 $0x80  }
0x5a: {  	[tilespmem:s9], [sflag:$0x6] =	stream.indirect.gather @!p3 [hbm4b:s15+s6], $0x40, s10, s6, $0xb8;
	[tilespmem:$0x1EB40] =	vst v63  }
0x5b: {  	s10 =	sadd.s32 $0xFFFFFFFD, s0  }
0x5c: {  	p4 =	sge.u32 s10, s8  }
0x5d: {  	s11 =	simm.s32 @!p4 $0x3  }
0x5e: {  	_ =	swait.ge @!p4 [sflag:s11], $0x2000  }
0x5f: {  	[sflag:s11] =	ssyncset.done @!p4 $0x0  }
0x60: {  	[sflag:s11] =	ssyncadd.s32 @!p4 $0xFFFFE000;
	s11 =	sshra.s32 @!p4 s1, $0x2  }
0x61: {  	s12 =	simm.s32 @!p4 $0x80;
	s16 =	simm.s32 @!p4 $0x8F00;
	s11 =	sadd.s32 @!p4 $0x2880, s11  }
0x62: {  	[spmem:s2] =	stream.indirect.scatter.add.bf16 @!p4 [tilespmem:s16], [sflag:$0xB], $0x40, s11, s12, $0xb8;
	[tilespmem:$0x1EB40] =	vst v63  }
0x63: {  	p4 =	sgt.u32 @!p5 s10, s14  }
0x64: {  	p6 =	por p4, p5  }
0x65: {  	s26 =	sadd.s32 $0x1, s0;
	s10 =	simm.s32 @!p6 $0xF  }
0x66: {  	p4 =	sge.u32 s26, s8;
	_ =	swait.ge @!p6 [sflag:s10], $0x2000  }
0x67: {  	s11 =	sshra.s32 @!p4 s1, $0x2;
	s12 =	simm.s32 @!p4 $0x80;
	[sflag:s10] =	ssyncset.done @!p6 $0x0  }
0x68: {  	s16 =	simm.s32 @!p4 $0x10F00;
	[sflag:s10] =	ssyncadd.s32 @!p6 $0xFFFFE000;
	s10 =	sadd.s32 @!p4 $0x300, s11  }
0x69: {  	[tilespmem:s16], [sflag:$0x7] =	stream.indirect.gather @!p4 [hbm4b:s15+s12], $0x40, s10, s12, $0xb8;
	[tilespmem:$0x1EB40] =	vst v63  }
0x6a: {  	s10 =	sadd.s32 $0xFFFFFFFE, s0  }
0x6b: {  	p6 =	sge.u32 s10, s8  }
0x6c: {  	s17 =	simm.s32 @!p6 $0x4  }
0x6d: {  	_ =	swait.ge @!p6 [sflag:s17], $0x2000  }
0x6e: {  	[sflag:s17] =	ssyncset.done @!p6 $0x0  }
0x6f: {  	[sflag:s17] =	ssyncadd.s32 @!p6 $0xFFFFE000;
	s17 =	sshra.s32 @!p6 s1, $0x2  }
0x70: {  	s13 =	simm.s32 @!p6 $0x80;
	s3 =	simm.s32 @!p6 $0xAF00;
	s17 =	sadd.s32 @!p6 $0x2900, s17  }
0x71: {  	[spmem:s2] =	stream.indirect.scatter.add.bf16 @!p6 [tilespmem:s3], [sflag:$0xC], $0x40, s17, s13, $0xb8;
	[tilespmem:$0x1EB40] =	vst v63  }
0x72: {  	p6 =	sgt.u32 @!p5 s10, s14  }
0x73: {  	p6 =	por p6, p5  }
0x74: {  	s10 =	sadd.s32 $0x2, s0;
	s3 =	simm.s32 @!p6 $0x10  }
0x75: {  	p5 =	sge.u32 s10, s8;
	_ =	swait.ge @!p6 [sflag:s3], $0x2000  }
0x76: {  	s17 =	sshra.s32 @!p5 s1, $0x2;
	s13 =	simm.s32 @!p5 $0x80;
	[sflag:s3] =	ssyncset.done @!p6 $0x0  }
0x77: {  	s20 =	simm.s32 @!p5 $0x12F00;
	[sflag:s3] =	ssyncadd.s32 @!p6 $0xFFFFE000;
	s3 =	sadd.s32 @!p5 $0x380, s17  }
0x78: {  	[tilespmem:s20], [sflag:$0x8] =	stream.indirect.gather @!p5 [hbm4b:s15+s13], $0x40, s3, s13, $0xb8;
	[tilespmem:$0x1EB40] =	vst v63  }
0x79: {  	s3 =	simm.s32 @!p2 $0x5  }
0x7a: {  	_ =	swait.ge @!p2 [sflag:s3], $0x2000  }
0x7b: {  	[sflag:s3] =	ssyncset.done @!p2 $0x0  }
0x7c: {  	[sflag:s3] =	ssyncadd.s32 @!p2 $0xFFFFE000;
	s3 =	sadd.s32 @!p2 $0x2980, s23  }
0x7d: {  	[spmem:s2] =	stream.indirect.scatter.add.bf16 @!p2 [tilespmem:s25], [sflag:$0xD], $0x40, s3, s24, $0xb8;
	[tilespmem:$0x1EB40] =	vst v63  }
0x7e: {  	p2 =	sgt.u32 s19, s14  }
0x7f: {  	s3 =	simm.s32 @!p2 $0x9  }
0x80: {  	s24 =	sadd.s32 $0x3, s0;
	_ =	swait.ge @!p2 [sflag:s3], $0x2000  }
0x81: {  	p6 =	sge.u32 s24, s8;
	[sflag:s3] =	ssyncset.done @!p2 $0x0  }
0x82: {  	[sflag:s3] =	ssyncadd.s32 @!p2 $0xFFFFE000;
	s3 =	sshra.s32 @!p6 s1, $0x2  }
0x83: {  	s19 =	simm.s32 @!p6 $0x80;
	s23 =	simm.s32 @!p6 $0x4F00;
	s3 =	sadd.s32 @!p6 $0x400, s3  }
0x84: {  	[tilespmem:s23], [sflag:$0x1] =	stream.indirect.gather @!p6 [hbm4b:s15+s19], $0x40, s3, s19, $0xb8;
	[tilespmem:$0x1EB40] =	vst v63  }
0x85: {  	s3 =	simm.s32 @!p3 $0x6  }
0x86: {  	_ =	swait.ge @!p3 [sflag:s3], $0x2000  }
0x87: {  	[sflag:s3] =	ssyncset.done @!p3 $0x0  }
0x88: {  	p2 =	sgt.u32 s0, s14;
	[sflag:s3] =	ssyncadd.s32 @!p3 $0xFFFFE000;
	s3 =	sadd.s32 @!p3 $0x2A00, s28  }
0x89: {  	[spmem:s2] =	stream.indirect.scatter.add.bf16 @!p3 [tilespmem:s9], [sflag:$0xE], $0x40, s3, s6, $0xb8;
	[tilespmem:$0x1EB40] =	vst v63  }
0x8a: {  	s3 =	simm.s32 @!p2 $0xA  }
0x8b: {  	s25 =	sadd.s32 $0x4, s0;
	_ =	swait.ge @!p2 [sflag:s3], $0x2000  }
0x8c: {  	p3 =	sge.u32 s25, s8;
	[sflag:s3] =	ssyncset.done @!p2 $0x0  }
0x8d: {  	[sflag:s3] =	ssyncadd.s32 @!p2 $0xFFFFE000;
	s3 =	sshra.s32 @!p3 s1, $0x2  }
0x8e: {  	s6 =	simm.s32 @!p3 $0x80;
	s9 =	simm.s32 @!p3 $0x6F00;
	s3 =	sadd.s32 @!p3 $0x480, s3  }
0x8f: {  	[tilespmem:s9], [sflag:$0x2] =	stream.indirect.gather @!p3 [hbm4b:s15+s6], $0x40, s3, s6, $0xb8;
	[tilespmem:$0x1EB40] =	vst v63  }
0x90: {  	s3 =	simm.s32 @!p4 $0x7  }
0x91: {  	_ =	swait.ge @!p4 [sflag:s3], $0x2000  }
0x92: {  	[sflag:s3] =	ssyncset.done @!p4 $0x0  }
0x93: {  	p2 =	sgt.u32 s26, s14;
	[sflag:s3] =	ssyncadd.s32 @!p4 $0xFFFFE000;
	s3 =	sadd.s32 @!p4 $0x2A80, s11  }
0x94: {  	[spmem:s2] =	stream.indirect.scatter.add.bf16 @!p4 [tilespmem:s16], [sflag:$0xF], $0x40, s3, s12, $0xb8;
	[tilespmem:$0x1EB40] =	vst v63  }
0x95: {  	s3 =	simm.s32 @!p2 $0xB  }
0x96: {  	s26 =	sadd.s32 $0x5, s0;
	_ =	swait.ge @!p2 [sflag:s3], $0x2000  }
0x97: {  	p3 =	sge.u32 s26, s8;
	[sflag:s3] =	ssyncset.done @!p2 $0x0  }
0x98: {  	[sflag:s3] =	ssyncadd.s32 @!p2 $0xFFFFE000;
	s3 =	sshra.s32 @!p3 s1, $0x2  }
0x99: {  	s6 =	simm.s32 @!p3 $0x80;
	s9 =	simm.s32 @!p3 $0x8F00;
	s3 =	sadd.s32 @!p3 $0x500, s3  }
0x9a: {  	[tilespmem:s9], [sflag:$0x3] =	stream.indirect.gather @!p3 [hbm4b:s15+s6], $0x40, s3, s6, $0xb8;
	[tilespmem:$0x1EB40] =	vst v63  }
0x9b: {  	s3 =	simm.s32 @!p5 $0x8  }
0x9c: {  	_ =	swait.ge @!p5 [sflag:s3], $0x2000  }
0x9d: {  	s28 =	sadd.s32 $0x6, s0;
	[sflag:s3] =	ssyncset.done @!p5 $0x0  }
0x9e: {  	p3 =	sge.u32 s28, s8;
	[sflag:s3] =	ssyncadd.s32 @!p5 $0xFFFFE000;
	s3 =	sadd.s32 @!p5 $0x2B00, s17  }
0x9f: {  	[spmem:s2] =	stream.indirect.scatter.add.bf16 @!p5 [tilespmem:s20], [sflag:$0x10], $0x40, s3, s13, $0xb8;
	[tilespmem:$0x1EB40] =	vst v63  }
.Ltmp4:
0xa0: {  	p2 =	sgt.u32 s10, s14;
	(pc) =	sbr.rel @p3 .LBB2_6-.Ltmp4, $4  }
0xa1: {  	s3 =	simm.s32 @!p2 $0xC  }
0xa2: {  	_ =	swait.ge @!p2 [sflag:s3], $0x2000  }
0xa3: {  	[sflag:s3] =	ssyncset.done @!p2 $0x0  }
0xa4: {  	s7 =	sadd.s32 $0x1, s7;
	[sflag:s3] =	ssyncadd.s32 @!p2 $0xFFFFE000  }
.Ltmp5:
0xa5: {  	(pc) =	sbr.rel @!p0 .LBB2_8-.Ltmp5, $3  }
0xa6: {  	_ =	sdelay $0x1  }
0xa7: {  	s3 =	sshra.s32 s1, $0x2  }
0xa8: {  	p2 =	sne.s32 s31, $0x0;
	s6 =	sadd.s32 $0x580, s3  }
.Ltmp6:
0xa9: {  	(pc) =	sbr.rel @p2 .LBB2_7-.Ltmp6, $4  }
.Ltmp7:
0xaa: {  	(pc) =	sbr.rel @!p2 .LBB2_5-.Ltmp7, $4  }
0xab: {  	_ = 	snop  }
0xac: {  	_ = 	snop  }
0xad: {  	[tilespmem:s29], [sflag:$0x4] =	stream.indirect.gather [hbm4b:s4+s22], $0x40, s6, s22, $0xb8;
	[tilespmem:$0x1EB40] =	vst v63  }
0xae: {  	_ = 	snop  }
.LBB2_8:
.Ltmp8:
0xaf: {  	(pc) =	sbr.rel @p2 .LBB2_7-.Ltmp8, $2  }
0xb0: {  	_ =	sdelay $0x2  }
0xb1: {  	[tilespmem:s29], [sflag:$0x4] =	stream.indirect.gather [hbm4b:s5+s22], $0x40, s6, s22, $0xb8;
	[tilespmem:$0x1EB40] =	vst v63  }
.Ltmp9:
0xb2: {  	(pc) =	sbr.rel .LBB2_11-.Ltmp9, $2  }
0xb3: {  	_ =	sdelay $0x1  }
0xb4: {  	[bflag:$0x0] =	sbarrier.arrive $0xFFFF;
	_ =	sdelay $0x1  }
.LBB2_10:
.Ltmp10:
0xb5: {  	(pc) =	sbr.rel @p0 .LBB2_12-.Ltmp10, $4  }
.Ltmp11:
0xb6: {  	(pc) =	sbr.rel @!p0 .LBB2_11-.Ltmp11, $4  }
0xb7: {  	_ = 	snop  }
0xb8: {  	[bflag:$0x0] =	sbarrier.arrive $0xFFFF  }
0xb9: {  	s0 =	rddreg [dreg:$0x3]  }
0xba: {  	_ = 	snop  }
.LBB2_5:
.Ltmp12:
0xbb: {  	(pc) =	sbr.rel .LBB2_12-.Ltmp12, $3  }
0xbc: {  	_ =	sdelay $0x1  }
0xbd: {  	[bflag:$0x0] =	sbarrier.arrive $0xFFFF  }
0xbe: {  	s0 =	rddreg [dreg:$0x3]  }
.LBB2_13:
0xbf: {  	_ =	sfence.sel $0x180000  }
0xc0: {  	[bflag:$0x0] =	sbarrier.arrive $0xFFFF  }
0xc1: {  	_ =	strace $0x9000004A  }
0xc2: {  	s0 =	stileid.u32;
	[bflag:$0x2] =	sbarrier.arrive $0xFFFF  }
0xc3: {  	p0 =	sne.s32 s0, $0x0;
	s0 =	rddreg [dreg:$0x2]  }
0xc4: {  	s0 =	sadd.s32 @!p0 $0x100000, s0  }
0xc5: {  	[sflag:s0] =	ssyncadd.tile.s32 @!p0 $0x1;
	_ =	shalt  }
.Lfunc_end2:
_tile_overlayer_lowered:
.L_overlay_start_2:
0xc6: {  	(tag) =	ssettag $0x2  }
0xc7: {  	s0 =	rddreg [dreg:$0x0];
	s2 =	stileid.u32  }
0xc8: {  	s1 =	rddreg [dreg:$0x1];
	p0 =	sne.s32 s2, $0x0  }
0xc9: {  	s3 =	rddreg [dreg:$0x2];
	[bflag:$0x3] =	sbarrier.arrive $0xFFFF;
	s2 =	simm.s32 @!p0 $0x1C11  }
0xca: {  	[timem:s3], [sflag:s2] =	dma.local @!p0 [hbm:s0], s1  }
0xcb: {  	s0 =	simm.s32 @!p0 $0x11  }
0xcc: {  	_ =	swait.ge @!p0 [sflag:s0], s1  }
0xcd: {  	s1 =	ssub.s32 @!p0 $0x0, s1;
	[sflag:s0] =	ssyncset.done @!p0 $0x0  }
0xce: {  	[sflag:s0] =	ssyncadd.s32 @!p0 s1  }
0xcf: {  	[bflag:$0x3] =	sbarrier.arrive $0xFFFF  }
0xd0: {  	_ =	shalt  }

// kernel: kernel.14.cloned.1.call-start
scs
__scs_entry_jumppad:
0x0: {  	(pc) =	sbr.rel $0x88, $3  }
0x1: {  	(tag) =	ssettag $0x0;
	lr =	simm.s32 $0x1  }
0x2: {  	[smem:$0x3F9B] =	sst lr;
	_ =	strace $0xD0000000  }
0x3: {  	_ = 	snop  }
0x4: {  	_ = 	snop  }
0x5: {  	_ = 	snop  }
0x6: {  	_ = 	snop  }
0x7: {  	_ = 	snop  }
__scs_overlays_trampoline_lowered:
0x8: {  	[smem:$0x3FAA] =	sst s0  }
0x9: {  	[smem:$0x3FAB] =	sst s1  }
0xa: {  	[smem:$0x3FAC] =	sst s2  }
0xb: {  	[smem:$0x3FAD] =	sst s3  }
0xc: {  	[smem:$0x3FAE] =	sst s4  }
0xd: {  	[smem:$0x3FAF] =	sst s5  }
0xe: {  	[smem:$0x3FB0] =	sst s6  }
0xf: {  	[smem:$0x3FB1] =	sst s7  }
0x10: {  	[smem:$0x3FB2] =	sst s8  }
0x11: {  	[smem:$0x3FB3] =	sst s9;
	s0 =	simm.s32 @!p0 $0x0  }
0x12: {  	s1 =	sld [smem:$0x3F99];
	s0 =	simm.s32 @p0 $0x1  }
0x13: {  	[smem:$0x3FB4] =	sst s0;
	s0 =	simm.s32 @!p1 $0x0  }
0x14: {  	s2 =	sld [smem:$0x3F98];
	s0 =	simm.s32 @p1 $0x1  }
0x15: {  	[smem:$0x3FB5] =	sst s0;
	s0 =	simm.s32 @!p2 $0x0  }
0x16: {  	s3 =	sld [smem:$0x3FDB];
	s0 =	simm.s32 @p2 $0x1  }
0x17: {  	s4 =	simm.s32 $0x1BF5;
	[smem:$0x3FB7] =	sst s0  }
0x18: {  	s0 =	sld [smem:$0x3F9A];
	_ =	swait.ge [sflag:s4], $0x0  }
0x19: {  	s7 =	sld [smem:$0x3F9B]  }
0x1a: {  	s8 =	sadd.s32 $0xFFFFE003, lr  }
0x1b: {  	s9 =	sadd.s32 $0xFFFFFEF7, lr;
	s5 =	simm.s32 $0xFFFFFFFF;
	p2 =	slt.u32 s8, $0xFFFFF086  }
0x1c: {  	p1 =	slt.u32 s9, $0xF7A;
	s5 =	simm.s32 @!p2 $0x0  }
0x1d: {  	s5 =	simm.s32 @p1 $0x1;
	p0 =	seq.s32 s7, s2  }
0x1e: {  	s7 =	smul.u32 @!p0 $0xF7A, s2;
	p2 =	seq.s32 @!p0 s5, $0x0  }
0x1f: {  	s9 =	smul.u32 $0xF7A, s1;
	s8 =	simm.s32 @!p0 $0x1BF5;
	p2 =	por !p2, p0  }
0x20: {  	[sflag:s8] =	ssyncset.s32 @!p0 $0xFFFFF086;
	s6 =	sadd.s32 @!p0 s3, s7;
	s7 =	simm.s32 @!p0 $0x108  }
0x21: {  	s3 =	sadd.s32 s3, s9;
	s6 =	sadd.s32 @!p0 $0x88, s6;
	s7 =	simm.s32 @p2 $0x1082  }
0x22: {  	[simem:s7], [sflag:s8] =	dma.local @!p0 [hbm:s6], $0xF7A  }
0x23: {  	s9 =	sor.u32 $0xD0000000, s2;
	s6 =	simm.s32 $0x108;
	_ =	swait.ge @!p0 [sflag:s8], $0x0  }
0x24: {  	s3 =	sadd.s32 $0x88, s3;
	s6 =	simm.s32 @!p1 $0x1082;
	[sflag:s4] =	ssyncset.s32 $0xFFFFF086  }
0x25: {  	[simem:s6], [sflag:s4] =	dma.local [hbm:s3], $0xF7A  }
0x26: {  	[smem:$0x3F9B] =	sst s1;
	(tag) =	ssettag s2;
	_ =	strace s9  }
0x27: {  	s1 =	sld [smem:$0x3FAB]  }
0x28: {  	s2 =	sld [smem:$0x3FAC]  }
0x29: {  	s4 =	sld [smem:$0x3FAE]  }
0x2a: {  	p0 =	seq.s32 s5, $0x0;
	s5 =	sld [smem:$0x3FAF]  }
0x2b: {  	s6 =	sld [smem:$0x3FB0]  }
0x2c: {  	s7 =	sld [smem:$0x3FB1]  }
0x2d: {  	s3 =	simm.s32 $0x108;
	s8 =	sld [smem:$0x3FB2]  }
0x2e: {  	s3 =	simm.s32 @!p0 $0x1082;
	s9 =	sld [smem:$0x3FB3]  }
0x2f: {  	lr =	sadd.s32 s0, s3;
	s0 =	sld [smem:$0x3FAA]  }
0x30: {  	s3 =	sld [smem:$0x3FAD]  }
0x31: {  	[smem:$0x3FB6] =	sst s10  }
0x32: {  	s10 =	sld [smem:$0x3FB4];
	_ =	sdelay $0x3  }
0x33: {  	p0 =	seq.s32 s10, $0x1;
	s10 =	sld [smem:$0x3FB6];
	_ =	sdelay $0x3  }
0x34: {  	[smem:$0x3FB6] =	sst s10  }
0x35: {  	s10 =	sld [smem:$0x3FB5];
	_ =	sdelay $0x3  }
0x36: {  	p1 =	seq.s32 s10, $0x1;
	s10 =	sld [smem:$0x3FB6];
	_ =	sdelay $0x3  }
0x37: {  	[smem:$0x3FB6] =	sst s10  }
0x38: {  	s10 =	sld [smem:$0x3FB7]  }
0x39: {  	_ = 	snop;
	(pc) =	sbr.ind lr, $3  }
0x3a: {  	_ = 	snop  }
0x3b: {  	_ = 	snop  }
0x3c: {  	p2 =	seq.s32 s10, $0x1;
	s10 =	sld [smem:$0x3FB6]  }
0x3d: {  	_ =	shalt  }
0x3e: {  	_ =	shalt  }
0x3f: {  	_ =	shalt  }
0x40: {  	_ =	shalt  }
0x41: {  	_ =	shalt  }
0x42: {  	_ =	shalt  }
0x43: {  	_ =	shalt  }
0x44: {  	_ =	shalt  }
0x45: {  	_ =	shalt  }
0x46: {  	_ =	shalt  }
0x47: {  	_ =	shalt  }
0x48: {  	_ =	shalt  }
0x49: {  	_ =	shalt  }
0x4a: {  	_ =	shalt  }
0x4b: {  	_ =	shalt  }
0x4c: {  	_ =	shalt  }
0x4d: {  	_ =	shalt  }
0x4e: {  	_ =	shalt  }
0x4f: {  	_ =	shalt  }
0x50: {  	_ =	shalt  }
0x51: {  	_ =	shalt  }
0x52: {  	_ =	shalt  }
0x53: {  	_ =	shalt  }
0x54: {  	_ =	shalt  }
0x55: {  	_ =	shalt  }
0x56: {  	_ =	shalt  }
0x57: {  	_ =	shalt  }
0x58: {  	_ =	shalt  }
0x59: {  	_ =	shalt  }
0x5a: {  	_ =	shalt  }
0x5b: {  	_ =	shalt  }
0x5c: {  	_ =	shalt  }
0x5d: {  	_ =	shalt  }
0x5e: {  	_ =	shalt  }
0x5f: {  	_ =	shalt  }
0x60: {  	_ =	shalt  }
0x61: {  	_ =	shalt  }
0x62: {  	_ =	shalt  }
0x63: {  	_ =	shalt  }
0x64: {  	_ =	shalt  }
0x65: {  	_ =	shalt  }
0x66: {  	_ =	shalt  }
0x67: {  	_ =	shalt  }
0x68: {  	_ =	shalt  }
0x69: {  	_ =	shalt  }
0x6a: {  	_ =	shalt  }
0x6b: {  	_ =	shalt  }
0x6c: {  	_ =	shalt  }
0x6d: {  	_ =	shalt  }
0x6e: {  	_ =	shalt  }
0x6f: {  	_ =	shalt  }
0x70: {  	_ =	shalt  }
0x71: {  	_ =	shalt  }
0x72: {  	_ =	shalt  }
0x73: {  	_ =	shalt  }
0x74: {  	_ =	shalt  }
0x75: {  	_ =	shalt  }
0x76: {  	_ =	shalt  }
0x77: {  	_ =	shalt  }
0x78: {  	_ =	shalt  }
0x79: {  	_ =	shalt  }
0x7a: {  	_ =	shalt  }
0x7b: {  	_ =	shalt  }
0x7c: {  	_ =	shalt  }
0x7d: {  	_ =	shalt  }
0x7e: {  	_ =	shalt  }
0x7f: {  	_ =	shalt  }
0x80: {  	_ =	shalt  }
0x81: {  	_ =	shalt  }
0x82: {  	_ =	shalt  }
0x83: {  	_ =	shalt  }
0x84: {  	_ =	shalt  }
0x85: {  	_ =	shalt  }
0x86: {  	_ =	shalt  }
0x87: {  	_ =	shalt  }
.Lfunc_end0:
.L_simem_size_0:
called_computation.2_lowered:
.L_overlay_start_0:
0x88: {  	s2 =	sld [smem:$0x3FD9]  }
0x89: {  	s3 =	sld [smem:$0x3FFE];
	_ =	sdelay $0x1  }
0x8a: {  	s1 =	srdreg.scid  }
0x8b: {  	s0 =	sand.u32 $0x1, s1  }
0x8c: {  	s16 =	sshll.u32 s0, $0xA;
	s2 =	sadd.s32 s3, s2  }
0x8d: {  	s2 =	sadd.s32 s2, s16  }
0x8e: {  	[smem:$0x3FC2] =	sst s2  }
0x8f: {  	_ = 	snop  }
0x90: {  	(tm) =	ssettm $0x1  }
0x91: {  	s17 =	sld [smem:$0x3FFB];
	_ =	sdelay $0x3  }
0x92: {  	_ =	strace s17  }
0x93: {  	s2 =	sld [smem:$0x3FFC];
	_ =	sdelay $0x3  }
0x94: {  	_ =	strace s2  }
0x95: {  	s2 =	sld [smem:$0x3FFD];
	_ =	sdelay $0x3  }
0x96: {  	_ =	strace s2  }
0x97: {  	_ =	strace $0x8FFFFFFF  }
0x98: {  	s18 =	sld [smem:$0x3FDB];
	_ =	sdelay $0x1  }
0x99: {  	s19 =	simm.s32 $_scs_section_size  }
0x9a: {  	s4 =	simm.s32 $_size__tile_overlayer_lowered;
	s5 =	simm.s32 $_tile_overlayer_lowered  }
0x9b: {  	s22 =	simm.s32 $0x1BFF;
	s21 =	sshll.u32 s5, $0x1;
	s2 =	sadd.s32 s19, s18  }
0x9c: {  	s6 =	simm.s32 $0x0;
	s20 =	sshll.u32 s4, $0x1;
	s4 =	sadd.s32 s21, s2  }
0x9d: {  	[timem:s6], [sflag:s22] =	dma.local [hbm:s4], s20  }
0x9e: {  	_ =	swait.ge [sflag:s22], s20  }
0x9f: {  	s3 =	ssub.s32 $0x0, s20;
	[sflag:s22] =	ssyncset.done $0x0  }
0xa0: {  	[sflag:s22] =	ssyncadd.s32 s3;
	_ =	sdelay $0x1  }
0xa1: {  	s23 =	simm.s32 $0x1B8B  }
0xa2: {  	_ =	swait.ge [sflag:s23], $0x1  }
0xa3: {  	[sflag:s23] =	ssyncset.done $0x0  }
0xa4: {  	s25 =	simm.s32 $0x1B8E;
	s24 =	sld [smem:$0x3FFE];
	[sflag:s23] =	ssyncadd.s32 $0xFFFFFFFF  }
0xa5: {  	s26 =	simm.s32 $execute0_lowered;
	[smem:$0x3FD2] =	sst s25  }
0xa6: {  	s4 =	sshll.u32 s26, $0x1;
	_ =	strace $0x8000004C;
	[dreg:$0x1] =	wrdreg $0xFFFFFFFF  }
0xa7: {  	s28 =	simm.s32 $_size_execute0_lowered;
	s2 =	sadd.s32 s2, s4;
	[dreg:$0x0] =	wrdreg $0x0  }
0xa8: {  	s4 =	sshll.u32 s28, $0x1;
	[dreg:$0x2] =	wrdreg s2  }
0xa9: {  	[dreg:$0x3] =	wrdreg s4  }
0xaa: {  	[dreg:$0x4] =	wrdreg $0xC0  }
0xab: {  	_ =	task [dreg:s6], $0x5FFFF  }
0xac: {  	[dreg:$0x1] =	wrdreg $0xFFFFFFFF  }
0xad: {  	[dreg:$0x0] =	wrdreg $0x60  }
0xae: {  	[dreg:$0x2] =	wrdreg s24  }
0xaf: {  	[dreg:$0x3] =	wrdreg $0x68000  }
0xb0: {  	[dreg:$0x4] =	wrdreg $0x9  }
0xb1: {  	_ =	task.clear_ibuf [dreg:s6], $0x5FFFF;
	_ =	strace $0x9000004C  }
0xb2: {  	s29 =	simm.s32 $0x9;
	_ =	strace $0x8000004E  }
0xb3: {  	_ =	swait.ge [sflag:s29], $0x1  }
0xb4: {  	[sflag:s29] =	ssyncadd.s32 $0xFFFFFFFF  }
0xb5: {  	_ =	strace $0x9000004E  }
0xb6: {  	_ =	sfence  }
0xb7: {  	s30 =	sld [smem:$0x0];
	_ =	sdelay $0x2  }
0xb8: {  	s31 =	sshll.u32 s1, $0xD;
	s1 =	sshrl.u32 s1, $0x2  }
0xb9: {  	s3 =	sand.u32 $0x4000, s31;
	s1 =	sadd.s32 s1, s30  }
0xba: {  	s0 =	sor.u32 s3, s0;
	s1 =	sshll.u32 s1, $0x11  }
0xbb: {  	s0 =	sor.u32 s1, s0  }
0xbc: {  	s0 =	sadd.s32 $0x8F2B, s0  }
0xbd: {  	[sflag:s0] =	ssyncadd.remote.s32 $0x1  }
0xbe: {  	_ =	sfence.sel $0xFFFF  }
0xbf: {  	[dreg:$0x0] =	wrdreg $0xFFFFFFFF;
	(pc) =	sbr.abs _section_cstart, $3  }
0xc0: {  	[dreg:$0x1] =	wrdreg $0xFFFFFFFF  }
0xc1: {  	_ =	task.clear_ibuf [dreg:s6], $0x2FFFF;
	_ =	strace $0x9FFFFFFF  }
0xc2: {  	(tm) =	ssettm $0x7FFFFFFF  }
0xc3: {  	_ =	shalt  }
tec
execute0_lowered:
.L_overlay_start_1:
0x0: {  	(tag) =	ssettag $0x1  }
0x1: {  	s0 =	srdreg.scid  }
0x2: {  	s1 =	rddreg [dreg:$0x0];
	s10 =	stileid.u32  }
0x3: {  	s2 =	rddreg [dreg:$0x1];
	s21 =	simm.s32 $0x0;
	s11 =	simm.s32 $0x2B  }
0x4: {  	s0 =	sand.u32 $0x1, s0;
	[smem:$0x7FF] =	sst s21;
	s22 =	smul.u32 $0x2710, s10  }
0x5: {  	s31 =	sshll.u32 s10, $0x6;
	s3 =	sshll.u32 s0, $0x4;
	_ =	strace $0x8000004D  }
0x6: {  	s7 =	ssub.s32 $0x2, s0;
	p0 =	seq.s32 s0, $0x1;
	s0 =	simm.s32 $0x38A00  }
0x7: {  	s6 =	sor.u32 s10, s3;
	s8 =	sshrl.u32 s7, $0x1;
	s0 =	simm.s32 @!p0 $0x3DA00  }
0x8: {  	s28 =	sshrl.u32 s22, $0x3;
	s4 =	smul.u32 $0x27, s6;
	s5 =	smin.u32 s6, $0x2  }
0x9: {  	s7 =	ssub.s32 s7, s8;
	p0 =	slt.u32 s6, $0x2;
	s0 =	sadd.s32 s0, s1  }
0xa: {  	s8 =	sadd.s32 s22, s2;
	s30 =	smax.u32 s7, $0x1;
	s0 =	sadd.s32 s0, s28  }
0xb: {  	s8 =	sshrl.u32 s8, $0x3;
	s5 =	sadd.s32 s5, s4;
	[dreg:$0x8] =	wrdreg s30  }
0xc: {  	s4 =	sadd.s32 $0x33A00, s1;
	[dreg:$0x9] =	wrdreg s0;
	s5 =	sshll.u32 s5, $0x4  }
0xd: {  	[dreg:$0xb] =	wrdreg s8;
	s29 =	sadd.s32 s4, s28;
	s9 =	sadd.s32 s5, s1  }
0xe: {  	s11 =	simm.s32 @!p0 $0x2A;
	[dreg:$0x7] =	wrdreg s29;
	s23 =	sadd.s32 $0x2A00, s9  }
0xf: {  	s5 =	simm.s32 $0x28;
	s24 =	sadd.s32 $0x7820, s9;
	[dreg:$0x3] =	wrdreg s23  }
0x10: {  	s5 =	simm.s32 @!p0 $0x27;
	s25 =	sadd.s32 $0x2C70, s9;
	[dreg:$0x4] =	wrdreg s24  }
0x11: {  	s26 =	sadd.s32 $0x7A90, s9;
	p0 =	sgt.u32 s6, $0x1;
	[dreg:$0x5] =	wrdreg s25  }
0x12: {  	s9 =	sor.u32 $0x1C11, s31;
	[dreg:$0x6] =	wrdreg s26;
	s0 =	simm.s32 @!p0 $0x0  }
0x13: {  	[dreg:$0xa] =	wrdreg s9;
	s0 =	simm.s32 @p0 $0x1  }
0x14: {  	s14 =	simm.s32 $0x11;
	s25 =	simm.s32 $0x0;
	[smem:$0x7FD] =	sst s0  }
.LBB2_1:
0x15: {  	s3 =	simm.s32 $0x0;
	s0 =	rddreg [dreg:$0x3]  }
0x16: {  	[tilespmem:s3], [sflag:$0x11] =	stream.linear.gather [hbm4b:s0+s3], $0x1380, $0x38;
	[tilespmem:$0x8F10] =	vst v63  }
0x17: {  	_ =	swait.ge [sflag:s14], $0x1380  }
0x18: {  	[sflag:s14] =	ssyncset.done $0x0  }
0x19: {  	s1 =	simm.s32 $0x1400;
	s18 =	rddreg [dreg:$0x4];
	[sflag:s14] =	ssyncadd.s32 $0xFFFFEC80  }
0x1a: {  	[tilespmem:s1], [sflag:$0x11] =	stream.linear.gather [hbm4b:s18+s3], $0x1380, $0x38;
	[tilespmem:$0x8F10] =	vst v63  }
0x1b: {  	_ =	swait.ge [sflag:s14], $0x1380  }
0x1c: {  	s19 =	sld [smem:$0x7FD];
	_ =	sdelay $0x2  }
0x1d: {  	[sflag:s14] =	ssyncset.done $0x0;
	s6 =	rddreg [dreg:$0x5];
	p0 =	seq.s32 s19, $0x1  }
0x1e: {  	[sflag:s14] =	ssyncadd.s32 $0xFFFFEC80;
	s0 =	simm.s32 @!p0 $0x0;
	s1 =	simm.s32 @!p0 $0x1380  }
0x1f: {  	[tilespmem:s1], [sflag:$0x11] =	stream.linear.gather @!p0 [hbm4b:s6+s0], $0x80, $0x38;
	[tilespmem:$0x8F10] =	vst v63  }
0x20: {  	s1 =	simm.s32 @!p0 $0x11  }
0x21: {  	_ =	swait.ge @!p0 [sflag:s1], $0x80  }
0x22: {  	[sflag:s1] =	ssyncset.done @!p0 $0x0  }
0x23: {  	s6 =	simm.s32 @!p0 $0x2780;
	s7 =	rddreg [dreg:$0x6];
	[sflag:s1] =	ssyncadd.s32 @!p0 $0xFFFFFF80  }
0x24: {  	[tilespmem:s6], [sflag:$0x11] =	stream.linear.gather @!p0 [hbm4b:s7+s0], $0x80, $0x38;
	[tilespmem:$0x8F10] =	vst v63  }
0x25: {  	_ =	swait.ge @!p0 [sflag:s1], $0x80  }
0x26: {  	[sflag:s1] =	ssyncset.done @!p0 $0x0  }
0x27: {  	s20 =	rddreg [dreg:$0x7];
	[sflag:s1] =	ssyncadd.s32 @!p0 $0xFFFFFF80  }
0x28: {  	[spmem:s8], [sflag:s9] =	dma.local [hbm:s20], $0x4E2  }
0x29: {  	_ =	swait.ge [sflag:s14], $0x4E2  }
0x2a: {  	[sflag:s14] =	ssyncset.done $0x0  }
0x2b: {  	[sflag:s14] =	ssyncadd.s32 $0xFFFFFB1E  }
0x2c: {  	s21 =	simm.s32 $0x80;
	s22 =	simm.s32 $0x2800;
	[bflag:$0x0] =	sbarrier.arrive $0xFFFF  }
0x2d: {  	[tilespmem:s22], [sflag:$0x1] =	stream.indirect.gather [hbm4b:s4+s21], $0x10, s3, s21, $0xb8;
	[tilespmem:$0x8F10] =	vst v63  }
0x2e: {  	s23 =	simm.s32 $0x3000  }
0x2f: {  	[tilespmem:s23], [sflag:$0x2] =	stream.indirect.gather [hbm4b:s4+s21], $0x10, s21, s21, $0xb8;
	[tilespmem:$0x8F10] =	vst v63  }
0x30: {  	s24 =	simm.s32 $0x100;
	s26 =	simm.s32 $0x3800;
	p0 =	sle.u32 s5, $0x0  }
0x31: {  	[tilespmem:s26], [sflag:$0x3] =	stream.indirect.gather [hbm4b:s4+s21], $0x10, s24, s21, $0xb8;
	[tilespmem:$0x8F10] =	vst v63  }
0x32: {  	s29 =	simm.s32 $0x180;
	s30 =	simm.s32 $0x4000;
	s0 =	simm.s32 @!p0 $0x1  }
0x33: {  	[tilespmem:s30], [sflag:$0x4] =	stream.indirect.gather [hbm4b:s4+s21], $0x10, s29, s21, $0xb8;
	[tilespmem:$0x8F10] =	vst v63  }
0x34: {  	p1 =	por $0x1, $0x1;
	p3 =	sle.u32 s5, $0x4;
	_ =	swait.ge @!p0 [sflag:s0], $0x800  }
0x35: {  	s7 =	simm.s32 @!p1 $0xD;
	s1 =	simm.s32 @!p0 $0x1400;
	[sflag:s0] =	ssyncset.done @!p0 $0x0  }
0x36: {  	s6 =	simm.s32 @!p0 $0x80;
	[sflag:s0] =	ssyncadd.s32 @!p0 $0xFFFFF800;
	s0 =	simm.s32 @!p0 $0x2800  }
0x37: {  	[spmem:s2] =	stream.indirect.scatter.add.f32 @!p0 [tilespmem:s0], [sflag:$0x9], $0x10, s1, s6, $0xb8;
	[tilespmem:$0x8F10] =	vst v63  }
0x38: {  	s8 =	simm.s32 @!p3 $0x80;
	_ =	swait.ge @!p1 [sflag:s7], $0x800  }
0x39: {  	p0 =	sle.u32 s5, $0x1;
	s0 =	simm.s32 @!p3 $0x200;
	[sflag:s7] =	ssyncset.done @!p1 $0x0  }
0x3a: {  	s6 =	simm.s32 @!p3 $0x4800;
	s1 =	simm.s32 @!p0 $0x2;
	[sflag:s7] =	ssyncadd.s32 @!p1 $0xFFFFF800  }
0x3b: {  	[tilespmem:s6], [sflag:$0x5] =	stream.indirect.gather @!p3 [hbm4b:s4+s8], $0x10, s0, s8, $0xb8;
	[tilespmem:$0x8F10] =	vst v63  }
0x3c: {  	_ =	swait.ge @!p0 [sflag:s1], $0x800  }
0x3d: {  	s9 =	simm.s32 @!p1 $0xE;
	s10 =	simm.s32 @!p0 $0x3000;
	[sflag:s1] =	ssyncset.done @!p0 $0x0  }
0x3e: {  	s7 =	simm.s32 @!p0 $0x80;
	s0 =	simm.s32 @!p0 $0x1480;
	[sflag:s1] =	ssyncadd.s32 @!p0 $0xFFFFF800  }
0x3f: {  	[spmem:s2] =	stream.indirect.scatter.add.f32 @!p0 [tilespmem:s10], [sflag:$0xA], $0x10, s0, s7, $0xb8;
	[tilespmem:$0x8F10] =	vst v63  }
0x40: {  	p2 =	sle.u32 s5, $0x2;
	p0 =	sle.u32 s5, $0x5;
	_ =	swait.ge @!p1 [sflag:s9], $0x800  }
0x41: {  	s1 =	simm.s32 @!p2 $0x3;
	s0 =	simm.s32 @!p0 $0x80;
	[sflag:s9] =	ssyncset.done @!p1 $0x0  }
0x42: {  	s7 =	simm.s32 @!p0 $0x5000;
	[sflag:s9] =	ssyncadd.s32 @!p1 $0xFFFFF800;
	s9 =	simm.s32 @!p0 $0x280  }
0x43: {  	[tilespmem:s7], [sflag:$0x6] =	stream.indirect.gather @!p0 [hbm4b:s4+s0], $0x10, s9, s0, $0xb8;
	[tilespmem:$0x8F10] =	vst v63  }
0x44: {  	p6 =	sle.u32 s5, $0x6;
	s28 =	simm.s32 $0x8;
	_ =	swait.ge @!p2 [sflag:s1], $0x800  }
0x45: {  	s12 =	simm.s32 @!p1 $0xF;
	s10 =	simm.s32 @!p2 $0x1500;
	[sflag:s1] =	ssyncset.done @!p2 $0x0  }
0x46: {  	s9 =	simm.s32 @!p2 $0x3800;
	[sflag:s1] =	ssyncadd.s32 @!p2 $0xFFFFF800;
	s1 =	simm.s32 @!p2 $0x80  }
0x47: {  	[spmem:s2] =	stream.indirect.scatter.add.f32 @!p2 [tilespmem:s9], [sflag:$0xB], $0x10, s10, s1, $0xb8;
	[tilespmem:$0x8F10] =	vst v63  }
0x48: {  	p5 =	slt.u32 s11, $0x6;
	s15 =	simm.s32 @!p6 $0x5800;
	_ =	swait.ge @!p1 [sflag:s12], $0x800  }
0x49: {  	s19 =	simm.s32 @!p6 $0x80;
	p2 =	sle.u32 s5, $0x3;
	[sflag:s12] =	ssyncset.done @!p1 $0x0  }
0x4a: {  	s1 =	simm.s32 @!p6 $0x300;
	s9 =	simm.s32 @!p2 $0x4;
	[sflag:s12] =	ssyncadd.s32 @!p1 $0xFFFFF800  }
0x4b: {  	[tilespmem:s15], [sflag:$0x7] =	stream.indirect.gather @!p6 [hbm4b:s4+s19], $0x10, s1, s19, $0xb8;
	[tilespmem:$0x8F10] =	vst v63  }
0x4c: {  	p4 =	slt.u32 @!p1 s11, $0x3;
	s13 =	simm.s32 @!p2 $0x80;
	_ =	swait.ge @!p2 [sflag:s9], $0x800  }
0x4d: {  	p1 =	por p4, p1;
	s12 =	simm.s32 @!p2 $0x4000;
	[sflag:s9] =	ssyncset.done @!p2 $0x0  }
0x4e: {  	s1 =	simm.s32 @!p2 $0x1580;
	s10 =	simm.s32 @!p1 $0x10;
	[sflag:s9] =	ssyncadd.s32 @!p2 $0xFFFFF800  }
0x4f: {  	[spmem:s2] =	stream.indirect.scatter.add.f32 @!p2 [tilespmem:s12], [sflag:$0xC], $0x10, s1, s13, $0xb8;
	[tilespmem:$0x8F10] =	vst v63  }
0x50: {  	s26 =	simm.s32 $0x1000;
	p2 =	sle.u32 s5, $0x7;
	_ =	swait.ge @!p1 [sflag:s10], $0x800  }
0x51: {  	s31 =	simm.s32 @!p2 $0x80;
	s1 =	simm.s32 @!p2 $0x6000;
	[sflag:s10] =	ssyncset.done @!p1 $0x0  }
0x52: {  	s9 =	simm.s32 @!p2 $0x380;
	[sflag:s10] =	ssyncadd.s32 @!p1 $0xFFFFF800;
	s10 =	simm.s32 @!p3 $0x5  }
0x53: {  	[tilespmem:s1], [sflag:$0x8] =	stream.indirect.gather @!p2 [hbm4b:s4+s31], $0x10, s9, s31, $0xb8;
	[tilespmem:$0x8F10] =	vst v63  }
0x54: {  	s21 =	simm.s32 @!p6 $0x1700;
	p4 =	slt.u32 s11, $0x7;
	_ =	swait.ge @!p3 [sflag:s10], $0x800  }
0x55: {  	s3 =	simm.s32 @!p4 $0x0;
	p1 =	slt.u32 s11, $0x4;
	[sflag:s10] =	ssyncset.done @!p3 $0x0  }
0x56: {  	s9 =	simm.s32 @!p3 $0x1600;
	[sflag:s10] =	ssyncadd.s32 @!p3 $0xFFFFF800;
	s10 =	simm.s32 @!p1 $0x9  }
0x57: {  	[spmem:s2] =	stream.indirect.scatter.add.f32 @!p3 [tilespmem:s6], [sflag:$0xD], $0x10, s9, s8, $0xb8;
	[tilespmem:$0x8F10] =	vst v63  }
0x58: {  	s3 =	simm.s32 @p4 $0x1;
	p3 =	sle.u32 s5, $0x8;
	_ =	swait.ge @!p1 [sflag:s10], $0x800  }
0x59: {  	s6 =	simm.s32 @!p0 $0x6;
	s8 =	simm.s32 @!p3 $0x400;
	[sflag:s10] =	ssyncset.done @!p1 $0x0  }
0x5a: {  	s9 =	simm.s32 @!p3 $0x80;
	[sflag:s10] =	ssyncadd.s32 @!p1 $0xFFFFF800;
	s10 =	simm.s32 @!p3 $0x2800  }
0x5b: {  	[tilespmem:s10], [sflag:$0x1] =	stream.indirect.gather @!p3 [hbm4b:s4+s9], $0x10, s8, s9, $0xb8;
	[tilespmem:$0x8F10] =	vst v63  }
0x5c: {  	s12 =	simm.s32 @!p0 $0x1680;
	p1 =	slt.u32 s11, $0x5;
	_ =	swait.ge @!p0 [sflag:s6], $0x800  }
0x5d: {  	s20 =	simm.s32 @!p2 $0x1780;
	s10 =	simm.s32 @!p1 $0xA;
	[sflag:s6] =	ssyncset.done @!p0 $0x0  }
0x5e: {  	p3 =	sle.u32 s5, $0x9;
	[smem:$0x7FC] =	sst s3;
	[sflag:s6] =	ssyncadd.s32 @!p0 $0xFFFFF800  }
0x5f: {  	[spmem:s2] =	stream.indirect.scatter.add.f32 @!p0 [tilespmem:s7], [sflag:$0xE], $0x10, s12, s0, $0xb8;
	[tilespmem:$0x8F10] =	vst v63  }
0x60: {  	s9 =	simm.s32 @!p6 $0x7;
	s8 =	simm.s32 @!p3 $0x3000;
	_ =	swait.ge @!p1 [sflag:s10], $0x800  }
0x61: {  	s6 =	simm.s32 @!p2 $0x8;
	s0 =	simm.s32 @!p3 $0x480;
	[sflag:s10] =	ssyncset.done @!p1 $0x0  }
0x62: {  	p0 =	sle.u32 s5, $0xB;
	[sflag:s10] =	ssyncadd.s32 @!p1 $0xFFFFF800;
	p1 =	sle.u32 s5, $0xA  }
0x63: {  	s12 =	simm.s32 @!p3 $0x80;
	s7 =	simm.s32 @!p0 $0x0;
	s10 =	simm.s32 @!p1 $0x0  }
.LBB2_2:
0x64: {  	s16 =	sld [smem:$0x7FC]  }
0x65: {  	s3 =	simm.s32 @!p0 $0x0  }
0x66: {  	[tilespmem:s8], [sflag:$0x2] =	stream.indirect.gather @!p3 [hbm4b:s4+s12], $0x10, s0, s12, $0xb8;
	[tilespmem:$0x8F10] =	vst v63  }
0x67: {  	s3 =	simm.s32 @p0 $0x1;
	p4 =	seq.s32 s16, $0x1  }
0x68: {  	[smem:$0x7F9] =	sst s3;
	s3 =	simm.s32 @!p4 $0x0  }
0x69: {  	s3 =	simm.s32 @p4 $0x1  }
0x6a: {  	[smem:$0x7FC] =	sst s3  }
0x6b: {  	_ =	swait.ge @!p6 [sflag:s9], $0x800  }
0x6c: {  	[sflag:s9] =	ssyncset.done @!p6 $0x0  }
0x6d: {  	s12 =	simm.s32 @!p5 $0xB;
	[sflag:s9] =	ssyncadd.s32 @!p6 $0xFFFFF800  }
0x6e: {  	[spmem:s2] =	stream.indirect.scatter.add.f32 @!p6 [tilespmem:s15], [sflag:$0xF], $0x10, s21, s19, $0xb8;
	[tilespmem:$0x8F10] =	vst v63  }
0x6f: {  	s29 =	smov.u32 s26;
	_ =	swait.ge @!p5 [sflag:s12], $0x800  }
0x70: {  	s10 =	sadd.s32 @!p1 $0x500, s10;
	s24 =	simm.s32 @!p0 $0x80;
	[sflag:s12] =	ssyncset.done @!p5 $0x0  }
0x71: {  	s22 =	simm.s32 @!p1 $0x80;
	s3 =	simm.s32 @!p1 $0x3800;
	[sflag:s12] =	ssyncadd.s32 @!p5 $0xFFFFF800  }
0x72: {  	[tilespmem:s3], [sflag:$0x3] =	stream.indirect.gather @!p1 [hbm4b:s4+s22], $0x10, s10, s22, $0xb8;
	[tilespmem:$0x8F10] =	vst v63  }
0x73: {  	s8 =	sadd.s32 $0x3, s28;
	s7 =	sadd.s32 @!p0 $0x580, s7;
	_ =	swait.ge @!p2 [sflag:s6], $0x800  }
0x74: {  	s23 =	sadd.s32 $0x4, s28;
	[sflag:s6] =	ssyncset.done @!p2 $0x0;
	s22 =	sld [smem:$0x7FC]  }
0x75: {  	s17 =	sadd.s32 $0x1, s28;
	s18 =	sadd.s32 $0x2, s28;
	[sflag:s6] =	ssyncadd.s32 @!p2 $0xFFFFF800  }
0x76: {  	[spmem:s2] =	stream.indirect.scatter.add.f32 @!p2 [tilespmem:s1], [sflag:$0x10], $0x10, s20, s31, $0xb8;
	[tilespmem:$0x8F10] =	vst v63  }
0x77: {  	p3 =	sge.u32 s23, s5;
	s13 =	simm.s32 @!p4 $0xC;
	p1 =	seq.s32 s22, $0x1  }
0x78: {  	p4 =	sge.u32 s8, s5;
	s9 =	simm.s32 @!p0 $0x4000;
	_ =	swait.ge @!p1 [sflag:s13], $0x800  }
0x79: {  	p0 =	sge.u32 s28, s5;
	p6 =	seq.s32 s26, $0x0;
	s16 =	sld [smem:$0x7F9]  }
0x7a: {  	s12 =	sshra.s32 @!p0 s26, $0x2;
	p5 =	sge.u32 s17, s5;
	s3 =	simm.s32 @!p0 $0x1  }
0x7b: {  	s10 =	sshra.s32 @!p3 s26, $0x2;
	s15 =	sshra.s32 @!p5 s26, $0x2;
	[sflag:s13] =	ssyncset.done @!p1 $0x0  }
0x7c: {  	s12 =	sadd.s32 @!p0 $0x1400, s12;
	[sflag:s13] =	ssyncadd.s32 @!p1 $0xFFFFF800;
	p1 =	seq.s32 s16, $0x1  }
0x7d: {  	[tilespmem:s9], [sflag:$0x4] =	stream.indirect.gather @!p1 [hbm4b:s4+s24], $0x10, s7, s24, $0xb8;
	[tilespmem:$0x8F10] =	vst v63  }
0x7e: {  	s21 =	simm.s32 @!p5 $0x80;
	s15 =	sadd.s32 @!p5 $0x1480, s15;
	_ =	swait.ge @!p0 [sflag:s3], $0x800  }
0x7f: {  	s6 =	sadd.s32 @!p3 $0x1600, s10;
	s7 =	simm.s32 @!p0 $0x80;
	[sflag:s3] =	ssyncset.done @!p0 $0x0  }
0x80: {  	s24 =	sadd.s32 $0x6, s28;
	[sflag:s3] =	ssyncadd.s32 @!p0 $0xFFFFF800;
	s3 =	simm.s32 @!p0 $0x2800  }
0x81: {  	[spmem:s2] =	stream.indirect.scatter.add.f32 @!p0 [tilespmem:s3], [sflag:$0x9], $0x10, s12, s7, $0xb8;
	[tilespmem:$0x8F10] =	vst v63  }
0x82: {  	s1 =	sadd.s32 @!p3 $0x200, s10;
	s10 =	simm.s32 @!p6 $0xD;
	p0 =	sge.u32 s24, s5  }
0x83: {  	s20 =	simm.s32 @!p5 $0x2;
	_ =	swait.ge @!p6 [sflag:s10], $0x800;
	s3 =	simm.s32 @!p0 $0x0  }
0x84: {  	s22 =	simm.s32 @!p3 $0x4800;
	[sflag:s10] =	ssyncset.done @!p6 $0x0;
	s3 =	simm.s32 @p0 $0x1  }
0x85: {  	s9 =	simm.s32 @!p3 $0x80;
	[smem:$0x7FA] =	sst s3;
	[sflag:s10] =	ssyncadd.s32 @!p6 $0xFFFFF800  }
0x86: {  	[tilespmem:s22], [sflag:$0x5] =	stream.indirect.gather @!p3 [hbm4b:s4+s9], $0x10, s1, s9, $0xb8;
	[tilespmem:$0x8F10] =	vst v63  }
0x87: {  	s13 =	sadd.s32 $0x5, s28;
	s19 =	sshra.s32 @!p0 s29, $0x2;
	_ =	swait.ge @!p5 [sflag:s20], $0x800  }
0x88: {  	s31 =	sadd.s32 @!p0 $0x300, s19;
	p0 =	sge.u32 s13, s5;
	[sflag:s20] =	ssyncset.done @!p5 $0x0  }
0x89: {  	s10 =	simm.s32 @!p5 $0x3000;
	s1 =	simm.s32 @!p6 $0xE;
	[sflag:s20] =	ssyncadd.s32 @!p5 $0xFFFFF800  }
0x8a: {  	[spmem:s2] =	stream.indirect.scatter.add.f32 @!p5 [tilespmem:s10], [sflag:$0xA], $0x10, s15, s21, $0xb8;
	[tilespmem:$0x8F10] =	vst v63  }
0x8b: {  	p2 =	sge.u32 s18, s5;
	s7 =	simm.s32 @!p0 $0x80;
	_ =	swait.ge @!p6 [sflag:s1], $0x800  }
0x8c: {  	s12 =	sshra.s32 @!p0 s29, $0x2;
	s20 =	simm.s32 @!p2 $0x3;
	[sflag:s1] =	ssyncset.done @!p6 $0x0  }
0x8d: {  	s10 =	simm.s32 @!p0 $0x5000;
	[sflag:s1] =	ssyncadd.s32 @!p6 $0xFFFFF800;
	s1 =	sadd.s32 @!p0 $0x280, s12  }
0x8e: {  	[tilespmem:s10], [sflag:$0x6] =	stream.indirect.gather @!p0 [hbm4b:s4+s7], $0x10, s1, s7, $0xb8;
	[tilespmem:$0x8F10] =	vst v63  }
0x8f: {  	p1 =	sgt.u32 @!p6 s8, s11;
	s8 =	simm.s32 @!p6 $0xF;
	_ =	swait.ge @!p2 [sflag:s20], $0x800  }
0x90: {  	s3 =	sshra.s32 @!p2 s29, $0x2;
	s15 =	simm.s32 @!p2 $0x3800;
	[sflag:s20] =	ssyncset.done @!p2 $0x0  }
0x91: {  	s1 =	sadd.s32 @!p2 $0x1500, s3;
	s3 =	simm.s32 @!p2 $0x80;
	[sflag:s20] =	ssyncadd.s32 @!p2 $0xFFFFF800  }
0x92: {  	[spmem:s2] =	stream.indirect.scatter.add.f32 @!p2 [tilespmem:s15], [sflag:$0xB], $0x10, s1, s3, $0xb8;
	[tilespmem:$0x8F10] =	vst v63  }
0x93: {  	s30 =	smov.u32 s28;
	s26 =	sadd.s32 $0x1000, s26;
	_ =	swait.ge @!p6 [sflag:s8], $0x800  }
0x94: {  	p5 =	por p1, p6;
	p1 =	sne.s32 s26, $0x6000;
	s17 =	sld [smem:$0x7FA]  }
0x95: {  	s18 =	simm.s32 @!p4 $0x4;
	s21 =	sshra.s32 @!p4 s29, $0x2;
	s1 =	simm.s32 @!p1 $0x0  }
0x96: {  	s16 =	sadd.s32 @!p4 $0x1580, s21;
	s1 =	simm.s32 @p1 $0x1;
	[sflag:s8] =	ssyncset.done @!p6 $0x0  }
0x97: {  	[smem:$0x7FB] =	sst s1;
	[sflag:s8] =	ssyncadd.s32 @!p6 $0xFFFFF800;
	p1 =	seq.s32 s17, $0x1  }
0x98: {  	s15 =	simm.s32 @!p1 $0x5800;
	s21 =	sadd.s32 @!p1 $0x1700, s19;
	s19 =	simm.s32 @!p1 $0x80  }
0x99: {  	[tilespmem:s15], [sflag:$0x7] =	stream.indirect.gather @!p1 [hbm4b:s4+s19], $0x10, s31, s19, $0xb8;
	[tilespmem:$0x8F10] =	vst v63  }
0x9a: {  	s0 =	sadd.s32 $0x7, s28;
	s3 =	simm.s32 @!p5 $0x10;
	_ =	swait.ge @!p4 [sflag:s18], $0x800  }
0x9b: {  	p2 =	sge.u32 s0, s5;
	s8 =	simm.s32 @!p4 $0x4000;
	[sflag:s18] =	ssyncset.done @!p4 $0x0  }
0x9c: {  	p1 =	sgt.u32 s23, s11;
	s23 =	simm.s32 @!p4 $0x80;
	[sflag:s18] =	ssyncadd.s32 @!p4 $0xFFFFF800  }
0x9d: {  	[spmem:s2] =	stream.indirect.scatter.add.f32 @!p4 [tilespmem:s8], [sflag:$0xC], $0x10, s16, s23, $0xb8;
	[tilespmem:$0x8F10] =	vst v63  }
0x9e: {  	s28 =	sadd.s32 $0x8, s28;
	s1 =	simm.s32 @!p2 $0x6000;
	_ =	swait.ge @!p5 [sflag:s3], $0x800  }
0x9f: {  	s17 =	sshra.s32 @!p2 s29, $0x2;
	s31 =	simm.s32 @!p2 $0x80;
	[sflag:s3] =	ssyncset.done @!p5 $0x0  }
0xa0: {  	s8 =	sadd.s32 @!p2 $0x380, s17;
	[sflag:s3] =	ssyncadd.s32 @!p5 $0xFFFFF800;
	s3 =	simm.s32 @!p3 $0x5  }
0xa1: {  	[tilespmem:s1], [sflag:$0x8] =	stream.indirect.gather @!p2 [hbm4b:s4+s31], $0x10, s8, s31, $0xb8;
	[tilespmem:$0x8F10] =	vst v63  }
0xa2: {  	p6 =	sge.u32 s28, s5;
	p4 =	sgt.u32 s13, s11;
	_ =	swait.ge @!p3 [sflag:s3], $0x800  }
0xa3: {  	s13 =	sshra.s32 @!p6 s29, $0x2;
	p5 =	sgt.u32 s0, s11;
	[sflag:s3] =	ssyncset.done @!p3 $0x0  }
0xa4: {  	s0 =	simm.s32 @!p5 $0x0;
	[sflag:s3] =	ssyncadd.s32 @!p3 $0xFFFFF800;
	s3 =	simm.s32 @!p1 $0x9  }
0xa5: {  	[spmem:s2] =	stream.indirect.scatter.add.f32 @!p3 [tilespmem:s22], [sflag:$0xD], $0x10, s6, s9, $0xb8;
	[tilespmem:$0x8F10] =	vst v63  }
0xa6: {  	s13 =	sadd.s32 @!p6 $0x400, s13;
	s0 =	simm.s32 @p5 $0x1;
	_ =	swait.ge @!p1 [sflag:s3], $0x800  }
0xa7: {  	s8 =	simm.s32 @!p0 $0x6;
	[sflag:s3] =	ssyncset.done @!p1 $0x0;
	[smem:$0x7FC] =	sst s0  }
0xa8: {  	s0 =	simm.s32 @!p6 $0x80;
	[sflag:s3] =	ssyncadd.s32 @!p1 $0xFFFFF800;
	s3 =	simm.s32 @!p6 $0x2800  }
0xa9: {  	[tilespmem:s3], [sflag:$0x1] =	stream.indirect.gather @!p6 [hbm4b:s4+s0], $0x10, s13, s0, $0xb8;
	[tilespmem:$0x8F10] =	vst v63  }
0xaa: {  	s22 =	sld [smem:$0x7FA];
	_ =	swait.ge @!p0 [sflag:s8], $0x800  }
0xab: {  	[sflag:s8] =	ssyncset.done @!p0 $0x0  }
0xac: {  	s12 =	sadd.s32 @!p0 $0x1680, s12;
	s16 =	simm.s32 @!p4 $0xA;
	[sflag:s8] =	ssyncadd.s32 @!p0 $0xFFFFF800  }
0xad: {  	[spmem:s2] =	stream.indirect.scatter.add.f32 @!p0 [tilespmem:s10], [sflag:$0xE], $0x10, s12, s7, $0xb8;
	[tilespmem:$0x8F10] =	vst v63  }
0xae: {  	s18 =	sadd.s32 $0x9, s30;
	s23 =	sadd.s32 $0xB, s30;
	_ =	swait.ge @!p4 [sflag:s16], $0x800  }
0xaf: {  	p5 =	sgt.u32 s24, s11;
	s24 =	sadd.s32 $0xA, s30;
	s30 =	sld [smem:$0x7FB]  }
0xb0: {  	_ = 	snop  }
0xb1: {  	[sflag:s16] =	ssyncset.done @!p4 $0x0  }
0xb2: {  	[sflag:s16] =	ssyncadd.s32 @!p4 $0xFFFFF800;
	p4 =	seq.s32 s30, $0x1  }
.Ltmp0:
0xb3: {  	p3 =	sge.u32 s18, s5;
	(pc) =	sbr.rel @p4 .LBB2_2-.Ltmp0, $4  }
0xb4: {  	s20 =	sadd.s32 @!p2 $0x1780, s17;
	s6 =	sshra.s32 @!p3 s29, $0x2;
	p1 =	sge.u32 s24, s5  }
0xb5: {  	s0 =	sadd.s32 @!p3 $0x480, s6;
	s6 =	simm.s32 @!p2 $0x8;
	p6 =	seq.s32 s22, $0x1  }
0xb6: {  	s9 =	simm.s32 @!p6 $0x7;
	s8 =	simm.s32 @!p3 $0x3000;
	p0 =	sge.u32 s23, s5  }
0xb7: {  	s12 =	simm.s32 @!p3 $0x80;
	s10 =	sshra.s32 @!p1 s29, $0x2;
	s7 =	sshra.s32 @!p0 s29, $0x2  }
0xb8: {  	[tilespmem:s8], [sflag:$0x2] =	stream.indirect.gather @!p3 [hbm4b:s4+s12], $0x10, s0, s12, $0xb8;
	[tilespmem:$0x8F10] =	vst v63  }
0xb9: {  	_ =	swait.ge @!p6 [sflag:s9], $0x800  }
0xba: {  	[sflag:s9] =	ssyncset.done @!p6 $0x0  }
0xbb: {  	s0 =	simm.s32 @!p5 $0xB;
	[sflag:s9] =	ssyncadd.s32 @!p6 $0xFFFFF800  }
0xbc: {  	[spmem:s2] =	stream.indirect.scatter.add.f32 @!p6 [tilespmem:s15], [sflag:$0xF], $0x10, s21, s19, $0xb8;
	[tilespmem:$0x8F10] =	vst v63  }
0xbd: {  	_ =	swait.ge @!p5 [sflag:s0], $0x800  }
0xbe: {  	s3 =	sadd.s32 @!p1 $0x500, s10;
	[sflag:s0] =	ssyncset.done @!p5 $0x0  }
0xbf: {  	s8 =	simm.s32 @!p1 $0x80;
	s9 =	simm.s32 @!p1 $0x3800;
	[sflag:s0] =	ssyncadd.s32 @!p5 $0xFFFFF800  }
0xc0: {  	[tilespmem:s9], [sflag:$0x3] =	stream.indirect.gather @!p1 [hbm4b:s4+s8], $0x10, s3, s8, $0xb8;
	[tilespmem:$0x8F10] =	vst v63  }
0xc1: {  	_ =	swait.ge @!p2 [sflag:s6], $0x800  }
0xc2: {  	[sflag:s6] =	ssyncset.done @!p2 $0x0;
	s29 =	sld [smem:$0x7FC]  }
0xc3: {  	[sflag:s6] =	ssyncadd.s32 @!p2 $0xFFFFF800  }
0xc4: {  	[spmem:s2] =	stream.indirect.scatter.add.f32 @!p2 [tilespmem:s1], [sflag:$0x10], $0x10, s20, s31, $0xb8;
	[tilespmem:$0x8F10] =	vst v63  }
0xc5: {  	p1 =	por p0, p0;
	p0 =	seq.s32 s29, $0x1  }
0xc6: {  	s0 =	simm.s32 @!p0 $0xC  }
0xc7: {  	_ =	swait.ge @!p0 [sflag:s0], $0x800  }
0xc8: {  	s3 =	simm.s32 @!p1 $0x4000;
	[sflag:s0] =	ssyncset.done @!p0 $0x0  }
0xc9: {  	s6 =	sadd.s32 @!p1 $0x580, s7;
	s1 =	simm.s32 @!p1 $0x80;
	[sflag:s0] =	ssyncadd.s32 @!p0 $0xFFFFF800  }
0xca: {  	[tilespmem:s3], [sflag:$0x4] =	stream.indirect.gather @!p1 [hbm4b:s4+s1], $0x10, s6, s1, $0xb8;
	[tilespmem:$0x8F10] =	vst v63  }
0xcb: {  	[bflag:$0x0] =	sbarrier.arrive $0xFFFF  }
0xcc: {  	s30 =	rddreg [dreg:$0x9]  }
0xcd: {  	s9 =	rddreg [dreg:$0xa]  }
0xce: {  	s8 =	rddreg [dreg:$0xb]  }
0xcf: {  	[hbm:s30], [sflag:s9] =	dma.local [spmem:s8], $0x4E2  }
0xd0: {  	_ =	swait.ge [sflag:s14], $0x4E2  }
0xd1: {  	s25 =	sadd.s32 $0x1, s25;
	s31 =	rddreg [dreg:$0x8]  }
0xd2: {  	p0 =	sne.s32 s25, s31  }
.Ltmp1:
0xd3: {  	_ = 	snop;
	(pc) =	sbr.rel @p0 .LBB2_1-.Ltmp1, $3  }
0xd4: {  	_ =	sdelay $0x1  }
0xd5: {  	[sflag:s14] =	ssyncset.done $0x0  }
0xd6: {  	[sflag:s14] =	ssyncadd.s32 $0xFFFFFB1E  }
0xd7: {  	_ =	sfence.sel $0x180000  }
0xd8: {  	[bflag:$0x0] =	sbarrier.arrive $0xFFFF  }
0xd9: {  	_ =	strace $0x9000004D  }
0xda: {  	s0 =	stileid.u32;
	[bflag:$0x2] =	sbarrier.arrive $0xFFFF  }
0xdb: {  	p0 =	sne.s32 s0, $0x0;
	s0 =	rddreg [dreg:$0x2]  }
0xdc: {  	s0 =	sadd.s32 @!p0 $0x100000, s0  }
0xdd: {  	[sflag:s0] =	ssyncadd.tile.s32 @!p0 $0x1;
	_ =	shalt  }
.Lfunc_end2:
_tile_overlayer_lowered:
.L_overlay_start_2:
0xde: {  	(tag) =	ssettag $0x2  }
0xdf: {  	s0 =	rddreg [dreg:$0x0];
	s2 =	stileid.u32  }
0xe0: {  	s1 =	rddreg [dreg:$0x1];
	p0 =	sne.s32 s2, $0x0  }
0xe1: {  	s3 =	rddreg [dreg:$0x2];
	[bflag:$0x3] =	sbarrier.arrive $0xFFFF;
	s2 =	simm.s32 @!p0 $0x1C11  }
0xe2: {  	[timem:s3], [sflag:s2] =	dma.local @!p0 [hbm:s0], s1  }
0xe3: {  	s0 =	simm.s32 @!p0 $0x11  }
0xe4: {  	_ =	swait.ge @!p0 [sflag:s0], s1  }
0xe5: {  	s1 =	ssub.s32 @!p0 $0x0, s1;
	[sflag:s0] =	ssyncset.done @!p0 $0x0  }
0xe6: {  	[sflag:s0] =	ssyncadd.s32 @!p0 s1  }
0xe7: {  	[bflag:$0x3] =	sbarrier.arrive $0xFFFF  }
0xe8: {  	_ =	shalt  }

// kernel: kernel.8.cloned.1.call-start
scs
__scs_entry_jumppad:
0x0: {  	(pc) =	sbr.rel $0x88, $3  }
0x1: {  	(tag) =	ssettag $0x0;
	lr =	simm.s32 $0x1  }
0x2: {  	[smem:$0x3F9B] =	sst lr;
	_ =	strace $0xD0000000  }
0x3: {  	_ = 	snop  }
0x4: {  	_ = 	snop  }
0x5: {  	_ = 	snop  }
0x6: {  	_ = 	snop  }
0x7: {  	_ = 	snop  }
__scs_overlays_trampoline_lowered:
0x8: {  	[smem:$0x3FAA] =	sst s0  }
0x9: {  	[smem:$0x3FAB] =	sst s1  }
0xa: {  	[smem:$0x3FAC] =	sst s2  }
0xb: {  	[smem:$0x3FAD] =	sst s3  }
0xc: {  	[smem:$0x3FAE] =	sst s4  }
0xd: {  	[smem:$0x3FAF] =	sst s5  }
0xe: {  	[smem:$0x3FB0] =	sst s6  }
0xf: {  	[smem:$0x3FB1] =	sst s7  }
0x10: {  	[smem:$0x3FB2] =	sst s8  }
0x11: {  	[smem:$0x3FB3] =	sst s9;
	s0 =	simm.s32 @!p0 $0x0  }
0x12: {  	s1 =	sld [smem:$0x3F99];
	s0 =	simm.s32 @p0 $0x1  }
0x13: {  	[smem:$0x3FB4] =	sst s0;
	s0 =	simm.s32 @!p1 $0x0  }
0x14: {  	s2 =	sld [smem:$0x3F98];
	s0 =	simm.s32 @p1 $0x1  }
0x15: {  	[smem:$0x3FB5] =	sst s0;
	s0 =	simm.s32 @!p2 $0x0  }
0x16: {  	s3 =	sld [smem:$0x3FDB];
	s0 =	simm.s32 @p2 $0x1  }
0x17: {  	s4 =	simm.s32 $0x1BF5;
	[smem:$0x3FB7] =	sst s0  }
0x18: {  	s0 =	sld [smem:$0x3F9A];
	_ =	swait.ge [sflag:s4], $0x0  }
0x19: {  	s7 =	sld [smem:$0x3F9B]  }
0x1a: {  	s8 =	sadd.s32 $0xFFFFE003, lr  }
0x1b: {  	s9 =	sadd.s32 $0xFFFFFEF7, lr;
	s5 =	simm.s32 $0xFFFFFFFF;
	p2 =	slt.u32 s8, $0xFFFFF086  }
0x1c: {  	p1 =	slt.u32 s9, $0xF7A;
	s5 =	simm.s32 @!p2 $0x0  }
0x1d: {  	s5 =	simm.s32 @p1 $0x1;
	p0 =	seq.s32 s7, s2  }
0x1e: {  	s7 =	smul.u32 @!p0 $0xF7A, s2;
	p2 =	seq.s32 @!p0 s5, $0x0  }
0x1f: {  	s9 =	smul.u32 $0xF7A, s1;
	s8 =	simm.s32 @!p0 $0x1BF5;
	p2 =	por !p2, p0  }
0x20: {  	[sflag:s8] =	ssyncset.s32 @!p0 $0xFFFFF086;
	s6 =	sadd.s32 @!p0 s3, s7;
	s7 =	simm.s32 @!p0 $0x108  }
0x21: {  	s3 =	sadd.s32 s3, s9;
	s6 =	sadd.s32 @!p0 $0x88, s6;
	s7 =	simm.s32 @p2 $0x1082  }
0x22: {  	[simem:s7], [sflag:s8] =	dma.local @!p0 [hbm:s6], $0xF7A  }
0x23: {  	s9 =	sor.u32 $0xD0000000, s2;
	s6 =	simm.s32 $0x108;
	_ =	swait.ge @!p0 [sflag:s8], $0x0  }
0x24: {  	s3 =	sadd.s32 $0x88, s3;
	s6 =	simm.s32 @!p1 $0x1082;
	[sflag:s4] =	ssyncset.s32 $0xFFFFF086  }
0x25: {  	[simem:s6], [sflag:s4] =	dma.local [hbm:s3], $0xF7A  }
0x26: {  	[smem:$0x3F9B] =	sst s1;
	(tag) =	ssettag s2;
	_ =	strace s9  }
0x27: {  	s1 =	sld [smem:$0x3FAB]  }
0x28: {  	s2 =	sld [smem:$0x3FAC]  }
0x29: {  	s4 =	sld [smem:$0x3FAE]  }
0x2a: {  	p0 =	seq.s32 s5, $0x0;
	s5 =	sld [smem:$0x3FAF]  }
0x2b: {  	s6 =	sld [smem:$0x3FB0]  }
0x2c: {  	s7 =	sld [smem:$0x3FB1]  }
0x2d: {  	s3 =	simm.s32 $0x108;
	s8 =	sld [smem:$0x3FB2]  }
0x2e: {  	s3 =	simm.s32 @!p0 $0x1082;
	s9 =	sld [smem:$0x3FB3]  }
0x2f: {  	lr =	sadd.s32 s0, s3;
	s0 =	sld [smem:$0x3FAA]  }
0x30: {  	s3 =	sld [smem:$0x3FAD]  }
0x31: {  	[smem:$0x3FB6] =	sst s10  }
0x32: {  	s10 =	sld [smem:$0x3FB4];
	_ =	sdelay $0x3  }
0x33: {  	p0 =	seq.s32 s10, $0x1;
	s10 =	sld [smem:$0x3FB6];
	_ =	sdelay $0x3  }
0x34: {  	[smem:$0x3FB6] =	sst s10  }
0x35: {  	s10 =	sld [smem:$0x3FB5];
	_ =	sdelay $0x3  }
0x36: {  	p1 =	seq.s32 s10, $0x1;
	s10 =	sld [smem:$0x3FB6];
	_ =	sdelay $0x3  }
0x37: {  	[smem:$0x3FB6] =	sst s10  }
0x38: {  	s10 =	sld [smem:$0x3FB7]  }
0x39: {  	_ = 	snop;
	(pc) =	sbr.ind lr, $3  }
0x3a: {  	_ = 	snop  }
0x3b: {  	_ = 	snop  }
0x3c: {  	p2 =	seq.s32 s10, $0x1;
	s10 =	sld [smem:$0x3FB6]  }
0x3d: {  	_ =	shalt  }
0x3e: {  	_ =	shalt  }
0x3f: {  	_ =	shalt  }
0x40: {  	_ =	shalt  }
0x41: {  	_ =	shalt  }
0x42: {  	_ =	shalt  }
0x43: {  	_ =	shalt  }
0x44: {  	_ =	shalt  }
0x45: {  	_ =	shalt  }
0x46: {  	_ =	shalt  }
0x47: {  	_ =	shalt  }
0x48: {  	_ =	shalt  }
0x49: {  	_ =	shalt  }
0x4a: {  	_ =	shalt  }
0x4b: {  	_ =	shalt  }
0x4c: {  	_ =	shalt  }
0x4d: {  	_ =	shalt  }
0x4e: {  	_ =	shalt  }
0x4f: {  	_ =	shalt  }
0x50: {  	_ =	shalt  }
0x51: {  	_ =	shalt  }
0x52: {  	_ =	shalt  }
0x53: {  	_ =	shalt  }
0x54: {  	_ =	shalt  }
0x55: {  	_ =	shalt  }
0x56: {  	_ =	shalt  }
0x57: {  	_ =	shalt  }
0x58: {  	_ =	shalt  }
0x59: {  	_ =	shalt  }
0x5a: {  	_ =	shalt  }
0x5b: {  	_ =	shalt  }
0x5c: {  	_ =	shalt  }
0x5d: {  	_ =	shalt  }
0x5e: {  	_ =	shalt  }
0x5f: {  	_ =	shalt  }
0x60: {  	_ =	shalt  }
0x61: {  	_ =	shalt  }
0x62: {  	_ =	shalt  }
0x63: {  	_ =	shalt  }
0x64: {  	_ =	shalt  }
0x65: {  	_ =	shalt  }
0x66: {  	_ =	shalt  }
0x67: {  	_ =	shalt  }
0x68: {  	_ =	shalt  }
0x69: {  	_ =	shalt  }
0x6a: {  	_ =	shalt  }
0x6b: {  	_ =	shalt  }
0x6c: {  	_ =	shalt  }
0x6d: {  	_ =	shalt  }
0x6e: {  	_ =	shalt  }
0x6f: {  	_ =	shalt  }
0x70: {  	_ =	shalt  }
0x71: {  	_ =	shalt  }
0x72: {  	_ =	shalt  }
0x73: {  	_ =	shalt  }
0x74: {  	_ =	shalt  }
0x75: {  	_ =	shalt  }
0x76: {  	_ =	shalt  }
0x77: {  	_ =	shalt  }
0x78: {  	_ =	shalt  }
0x79: {  	_ =	shalt  }
0x7a: {  	_ =	shalt  }
0x7b: {  	_ =	shalt  }
0x7c: {  	_ =	shalt  }
0x7d: {  	_ =	shalt  }
0x7e: {  	_ =	shalt  }
0x7f: {  	_ =	shalt  }
0x80: {  	_ =	shalt  }
0x81: {  	_ =	shalt  }
0x82: {  	_ =	shalt  }
0x83: {  	_ =	shalt  }
0x84: {  	_ =	shalt  }
0x85: {  	_ =	shalt  }
0x86: {  	_ =	shalt  }
0x87: {  	_ =	shalt  }
.Lfunc_end0:
.L_simem_size_0:
called_computation_lowered:
.L_overlay_start_0:
0x88: {  	s2 =	sld [smem:$0x3FD9]  }
0x89: {  	s3 =	sld [smem:$0x3FFE];
	_ =	sdelay $0x1  }
0x8a: {  	s1 =	srdreg.scid  }
0x8b: {  	s0 =	sand.u32 $0x1, s1  }
0x8c: {  	s17 =	sshll.u32 s0, $0xA;
	s2 =	sadd.s32 s3, s2  }
0x8d: {  	s2 =	sadd.s32 s2, s17  }
0x8e: {  	[smem:$0x3FC2] =	sst s2  }
0x8f: {  	_ = 	snop  }
0x90: {  	s2 =	sld [smem:$0x3FD0];
	(tm) =	ssettm $0x1  }
0x91: {  	s18 =	sld [smem:$0x3FFB];
	_ =	sdelay $0x3  }
0x92: {  	_ =	strace s18  }
0x93: {  	s3 =	sld [smem:$0x3FFC];
	_ =	sdelay $0x3  }
0x94: {  	_ =	strace s3  }
0x95: {  	s3 =	sld [smem:$0x3FFD];
	_ =	sdelay $0x3  }
0x96: {  	_ =	strace s3  }
0x97: {  	_ =	strace $0x8FFFFFFF  }
0x98: {  	s19 =	sld [smem:$0x3FDB];
	_ =	sdelay $0x1  }
0x99: {  	s4 =	simm.s32 $_scs_section_size  }
0x9a: {  	s5 =	simm.s32 $_size__tile_overlayer_lowered;
	s6 =	simm.s32 $_tile_overlayer_lowered  }
0x9b: {  	s22 =	simm.s32 $0x1BFF;
	s21 =	sshll.u32 s6, $0x1;
	s3 =	sadd.s32 s4, s19  }
0x9c: {  	s7 =	simm.s32 $0x0;
	s20 =	sshll.u32 s5, $0x1;
	s5 =	sadd.s32 s21, s3  }
0x9d: {  	[timem:s7], [sflag:s22] =	dma.local [hbm:s5], s20  }
0x9e: {  	_ =	swait.ge [sflag:s22], s20  }
0x9f: {  	s4 =	ssub.s32 $0x0, s20;
	[sflag:s22] =	ssyncset.done $0x0  }
0xa0: {  	[sflag:s22] =	ssyncadd.s32 s4;
	_ =	sdelay $0x1  }
0xa1: {  	s23 =	simm.s32 $0x1B8B  }
0xa2: {  	_ =	swait.ge [sflag:s23], $0x1  }
0xa3: {  	[sflag:s23] =	ssyncset.done $0x0  }
0xa4: {  	s25 =	simm.s32 $0x1B8E;
	s24 =	sld [smem:$0x3FFE];
	[sflag:s23] =	ssyncadd.s32 $0xFFFFFFFF  }
0xa5: {  	s26 =	simm.s32 $execute0_lowered;
	[smem:$0x3FD2] =	sst s25  }
0xa6: {  	s5 =	sshll.u32 s26, $0x1;
	_ =	strace $0x80000046;
	[dreg:$0x1] =	wrdreg $0xFFFFFFFF  }
0xa7: {  	s28 =	simm.s32 $_size_execute0_lowered;
	s3 =	sadd.s32 s3, s5;
	[dreg:$0x0] =	wrdreg $0x0  }
0xa8: {  	s5 =	sshll.u32 s28, $0x1;
	[dreg:$0x2] =	wrdreg s3  }
0xa9: {  	[dreg:$0x3] =	wrdreg s5  }
0xaa: {  	[dreg:$0x4] =	wrdreg $0xC0  }
0xab: {  	_ =	task [dreg:s7], $0x5FFFF  }
0xac: {  	[dreg:$0x1] =	wrdreg $0xFFFFFFFF  }
0xad: {  	[dreg:$0x0] =	wrdreg $0x60  }
0xae: {  	[dreg:$0x2] =	wrdreg s24  }
0xaf: {  	[dreg:$0x3] =	wrdreg s2  }
0xb0: {  	[dreg:$0x4] =	wrdreg $0x1C000  }
0xb1: {  	[dreg:$0x5] =	wrdreg $0x9  }
0xb2: {  	_ =	task.clear_ibuf [dreg:s7], $0x6FFFF;
	_ =	strace $0x90000046  }
0xb3: {  	s29 =	simm.s32 $0x9;
	_ =	strace $0x80000048  }
0xb4: {  	_ =	swait.ge [sflag:s29], $0x1  }
0xb5: {  	[sflag:s29] =	ssyncadd.s32 $0xFFFFFFFF  }
0xb6: {  	_ =	strace $0x90000048  }
0xb7: {  	_ =	sfence  }
0xb8: {  	s30 =	sld [smem:$0x0];
	_ =	sdelay $0x2  }
0xb9: {  	s31 =	sshll.u32 s1, $0xD;
	s1 =	sshrl.u32 s1, $0x2  }
0xba: {  	s3 =	sand.u32 $0x4000, s31;
	s1 =	sadd.s32 s1, s30  }
0xbb: {  	s0 =	sor.u32 s3, s0;
	s1 =	sshll.u32 s1, $0x11  }
0xbc: {  	s0 =	sor.u32 s1, s0  }
0xbd: {  	s0 =	sadd.s32 $0x8F2B, s0  }
0xbe: {  	[sflag:s0] =	ssyncadd.remote.s32 $0x1  }
0xbf: {  	_ =	sfence.sel $0xFFFF  }
0xc0: {  	[dreg:$0x0] =	wrdreg $0xFFFFFFFF;
	(pc) =	sbr.abs _section_cstart, $3  }
0xc1: {  	[dreg:$0x1] =	wrdreg $0xFFFFFFFF  }
0xc2: {  	_ =	task.clear_ibuf [dreg:s7], $0x2FFFF;
	_ =	strace $0x9FFFFFFF  }
0xc3: {  	(tm) =	ssettm $0x7FFFFFFF  }
tec
execute0_lowered:
.L_overlay_start_1:
0x0: {  	(tag) =	ssettag $0x1  }
0x1: {  	s5 =	rddreg [dreg:$0x0]  }
0x2: {  	s2 =	rddreg [dreg:$0x1]  }
0x3: {  	s0 =	srdreg.scid;
	s3 =	rddreg [dreg:$0x2];
	s4 =	simm.s32 $0x0  }
0x4: {  	s15 =	simm.s32 $0x11800;
	s16 =	simm.s32 $0x1;
	s17 =	simm.s32 $0x0  }
0x5: {  	s6 =	sand.u32 $0x1, s0;
	s0 =	stileid.u32;
	[smem:$0x7FF] =	sst s4  }
0x6: {  	s1 =	sshll.u32 s6, $0x4;
	s9 =	smul.u32 $0x2710, s0;
	s30 =	ssub.s32 $0x2, s6  }
0x7: {  	s31 =	sshll.u32 s0, $0x6;
	s11 =	sor.u32 s0, s1;
	s1 =	rddreg [dreg:$0x3]  }
0x8: {  	_ =	strace $0x80000047;
	s12 =	sshrl.u32 s30, $0x1;
	s7 =	smul.u32 $0x27, s11  }
0x9: {  	s8 =	smin.u32 s11, $0x2;
	s10 =	sshrl.u32 s9, $0x3;
	s12 =	ssub.s32 s30, s12  }
0xa: {  	s14 =	sadd.s32 s9, s3;
	p0 =	slt.u32 s11, $0x2;
	s7 =	sadd.s32 s8, s7  }
0xb: {  	s10 =	sadd.s32 s10, s5;
	s9 =	smax.u32 s12, $0x1;
	s7 =	sshll.u32 s7, $0x4  }
0xc: {  	s12 =	simm.s32 $0x2;
	s13 =	sadd.s32 s7, s5;
	s5 =	simm.s32 $0x28  }
0xd: {  	s14 =	sshrl.u32 s14, $0x3;
	s5 =	simm.s32 @!p0 $0x27;
	p0 =	seq.s32 s6, $0x1  }
0xe: {  	s6 =	sadd.s32 $0xC800, s10;
	s7 =	sadd.s32 $0x7820, s13;
	s8 =	sadd.s32 $0x7A90, s13  }
0xf: {  	s13 =	sor.u32 $0x1C02, s31;
	s15 =	simm.s32 @!p0 $0x16800;
	p0 =	sgt.u32 s11, $0x1  }
0x10: {  	s11 =	simm.s32 $0x1400;
	s10 =	sadd.s32 s15, s10;
	s15 =	simm.s32 $0x80  }
.LBB2_1:
0x11: {  	[tilespmem:s11], [sflag:$0x2] =	stream.linear.gather [hbm4b:s2+s4], $0x800, $0x38;
	[tilespmem:$0x4310] =	vst v63  }
0x12: {  	_ =	swait.ge [sflag:s12], $0x800  }
0x13: {  	[sflag:s12] =	ssyncset.done $0x0  }
0x14: {  	[sflag:s12] =	ssyncadd.s32 $0xFFFFF800  }
0x15: {  	[spmem:s14], [sflag:s13] =	dma.local [hbm:s6], $0x4E2  }
0x16: {  	_ =	swait.ge [sflag:s12], $0x4E2  }
0x17: {  	[sflag:s12] =	ssyncset.done $0x0  }
0x18: {  	[sflag:s12] =	ssyncadd.s32 $0xFFFFFB1E  }
0x19: {  	[tilespmem:s4], [sflag:$0x2] =	stream.linear.gather [hbm4b:s7+s4], $0x1380, $0x38;
	[tilespmem:$0x4310] =	vst v63  }
0x1a: {  	_ =	swait.ge [sflag:s12], $0x1380  }
0x1b: {  	[sflag:s12] =	ssyncset.done $0x0  }
0x1c: {  	s18 =	simm.s32 @!p0 $0x0;
	s19 =	simm.s32 @!p0 $0x1380;
	[sflag:s12] =	ssyncadd.s32 $0xFFFFEC80  }
0x1d: {  	[tilespmem:s19], [sflag:$0x2] =	stream.linear.gather @!p0 [hbm4b:s8+s18], $0x80, $0x38;
	[tilespmem:$0x4310] =	vst v63  }
0x1e: {  	p1 =	sne.s32 s5, $0x1;
	s18 =	simm.s32 @!p0 $0x2  }
.Ltmp0:
0x1f: {  	_ =	swait.ge @!p0 [sflag:s18], $0x80;
	(pc) =	sbr.rel @!p1 .LBB2_3-.Ltmp0, $4  }
0x20: {  	[sflag:s18] =	ssyncset.done @!p0 $0x0  }
0x21: {  	[sflag:s18] =	ssyncadd.s32 @!p0 $0xFFFFFF80  }
0x22: {  	s19 =	simm.s32 $0x0;
	s18 =	sadd.s32 $0xFFFFFFFF, s5;
	[bflag:$0x0] =	sbarrier.arrive $0xFFFF  }
0x23: {  	[spmem:s3] =	stream.indirect.scatter.add.f32 [tilespmem:s11], [sflag:$0x1], $0x10, s4, s15, $0xb8;
	[tilespmem:$0x4310] =	vst v63  }
.LBB2_2:
0x24: {  	p2 =	sne.s32 s18, $0x1  }
.Ltmp1:
0x25: {  	_ = 	snop;
	(pc) =	sbr.rel @p2 .LBB2_2-.Ltmp1, $3  }
0x26: {  	_ = 	snop  }
0x27: {  	s18 =	sadd.s32 $0xFFFFFFFF, s18;
	s19 =	sadd.s32 $0x80, s19;
	_ =	sdelay $0x1  }
0x28: {  	[spmem:s3] =	stream.indirect.scatter.add.f32 [tilespmem:s11], [sflag:$0x1], $0x10, s19, s15, $0xb8;
	[tilespmem:$0x4310] =	vst v63  }
.LBB2_3:
.Ltmp2:
0x29: {  	(pc) =	sbr.rel @!p1 .LBB2_5-.Ltmp2, $3  }
0x2a: {  	_ =	sdelay $0x1  }
0x2b: {  	_ =	swait.ge [sflag:s16], $0x800  }
0x2c: {  	s18 =	sadd.s32 $0xFFFFFFFF, s5;
	[sflag:s16] =	ssyncset.done $0x0  }
.LBB2_4:
0x2d: {  	p1 =	sne.s32 s18, $0x1;
	s18 =	sadd.s32 $0xFFFFFFFF, s18;
	[sflag:s16] =	ssyncadd.s32 $0xFFFFF800  }
.Ltmp3:
0x2e: {  	(pc) =	sbr.rel @p1 .LBB2_4-.Ltmp3, $3  }
0x2f: {  	_ =	sdelay $0x1  }
0x30: {  	_ =	swait.ge [sflag:s16], $0x800  }
0x31: {  	[sflag:s16] =	ssyncset.done $0x0  }
.LBB2_5:
0x32: {  	s17 =	sadd.s32 $0x1, s17  }
0x33: {  	[sflag:s16] =	ssyncadd.s32 $0xFFFFF800;
	p1 =	sne.s32 s17, s9  }
.Ltmp4:
0x34: {  	[bflag:$0x0] =	sbarrier.arrive $0xFFFF;
	(pc) =	sbr.rel @p1 .LBB2_1-.Ltmp4, $4  }
0x35: {  	[hbm:s10], [sflag:s13] =	dma.local [spmem:s14], $0x4E2  }
0x36: {  	_ =	swait.ge [sflag:s12], $0x4E2  }
0x37: {  	[sflag:s12] =	ssyncset.done $0x0  }
0x38: {  	[sflag:s12] =	ssyncadd.s32 $0xFFFFFB1E  }
0x39: {  	_ =	sfence.sel $0x180000  }
0x3a: {  	[bflag:$0x0] =	sbarrier.arrive $0xFFFF  }
0x3b: {  	p0 =	sne.s32 s0, $0x0;
	_ =	strace $0x90000047  }
0x3c: {  	s0 =	sadd.s32 @!p0 $0x100000, s1;
	[bflag:$0x2] =	sbarrier.arrive $0xFFFF  }
0x3d: {  	[sflag:s0] =	ssyncadd.tile.s32 @!p0 $0x1;
	_ =	shalt  }
.Lfunc_end2:
_tile_overlayer_lowered:
.L_overlay_start_2:
0x3e: {  	(tag) =	ssettag $0x2  }
0x3f: {  	s0 =	rddreg [dreg:$0x0];
	s2 =	stileid.u32  }
0x40: {  	s1 =	rddreg [dreg:$0x1];
	p0 =	sne.s32 s2, $0x0  }
0x41: {  	s3 =	rddreg [dreg:$0x2];
	[bflag:$0x3] =	sbarrier.arrive $0xFFFF;
	s2 =	simm.s32 @!p0 $0x1C02  }
0x42: {  	[timem:s3], [sflag:s2] =	dma.local @!p0 [hbm:s0], s1  }
0x43: {  	s0 =	simm.s32 @!p0 $0x2  }
0x44: {  	_ =	swait.ge @!p0 [sflag:s0], s1  }
0x45: {  	s1 =	ssub.s32 @!p0 $0x0, s1;
	[sflag:s0] =	ssyncset.done @!p0 $0x0  }
0x46: {  	[sflag:s0] =	ssyncadd.s32 @!p0 s1  }
0x47: {  	[bflag:$0x3] =	sbarrier.arrive $0xFFFF  }
0x48: {  	_ =	shalt  }

</sc_bundles>
